<compile_context>
chip_gen: v7x
topology: tpu7x:2x2x1
jax: 0.10.2.dev20260603
libtpu: 0.0.44.dev20260713+nightly
codegen_flags: <defaults>
</compile_context>

<pallas_src>
import functools

import jax
import jax.numpy as jnp
from jax import lax
from jax.experimental import pallas as pl
from jax.experimental.pallas import tpu as pltpu
from jax.experimental.pallas import tpu_sc as plsc

NC = 2
NS = 16
NW = NC * NS
LANES = 16
CH = 50


def _sc_degree(dst, n):
  e = dst.shape[0]
  epw = e // NW
  mesh = plsc.VectorSubcoreMesh(core_axis_name="c", subcore_axis_name="s")

  @functools.partial(
      pl.kernel,
      mesh=mesh,
      out_type=jax.ShapeDtypeStruct((NW, n), jnp.float32),
      compiler_params=pltpu.CompilerParams(needs_layout_passes=False, use_tc_tiling_on_sc=False),
      scratch_types=[
          pltpu.VMEM((n,), jnp.float32),
          pltpu.VMEM((epw,), jnp.int32),
      ],
  )
  def deg_kernel(dst_hbm, out_hbm, degbuf, dstbuf):
    cid = lax.axis_index("c")
    sid = lax.axis_index("s")
    wid = sid * NC + cid

    zero = jnp.zeros((LANES,), jnp.float32)

    def zbody(i, carry):
      degbuf[pl.ds(i * LANES, LANES)] = zero
      return carry

    lax.fori_loop(0, n // LANES, zbody, 0)

    pltpu.sync_copy(dst_hbm.at[pl.ds(wid * epw, epw)], dstbuf)

    ones = jnp.ones((LANES,), jnp.float32)

    def body(j, carry):
      idx = dstbuf[pl.ds(j * LANES, LANES)]
      plsc.addupdate_scatter(degbuf, [idx], ones)
      return carry

    lax.fori_loop(0, epw // LANES, body, 0)
    pltpu.sync_copy(degbuf, out_hbm.at[wid])

  return deg_kernel(dst)


def _sc_scatter_rows(table, src2d, dst2d, n):
  d = table.shape[1]
  dt = table.dtype
  vl = LANES * 4 // dt.itemsize
  nch_total = src2d.shape[0]
  nch = nch_total // NW
  rows_per_tile = n // NS
  mesh = plsc.VectorSubcoreMesh(core_axis_name="c", subcore_axis_name="s")

  @functools.partial(
      pl.kernel,
      mesh=mesh,
      out_type=jax.ShapeDtypeStruct((NC, n, d), dt),
      compiler_params=pltpu.CompilerParams(needs_layout_passes=False, use_tc_tiling_on_sc=False),
      scratch_types=[
          pltpu.VMEM_SHARED((n, d), dt),
          pltpu.VMEM((nch, CH), jnp.int32),
          pltpu.VMEM((nch, CH), jnp.int32),
          pltpu.VMEM((4, CH, d), dt),
          [pltpu.SemaphoreType.DMA] * 4,
          [pltpu.SemaphoreType.DMA] * 4,
      ],
  )
  def scat_kernel(table_hbm, src_hbm, dst_hbm, out_hbm,
                  acc_sh, srcb, dstb, rowb, gsem, ssem):
    cid = lax.axis_index("c")
    sid = lax.axis_index("s")
    wid = sid * NC + cid

    zero = jnp.zeros((vl,), dt)
    zsrc = rowb.at[0]

    def zbody(r, carry):
      for c in range(d // vl):
        zsrc[r, pl.ds(c * vl, vl)] = zero
      return carry

    lax.fori_loop(0, CH, zbody, 0)

    row0 = sid * rows_per_tile
    ztail = rows_per_tile % CH
    for k in range(rows_per_tile // CH):
      pltpu.async_copy(zsrc, acc_sh.at[pl.ds(row0 + k * CH, CH)], ssem[0])
    pltpu.async_copy(zsrc.at[pl.ds(0, ztail)],
                     acc_sh.at[pl.ds(row0 + rows_per_tile - ztail, ztail)],
                     ssem[1])

    pltpu.sync_copy(src_hbm.at[pl.ds(wid * nch, nch)], srcb)
    pltpu.sync_copy(dst_hbm.at[pl.ds(wid * nch, nch)], dstb)

    for k in range(rows_per_tile // CH):
      pltpu.make_async_copy(zsrc, acc_sh.at[pl.ds(row0, CH)], ssem[0]).wait()
    pltpu.make_async_copy(
        zsrc.at[pl.ds(0, ztail)],
        acc_sh.at[pl.ds(row0 + rows_per_tile - ztail, ztail)],
        ssem[1]).wait()
    plsc.subcore_barrier()

    NBUF = 4
    bufs = [rowb.at[b] for b in range(NBUF)]
    ngrp = nch // NBUF

    for b in range(NBUF):
      pltpu.async_copy(table_hbm.at[srcb.at[b]], bufs[b], gsem[b])

    def body(k, carry):
      c = NBUF * k
      for b in range(NBUF):
        pltpu.make_async_copy(
            table_hbm.at[srcb.at[c + b]], bufs[b], gsem[b]).wait()
        pltpu.async_copy(bufs[b], acc_sh.at[dstb.at[c + b]], ssem[b],
                         add=True)
        pltpu.make_async_copy(bufs[b], acc_sh.at[dstb.at[c + b]],
                              ssem[b]).wait()
        pltpu.async_copy(table_hbm.at[srcb.at[c + NBUF + b]], bufs[b],
                         gsem[b])
      return carry

    lax.fori_loop(0, ngrp - 1, body, 0)
    cl = nch - NBUF
    for b in range(NBUF):
      pltpu.make_async_copy(
          table_hbm.at[srcb.at[cl + b]], bufs[b], gsem[b]).wait()
      pltpu.async_copy(bufs[b], acc_sh.at[dstb.at[cl + b]], ssem[b],
                       add=True)
    for b in range(NBUF):
      pltpu.make_async_copy(bufs[b], acc_sh.at[dstb.at[cl + b]],
                            ssem[b]).wait()
    plsc.subcore_barrier()

    pltpu.sync_copy(acc_sh.at[pl.ds(row0, rows_per_tile)],
                    out_hbm.at[cid, pl.ds(row0, rows_per_tile)])

  return scat_kernel(table, src2d, dst2d)


def _tc1a(x, w1, n, blk=2000):
  d = w1.shape[1]

  def body(x_ref, w_ref, g1_ref):
    g1_ref[...] = jnp.dot(x_ref[...], w_ref[...],
                          preferred_element_type=jnp.float32)

  return pl.pallas_call(
      body,
      grid=(n // blk,),
      in_specs=[
          pl.BlockSpec((blk, x.shape[1]), lambda i: (i, 0)),
          pl.BlockSpec(w1.shape, lambda i: (0, 0)),
      ],
      out_specs=pl.BlockSpec((blk, d), lambda i: (i, 0)),
      out_shape=jax.ShapeDtypeStruct((n, d), jnp.float32),
  )(x, w1)


def _tc1b(g1, disc, n, blk=2000):
  d = g1.shape[1]

  def body(g1_ref, disc_ref, h1s_ref):
    h1s_ref[...] = (g1_ref[...] * disc_ref[...]).astype(jnp.bfloat16)

  return pl.pallas_call(
      body,
      grid=(n // blk,),
      in_specs=[
          pl.BlockSpec((blk, d), lambda i: (i, 0)),
          pl.BlockSpec((blk, 1), lambda i: (i, 0)),
      ],
      out_specs=pl.BlockSpec((blk, d), lambda i: (i, 0)),
      out_shape=jax.ShapeDtypeStruct((n, d), jnp.bfloat16),
  )(g1, disc)


def _tc2(s1a, s1b, h1s, disc, b1, w2, n, blk=2000):
  d = w2.shape[1]

  def body(sa_ref, sb_ref, h1s_ref, disc_ref, b1_ref, w2_ref, h2s_ref):
    dis = disc_ref[...]
    s = (sa_ref[...].astype(jnp.float32) + sb_ref[...].astype(jnp.float32)
         + h1s_ref[...].astype(jnp.float32))
    h = jnp.maximum(dis * s + b1_ref[...], 0.0)
    g2 = jnp.dot(h, w2_ref[...], preferred_element_type=jnp.float32)
    h2s_ref[...] = (g2 * dis).astype(jnp.bfloat16)

  return pl.pallas_call(
      body,
      grid=(n // blk,),
      in_specs=[
          pl.BlockSpec((blk, d), lambda i: (i, 0)),
          pl.BlockSpec((blk, d), lambda i: (i, 0)),
          pl.BlockSpec((blk, d), lambda i: (i, 0)),
          pl.BlockSpec((blk, 1), lambda i: (i, 0)),
          pl.BlockSpec((1, d), lambda i: (0, 0)),
          pl.BlockSpec(w2.shape, lambda i: (0, 0)),
      ],
      out_specs=pl.BlockSpec((blk, d), lambda i: (i, 0)),
      out_shape=jax.ShapeDtypeStruct((n, d), jnp.bfloat16),
  )(s1a, s1b, h1s, disc, b1, w2)


def _tc3(s2a, s2b, h2s, disc, b2, x, wp1a, wp1b, bp1, wp2, bp2, n, blk=2000):
  d = h2s.shape[1]
  din = x.shape[1]
  pout = wp2.shape[1]

  def body(sa_ref, sb_ref, h2s_ref, disc_ref, b2_ref, x_ref,
           wa_ref, wb_ref, bp1_ref, wp2_ref, bp2_ref, y_ref):
    dis = disc_ref[...]
    s = (sa_ref[...].astype(jnp.float32) + sb_ref[...].astype(jnp.float32)
         + h2s_ref[...].astype(jnp.float32))
    gnn = dis * s + b2_ref[...]
    p = jnp.maximum(
        jnp.dot(gnn, wa_ref[...], preferred_element_type=jnp.float32)
        + jnp.dot(x_ref[...], wb_ref[...], preferred_element_type=jnp.float32)
        + bp1_ref[...], 0.0)
    y_ref[...] = (jnp.dot(p, wp2_ref[...], preferred_element_type=jnp.float32)
                  + bp2_ref[...])

  return pl.pallas_call(
      body,
      grid=(n // blk,),
      in_specs=[
          pl.BlockSpec((blk, d), lambda i: (i, 0)),
          pl.BlockSpec((blk, d), lambda i: (i, 0)),
          pl.BlockSpec((blk, d), lambda i: (i, 0)),
          pl.BlockSpec((blk, 1), lambda i: (i, 0)),
          pl.BlockSpec((1, d), lambda i: (0, 0)),
          pl.BlockSpec((blk, din), lambda i: (i, 0)),
          pl.BlockSpec(wp1a.shape, lambda i: (0, 0)),
          pl.BlockSpec(wp1b.shape, lambda i: (0, 0)),
          pl.BlockSpec((1, wp1a.shape[1]), lambda i: (0, 0)),
          pl.BlockSpec(wp2.shape, lambda i: (0, 0)),
          pl.BlockSpec((1, pout), lambda i: (0, 0)),
      ],
      out_specs=pl.BlockSpec((blk, pout), lambda i: (i, 0)),
      out_shape=jax.ShapeDtypeStruct((n, pout), jnp.float32),
  )(s2a, s2b, h2s, disc, b2, x, wp1a, wp1b, bp1, wp2, bp2)


def kernel(x, edge_index, W1, b1, W2, b2, Wp1, bp1, Wp2, bp2):
  n, din = x.shape
  e = edge_index.shape[1]
  d = W1.shape[1]

  src2d = edge_index[0].reshape(e // CH, CH)
  dst2d = edge_index[1].reshape(e // CH, CH)

  g1 = _tc1a(x, W1, n)
  deg_parts = _sc_degree(edge_index[1], n)
  disc = lax.rsqrt(1.0 + jnp.sum(deg_parts, axis=0))[:, None]

  h1s = _tc1b(g1, disc, n)
  s1 = _sc_scatter_rows(h1s, src2d, dst2d, n)
  h2s = _tc2(s1[0], s1[1], h1s, disc, b1.reshape(1, d), W2, n)
  s2 = _sc_scatter_rows(h2s, src2d, dst2d, n)
  y = _tc3(s2[0], s2[1], h2s, disc, b2.reshape(1, d), x,
           Wp1[:d], Wp1[d:], bp1.reshape(1, -1), Wp2, bp2.reshape(1, -1), n)
  return y

# --- scband reference (transcript-rebuilt; emitter-appended) ---
"""Pipeline reference for scband-hydrogel-gnnpinn-84696755077245 (READ-ONLY COPY).

The authoritative reference and input builder live on the scoring server;
editing this copy changes nothing except your own understanding.
"""

import jax, jax.numpy as jnp
import numpy as np

N = 10000
E = 320000
D_IN = 128
D_H = 128
D_OUT = 128
P_H = 128
P_OUT = 64


def _gcn(x, src, dst, W, b, n):
    # PyG GCNConv: x' = D^{-1/2} (A + I) D^{-1/2} X W + b (self-loops already in src/dst)
    h = x @ W
    deg = jnp.zeros((n,), dtype=x.dtype).at[dst].add(1.0)
    dis = jnp.where(deg > 0, jax.lax.rsqrt(jnp.maximum(deg, 1e-12)), 0.0)
    norm = dis[src] * dis[dst]
    msg = h[src] * norm[:, None]
    out = jnp.zeros((n, h.shape[1]), dtype=x.dtype).at[dst].add(msg)
    return out + b


def setup_inputs(seed: int = 0) -> dict:
    key = jax.random.key(seed)
    ks = jax.random.split(key, 10)
    x = jax.random.normal(ks[0], (N, D_IN), dtype=jnp.float32)
    edge_index = jax.random.randint(ks[1], (2, E), 0, N, dtype=jnp.int32)
    W1 = jax.random.normal(ks[2], (D_IN, D_H), dtype=jnp.float32) * 0.05
    b1 = jnp.zeros((D_H,), dtype=jnp.float32)
    W2 = jax.random.normal(ks[3], (D_H, D_OUT), dtype=jnp.float32) * 0.05
    b2 = jnp.zeros((D_OUT,), dtype=jnp.float32)
    Wp1 = jax.random.normal(ks[4], (D_OUT + D_IN, P_H), dtype=jnp.float32) * 0.05
    bp1 = jnp.zeros((P_H,), dtype=jnp.float32)
    Wp2 = jax.random.normal(ks[5], (P_H, P_OUT), dtype=jnp.float32) * 0.05
    bp2 = jnp.zeros((P_OUT,), dtype=jnp.float32)
    return {"x": x, "edge_index": edge_index, "W1": W1, "b1": b1, "W2": W2, "b2": b2, "Wp1": Wp1, "bp1": bp1, "Wp2": Wp2, "bp2": bp2}


def reference(x, edge_index, W1, b1, W2, b2, Wp1, bp1, Wp2, bp2):
    n = x.shape[0]
    loop = jnp.arange(n, dtype=edge_index.dtype)
    src = jnp.concatenate([edge_index[0], loop])
    dst = jnp.concatenate([edge_index[1], loop])
    h = jax.nn.relu(_gcn(x, src, dst, W1, b1, n))
    gnn_out = _gcn(h, src, dst, W2, b2, n)
    pinn_in = jnp.concatenate([gnn_out, x], axis=1)
    p = jax.nn.relu(pinn_in @ Wp1 + bp1)
    return p @ Wp2 + bp2

if __name__ == "__main__":
    import jax
    _d = setup_inputs()
    print(jax.jit(kernel)(*tuple(_d.values())))

</pallas_src>

<mosaic_0001>
#map = affine_map<(d0, d1) -> (0, 0)>
#map1 = affine_map<(d0, d1) -> (0, 0, 0)>
module attributes {stable_mosaic.version = 14 : i64} {
  func.func @scat_kernel(%arg0: i32, %arg1: i32, %arg2: memref<10000x128xbf16, #tpu.memory_space<hbm>>, %arg3: memref<6400x50xi32, #tpu.memory_space<hbm>>, %arg4: memref<6400x50xi32, #tpu.memory_space<hbm>>, %arg5: memref<2x10000x128xbf16, #tpu.memory_space<hbm>>, %arg6: memref<10000x128xbf16, #tpu.memory_space<vmem_shared>>, %arg7: memref<200x50xi32, #tpu.memory_space<vmem>>, %arg8: memref<200x50xi32, #tpu.memory_space<vmem>>, %arg9: memref<4x50x128xbf16, #tpu.memory_space<vmem>>, %arg10: memref<!tpu.dma_semaphore, #tpu.memory_space<semaphore_mem>>, %arg11: memref<!tpu.dma_semaphore, #tpu.memory_space<semaphore_mem>>, %arg12: memref<!tpu.dma_semaphore, #tpu.memory_space<semaphore_mem>>, %arg13: memref<!tpu.dma_semaphore, #tpu.memory_space<semaphore_mem>>, %arg14: memref<!tpu.dma_semaphore, #tpu.memory_space<semaphore_mem>>, %arg15: memref<!tpu.dma_semaphore, #tpu.memory_space<semaphore_mem>>, %arg16: memref<!tpu.dma_semaphore, #tpu.memory_space<semaphore_mem>>, %arg17: memref<!tpu.dma_semaphore, #tpu.memory_space<semaphore_mem>>) attributes {dimension_semantics = [#tpu.dimension_semantics<core_parallel>, #tpu.dimension_semantics<subcore_parallel>], iteration_bounds = array<i64: 2, 16>, scalar_prefetch = 0 : i64, scratch_operands = 12 : i64, tpu.core_type = #tpu.core_type<sc_vector_subcore>, window_params = [{transform_indices = #map}, {transform_indices = #map}, {transform_indices = #map}, {transform_indices = #map1}]} {
    %mul3A = arith.constant 2 : i32
    %mul3A_0 = arith.muli %arg1, %mul3A : i32
    %add3A = arith.addi %mul3A_0, %arg0 : i32
    %broadcast_in_dim3A = arith.constant 0.000000e+00 : bf16
    %broadcast_in_dim3A_1 = vector.broadcast %broadcast_in_dim3A : bf16 to vector<32xbf16>
    %scan3A = arith.constant 0 : i32
    %scan3A_2 = arith.constant 0 : i32
    %scan3A_3 = arith.constant 0 : i32
    %scan3A_4 = arith.constant 50 : i32
    %scan3A_5 = arith.addi %scan3A_3, %scan3A_4 : i32
    %scan3A_6 = arith.constant 1 : i32
    scf.for %scan3A_596 = %scan3A_3 to %scan3A_5 step %scan3A_6  : i32 {
      %swap3A = arith.constant 0 : i32
      %swap3A_597 = arith.constant 0 : i32
      %swap3A_598 = tpu.memref_slice %arg9[%scan3A_2, %swap3A, %swap3A_597] : memref<4x50x128xbf16, #tpu.memory_space<vmem>> -> memref<1x50x128xbf16, #tpu.memory_space<vmem>>
      %swap3A_599 = tpu.memref_squeeze %swap3A_598 : memref<1x50x128xbf16, #tpu.memory_space<vmem>> -> memref<50x128xbf16, #tpu.memory_space<vmem>>
      %swap3A_600 = arith.index_cast %scan3A_596 : i32 to index
      %swap3A_601 = arith.constant 0 : index
      %swap3A_602 = tpu.vector_load %swap3A_599[%swap3A_600, %swap3A_601] {strides = array<i32>} : memref<50x128xbf16, #tpu.memory_space<vmem>>, vector<32xbf16>,
      tpu.vector_store %swap3A_599[%swap3A_600, %swap3A_601], %broadcast_in_dim3A_1 {strides = array<i32>} : memref<50x128xbf16, #tpu.memory_space<vmem>>, vector<32xbf16>,
      %swap3A_603 = arith.constant 0 : i32
      %swap3A_604 = arith.constant 0 : i32
      %swap3A_605 = tpu.memref_slice %arg9[%scan3A_2, %swap3A_603, %swap3A_604] : memref<4x50x128xbf16, #tpu.memory_space<vmem>> -> memref<1x50x128xbf16, #tpu.memory_space<vmem>>
      %swap3A_606 = tpu.memref_squeeze %swap3A_605 : memref<1x50x128xbf16, #tpu.memory_space<vmem>> -> memref<50x128xbf16, #tpu.memory_space<vmem>>
      %swap3A_607 = arith.index_cast %scan3A_596 : i32 to index
      %swap3A_608 = arith.constant 32 : index
      %swap3A_609 = tpu.vector_load %swap3A_606[%swap3A_607, %swap3A_608] {strides = array<i32>} : memref<50x128xbf16, #tpu.memory_space<vmem>>, vector<32xbf16>,
      tpu.vector_store %swap3A_606[%swap3A_607, %swap3A_608], %broadcast_in_dim3A_1 {strides = array<i32>} : memref<50x128xbf16, #tpu.memory_space<vmem>>, vector<32xbf16>,
      %swap3A_610 = arith.constant 0 : i32
      %swap3A_611 = arith.constant 0 : i32
      %swap3A_612 = tpu.memref_slice %arg9[%scan3A_2, %swap3A_610, %swap3A_611] : memref<4x50x128xbf16, #tpu.memory_space<vmem>> -> memref<1x50x128xbf16, #tpu.memory_space<vmem>>
      %swap3A_613 = tpu.memref_squeeze %swap3A_612 : memref<1x50x128xbf16, #tpu.memory_space<vmem>> -> memref<50x128xbf16, #tpu.memory_space<vmem>>
      %swap3A_614 = arith.index_cast %scan3A_596 : i32 to index
      %swap3A_615 = arith.constant 64 : index
      %swap3A_616 = tpu.vector_load %swap3A_613[%swap3A_614, %swap3A_615] {strides = array<i32>} : memref<50x128xbf16, #tpu.memory_space<vmem>>, vector<32xbf16>,
      tpu.vector_store %swap3A_613[%swap3A_614, %swap3A_615], %broadcast_in_dim3A_1 {strides = array<i32>} : memref<50x128xbf16, #tpu.memory_space<vmem>>, vector<32xbf16>,
      %swap3A_617 = arith.constant 0 : i32
      %swap3A_618 = arith.constant 0 : i32
      %swap3A_619 = tpu.memref_slice %arg9[%scan3A_2, %swap3A_617, %swap3A_618] : memref<4x50x128xbf16, #tpu.memory_space<vmem>> -> memref<1x50x128xbf16, #tpu.memory_space<vmem>>
      %swap3A_620 = tpu.memref_squeeze %swap3A_619 : memref<1x50x128xbf16, #tpu.memory_space<vmem>> -> memref<50x128xbf16, #tpu.memory_space<vmem>>
      %swap3A_621 = arith.index_cast %scan3A_596 : i32 to index
      %swap3A_622 = arith.constant 96 : index
      %swap3A_623 = tpu.vector_load %swap3A_620[%swap3A_621, %swap3A_622] {strides = array<i32>} : memref<50x128xbf16, #tpu.memory_space<vmem>>, vector<32xbf16>,
      tpu.vector_store %swap3A_620[%swap3A_621, %swap3A_622], %broadcast_in_dim3A_1 {strides = array<i32>} : memref<50x128xbf16, #tpu.memory_space<vmem>>, vector<32xbf16>,
    }
    %scan3A_7 = arith.constant 50 : i32
    %mul3A_8 = arith.constant 625 : i32
    %mul3A_9 = arith.muli %arg1, %mul3A_8 : i32
    %add3A_10 = arith.constant 0 : i32
    %add3A_11 = arith.addi %mul3A_9, %add3A_10 : i32
    %dma_start3A = arith.constant 0 : i32
    %dma_start3A_12 = arith.constant 0 : i32
    %dma_start3A_13 = arith.constant 0 : i32
    %dma_start3A_14 = tpu.memref_slice %arg9[%dma_start3A, %dma_start3A_12, %dma_start3A_13] : memref<4x50x128xbf16, #tpu.memory_space<vmem>> -> memref<1x50x128xbf16, #tpu.memory_space<vmem>>
    %dma_start3A_15 = tpu.memref_squeeze %dma_start3A_14 : memref<1x50x128xbf16, #tpu.memory_space<vmem>> -> memref<50x128xbf16, #tpu.memory_space<vmem>>
    %dma_start3A_16 = arith.constant 0 : i32
    %dma_start3A_17 = tpu.memref_slice %arg6[%add3A_11, %dma_start3A_16] : memref<10000x128xbf16, #tpu.memory_space<vmem_shared>> -> memref<50x128xbf16, #tpu.memory_space<vmem_shared>>
    %dma_start3A_18 = arith.constant 0 : i32
    %dma_start3A_19 = tpu.memref_slice %arg6[%add3A_11, %dma_start3A_18] : memref<10000x128xbf16, #tpu.memory_space<vmem_shared>> -> memref<50x128xbf16, #tpu.memory_space<vmem_shared>>
    %dma_start3A_20 = arith.constant 0 : i32
    %dma_start3A_21 = arith.constant 0 : i32
    %dma_start3A_22 = tpu.memref_slice %arg9[%dma_start3A, %dma_start3A_20, %dma_start3A_21] : memref<4x50x128xbf16, #tpu.memory_space<vmem>> -> memref<1x50x128xbf16, #tpu.memory_space<vmem>>
    %dma_start3A_23 = tpu.memref_squeeze %dma_start3A_22 : memref<1x50x128xbf16, #tpu.memory_space<vmem>> -> memref<50x128xbf16, #tpu.memory_space<vmem>>
    tpu.enqueue_dma source(%dma_start3A_23 : memref<50x128xbf16, #tpu.memory_space<vmem>>) target(%dma_start3A_19 : memref<50x128xbf16, #tpu.memory_space<vmem_shared>>) target_semaphore(%arg14 : memref<!tpu.dma_semaphore, #tpu.memory_space<semaphore_mem>>)
    %add3A_24 = arith.constant 50 : i32
    %add3A_25 = arith.addi %mul3A_9, %add3A_24 : i32
    %dma_start3A_26 = arith.constant 0 : i32
    %dma_start3A_27 = arith.constant 0 : i32
    %dma_start3A_28 = arith.constant 0 : i32
    %dma_start3A_29 = tpu.memref_slice %arg9[%dma_start3A_26, %dma_start3A_27, %dma_start3A_28] : memref<4x50x128xbf16, #tpu.memory_space<vmem>> -> memref<1x50x128xbf16, #tpu.memory_space<vmem>>
    %dma_start3A_30 = tpu.memref_squeeze %dma_start3A_29 : memref<1x50x128xbf16, #tpu.memory_space<vmem>> -> memref<50x128xbf16, #tpu.memory_space<vmem>>
    %dma_start3A_31 = arith.constant 0 : i32
    %dma_start3A_32 = tpu.memref_slice %arg6[%add3A_25, %dma_start3A_31] : memref<10000x128xbf16, #tpu.memory_space<vmem_shared>> -> memref<50x128xbf16, #tpu.memory_space<vmem_shared>>
    %dma_start3A_33 = arith.constant 0 : i32
    %dma_start3A_34 = tpu.memref_slice %arg6[%add3A_25, %dma_start3A_33] : memref<10000x128xbf16, #tpu.memory_space<vmem_shared>> -> memref<50x128xbf16, #tpu.memory_space<vmem_shared>>
    %dma_start3A_35 = arith.constant 0 : i32
    %dma_start3A_36 = arith.constant 0 : i32
    %dma_start3A_37 = tpu.memref_slice %arg9[%dma_start3A_26, %dma_start3A_35, %dma_start3A_36] : memref<4x50x128xbf16, #tpu.memory_space<vmem>> -> memref<1x50x128xbf16, #tpu.memory_space<vmem>>
    %dma_start3A_38 = tpu.memref_squeeze %dma_start3A_37 : memref<1x50x128xbf16, #tpu.memory_space<vmem>> -> memref<50x128xbf16, #tpu.memory_space<vmem>>
    tpu.enqueue_dma source(%dma_start3A_38 : memref<50x128xbf16, #tpu.memory_space<vmem>>) target(%dma_start3A_34 : memref<50x128xbf16, #tpu.memory_space<vmem_shared>>) target_semaphore(%arg14 : memref<!tpu.dma_semaphore, #tpu.memory_space<semaphore_mem>>)
    %add3A_39 = arith.constant 100 : i32
    %add3A_40 = arith.addi %mul3A_9, %add3A_39 : i32
    %dma_start3A_41 = arith.constant 0 : i32
    %dma_start3A_42 = arith.constant 0 : i32
    %dma_start3A_43 = arith.constant 0 : i32
    %dma_start3A_44 = tpu.memref_slice %arg9[%dma_start3A_41, %dma_start3A_42, %dma_start3A_43] : memref<4x50x128xbf16, #tpu.memory_space<vmem>> -> memref<1x50x128xbf16, #tpu.memory_space<vmem>>
    %dma_start3A_45 = tpu.memref_squeeze %dma_start3A_44 : memref<1x50x128xbf16, #tpu.memory_space<vmem>> -> memref<50x128xbf16, #tpu.memory_space<vmem>>
    %dma_start3A_46 = arith.constant 0 : i32
    %dma_start3A_47 = tpu.memref_slice %arg6[%add3A_40, %dma_start3A_46] : memref<10000x128xbf16, #tpu.memory_space<vmem_shared>> -> memref<50x128xbf16, #tpu.memory_space<vmem_shared>>
    %dma_start3A_48 = arith.constant 0 : i32
    %dma_start3A_49 = tpu.memref_slice %arg6[%add3A_40, %dma_start3A_48] : memref<10000x128xbf16, #tpu.memory_space<vmem_shared>> -> memref<50x128xbf16, #tpu.memory_space<vmem_shared>>
    %dma_start3A_50 = arith.constant 0 : i32
    %dma_start3A_51 = arith.constant 0 : i32
    %dma_start3A_52 = tpu.memref_slice %arg9[%dma_start3A_41, %dma_start3A_50, %dma_start3A_51] : memref<4x50x128xbf16, #tpu.memory_space<vmem>> -> memref<1x50x128xbf16, #tpu.memory_space<vmem>>
    %dma_start3A_53 = tpu.memref_squeeze %dma_start3A_52 : memref<1x50x128xbf16, #tpu.memory_space<vmem>> -> memref<50x128xbf16, #tpu.memory_space<vmem>>
    tpu.enqueue_dma source(%dma_start3A_53 : memref<50x128xbf16, #tpu.memory_space<vmem>>) target(%dma_start3A_49 : memref<50x128xbf16, #tpu.memory_space<vmem_shared>>) target_semaphore(%arg14 : memref<!tpu.dma_semaphore, #tpu.memory_space<semaphore_mem>>)
    %add3A_54 = arith.constant 150 : i32
    %add3A_55 = arith.addi %mul3A_9, %add3A_54 : i32
    %dma_start3A_56 = arith.constant 0 : i32
    %dma_start3A_57 = arith.constant 0 : i32
    %dma_start3A_58 = arith.constant 0 : i32
    %dma_start3A_59 = tpu.memref_slice %arg9[%dma_start3A_56, %dma_start3A_57, %dma_start3A_58] : memref<4x50x128xbf16, #tpu.memory_space<vmem>> -> memref<1x50x128xbf16, #tpu.memory_space<vmem>>
    %dma_start3A_60 = tpu.memref_squeeze %dma_start3A_59 : memref<1x50x128xbf16, #tpu.memory_space<vmem>> -> memref<50x128xbf16, #tpu.memory_space<vmem>>
    %dma_start3A_61 = arith.constant 0 : i32
    %dma_start3A_62 = tpu.memref_slice %arg6[%add3A_55, %dma_start3A_61] : memref<10000x128xbf16, #tpu.memory_space<vmem_shared>> -> memref<50x128xbf16, #tpu.memory_space<vmem_shared>>
    %dma_start3A_63 = arith.constant 0 : i32
    %dma_start3A_64 = tpu.memref_slice %arg6[%add3A_55, %dma_start3A_63] : memref<10000x128xbf16, #tpu.memory_space<vmem_shared>> -> memref<50x128xbf16, #tpu.memory_space<vmem_shared>>
    %dma_start3A_65 = arith.constant 0 : i32
    %dma_start3A_66 = arith.constant 0 : i32
    %dma_start3A_67 = tpu.memref_slice %arg9[%dma_start3A_56, %dma_start3A_65, %dma_start3A_66] : memref<4x50x128xbf16, #tpu.memory_space<vmem>> -> memref<1x50x128xbf16, #tpu.memory_space<vmem>>
    %dma_start3A_68 = tpu.memref_squeeze %dma_start3A_67 : memref<1x50x128xbf16, #tpu.memory_space<vmem>> -> memref<50x128xbf16, #tpu.memory_space<vmem>>
    tpu.enqueue_dma source(%dma_start3A_68 : memref<50x128xbf16, #tpu.memory_space<vmem>>) target(%dma_start3A_64 : memref<50x128xbf16, #tpu.memory_space<vmem_shared>>) target_semaphore(%arg14 : memref<!tpu.dma_semaphore, #tpu.memory_space<semaphore_mem>>)
    %add3A_69 = arith.constant 200 : i32
    %add3A_70 = arith.addi %mul3A_9, %add3A_69 : i32
    %dma_start3A_71 = arith.constant 0 : i32
    %dma_start3A_72 = arith.constant 0 : i32
    %dma_start3A_73 = arith.constant 0 : i32
    %dma_start3A_74 = tpu.memref_slice %arg9[%dma_start3A_71, %dma_start3A_72, %dma_start3A_73] : memref<4x50x128xbf16, #tpu.memory_space<vmem>> -> memref<1x50x128xbf16, #tpu.memory_space<vmem>>
    %dma_start3A_75 = tpu.memref_squeeze %dma_start3A_74 : memref<1x50x128xbf16, #tpu.memory_space<vmem>> -> memref<50x128xbf16, #tpu.memory_space<vmem>>
    %dma_start3A_76 = arith.constant 0 : i32
    %dma_start3A_77 = tpu.memref_slice %arg6[%add3A_70, %dma_start3A_76] : memref<10000x128xbf16, #tpu.memory_space<vmem_shared>> -> memref<50x128xbf16, #tpu.memory_space<vmem_shared>>
    %dma_start3A_78 = arith.constant 0 : i32
    %dma_start3A_79 = tpu.memref_slice %arg6[%add3A_70, %dma_start3A_78] : memref<10000x128xbf16, #tpu.memory_space<vmem_shared>> -> memref<50x128xbf16, #tpu.memory_space<vmem_shared>>
    %dma_start3A_80 = arith.constant 0 : i32
    %dma_start3A_81 = arith.constant 0 : i32
    %dma_start3A_82 = tpu.memref_slice %arg9[%dma_start3A_71, %dma_start3A_80, %dma_start3A_81] : memref<4x50x128xbf16, #tpu.memory_space<vmem>> -> memref<1x50x128xbf16, #tpu.memory_space<vmem>>
    %dma_start3A_83 = tpu.memref_squeeze %dma_start3A_82 : memref<1x50x128xbf16, #tpu.memory_space<vmem>> -> memref<50x128xbf16, #tpu.memory_space<vmem>>
    tpu.enqueue_dma source(%dma_start3A_83 : memref<50x128xbf16, #tpu.memory_space<vmem>>) target(%dma_start3A_79 : memref<50x128xbf16, #tpu.memory_space<vmem_shared>>) target_semaphore(%arg14 : memref<!tpu.dma_semaphore, #tpu.memory_space<semaphore_mem>>)
    %add3A_84 = arith.constant 250 : i32
    %add3A_85 = arith.addi %mul3A_9, %add3A_84 : i32
    %dma_start3A_86 = arith.constant 0 : i32
    %dma_start3A_87 = arith.constant 0 : i32
    %dma_start3A_88 = arith.constant 0 : i32
    %dma_start3A_89 = tpu.memref_slice %arg9[%dma_start3A_86, %dma_start3A_87, %dma_start3A_88] : memref<4x50x128xbf16, #tpu.memory_space<vmem>> -> memref<1x50x128xbf16, #tpu.memory_space<vmem>>
    %dma_start3A_90 = tpu.memref_squeeze %dma_start3A_89 : memref<1x50x128xbf16, #tpu.memory_space<vmem>> -> memref<50x128xbf16, #tpu.memory_space<vmem>>
    %dma_start3A_91 = arith.constant 0 : i32
    %dma_start3A_92 = tpu.memref_slice %arg6[%add3A_85, %dma_start3A_91] : memref<10000x128xbf16, #tpu.memory_space<vmem_shared>> -> memref<50x128xbf16, #tpu.memory_space<vmem_shared>>
    %dma_start3A_93 = arith.constant 0 : i32
    %dma_start3A_94 = tpu.memref_slice %arg6[%add3A_85, %dma_start3A_93] : memref<10000x128xbf16, #tpu.memory_space<vmem_shared>> -> memref<50x128xbf16, #tpu.memory_space<vmem_shared>>
    %dma_start3A_95 = arith.constant 0 : i32
    %dma_start3A_96 = arith.constant 0 : i32
    %dma_start3A_97 = tpu.memref_slice %arg9[%dma_start3A_86, %dma_start3A_95, %dma_start3A_96] : memref<4x50x128xbf16, #tpu.memory_space<vmem>> -> memref<1x50x128xbf16, #tpu.memory_space<vmem>>
    %dma_start3A_98 = tpu.memref_squeeze %dma_start3A_97 : memref<1x50x128xbf16, #tpu.memory_space<vmem>> -> memref<50x128xbf16, #tpu.memory_space<vmem>>
    tpu.enqueue_dma source(%dma_start3A_98 : memref<50x128xbf16, #tpu.memory_space<vmem>>) target(%dma_start3A_94 : memref<50x128xbf16, #tpu.memory_space<vmem_shared>>) target_semaphore(%arg14 : memref<!tpu.dma_semaphore, #tpu.memory_space<semaphore_mem>>)
    %add3A_99 = arith.constant 300 : i32
    %add3A_100 = arith.addi %mul3A_9, %add3A_99 : i32
    %dma_start3A_101 = arith.constant 0 : i32
    %dma_start3A_102 = arith.constant 0 : i32
    %dma_start3A_103 = arith.constant 0 : i32
    %dma_start3A_104 = tpu.memref_slice %arg9[%dma_start3A_101, %dma_start3A_102, %dma_start3A_103] : memref<4x50x128xbf16, #tpu.memory_space<vmem>> -> memref<1x50x128xbf16, #tpu.memory_space<vmem>>
    %dma_start3A_105 = tpu.memref_squeeze %dma_start3A_104 : memref<1x50x128xbf16, #tpu.memory_space<vmem>> -> memref<50x128xbf16, #tpu.memory_space<vmem>>
    %dma_start3A_106 = arith.constant 0 : i32
    %dma_start3A_107 = tpu.memref_slice %arg6[%add3A_100, %dma_start3A_106] : memref<10000x128xbf16, #tpu.memory_space<vmem_shared>> -> memref<50x128xbf16, #tpu.memory_space<vmem_shared>>
    %dma_start3A_108 = arith.constant 0 : i32
    %dma_start3A_109 = tpu.memref_slice %arg6[%add3A_100, %dma_start3A_108] : memref<10000x128xbf16, #tpu.memory_space<vmem_shared>> -> memref<50x128xbf16, #tpu.memory_space<vmem_shared>>
    %dma_start3A_110 = arith.constant 0 : i32
    %dma_start3A_111 = arith.constant 0 : i32
    %dma_start3A_112 = tpu.memref_slice %arg9[%dma_start3A_101, %dma_start3A_110, %dma_start3A_111] : memref<4x50x128xbf16, #tpu.memory_space<vmem>> -> memref<1x50x128xbf16, #tpu.memory_space<vmem>>
    %dma_start3A_113 = tpu.memref_squeeze %dma_start3A_112 : memref<1x50x128xbf16, #tpu.memory_space<vmem>> -> memref<50x128xbf16, #tpu.memory_space<vmem>>
    tpu.enqueue_dma source(%dma_start3A_113 : memref<50x128xbf16, #tpu.memory_space<vmem>>) target(%dma_start3A_109 : memref<50x128xbf16, #tpu.memory_space<vmem_shared>>) target_semaphore(%arg14 : memref<!tpu.dma_semaphore, #tpu.memory_space<semaphore_mem>>)
    %add3A_114 = arith.constant 350 : i32
    %add3A_115 = arith.addi %mul3A_9, %add3A_114 : i32
    %dma_start3A_116 = arith.constant 0 : i32
    %dma_start3A_117 = arith.constant 0 : i32
    %dma_start3A_118 = arith.constant 0 : i32
    %dma_start3A_119 = tpu.memref_slice %arg9[%dma_start3A_116, %dma_start3A_117, %dma_start3A_118] : memref<4x50x128xbf16, #tpu.memory_space<vmem>> -> memref<1x50x128xbf16, #tpu.memory_space<vmem>>
    %dma_start3A_120 = tpu.memref_squeeze %dma_start3A_119 : memref<1x50x128xbf16, #tpu.memory_space<vmem>> -> memref<50x128xbf16, #tpu.memory_space<vmem>>
    %dma_start3A_121 = arith.constant 0 : i32
    %dma_start3A_122 = tpu.memref_slice %arg6[%add3A_115, %dma_start3A_121] : memref<10000x128xbf16, #tpu.memory_space<vmem_shared>> -> memref<50x128xbf16, #tpu.memory_space<vmem_shared>>
    %dma_start3A_123 = arith.constant 0 : i32
    %dma_start3A_124 = tpu.memref_slice %arg6[%add3A_115, %dma_start3A_123] : memref<10000x128xbf16, #tpu.memory_space<vmem_shared>> -> memref<50x128xbf16, #tpu.memory_space<vmem_shared>>
    %dma_start3A_125 = arith.constant 0 : i32
    %dma_start3A_126 = arith.constant 0 : i32
    %dma_start3A_127 = tpu.memref_slice %arg9[%dma_start3A_116, %dma_start3A_125, %dma_start3A_126] : memref<4x50x128xbf16, #tpu.memory_space<vmem>> -> memref<1x50x128xbf16, #tpu.memory_space<vmem>>
    %dma_start3A_128 = tpu.memref_squeeze %dma_start3A_127 : memref<1x50x128xbf16, #tpu.memory_space<vmem>> -> memref<50x128xbf16, #tpu.memory_space<vmem>>
    tpu.enqueue_dma source(%dma_start3A_128 : memref<50x128xbf16, #tpu.memory_space<vmem>>) target(%dma_start3A_124 : memref<50x128xbf16, #tpu.memory_space<vmem_shared>>) target_semaphore(%arg14 : memref<!tpu.dma_semaphore, #tpu.memory_space<semaphore_mem>>)
    %add3A_129 = arith.constant 400 : i32
    %add3A_130 = arith.addi %mul3A_9, %add3A_129 : i32
    %dma_start3A_131 = arith.constant 0 : i32
    %dma_start3A_132 = arith.constant 0 : i32
    %dma_start3A_133 = arith.constant 0 : i32
    %dma_start3A_134 = tpu.memref_slice %arg9[%dma_start3A_131, %dma_start3A_132, %dma_start3A_133] : memref<4x50x128xbf16, #tpu.memory_space<vmem>> -> memref<1x50x128xbf16, #tpu.memory_space<vmem>>
    %dma_start3A_135 = tpu.memref_squeeze %dma_start3A_134 : memref<1x50x128xbf16, #tpu.memory_space<vmem>> -> memref<50x128xbf16, #tpu.memory_space<vmem>>
    %dma_start3A_136 = arith.constant 0 : i32
    %dma_start3A_137 = tpu.memref_slice %arg6[%add3A_130, %dma_start3A_136] : memref<10000x128xbf16, #tpu.memory_space<vmem_shared>> -> memref<50x128xbf16, #tpu.memory_space<vmem_shared>>
    %dma_start3A_138 = arith.constant 0 : i32
    %dma_start3A_139 = tpu.memref_slice %arg6[%add3A_130, %dma_start3A_138] : memref<10000x128xbf16, #tpu.memory_space<vmem_shared>> -> memref<50x128xbf16, #tpu.memory_space<vmem_shared>>
    %dma_start3A_140 = arith.constant 0 : i32
    %dma_start3A_141 = arith.constant 0 : i32
    %dma_start3A_142 = tpu.memref_slice %arg9[%dma_start3A_131, %dma_start3A_140, %dma_start3A_141] : memref<4x50x128xbf16, #tpu.memory_space<vmem>> -> memref<1x50x128xbf16, #tpu.memory_space<vmem>>
    %dma_start3A_143 = tpu.memref_squeeze %dma_start3A_142 : memref<1x50x128xbf16, #tpu.memory_space<vmem>> -> memref<50x128xbf16, #tpu.memory_space<vmem>>
    tpu.enqueue_dma source(%dma_start3A_143 : memref<50x128xbf16, #tpu.memory_space<vmem>>) target(%dma_start3A_139 : memref<50x128xbf16, #tpu.memory_space<vmem_shared>>) target_semaphore(%arg14 : memref<!tpu.dma_semaphore, #tpu.memory_space<semaphore_mem>>)
    %add3A_144 = arith.constant 450 : i32
    %add3A_145 = arith.addi %mul3A_9, %add3A_144 : i32
    %dma_start3A_146 = arith.constant 0 : i32
    %dma_start3A_147 = arith.constant 0 : i32
    %dma_start3A_148 = arith.constant 0 : i32
    %dma_start3A_149 = tpu.memref_slice %arg9[%dma_start3A_146, %dma_start3A_147, %dma_start3A_148] : memref<4x50x128xbf16, #tpu.memory_space<vmem>> -> memref<1x50x128xbf16, #tpu.memory_space<vmem>>
    %dma_start3A_150 = tpu.memref_squeeze %dma_start3A_149 : memref<1x50x128xbf16, #tpu.memory_space<vmem>> -> memref<50x128xbf16, #tpu.memory_space<vmem>>
    %dma_start3A_151 = arith.constant 0 : i32
    %dma_start3A_152 = tpu.memref_slice %arg6[%add3A_145, %dma_start3A_151] : memref<10000x128xbf16, #tpu.memory_space<vmem_shared>> -> memref<50x128xbf16, #tpu.memory_space<vmem_shared>>
    %dma_start3A_153 = arith.constant 0 : i32
    %dma_start3A_154 = tpu.memref_slice %arg6[%add3A_145, %dma_start3A_153] : memref<10000x128xbf16, #tpu.memory_space<vmem_shared>> -> memref<50x128xbf16, #tpu.memory_space<vmem_shared>>
    %dma_start3A_155 = arith.constant 0 : i32
    %dma_start3A_156 = arith.constant 0 : i32
    %dma_start3A_157 = tpu.memref_slice %arg9[%dma_start3A_146, %dma_start3A_155, %dma_start3A_156] : memref<4x50x128xbf16, #tpu.memory_space<vmem>> -> memref<1x50x128xbf16, #tpu.memory_space<vmem>>
    %dma_start3A_158 = tpu.memref_squeeze %dma_start3A_157 : memref<1x50x128xbf16, #tpu.memory_space<vmem>> -> memref<50x128xbf16, #tpu.memory_space<vmem>>
    tpu.enqueue_dma source(%dma_start3A_158 : memref<50x128xbf16, #tpu.memory_space<vmem>>) target(%dma_start3A_154 : memref<50x128xbf16, #tpu.memory_space<vmem_shared>>) target_semaphore(%arg14 : memref<!tpu.dma_semaphore, #tpu.memory_space<semaphore_mem>>)
    %add3A_159 = arith.constant 500 : i32
    %add3A_160 = arith.addi %mul3A_9, %add3A_159 : i32
    %dma_start3A_161 = arith.constant 0 : i32
    %dma_start3A_162 = arith.constant 0 : i32
    %dma_start3A_163 = arith.constant 0 : i32
    %dma_start3A_164 = tpu.memref_slice %arg9[%dma_start3A_161, %dma_start3A_162, %dma_start3A_163] : memref<4x50x128xbf16, #tpu.memory_space<vmem>> -> memref<1x50x128xbf16, #tpu.memory_space<vmem>>
    %dma_start3A_165 = tpu.memref_squeeze %dma_start3A_164 : memref<1x50x128xbf16, #tpu.memory_space<vmem>> -> memref<50x128xbf16, #tpu.memory_space<vmem>>
    %dma_start3A_166 = arith.constant 0 : i32
    %dma_start3A_167 = tpu.memref_slice %arg6[%add3A_160, %dma_start3A_166] : memref<10000x128xbf16, #tpu.memory_space<vmem_shared>> -> memref<50x128xbf16, #tpu.memory_space<vmem_shared>>
    %dma_start3A_168 = arith.constant 0 : i32
    %dma_start3A_169 = tpu.memref_slice %arg6[%add3A_160, %dma_start3A_168] : memref<10000x128xbf16, #tpu.memory_space<vmem_shared>> -> memref<50x128xbf16, #tpu.memory_space<vmem_shared>>
    %dma_start3A_170 = arith.constant 0 : i32
    %dma_start3A_171 = arith.constant 0 : i32
    %dma_start3A_172 = tpu.memref_slice %arg9[%dma_start3A_161, %dma_start3A_170, %dma_start3A_171] : memref<4x50x128xbf16, #tpu.memory_space<vmem>> -> memref<1x50x128xbf16, #tpu.memory_space<vmem>>
    %dma_start3A_173 = tpu.memref_squeeze %dma_start3A_172 : memref<1x50x128xbf16, #tpu.memory_space<vmem>> -> memref<50x128xbf16, #tpu.memory_space<vmem>>
    tpu.enqueue_dma source(%dma_start3A_173 : memref<50x128xbf16, #tpu.memory_space<vmem>>) target(%dma_start3A_169 : memref<50x128xbf16, #tpu.memory_space<vmem_shared>>) target_semaphore(%arg14 : memref<!tpu.dma_semaphore, #tpu.memory_space<semaphore_mem>>)
    %add3A_174 = arith.constant 550 : i32
    %add3A_175 = arith.addi %mul3A_9, %add3A_174 : i32
    %dma_start3A_176 = arith.constant 0 : i32
    %dma_start3A_177 = arith.constant 0 : i32
    %dma_start3A_178 = arith.constant 0 : i32
    %dma_start3A_179 = tpu.memref_slice %arg9[%dma_start3A_176, %dma_start3A_177, %dma_start3A_178] : memref<4x50x128xbf16, #tpu.memory_space<vmem>> -> memref<1x50x128xbf16, #tpu.memory_space<vmem>>
    %dma_start3A_180 = tpu.memref_squeeze %dma_start3A_179 : memref<1x50x128xbf16, #tpu.memory_space<vmem>> -> memref<50x128xbf16, #tpu.memory_space<vmem>>
    %dma_start3A_181 = arith.constant 0 : i32
    %dma_start3A_182 = tpu.memref_slice %arg6[%add3A_175, %dma_start3A_181] : memref<10000x128xbf16, #tpu.memory_space<vmem_shared>> -> memref<50x128xbf16, #tpu.memory_space<vmem_shared>>
    %dma_start3A_183 = arith.constant 0 : i32
    %dma_start3A_184 = tpu.memref_slice %arg6[%add3A_175, %dma_start3A_183] : memref<10000x128xbf16, #tpu.memory_space<vmem_shared>> -> memref<50x128xbf16, #tpu.memory_space<vmem_shared>>
    %dma_start3A_185 = arith.constant 0 : i32
    %dma_start3A_186 = arith.constant 0 : i32
    %dma_start3A_187 = tpu.memref_slice %arg9[%dma_start3A_176, %dma_start3A_185, %dma_start3A_186] : memref<4x50x128xbf16, #tpu.memory_space<vmem>> -> memref<1x50x128xbf16, #tpu.memory_space<vmem>>
    %dma_start3A_188 = tpu.memref_squeeze %dma_start3A_187 : memref<1x50x128xbf16, #tpu.memory_space<vmem>> -> memref<50x128xbf16, #tpu.memory_space<vmem>>
    tpu.enqueue_dma source(%dma_start3A_188 : memref<50x128xbf16, #tpu.memory_space<vmem>>) target(%dma_start3A_184 : memref<50x128xbf16, #tpu.memory_space<vmem_shared>>) target_semaphore(%arg14 : memref<!tpu.dma_semaphore, #tpu.memory_space<semaphore_mem>>)
    %add3A_189 = arith.constant 625 : i32
    %add3A_190 = arith.addi %mul3A_9, %add3A_189 : i32
    %sub3A = arith.constant 25 : i32
    %sub3A_191 = arith.subi %add3A_190, %sub3A : i32
    %dma_start3A_192 = arith.constant 0 : i32
    %dma_start3A_193 = arith.constant 0 : i32
    %dma_start3A_194 = arith.constant 0 : i32
    %dma_start3A_195 = tpu.memref_slice %arg9[%dma_start3A_192, %dma_start3A_193, %dma_start3A_194] : memref<4x50x128xbf16, #tpu.memory_space<vmem>> -> memref<1x50x128xbf16, #tpu.memory_space<vmem>>
    %dma_start3A_196 = tpu.memref_squeeze %dma_start3A_195 : memref<1x50x128xbf16, #tpu.memory_space<vmem>> -> memref<50x128xbf16, #tpu.memory_space<vmem>>
    %dma_start3A_197 = arith.constant 0 : i32
    %dma_start3A_198 = arith.constant 0 : i32
    %dma_start3A_199 = tpu.memref_slice %dma_start3A_196[%dma_start3A_197, %dma_start3A_198] : memref<50x128xbf16, #tpu.memory_space<vmem>> -> memref<25x128xbf16, #tpu.memory_space<vmem>>
    %dma_start3A_200 = arith.constant 0 : i32
    %dma_start3A_201 = tpu.memref_slice %arg6[%sub3A_191, %dma_start3A_200] : memref<10000x128xbf16, #tpu.memory_space<vmem_shared>> -> memref<25x128xbf16, #tpu.memory_space<vmem_shared>>
    %dma_start3A_202 = arith.constant 0 : i32
    %dma_start3A_203 = tpu.memref_slice %arg6[%sub3A_191, %dma_start3A_202] : memref<10000x128xbf16, #tpu.memory_space<vmem_shared>> -> memref<25x128xbf16, #tpu.memory_space<vmem_shared>>
    %dma_start3A_204 = arith.constant 0 : i32
    %dma_start3A_205 = arith.constant 0 : i32
    %dma_start3A_206 = tpu.memref_slice %arg9[%dma_start3A_192, %dma_start3A_204, %dma_start3A_205] : memref<4x50x128xbf16, #tpu.memory_space<vmem>> -> memref<1x50x128xbf16, #tpu.memory_space<vmem>>
    %dma_start3A_207 = tpu.memref_squeeze %dma_start3A_206 : memref<1x50x128xbf16, #tpu.memory_space<vmem>> -> memref<50x128xbf16, #tpu.memory_space<vmem>>
    %dma_start3A_208 = arith.constant 0 : i32
    %dma_start3A_209 = arith.constant 0 : i32
    %dma_start3A_210 = tpu.memref_slice %dma_start3A_207[%dma_start3A_208, %dma_start3A_209] : memref<50x128xbf16, #tpu.memory_space<vmem>> -> memref<25x128xbf16, #tpu.memory_space<vmem>>
    tpu.enqueue_dma source(%dma_start3A_210 : memref<25x128xbf16, #tpu.memory_space<vmem>>) target(%dma_start3A_203 : memref<25x128xbf16, #tpu.memory_space<vmem_shared>>) target_semaphore(%arg15 : memref<!tpu.dma_semaphore, #tpu.memory_space<semaphore_mem>>)
    %mul3A_211 = arith.constant 200 : i32
    %mul3A_212 = arith.muli %add3A, %mul3A_211 : i32
    "tpu.region"() ({
      %run_scoped3A = tpu.sem_alloc : memref<!tpu.dma_semaphore, #tpu.memory_space<semaphore_mem>>
      %dma_start3A_596 = arith.constant 0 : i32
      %dma_start3A_597 = tpu.memref_slice %arg3[%mul3A_212, %dma_start3A_596] : memref<6400x50xi32, #tpu.memory_space<hbm>> -> memref<200x50xi32, #tpu.memory_space<hbm>>
      %dma_start3A_598 = arith.constant 0 : i32
      %dma_start3A_599 = tpu.memref_slice %arg3[%mul3A_212, %dma_start3A_598] : memref<6400x50xi32, #tpu.memory_space<hbm>> -> memref<200x50xi32, #tpu.memory_space<hbm>>
      tpu.enqueue_dma source(%dma_start3A_599 : memref<200x50xi32, #tpu.memory_space<hbm>>) target(%arg7 : memref<200x50xi32, #tpu.memory_space<vmem>>) target_semaphore(%run_scoped3A : memref<!tpu.dma_semaphore, #tpu.memory_space<semaphore_mem>>)
      %dma_wait3A_600 = arith.constant 0 : i32
      %dma_wait3A_601 = tpu.memref_slice %arg3[%mul3A_212, %dma_wait3A_600] : memref<6400x50xi32, #tpu.memory_space<hbm>> -> memref<200x50xi32, #tpu.memory_space<hbm>>
      %dma_wait3A_602 = arith.constant 0 : i32
      %dma_wait3A_603 = tpu.memref_slice %arg3[%mul3A_212, %dma_wait3A_602] : memref<6400x50xi32, #tpu.memory_space<hbm>> -> memref<200x50xi32, #tpu.memory_space<hbm>>
      tpu.wait_dma2 semaphore(%run_scoped3A : memref<!tpu.dma_semaphore, #tpu.memory_space<semaphore_mem>>) src(%dma_wait3A_603 : memref<200x50xi32, #tpu.memory_space<hbm>>) dst(%arg7 : memref<200x50xi32, #tpu.memory_space<vmem>>)
      tpu.yield
    }) : () -> ()
    %mul3A_213 = arith.constant 200 : i32
    %mul3A_214 = arith.muli %add3A, %mul3A_213 : i32
    "tpu.region"() ({
      %run_scoped3A = tpu.sem_alloc : memref<!tpu.dma_semaphore, #tpu.memory_space<semaphore_mem>>
      %dma_start3A_596 = arith.constant 0 : i32
      %dma_start3A_597 = tpu.memref_slice %arg4[%mul3A_214, %dma_start3A_596] : memref<6400x50xi32, #tpu.memory_space<hbm>> -> memref<200x50xi32, #tpu.memory_space<hbm>>
      %dma_start3A_598 = arith.constant 0 : i32
      %dma_start3A_599 = tpu.memref_slice %arg4[%mul3A_214, %dma_start3A_598] : memref<6400x50xi32, #tpu.memory_space<hbm>> -> memref<200x50xi32, #tpu.memory_space<hbm>>
      tpu.enqueue_dma source(%dma_start3A_599 : memref<200x50xi32, #tpu.memory_space<hbm>>) target(%arg8 : memref<200x50xi32, #tpu.memory_space<vmem>>) target_semaphore(%run_scoped3A : memref<!tpu.dma_semaphore, #tpu.memory_space<semaphore_mem>>)
      %dma_wait3A_600 = arith.constant 0 : i32
      %dma_wait3A_601 = tpu.memref_slice %arg4[%mul3A_214, %dma_wait3A_600] : memref<6400x50xi32, #tpu.memory_space<hbm>> -> memref<200x50xi32, #tpu.memory_space<hbm>>
      %dma_wait3A_602 = arith.constant 0 : i32
      %dma_wait3A_603 = tpu.memref_slice %arg4[%mul3A_214, %dma_wait3A_602] : memref<6400x50xi32, #tpu.memory_space<hbm>> -> memref<200x50xi32, #tpu.memory_space<hbm>>
      tpu.wait_dma2 semaphore(%run_scoped3A : memref<!tpu.dma_semaphore, #tpu.memory_space<semaphore_mem>>) src(%dma_wait3A_603 : memref<200x50xi32, #tpu.memory_space<hbm>>) dst(%arg8 : memref<200x50xi32, #tpu.memory_space<vmem>>)
      tpu.yield
    }) : () -> ()
    %dma_wait3A = arith.constant 0 : i32
    %dma_wait3A_215 = arith.constant 0 : i32
    %dma_wait3A_216 = arith.constant 0 : i32
    %dma_wait3A_217 = tpu.memref_slice %arg9[%dma_wait3A, %dma_wait3A_215, %dma_wait3A_216] : memref<4x50x128xbf16, #tpu.memory_space<vmem>> -> memref<1x50x128xbf16, #tpu.memory_space<vmem>>
    %dma_wait3A_218 = tpu.memref_squeeze %dma_wait3A_217 : memref<1x50x128xbf16, #tpu.memory_space<vmem>> -> memref<50x128xbf16, #tpu.memory_space<vmem>>
    %dma_wait3A_219 = arith.constant 0 : i32
    %dma_wait3A_220 = tpu.memref_slice %arg6[%mul3A_9, %dma_wait3A_219] : memref<10000x128xbf16, #tpu.memory_space<vmem_shared>> -> memref<50x128xbf16, #tpu.memory_space<vmem_shared>>
    %dma_wait3A_221 = arith.constant 0 : i32
    %dma_wait3A_222 = tpu.memref_slice %arg6[%mul3A_9, %dma_wait3A_221] : memref<10000x128xbf16, #tpu.memory_space<vmem_shared>> -> memref<50x128xbf16, #tpu.memory_space<vmem_shared>>
    %dma_wait3A_223 = arith.constant 0 : i32
    %dma_wait3A_224 = arith.constant 0 : i32
    %dma_wait3A_225 = tpu.memref_slice %arg9[%dma_wait3A, %dma_wait3A_223, %dma_wait3A_224] : memref<4x50x128xbf16, #tpu.memory_space<vmem>> -> memref<1x50x128xbf16, #tpu.memory_space<vmem>>
    %dma_wait3A_226 = tpu.memref_squeeze %dma_wait3A_225 : memref<1x50x128xbf16, #tpu.memory_space<vmem>> -> memref<50x128xbf16, #tpu.memory_space<vmem>>
    tpu.wait_dma2 semaphore(%arg14 : memref<!tpu.dma_semaphore, #tpu.memory_space<semaphore_mem>>) src(%dma_wait3A_226 : memref<50x128xbf16, #tpu.memory_space<vmem>>) dst(%dma_wait3A_222 : memref<50x128xbf16, #tpu.memory_space<vmem_shared>>)
    %dma_wait3A_227 = arith.constant 0 : i32
    %dma_wait3A_228 = arith.constant 0 : i32
    %dma_wait3A_229 = arith.constant 0 : i32
    %dma_wait3A_230 = tpu.memref_slice %arg9[%dma_wait3A_227, %dma_wait3A_228, %dma_wait3A_229] : memref<4x50x128xbf16, #tpu.memory_space<vmem>> -> memref<1x50x128xbf16, #tpu.memory_space<vmem>>
    %dma_wait3A_231 = tpu.memref_squeeze %dma_wait3A_230 : memref<1x50x128xbf16, #tpu.memory_space<vmem>> -> memref<50x128xbf16, #tpu.memory_space<vmem>>
    %dma_wait3A_232 = arith.constant 0 : i32
    %dma_wait3A_233 = tpu.memref_slice %arg6[%mul3A_9, %dma_wait3A_232] : memref<10000x128xbf16, #tpu.memory_space<vmem_shared>> -> memref<50x128xbf16, #tpu.memory_space<vmem_shared>>
    %dma_wait3A_234 = arith.constant 0 : i32
    %dma_wait3A_235 = tpu.memref_slice %arg6[%mul3A_9, %dma_wait3A_234] : memref<10000x128xbf16, #tpu.memory_space<vmem_shared>> -> memref<50x128xbf16, #tpu.memory_space<vmem_shared>>
    %dma_wait3A_236 = arith.constant 0 : i32
    %dma_wait3A_237 = arith.constant 0 : i32
    %dma_wait3A_238 = tpu.memref_slice %arg9[%dma_wait3A_227, %dma_wait3A_236, %dma_wait3A_237] : memref<4x50x128xbf16, #tpu.memory_space<vmem>> -> memref<1x50x128xbf16, #tpu.memory_space<vmem>>
    %dma_wait3A_239 = tpu.memref_squeeze %dma_wait3A_238 : memref<1x50x128xbf16, #tpu.memory_space<vmem>> -> memref<50x128xbf16, #tpu.memory_space<vmem>>
    tpu.wait_dma2 semaphore(%arg14 : memref<!tpu.dma_semaphore, #tpu.memory_space<semaphore_mem>>) src(%dma_wait3A_239 : memref<50x128xbf16, #tpu.memory_space<vmem>>) dst(%dma_wait3A_235 : memref<50x128xbf16, #tpu.memory_space<vmem_shared>>)
    %dma_wait3A_240 = arith.constant 0 : i32
    %dma_wait3A_241 = arith.constant 0 : i32
    %dma_wait3A_242 = arith.constant 0 : i32
    %dma_wait3A_243 = tpu.memref_slice %arg9[%dma_wait3A_240, %dma_wait3A_241, %dma_wait3A_242] : memref<4x50x128xbf16, #tpu.memory_space<vmem>> -> memref<1x50x128xbf16, #tpu.memory_space<vmem>>
    %dma_wait3A_244 = tpu.memref_squeeze %dma_wait3A_243 : memref<1x50x128xbf16, #tpu.memory_space<vmem>> -> memref<50x128xbf16, #tpu.memory_space<vmem>>
    %dma_wait3A_245 = arith.constant 0 : i32
    %dma_wait3A_246 = tpu.memref_slice %arg6[%mul3A_9, %dma_wait3A_245] : memref<10000x128xbf16, #tpu.memory_space<vmem_shared>> -> memref<50x128xbf16, #tpu.memory_space<vmem_shared>>
    %dma_wait3A_247 = arith.constant 0 : i32
    %dma_wait3A_248 = tpu.memref_slice %arg6[%mul3A_9, %dma_wait3A_247] : memref<10000x128xbf16, #tpu.memory_space<vmem_shared>> -> memref<50x128xbf16, #tpu.memory_space<vmem_shared>>
    %dma_wait3A_249 = arith.constant 0 : i32
    %dma_wait3A_250 = arith.constant 0 : i32
    %dma_wait3A_251 = tpu.memref_slice %arg9[%dma_wait3A_240, %dma_wait3A_249, %dma_wait3A_250] : memref<4x50x128xbf16, #tpu.memory_space<vmem>> -> memref<1x50x128xbf16, #tpu.memory_space<vmem>>
    %dma_wait3A_252 = tpu.memref_squeeze %dma_wait3A_251 : memref<1x50x128xbf16, #tpu.memory_space<vmem>> -> memref<50x128xbf16, #tpu.memory_space<vmem>>
    tpu.wait_dma2 semaphore(%arg14 : memref<!tpu.dma_semaphore, #tpu.memory_space<semaphore_mem>>) src(%dma_wait3A_252 : memref<50x128xbf16, #tpu.memory_space<vmem>>) dst(%dma_wait3A_248 : memref<50x128xbf16, #tpu.memory_space<vmem_shared>>)
    %dma_wait3A_253 = arith.constant 0 : i32
    %dma_wait3A_254 = arith.constant 0 : i32
    %dma_wait3A_255 = arith.constant 0 : i32
    %dma_wait3A_256 = tpu.memref_slice %arg9[%dma_wait3A_253, %dma_wait3A_254, %dma_wait3A_255] : memref<4x50x128xbf16, #tpu.memory_space<vmem>> -> memref<1x50x128xbf16, #tpu.memory_space<vmem>>
    %dma_wait3A_257 = tpu.memref_squeeze %dma_wait3A_256 : memref<1x50x128xbf16, #tpu.memory_space<vmem>> -> memref<50x128xbf16, #tpu.memory_space<vmem>>
    %dma_wait3A_258 = arith.constant 0 : i32
    %dma_wait3A_259 = tpu.memref_slice %arg6[%mul3A_9, %dma_wait3A_258] : memref<10000x128xbf16, #tpu.memory_space<vmem_shared>> -> memref<50x128xbf16, #tpu.memory_space<vmem_shared>>
    %dma_wait3A_260 = arith.constant 0 : i32
    %dma_wait3A_261 = tpu.memref_slice %arg6[%mul3A_9, %dma_wait3A_260] : memref<10000x128xbf16, #tpu.memory_space<vmem_shared>> -> memref<50x128xbf16, #tpu.memory_space<vmem_shared>>
    %dma_wait3A_262 = arith.constant 0 : i32
    %dma_wait3A_263 = arith.constant 0 : i32
    %dma_wait3A_264 = tpu.memref_slice %arg9[%dma_wait3A_253, %dma_wait3A_262, %dma_wait3A_263] : memref<4x50x128xbf16, #tpu.memory_space<vmem>> -> memref<1x50x128xbf16, #tpu.memory_space<vmem>>
    %dma_wait3A_265 = tpu.memref_squeeze %dma_wait3A_264 : memref<1x50x128xbf16, #tpu.memory_space<vmem>> -> memref<50x128xbf16, #tpu.memory_space<vmem>>
    tpu.wait_dma2 semaphore(%arg14 : memref<!tpu.dma_semaphore, #tpu.memory_space<semaphore_mem>>) src(%dma_wait3A_265 : memref<50x128xbf16, #tpu.memory_space<vmem>>) dst(%dma_wait3A_261 : memref<50x128xbf16, #tpu.memory_space<vmem_shared>>)
    %dma_wait3A_266 = arith.constant 0 : i32
    %dma_wait3A_267 = arith.constant 0 : i32
    %dma_wait3A_268 = arith.constant 0 : i32
    %dma_wait3A_269 = tpu.memref_slice %arg9[%dma_wait3A_266, %dma_wait3A_267, %dma_wait3A_268] : memref<4x50x128xbf16, #tpu.memory_space<vmem>> -> memref<1x50x128xbf16, #tpu.memory_space<vmem>>
    %dma_wait3A_270 = tpu.memref_squeeze %dma_wait3A_269 : memref<1x50x128xbf16, #tpu.memory_space<vmem>> -> memref<50x128xbf16, #tpu.memory_space<vmem>>
    %dma_wait3A_271 = arith.constant 0 : i32
    %dma_wait3A_272 = tpu.memref_slice %arg6[%mul3A_9, %dma_wait3A_271] : memref<10000x128xbf16, #tpu.memory_space<vmem_shared>> -> memref<50x128xbf16, #tpu.memory_space<vmem_shared>>
    %dma_wait3A_273 = arith.constant 0 : i32
    %dma_wait3A_274 = tpu.memref_slice %arg6[%mul3A_9, %dma_wait3A_273] : memref<10000x128xbf16, #tpu.memory_space<vmem_shared>> -> memref<50x128xbf16, #tpu.memory_space<vmem_shared>>
    %dma_wait3A_275 = arith.constant 0 : i32
    %dma_wait3A_276 = arith.constant 0 : i32
    %dma_wait3A_277 = tpu.memref_slice %arg9[%dma_wait3A_266, %dma_wait3A_275, %dma_wait3A_276] : memref<4x50x128xbf16, #tpu.memory_space<vmem>> -> memref<1x50x128xbf16, #tpu.memory_space<vmem>>
    %dma_wait3A_278 = tpu.memref_squeeze %dma_wait3A_277 : memref<1x50x128xbf16, #tpu.memory_space<vmem>> -> memref<50x128xbf16, #tpu.memory_space<vmem>>
    tpu.wait_dma2 semaphore(%arg14 : memref<!tpu.dma_semaphore, #tpu.memory_space<semaphore_mem>>) src(%dma_wait3A_278 : memref<50x128xbf16, #tpu.memory_space<vmem>>) dst(%dma_wait3A_274 : memref<50x128xbf16, #tpu.memory_space<vmem_shared>>)
    %dma_wait3A_279 = arith.constant 0 : i32
    %dma_wait3A_280 = arith.constant 0 : i32
    %dma_wait3A_281 = arith.constant 0 : i32
    %dma_wait3A_282 = tpu.memref_slice %arg9[%dma_wait3A_279, %dma_wait3A_280, %dma_wait3A_281] : memref<4x50x128xbf16, #tpu.memory_space<vmem>> -> memref<1x50x128xbf16, #tpu.memory_space<vmem>>
    %dma_wait3A_283 = tpu.memref_squeeze %dma_wait3A_282 : memref<1x50x128xbf16, #tpu.memory_space<vmem>> -> memref<50x128xbf16, #tpu.memory_space<vmem>>
    %dma_wait3A_284 = arith.constant 0 : i32
    %dma_wait3A_285 = tpu.memref_slice %arg6[%mul3A_9, %dma_wait3A_284] : memref<10000x128xbf16, #tpu.memory_space<vmem_shared>> -> memref<50x128xbf16, #tpu.memory_space<vmem_shared>>
    %dma_wait3A_286 = arith.constant 0 : i32
    %dma_wait3A_287 = tpu.memref_slice %arg6[%mul3A_9, %dma_wait3A_286] : memref<10000x128xbf16, #tpu.memory_space<vmem_shared>> -> memref<50x128xbf16, #tpu.memory_space<vmem_shared>>
    %dma_wait3A_288 = arith.constant 0 : i32
    %dma_wait3A_289 = arith.constant 0 : i32
    %dma_wait3A_290 = tpu.memref_slice %arg9[%dma_wait3A_279, %dma_wait3A_288, %dma_wait3A_289] : memref<4x50x128xbf16, #tpu.memory_space<vmem>> -> memref<1x50x128xbf16, #tpu.memory_space<vmem>>
    %dma_wait3A_291 = tpu.memref_squeeze %dma_wait3A_290 : memref<1x50x128xbf16, #tpu.memory_space<vmem>> -> memref<50x128xbf16, #tpu.memory_space<vmem>>
    tpu.wait_dma2 semaphore(%arg14 : memref<!tpu.dma_semaphore, #tpu.memory_space<semaphore_mem>>) src(%dma_wait3A_291 : memref<50x128xbf16, #tpu.memory_space<vmem>>) dst(%dma_wait3A_287 : memref<50x128xbf16, #tpu.memory_space<vmem_shared>>)
    %dma_wait3A_292 = arith.constant 0 : i32
    %dma_wait3A_293 = arith.constant 0 : i32
    %dma_wait3A_294 = arith.constant 0 : i32
    %dma_wait3A_295 = tpu.memref_slice %arg9[%dma_wait3A_292, %dma_wait3A_293, %dma_wait3A_294] : memref<4x50x128xbf16, #tpu.memory_space<vmem>> -> memref<1x50x128xbf16, #tpu.memory_space<vmem>>
    %dma_wait3A_296 = tpu.memref_squeeze %dma_wait3A_295 : memref<1x50x128xbf16, #tpu.memory_space<vmem>> -> memref<50x128xbf16, #tpu.memory_space<vmem>>
    %dma_wait3A_297 = arith.constant 0 : i32
    %dma_wait3A_298 = tpu.memref_slice %arg6[%mul3A_9, %dma_wait3A_297] : memref<10000x128xbf16, #tpu.memory_space<vmem_shared>> -> memref<50x128xbf16, #tpu.memory_space<vmem_shared>>
    %dma_wait3A_299 = arith.constant 0 : i32
    %dma_wait3A_300 = tpu.memref_slice %arg6[%mul3A_9, %dma_wait3A_299] : memref<10000x128xbf16, #tpu.memory_space<vmem_shared>> -> memref<50x128xbf16, #tpu.memory_space<vmem_shared>>
    %dma_wait3A_301 = arith.constant 0 : i32
    %dma_wait3A_302 = arith.constant 0 : i32
    %dma_wait3A_303 = tpu.memref_slice %arg9[%dma_wait3A_292, %dma_wait3A_301, %dma_wait3A_302] : memref<4x50x128xbf16, #tpu.memory_space<vmem>> -> memref<1x50x128xbf16, #tpu.memory_space<vmem>>
    %dma_wait3A_304 = tpu.memref_squeeze %dma_wait3A_303 : memref<1x50x128xbf16, #tpu.memory_space<vmem>> -> memref<50x128xbf16, #tpu.memory_space<vmem>>
    tpu.wait_dma2 semaphore(%arg14 : memref<!tpu.dma_semaphore, #tpu.memory_space<semaphore_mem>>) src(%dma_wait3A_304 : memref<50x128xbf16, #tpu.memory_space<vmem>>) dst(%dma_wait3A_300 : memref<50x128xbf16, #tpu.memory_space<vmem_shared>>)
    %dma_wait3A_305 = arith.constant 0 : i32
    %dma_wait3A_306 = arith.constant 0 : i32
    %dma_wait3A_307 = arith.constant 0 : i32
    %dma_wait3A_308 = tpu.memref_slice %arg9[%dma_wait3A_305, %dma_wait3A_306, %dma_wait3A_307] : memref<4x50x128xbf16, #tpu.memory_space<vmem>> -> memref<1x50x128xbf16, #tpu.memory_space<vmem>>
    %dma_wait3A_309 = tpu.memref_squeeze %dma_wait3A_308 : memref<1x50x128xbf16, #tpu.memory_space<vmem>> -> memref<50x128xbf16, #tpu.memory_space<vmem>>
    %dma_wait3A_310 = arith.constant 0 : i32
    %dma_wait3A_311 = tpu.memref_slice %arg6[%mul3A_9, %dma_wait3A_310] : memref<10000x128xbf16, #tpu.memory_space<vmem_shared>> -> memref<50x128xbf16, #tpu.memory_space<vmem_shared>>
    %dma_wait3A_312 = arith.constant 0 : i32
    %dma_wait3A_313 = tpu.memref_slice %arg6[%mul3A_9, %dma_wait3A_312] : memref<10000x128xbf16, #tpu.memory_space<vmem_shared>> -> memref<50x128xbf16, #tpu.memory_space<vmem_shared>>
    %dma_wait3A_314 = arith.constant 0 : i32
    %dma_wait3A_315 = arith.constant 0 : i32
    %dma_wait3A_316 = tpu.memref_slice %arg9[%dma_wait3A_305, %dma_wait3A_314, %dma_wait3A_315] : memref<4x50x128xbf16, #tpu.memory_space<vmem>> -> memref<1x50x128xbf16, #tpu.memory_space<vmem>>
    %dma_wait3A_317 = tpu.memref_squeeze %dma_wait3A_316 : memref<1x50x128xbf16, #tpu.memory_space<vmem>> -> memref<50x128xbf16, #tpu.memory_space<vmem>>
    tpu.wait_dma2 semaphore(%arg14 : memref<!tpu.dma_semaphore, #tpu.memory_space<semaphore_mem>>) src(%dma_wait3A_317 : memref<50x128xbf16, #tpu.memory_space<vmem>>) dst(%dma_wait3A_313 : memref<50x128xbf16, #tpu.memory_space<vmem_shared>>)
    %dma_wait3A_318 = arith.constant 0 : i32
    %dma_wait3A_319 = arith.constant 0 : i32
    %dma_wait3A_320 = arith.constant 0 : i32
    %dma_wait3A_321 = tpu.memref_slice %arg9[%dma_wait3A_318, %dma_wait3A_319, %dma_wait3A_320] : memref<4x50x128xbf16, #tpu.memory_space<vmem>> -> memref<1x50x128xbf16, #tpu.memory_space<vmem>>
    %dma_wait3A_322 = tpu.memref_squeeze %dma_wait3A_321 : memref<1x50x128xbf16, #tpu.memory_space<vmem>> -> memref<50x128xbf16, #tpu.memory_space<vmem>>
    %dma_wait3A_323 = arith.constant 0 : i32
    %dma_wait3A_324 = tpu.memref_slice %arg6[%mul3A_9, %dma_wait3A_323] : memref<10000x128xbf16, #tpu.memory_space<vmem_shared>> -> memref<50x128xbf16, #tpu.memory_space<vmem_shared>>
    %dma_wait3A_325 = arith.constant 0 : i32
    %dma_wait3A_326 = tpu.memref_slice %arg6[%mul3A_9, %dma_wait3A_325] : memref<10000x128xbf16, #tpu.memory_space<vmem_shared>> -> memref<50x128xbf16, #tpu.memory_space<vmem_shared>>
    %dma_wait3A_327 = arith.constant 0 : i32
    %dma_wait3A_328 = arith.constant 0 : i32
    %dma_wait3A_329 = tpu.memref_slice %arg9[%dma_wait3A_318, %dma_wait3A_327, %dma_wait3A_328] : memref<4x50x128xbf16, #tpu.memory_space<vmem>> -> memref<1x50x128xbf16, #tpu.memory_space<vmem>>
    %dma_wait3A_330 = tpu.memref_squeeze %dma_wait3A_329 : memref<1x50x128xbf16, #tpu.memory_space<vmem>> -> memref<50x128xbf16, #tpu.memory_space<vmem>>
    tpu.wait_dma2 semaphore(%arg14 : memref<!tpu.dma_semaphore, #tpu.memory_space<semaphore_mem>>) src(%dma_wait3A_330 : memref<50x128xbf16, #tpu.memory_space<vmem>>) dst(%dma_wait3A_326 : memref<50x128xbf16, #tpu.memory_space<vmem_shared>>)
    %dma_wait3A_331 = arith.constant 0 : i32
    %dma_wait3A_332 = arith.constant 0 : i32
    %dma_wait3A_333 = arith.constant 0 : i32
    %dma_wait3A_334 = tpu.memref_slice %arg9[%dma_wait3A_331, %dma_wait3A_332, %dma_wait3A_333] : memref<4x50x128xbf16, #tpu.memory_space<vmem>> -> memref<1x50x128xbf16, #tpu.memory_space<vmem>>
    %dma_wait3A_335 = tpu.memref_squeeze %dma_wait3A_334 : memref<1x50x128xbf16, #tpu.memory_space<vmem>> -> memref<50x128xbf16, #tpu.memory_space<vmem>>
    %dma_wait3A_336 = arith.constant 0 : i32
    %dma_wait3A_337 = tpu.memref_slice %arg6[%mul3A_9, %dma_wait3A_336] : memref<10000x128xbf16, #tpu.memory_space<vmem_shared>> -> memref<50x128xbf16, #tpu.memory_space<vmem_shared>>
    %dma_wait3A_338 = arith.constant 0 : i32
    %dma_wait3A_339 = tpu.memref_slice %arg6[%mul3A_9, %dma_wait3A_338] : memref<10000x128xbf16, #tpu.memory_space<vmem_shared>> -> memref<50x128xbf16, #tpu.memory_space<vmem_shared>>
    %dma_wait3A_340 = arith.constant 0 : i32
    %dma_wait3A_341 = arith.constant 0 : i32
    %dma_wait3A_342 = tpu.memref_slice %arg9[%dma_wait3A_331, %dma_wait3A_340, %dma_wait3A_341] : memref<4x50x128xbf16, #tpu.memory_space<vmem>> -> memref<1x50x128xbf16, #tpu.memory_space<vmem>>
    %dma_wait3A_343 = tpu.memref_squeeze %dma_wait3A_342 : memref<1x50x128xbf16, #tpu.memory_space<vmem>> -> memref<50x128xbf16, #tpu.memory_space<vmem>>
    tpu.wait_dma2 semaphore(%arg14 : memref<!tpu.dma_semaphore, #tpu.memory_space<semaphore_mem>>) src(%dma_wait3A_343 : memref<50x128xbf16, #tpu.memory_space<vmem>>) dst(%dma_wait3A_339 : memref<50x128xbf16, #tpu.memory_space<vmem_shared>>)
    %dma_wait3A_344 = arith.constant 0 : i32
    %dma_wait3A_345 = arith.constant 0 : i32
    %dma_wait3A_346 = arith.constant 0 : i32
    %dma_wait3A_347 = tpu.memref_slice %arg9[%dma_wait3A_344, %dma_wait3A_345, %dma_wait3A_346] : memref<4x50x128xbf16, #tpu.memory_space<vmem>> -> memref<1x50x128xbf16, #tpu.memory_space<vmem>>
    %dma_wait3A_348 = tpu.memref_squeeze %dma_wait3A_347 : memref<1x50x128xbf16, #tpu.memory_space<vmem>> -> memref<50x128xbf16, #tpu.memory_space<vmem>>
    %dma_wait3A_349 = arith.constant 0 : i32
    %dma_wait3A_350 = tpu.memref_slice %arg6[%mul3A_9, %dma_wait3A_349] : memref<10000x128xbf16, #tpu.memory_space<vmem_shared>> -> memref<50x128xbf16, #tpu.memory_space<vmem_shared>>
    %dma_wait3A_351 = arith.constant 0 : i32
    %dma_wait3A_352 = tpu.memref_slice %arg6[%mul3A_9, %dma_wait3A_351] : memref<10000x128xbf16, #tpu.memory_space<vmem_shared>> -> memref<50x128xbf16, #tpu.memory_space<vmem_shared>>
    %dma_wait3A_353 = arith.constant 0 : i32
    %dma_wait3A_354 = arith.constant 0 : i32
    %dma_wait3A_355 = tpu.memref_slice %arg9[%dma_wait3A_344, %dma_wait3A_353, %dma_wait3A_354] : memref<4x50x128xbf16, #tpu.memory_space<vmem>> -> memref<1x50x128xbf16, #tpu.memory_space<vmem>>
    %dma_wait3A_356 = tpu.memref_squeeze %dma_wait3A_355 : memref<1x50x128xbf16, #tpu.memory_space<vmem>> -> memref<50x128xbf16, #tpu.memory_space<vmem>>
    tpu.wait_dma2 semaphore(%arg14 : memref<!tpu.dma_semaphore, #tpu.memory_space<semaphore_mem>>) src(%dma_wait3A_356 : memref<50x128xbf16, #tpu.memory_space<vmem>>) dst(%dma_wait3A_352 : memref<50x128xbf16, #tpu.memory_space<vmem_shared>>)
    %dma_wait3A_357 = arith.constant 0 : i32
    %dma_wait3A_358 = arith.constant 0 : i32
    %dma_wait3A_359 = arith.constant 0 : i32
    %dma_wait3A_360 = tpu.memref_slice %arg9[%dma_wait3A_357, %dma_wait3A_358, %dma_wait3A_359] : memref<4x50x128xbf16, #tpu.memory_space<vmem>> -> memref<1x50x128xbf16, #tpu.memory_space<vmem>>
    %dma_wait3A_361 = tpu.memref_squeeze %dma_wait3A_360 : memref<1x50x128xbf16, #tpu.memory_space<vmem>> -> memref<50x128xbf16, #tpu.memory_space<vmem>>
    %dma_wait3A_362 = arith.constant 0 : i32
    %dma_wait3A_363 = tpu.memref_slice %arg6[%mul3A_9, %dma_wait3A_362] : memref<10000x128xbf16, #tpu.memory_space<vmem_shared>> -> memref<50x128xbf16, #tpu.memory_space<vmem_shared>>
    %dma_wait3A_364 = arith.constant 0 : i32
    %dma_wait3A_365 = tpu.memref_slice %arg6[%mul3A_9, %dma_wait3A_364] : memref<10000x128xbf16, #tpu.memory_space<vmem_shared>> -> memref<50x128xbf16, #tpu.memory_space<vmem_shared>>
    %dma_wait3A_366 = arith.constant 0 : i32
    %dma_wait3A_367 = arith.constant 0 : i32
    %dma_wait3A_368 = tpu.memref_slice %arg9[%dma_wait3A_357, %dma_wait3A_366, %dma_wait3A_367] : memref<4x50x128xbf16, #tpu.memory_space<vmem>> -> memref<1x50x128xbf16, #tpu.memory_space<vmem>>
    %dma_wait3A_369 = tpu.memref_squeeze %dma_wait3A_368 : memref<1x50x128xbf16, #tpu.memory_space<vmem>> -> memref<50x128xbf16, #tpu.memory_space<vmem>>
    tpu.wait_dma2 semaphore(%arg14 : memref<!tpu.dma_semaphore, #tpu.memory_space<semaphore_mem>>) src(%dma_wait3A_369 : memref<50x128xbf16, #tpu.memory_space<vmem>>) dst(%dma_wait3A_365 : memref<50x128xbf16, #tpu.memory_space<vmem_shared>>)
    %add3A_370 = arith.constant 625 : i32
    %add3A_371 = arith.addi %mul3A_9, %add3A_370 : i32
    %sub3A_372 = arith.constant 25 : i32
    %sub3A_373 = arith.subi %add3A_371, %sub3A_372 : i32
    %dma_wait3A_374 = arith.constant 0 : i32
    %dma_wait3A_375 = arith.constant 0 : i32
    %dma_wait3A_376 = arith.constant 0 : i32
    %dma_wait3A_377 = tpu.memref_slice %arg9[%dma_wait3A_374, %dma_wait3A_375, %dma_wait3A_376] : memref<4x50x128xbf16, #tpu.memory_space<vmem>> -> memref<1x50x128xbf16, #tpu.memory_space<vmem>>
    %dma_wait3A_378 = tpu.memref_squeeze %dma_wait3A_377 : memref<1x50x128xbf16, #tpu.memory_space<vmem>> -> memref<50x128xbf16, #tpu.memory_space<vmem>>
    %dma_wait3A_379 = arith.constant 0 : i32
    %dma_wait3A_380 = arith.constant 0 : i32
    %dma_wait3A_381 = tpu.memref_slice %dma_wait3A_378[%dma_wait3A_379, %dma_wait3A_380] : memref<50x128xbf16, #tpu.memory_space<vmem>> -> memref<25x128xbf16, #tpu.memory_space<vmem>>
    %dma_wait3A_382 = arith.constant 0 : i32
    %dma_wait3A_383 = tpu.memref_slice %arg6[%sub3A_373, %dma_wait3A_382] : memref<10000x128xbf16, #tpu.memory_space<vmem_shared>> -> memref<25x128xbf16, #tpu.memory_space<vmem_shared>>
    %dma_wait3A_384 = arith.constant 0 : i32
    %dma_wait3A_385 = tpu.memref_slice %arg6[%sub3A_373, %dma_wait3A_384] : memref<10000x128xbf16, #tpu.memory_space<vmem_shared>> -> memref<25x128xbf16, #tpu.memory_space<vmem_shared>>
    %dma_wait3A_386 = arith.constant 0 : i32
    %dma_wait3A_387 = arith.constant 0 : i32
    %dma_wait3A_388 = tpu.memref_slice %arg9[%dma_wait3A_374, %dma_wait3A_386, %dma_wait3A_387] : memref<4x50x128xbf16, #tpu.memory_space<vmem>> -> memref<1x50x128xbf16, #tpu.memory_space<vmem>>
    %dma_wait3A_389 = tpu.memref_squeeze %dma_wait3A_388 : memref<1x50x128xbf16, #tpu.memory_space<vmem>> -> memref<50x128xbf16, #tpu.memory_space<vmem>>
    %dma_wait3A_390 = arith.constant 0 : i32
    %dma_wait3A_391 = arith.constant 0 : i32
    %dma_wait3A_392 = tpu.memref_slice %dma_wait3A_389[%dma_wait3A_390, %dma_wait3A_391] : memref<50x128xbf16, #tpu.memory_space<vmem>> -> memref<25x128xbf16, #tpu.memory_space<vmem>>
    tpu.wait_dma2 semaphore(%arg15 : memref<!tpu.dma_semaphore, #tpu.memory_space<semaphore_mem>>) src(%dma_wait3A_392 : memref<25x128xbf16, #tpu.memory_space<vmem>>) dst(%dma_wait3A_385 : memref<25x128xbf16, #tpu.memory_space<vmem_shared>>)
    %barrier3A = arith.constant 0 : index
    tpu.barrier barrier_id(%barrier3A)
    %dma_start3A_393 = arith.constant 0 : i32
    %dma_start3A_394 = arith.constant 0 : i32
    %dma_start3A_395 = arith.constant 0 : i32
    %dma_start3A_396 = arith.constant 0 : i32
    %dma_start3A_397 = tpu.memref_slice %arg9[%dma_start3A_394, %dma_start3A_395, %dma_start3A_396] : memref<4x50x128xbf16, #tpu.memory_space<vmem>> -> memref<1x50x128xbf16, #tpu.memory_space<vmem>>
    %dma_start3A_398 = tpu.memref_squeeze %dma_start3A_397 : memref<1x50x128xbf16, #tpu.memory_space<vmem>> -> memref<50x128xbf16, #tpu.memory_space<vmem>>
    %dma_start3A_399 = arith.constant 0 : i32
    %dma_start3A_400 = tpu.memref_slice %arg7[%dma_start3A_393, %dma_start3A_399] : memref<200x50xi32, #tpu.memory_space<vmem>> -> memref<1x50xi32, #tpu.memory_space<vmem>>
    %dma_start3A_401 = tpu.memref_squeeze %dma_start3A_400 : memref<1x50xi32, #tpu.memory_space<vmem>> -> memref<50xi32, #tpu.memory_space<vmem>>
    %dma_start3A_402 = arith.constant 0 : i32
    %dma_start3A_403 = arith.constant 0 : i32
    %dma_start3A_404 = tpu.memref_slice %arg2[%dma_start3A_402, %dma_start3A_403] : memref<10000x128xbf16, #tpu.memory_space<hbm>> -> memref<10000x128xbf16, #tpu.memory_space<hbm>>
    tpu.enqueue_indirect_dma source(%dma_start3A_404 : memref<10000x128xbf16, #tpu.memory_space<hbm>>) target(%dma_start3A_398 : memref<50x128xbf16, #tpu.memory_space<vmem>>) offsets(%dma_start3A_401 : memref<50xi32, #tpu.memory_space<vmem>>) semaphore(%arg10 : memref<!tpu.dma_semaphore, #tpu.memory_space<semaphore_mem>>)
    %dma_start3A_405 = arith.constant 1 : i32
    %dma_start3A_406 = arith.constant 1 : i32
    %dma_start3A_407 = arith.constant 0 : i32
    %dma_start3A_408 = arith.constant 0 : i32
    %dma_start3A_409 = tpu.memref_slice %arg9[%dma_start3A_406, %dma_start3A_407, %dma_start3A_408] : memref<4x50x128xbf16, #tpu.memory_space<vmem>> -> memref<1x50x128xbf16, #tpu.memory_space<vmem>>
    %dma_start3A_410 = tpu.memref_squeeze %dma_start3A_409 : memref<1x50x128xbf16, #tpu.memory_space<vmem>> -> memref<50x128xbf16, #tpu.memory_space<vmem>>
    %dma_start3A_411 = arith.constant 0 : i32
    %dma_start3A_412 = tpu.memref_slice %arg7[%dma_start3A_405, %dma_start3A_411] : memref<200x50xi32, #tpu.memory_space<vmem>> -> memref<1x50xi32, #tpu.memory_space<vmem>>
    %dma_start3A_413 = tpu.memref_squeeze %dma_start3A_412 : memref<1x50xi32, #tpu.memory_space<vmem>> -> memref<50xi32, #tpu.memory_space<vmem>>
    %dma_start3A_414 = arith.constant 0 : i32
    %dma_start3A_415 = arith.constant 0 : i32
    %dma_start3A_416 = tpu.memref_slice %arg2[%dma_start3A_414, %dma_start3A_415] : memref<10000x128xbf16, #tpu.memory_space<hbm>> -> memref<10000x128xbf16, #tpu.memory_space<hbm>>
    tpu.enqueue_indirect_dma source(%dma_start3A_416 : memref<10000x128xbf16, #tpu.memory_space<hbm>>) target(%dma_start3A_410 : memref<50x128xbf16, #tpu.memory_space<vmem>>) offsets(%dma_start3A_413 : memref<50xi32, #tpu.memory_space<vmem>>) semaphore(%arg11 : memref<!tpu.dma_semaphore, #tpu.memory_space<semaphore_mem>>)
    %dma_start3A_417 = arith.constant 2 : i32
    %dma_start3A_418 = arith.constant 2 : i32
    %dma_start3A_419 = arith.constant 0 : i32
    %dma_start3A_420 = arith.constant 0 : i32
    %dma_start3A_421 = tpu.memref_slice %arg9[%dma_start3A_418, %dma_start3A_419, %dma_start3A_420] : memref<4x50x128xbf16, #tpu.memory_space<vmem>> -> memref<1x50x128xbf16, #tpu.memory_space<vmem>>
    %dma_start3A_422 = tpu.memref_squeeze %dma_start3A_421 : memref<1x50x128xbf16, #tpu.memory_space<vmem>> -> memref<50x128xbf16, #tpu.memory_space<vmem>>
    %dma_start3A_423 = arith.constant 0 : i32
    %dma_start3A_424 = tpu.memref_slice %arg7[%dma_start3A_417, %dma_start3A_423] : memref<200x50xi32, #tpu.memory_space<vmem>> -> memref<1x50xi32, #tpu.memory_space<vmem>>
    %dma_start3A_425 = tpu.memref_squeeze %dma_start3A_424 : memref<1x50xi32, #tpu.memory_space<vmem>> -> memref<50xi32, #tpu.memory_space<vmem>>
    %dma_start3A_426 = arith.constant 0 : i32
    %dma_start3A_427 = arith.constant 0 : i32
    %dma_start3A_428 = tpu.memref_slice %arg2[%dma_start3A_426, %dma_start3A_427] : memref<10000x128xbf16, #tpu.memory_space<hbm>> -> memref<10000x128xbf16, #tpu.memory_space<hbm>>
    tpu.enqueue_indirect_dma source(%dma_start3A_428 : memref<10000x128xbf16, #tpu.memory_space<hbm>>) target(%dma_start3A_422 : memref<50x128xbf16, #tpu.memory_space<vmem>>) offsets(%dma_start3A_425 : memref<50xi32, #tpu.memory_space<vmem>>) semaphore(%arg12 : memref<!tpu.dma_semaphore, #tpu.memory_space<semaphore_mem>>)
    %dma_start3A_429 = arith.constant 3 : i32
    %dma_start3A_430 = arith.constant 3 : i32
    %dma_start3A_431 = arith.constant 0 : i32
    %dma_start3A_432 = arith.constant 0 : i32
    %dma_start3A_433 = tpu.memref_slice %arg9[%dma_start3A_430, %dma_start3A_431, %dma_start3A_432] : memref<4x50x128xbf16, #tpu.memory_space<vmem>> -> memref<1x50x128xbf16, #tpu.memory_space<vmem>>
    %dma_start3A_434 = tpu.memref_squeeze %dma_start3A_433 : memref<1x50x128xbf16, #tpu.memory_space<vmem>> -> memref<50x128xbf16, #tpu.memory_space<vmem>>
    %dma_start3A_435 = arith.constant 0 : i32
    %dma_start3A_436 = tpu.memref_slice %arg7[%dma_start3A_429, %dma_start3A_435] : memref<200x50xi32, #tpu.memory_space<vmem>> -> memref<1x50xi32, #tpu.memory_space<vmem>>
    %dma_start3A_437 = tpu.memref_squeeze %dma_start3A_436 : memref<1x50xi32, #tpu.memory_space<vmem>> -> memref<50xi32, #tpu.memory_space<vmem>>
    %dma_start3A_438 = arith.constant 0 : i32
    %dma_start3A_439 = arith.constant 0 : i32
    %dma_start3A_440 = tpu.memref_slice %arg2[%dma_start3A_438, %dma_start3A_439] : memref<10000x128xbf16, #tpu.memory_space<hbm>> -> memref<10000x128xbf16, #tpu.memory_space<hbm>>
    tpu.enqueue_indirect_dma source(%dma_start3A_440 : memref<10000x128xbf16, #tpu.memory_space<hbm>>) target(%dma_start3A_434 : memref<50x128xbf16, #tpu.memory_space<vmem>>) offsets(%dma_start3A_437 : memref<50xi32, #tpu.memory_space<vmem>>) semaphore(%arg13 : memref<!tpu.dma_semaphore, #tpu.memory_space<semaphore_mem>>)
    %scan3A_441 = arith.constant 0 : i32
    %scan3A_442 = arith.constant 0 : i32
    %scan3A_443 = arith.constant 1 : i32
    %scan3A_444 = arith.constant 2 : i32
    %scan3A_445 = arith.constant 3 : i32
    %scan3A_446 = arith.constant 0 : i32
    %scan3A_447 = arith.constant 49 : i32
    %scan3A_448 = arith.addi %scan3A_446, %scan3A_447 : i32
    %scan3A_449 = arith.constant 1 : i32
    scf.for %scan3A_596 = %scan3A_446 to %scan3A_448 step %scan3A_449  : i32 {
      %mul3A_597 = arith.constant 4 : i32
      %mul3A_598 = arith.muli %mul3A_597, %scan3A_596 : i32
      %add3A_599 = arith.constant 0 : i32
      %add3A_600 = arith.addi %mul3A_598, %add3A_599 : i32
      %dma_wait3A_601 = arith.constant 0 : i32
      %dma_wait3A_602 = arith.constant 0 : i32
      %dma_wait3A_603 = tpu.memref_slice %arg9[%scan3A_442, %dma_wait3A_601, %dma_wait3A_602] : memref<4x50x128xbf16, #tpu.memory_space<vmem>> -> memref<1x50x128xbf16, #tpu.memory_space<vmem>>
      %dma_wait3A_604 = tpu.memref_squeeze %dma_wait3A_603 : memref<1x50x128xbf16, #tpu.memory_space<vmem>> -> memref<50x128xbf16, #tpu.memory_space<vmem>>
      %dma_wait3A_605 = arith.constant 0 : i32
      %dma_wait3A_606 = tpu.memref_slice %arg7[%add3A_600, %dma_wait3A_605] : memref<200x50xi32, #tpu.memory_space<vmem>> -> memref<1x50xi32, #tpu.memory_space<vmem>>
      %dma_wait3A_607 = tpu.memref_squeeze %dma_wait3A_606 : memref<1x50xi32, #tpu.memory_space<vmem>> -> memref<50xi32, #tpu.memory_space<vmem>>
      %dma_wait3A_608 = arith.constant 0 : i32
      %dma_wait3A_609 = arith.constant 0 : i32
      %dma_wait3A_610 = tpu.memref_slice %arg2[%dma_wait3A_608, %dma_wait3A_609] : memref<10000x128xbf16, #tpu.memory_space<hbm>> -> memref<10000x128xbf16, #tpu.memory_space<hbm>>
      tpu.wait_indirect_dma semaphore(%arg10 : memref<!tpu.dma_semaphore, #tpu.memory_space<semaphore_mem>>) src(%dma_wait3A_610 : memref<10000x128xbf16, #tpu.memory_space<hbm>>) dst(%dma_wait3A_604 : memref<50x128xbf16, #tpu.memory_space<vmem>>)
      %add3A_611 = arith.constant 0 : i32
      %add3A_612 = arith.addi %mul3A_598, %add3A_611 : i32
      %dma_start3A_613 = arith.constant 0 : i32
      %dma_start3A_614 = arith.constant 0 : i32
      %dma_start3A_615 = tpu.memref_slice %arg9[%scan3A_442, %dma_start3A_613, %dma_start3A_614] : memref<4x50x128xbf16, #tpu.memory_space<vmem>> -> memref<1x50x128xbf16, #tpu.memory_space<vmem>>
      %dma_start3A_616 = tpu.memref_squeeze %dma_start3A_615 : memref<1x50x128xbf16, #tpu.memory_space<vmem>> -> memref<50x128xbf16, #tpu.memory_space<vmem>>
      %dma_start3A_617 = arith.constant 0 : i32
      %dma_start3A_618 = tpu.memref_slice %arg8[%add3A_612, %dma_start3A_617] : memref<200x50xi32, #tpu.memory_space<vmem>> -> memref<1x50xi32, #tpu.memory_space<vmem>>
      %dma_start3A_619 = tpu.memref_squeeze %dma_start3A_618 : memref<1x50xi32, #tpu.memory_space<vmem>> -> memref<50xi32, #tpu.memory_space<vmem>>
      %dma_start3A_620 = arith.constant 0 : i32
      %dma_start3A_621 = arith.constant 0 : i32
      %dma_start3A_622 = tpu.memref_slice %arg6[%dma_start3A_620, %dma_start3A_621] : memref<10000x128xbf16, #tpu.memory_space<vmem_shared>> -> memref<10000x128xbf16, #tpu.memory_space<vmem_shared>>
      tpu.enqueue_indirect_dma source(%dma_start3A_616 : memref<50x128xbf16, #tpu.memory_space<vmem>>) target(%dma_start3A_622 : memref<10000x128xbf16, #tpu.memory_space<vmem_shared>>) offsets(%dma_start3A_619 : memref<50xi32, #tpu.memory_space<vmem>>) semaphore(%arg14 : memref<!tpu.dma_semaphore, #tpu.memory_space<semaphore_mem>>) {add = true}
      %add3A_623 = arith.constant 0 : i32
      %add3A_624 = arith.addi %mul3A_598, %add3A_623 : i32
      %dma_wait3A_625 = arith.constant 0 : i32
      %dma_wait3A_626 = arith.constant 0 : i32
      %dma_wait3A_627 = tpu.memref_slice %arg9[%scan3A_442, %dma_wait3A_625, %dma_wait3A_626] : memref<4x50x128xbf16, #tpu.memory_space<vmem>> -> memref<1x50x128xbf16, #tpu.memory_space<vmem>>
      %dma_wait3A_628 = tpu.memref_squeeze %dma_wait3A_627 : memref<1x50x128xbf16, #tpu.memory_space<vmem>> -> memref<50x128xbf16, #tpu.memory_space<vmem>>
      %dma_wait3A_629 = arith.constant 0 : i32
      %dma_wait3A_630 = tpu.memref_slice %arg8[%add3A_624, %dma_wait3A_629] : memref<200x50xi32, #tpu.memory_space<vmem>> -> memref<1x50xi32, #tpu.memory_space<vmem>>
      %dma_wait3A_631 = tpu.memref_squeeze %dma_wait3A_630 : memref<1x50xi32, #tpu.memory_space<vmem>> -> memref<50xi32, #tpu.memory_space<vmem>>
      %dma_wait3A_632 = arith.constant 0 : i32
      %dma_wait3A_633 = arith.constant 0 : i32
      %dma_wait3A_634 = tpu.memref_slice %arg6[%dma_wait3A_632, %dma_wait3A_633] : memref<10000x128xbf16, #tpu.memory_space<vmem_shared>> -> memref<10000x128xbf16, #tpu.memory_space<vmem_shared>>
      tpu.wait_indirect_dma semaphore(%arg14 : memref<!tpu.dma_semaphore, #tpu.memory_space<semaphore_mem>>) src(%dma_wait3A_628 : memref<50x128xbf16, #tpu.memory_space<vmem>>) dst(%dma_wait3A_634 : memref<10000x128xbf16, #tpu.memory_space<vmem_shared>>)
      %add3A_635 = arith.constant 4 : i32
      %add3A_636 = arith.addi %mul3A_598, %add3A_635 : i32
      %add3A_637 = arith.constant 0 : i32
      %add3A_638 = arith.addi %add3A_636, %add3A_637 : i32
      %dma_start3A_639 = arith.constant 0 : i32
      %dma_start3A_640 = arith.constant 0 : i32
      %dma_start3A_641 = tpu.memref_slice %arg9[%scan3A_442, %dma_start3A_639, %dma_start3A_640] : memref<4x50x128xbf16, #tpu.memory_space<vmem>> -> memref<1x50x128xbf16, #tpu.memory_space<vmem>>
      %dma_start3A_642 = tpu.memref_squeeze %dma_start3A_641 : memref<1x50x128xbf16, #tpu.memory_space<vmem>> -> memref<50x128xbf16, #tpu.memory_space<vmem>>
      %dma_start3A_643 = arith.constant 0 : i32
      %dma_start3A_644 = tpu.memref_slice %arg7[%add3A_638, %dma_start3A_643] : memref<200x50xi32, #tpu.memory_space<vmem>> -> memref<1x50xi32, #tpu.memory_space<vmem>>
      %dma_start3A_645 = tpu.memref_squeeze %dma_start3A_644 : memref<1x50xi32, #tpu.memory_space<vmem>> -> memref<50xi32, #tpu.memory_space<vmem>>
      %dma_start3A_646 = arith.constant 0 : i32
      %dma_start3A_647 = arith.constant 0 : i32
      %dma_start3A_648 = tpu.memref_slice %arg2[%dma_start3A_646, %dma_start3A_647] : memref<10000x128xbf16, #tpu.memory_space<hbm>> -> memref<10000x128xbf16, #tpu.memory_space<hbm>>
      tpu.enqueue_indirect_dma source(%dma_start3A_648 : memref<10000x128xbf16, #tpu.memory_space<hbm>>) target(%dma_start3A_642 : memref<50x128xbf16, #tpu.memory_space<vmem>>) offsets(%dma_start3A_645 : memref<50xi32, #tpu.memory_space<vmem>>) semaphore(%arg10 : memref<!tpu.dma_semaphore, #tpu.memory_space<semaphore_mem>>)
      %add3A_649 = arith.constant 1 : i32
      %add3A_650 = arith.addi %mul3A_598, %add3A_649 : i32
      %dma_wait3A_651 = arith.constant 0 : i32
      %dma_wait3A_652 = arith.constant 0 : i32
      %dma_wait3A_653 = tpu.memref_slice %arg9[%scan3A_443, %dma_wait3A_651, %dma_wait3A_652] : memref<4x50x128xbf16, #tpu.memory_space<vmem>> -> memref<1x50x128xbf16, #tpu.memory_space<vmem>>
      %dma_wait3A_654 = tpu.memref_squeeze %dma_wait3A_653 : memref<1x50x128xbf16, #tpu.memory_space<vmem>> -> memref<50x128xbf16, #tpu.memory_space<vmem>>
      %dma_wait3A_655 = arith.constant 0 : i32
      %dma_wait3A_656 = tpu.memref_slice %arg7[%add3A_650, %dma_wait3A_655] : memref<200x50xi32, #tpu.memory_space<vmem>> -> memref<1x50xi32, #tpu.memory_space<vmem>>
      %dma_wait3A_657 = tpu.memref_squeeze %dma_wait3A_656 : memref<1x50xi32, #tpu.memory_space<vmem>> -> memref<50xi32, #tpu.memory_space<vmem>>
      %dma_wait3A_658 = arith.constant 0 : i32
      %dma_wait3A_659 = arith.constant 0 : i32
      %dma_wait3A_660 = tpu.memref_slice %arg2[%dma_wait3A_658, %dma_wait3A_659] : memref<10000x128xbf16, #tpu.memory_space<hbm>> -> memref<10000x128xbf16, #tpu.memory_space<hbm>>
      tpu.wait_indirect_dma semaphore(%arg11 : memref<!tpu.dma_semaphore, #tpu.memory_space<semaphore_mem>>) src(%dma_wait3A_660 : memref<10000x128xbf16, #tpu.memory_space<hbm>>) dst(%dma_wait3A_654 : memref<50x128xbf16, #tpu.memory_space<vmem>>)
      %add3A_661 = arith.constant 1 : i32
      %add3A_662 = arith.addi %mul3A_598, %add3A_661 : i32
      %dma_start3A_663 = arith.constant 0 : i32
      %dma_start3A_664 = arith.constant 0 : i32
      %dma_start3A_665 = tpu.memref_slice %arg9[%scan3A_443, %dma_start3A_663, %dma_start3A_664] : memref<4x50x128xbf16, #tpu.memory_space<vmem>> -> memref<1x50x128xbf16, #tpu.memory_space<vmem>>
      %dma_start3A_666 = tpu.memref_squeeze %dma_start3A_665 : memref<1x50x128xbf16, #tpu.memory_space<vmem>> -> memref<50x128xbf16, #tpu.memory_space<vmem>>
      %dma_start3A_667 = arith.constant 0 : i32
      %dma_start3A_668 = tpu.memref_slice %arg8[%add3A_662, %dma_start3A_667] : memref<200x50xi32, #tpu.memory_space<vmem>> -> memref<1x50xi32, #tpu.memory_space<vmem>>
      %dma_start3A_669 = tpu.memref_squeeze %dma_start3A_668 : memref<1x50xi32, #tpu.memory_space<vmem>> -> memref<50xi32, #tpu.memory_space<vmem>>
      %dma_start3A_670 = arith.constant 0 : i32
      %dma_start3A_671 = arith.constant 0 : i32
      %dma_start3A_672 = tpu.memref_slice %arg6[%dma_start3A_670, %dma_start3A_671] : memref<10000x128xbf16, #tpu.memory_space<vmem_shared>> -> memref<10000x128xbf16, #tpu.memory_space<vmem_shared>>
      tpu.enqueue_indirect_dma source(%dma_start3A_666 : memref<50x128xbf16, #tpu.memory_space<vmem>>) target(%dma_start3A_672 : memref<10000x128xbf16, #tpu.memory_space<vmem_shared>>) offsets(%dma_start3A_669 : memref<50xi32, #tpu.memory_space<vmem>>) semaphore(%arg15 : memref<!tpu.dma_semaphore, #tpu.memory_space<semaphore_mem>>) {add = true}
      %add3A_673 = arith.constant 1 : i32
      %add3A_674 = arith.addi %mul3A_598, %add3A_673 : i32
      %dma_wait3A_675 = arith.constant 0 : i32
      %dma_wait3A_676 = arith.constant 0 : i32
      %dma_wait3A_677 = tpu.memref_slice %arg9[%scan3A_443, %dma_wait3A_675, %dma_wait3A_676] : memref<4x50x128xbf16, #tpu.memory_space<vmem>> -> memref<1x50x128xbf16, #tpu.memory_space<vmem>>
      %dma_wait3A_678 = tpu.memref_squeeze %dma_wait3A_677 : memref<1x50x128xbf16, #tpu.memory_space<vmem>> -> memref<50x128xbf16, #tpu.memory_space<vmem>>
      %dma_wait3A_679 = arith.constant 0 : i32
      %dma_wait3A_680 = tpu.memref_slice %arg8[%add3A_674, %dma_wait3A_679] : memref<200x50xi32, #tpu.memory_space<vmem>> -> memref<1x50xi32, #tpu.memory_space<vmem>>
      %dma_wait3A_681 = tpu.memref_squeeze %dma_wait3A_680 : memref<1x50xi32, #tpu.memory_space<vmem>> -> memref<50xi32, #tpu.memory_space<vmem>>
      %dma_wait3A_682 = arith.constant 0 : i32
      %dma_wait3A_683 = arith.constant 0 : i32
      %dma_wait3A_684 = tpu.memref_slice %arg6[%dma_wait3A_682, %dma_wait3A_683] : memref<10000x128xbf16, #tpu.memory_space<vmem_shared>> -> memref<10000x128xbf16, #tpu.memory_space<vmem_shared>>
      tpu.wait_indirect_dma semaphore(%arg15 : memref<!tpu.dma_semaphore, #tpu.memory_space<semaphore_mem>>) src(%dma_wait3A_678 : memref<50x128xbf16, #tpu.memory_space<vmem>>) dst(%dma_wait3A_684 : memref<10000x128xbf16, #tpu.memory_space<vmem_shared>>)
      %add3A_685 = arith.constant 4 : i32
      %add3A_686 = arith.addi %mul3A_598, %add3A_685 : i32
      %add3A_687 = arith.constant 1 : i32
      %add3A_688 = arith.addi %add3A_686, %add3A_687 : i32
      %dma_start3A_689 = arith.constant 0 : i32
      %dma_start3A_690 = arith.constant 0 : i32
      %dma_start3A_691 = tpu.memref_slice %arg9[%scan3A_443, %dma_start3A_689, %dma_start3A_690] : memref<4x50x128xbf16, #tpu.memory_space<vmem>> -> memref<1x50x128xbf16, #tpu.memory_space<vmem>>
      %dma_start3A_692 = tpu.memref_squeeze %dma_start3A_691 : memref<1x50x128xbf16, #tpu.memory_space<vmem>> -> memref<50x128xbf16, #tpu.memory_space<vmem>>
      %dma_start3A_693 = arith.constant 0 : i32
      %dma_start3A_694 = tpu.memref_slice %arg7[%add3A_688, %dma_start3A_693] : memref<200x50xi32, #tpu.memory_space<vmem>> -> memref<1x50xi32, #tpu.memory_space<vmem>>
      %dma_start3A_695 = tpu.memref_squeeze %dma_start3A_694 : memref<1x50xi32, #tpu.memory_space<vmem>> -> memref<50xi32, #tpu.memory_space<vmem>>
      %dma_start3A_696 = arith.constant 0 : i32
      %dma_start3A_697 = arith.constant 0 : i32
      %dma_start3A_698 = tpu.memref_slice %arg2[%dma_start3A_696, %dma_start3A_697] : memref<10000x128xbf16, #tpu.memory_space<hbm>> -> memref<10000x128xbf16, #tpu.memory_space<hbm>>
      tpu.enqueue_indirect_dma source(%dma_start3A_698 : memref<10000x128xbf16, #tpu.memory_space<hbm>>) target(%dma_start3A_692 : memref<50x128xbf16, #tpu.memory_space<vmem>>) offsets(%dma_start3A_695 : memref<50xi32, #tpu.memory_space<vmem>>) semaphore(%arg11 : memref<!tpu.dma_semaphore, #tpu.memory_space<semaphore_mem>>)
      %add3A_699 = arith.constant 2 : i32
      %add3A_700 = arith.addi %mul3A_598, %add3A_699 : i32
      %dma_wait3A_701 = arith.constant 0 : i32
      %dma_wait3A_702 = arith.constant 0 : i32
      %dma_wait3A_703 = tpu.memref_slice %arg9[%scan3A_444, %dma_wait3A_701, %dma_wait3A_702] : memref<4x50x128xbf16, #tpu.memory_space<vmem>> -> memref<1x50x128xbf16, #tpu.memory_space<vmem>>
      %dma_wait3A_704 = tpu.memref_squeeze %dma_wait3A_703 : memref<1x50x128xbf16, #tpu.memory_space<vmem>> -> memref<50x128xbf16, #tpu.memory_space<vmem>>
      %dma_wait3A_705 = arith.constant 0 : i32
      %dma_wait3A_706 = tpu.memref_slice %arg7[%add3A_700, %dma_wait3A_705] : memref<200x50xi32, #tpu.memory_space<vmem>> -> memref<1x50xi32, #tpu.memory_space<vmem>>
      %dma_wait3A_707 = tpu.memref_squeeze %dma_wait3A_706 : memref<1x50xi32, #tpu.memory_space<vmem>> -> memref<50xi32, #tpu.memory_space<vmem>>
      %dma_wait3A_708 = arith.constant 0 : i32
      %dma_wait3A_709 = arith.constant 0 : i32
      %dma_wait3A_710 = tpu.memref_slice %arg2[%dma_wait3A_708, %dma_wait3A_709] : memref<10000x128xbf16, #tpu.memory_space<hbm>> -> memref<10000x128xbf16, #tpu.memory_space<hbm>>
      tpu.wait_indirect_dma semaphore(%arg12 : memref<!tpu.dma_semaphore, #tpu.memory_space<semaphore_mem>>) src(%dma_wait3A_710 : memref<10000x128xbf16, #tpu.memory_space<hbm>>) dst(%dma_wait3A_704 : memref<50x128xbf16, #tpu.memory_space<vmem>>)
      %add3A_711 = arith.constant 2 : i32
      %add3A_712 = arith.addi %mul3A_598, %add3A_711 : i32
      %dma_start3A_713 = arith.constant 0 : i32
      %dma_start3A_714 = arith.constant 0 : i32
      %dma_start3A_715 = tpu.memref_slice %arg9[%scan3A_444, %dma_start3A_713, %dma_start3A_714] : memref<4x50x128xbf16, #tpu.memory_space<vmem>> -> memref<1x50x128xbf16, #tpu.memory_space<vmem>>
      %dma_start3A_716 = tpu.memref_squeeze %dma_start3A_715 : memref<1x50x128xbf16, #tpu.memory_space<vmem>> -> memref<50x128xbf16, #tpu.memory_space<vmem>>
      %dma_start3A_717 = arith.constant 0 : i32
      %dma_start3A_718 = tpu.memref_slice %arg8[%add3A_712, %dma_start3A_717] : memref<200x50xi32, #tpu.memory_space<vmem>> -> memref<1x50xi32, #tpu.memory_space<vmem>>
      %dma_start3A_719 = tpu.memref_squeeze %dma_start3A_718 : memref<1x50xi32, #tpu.memory_space<vmem>> -> memref<50xi32, #tpu.memory_space<vmem>>
      %dma_start3A_720 = arith.constant 0 : i32
      %dma_start3A_721 = arith.constant 0 : i32
      %dma_start3A_722 = tpu.memref_slice %arg6[%dma_start3A_720, %dma_start3A_721] : memref<10000x128xbf16, #tpu.memory_space<vmem_shared>> -> memref<10000x128xbf16, #tpu.memory_space<vmem_shared>>
      tpu.enqueue_indirect_dma source(%dma_start3A_716 : memref<50x128xbf16, #tpu.memory_space<vmem>>) target(%dma_start3A_722 : memref<10000x128xbf16, #tpu.memory_space<vmem_shared>>) offsets(%dma_start3A_719 : memref<50xi32, #tpu.memory_space<vmem>>) semaphore(%arg16 : memref<!tpu.dma_semaphore, #tpu.memory_space<semaphore_mem>>) {add = true}
      %add3A_723 = arith.constant 2 : i32
      %add3A_724 = arith.addi %mul3A_598, %add3A_723 : i32
      %dma_wait3A_725 = arith.constant 0 : i32
      %dma_wait3A_726 = arith.constant 0 : i32
      %dma_wait3A_727 = tpu.memref_slice %arg9[%scan3A_444, %dma_wait3A_725, %dma_wait3A_726] : memref<4x50x128xbf16, #tpu.memory_space<vmem>> -> memref<1x50x128xbf16, #tpu.memory_space<vmem>>
      %dma_wait3A_728 = tpu.memref_squeeze %dma_wait3A_727 : memref<1x50x128xbf16, #tpu.memory_space<vmem>> -> memref<50x128xbf16, #tpu.memory_space<vmem>>
      %dma_wait3A_729 = arith.constant 0 : i32
      %dma_wait3A_730 = tpu.memref_slice %arg8[%add3A_724, %dma_wait3A_729] : memref<200x50xi32, #tpu.memory_space<vmem>> -> memref<1x50xi32, #tpu.memory_space<vmem>>
      %dma_wait3A_731 = tpu.memref_squeeze %dma_wait3A_730 : memref<1x50xi32, #tpu.memory_space<vmem>> -> memref<50xi32, #tpu.memory_space<vmem>>
      %dma_wait3A_732 = arith.constant 0 : i32
      %dma_wait3A_733 = arith.constant 0 : i32
      %dma_wait3A_734 = tpu.memref_slice %arg6[%dma_wait3A_732, %dma_wait3A_733] : memref<10000x128xbf16, #tpu.memory_space<vmem_shared>> -> memref<10000x128xbf16, #tpu.memory_space<vmem_shared>>
      tpu.wait_indirect_dma semaphore(%arg16 : memref<!tpu.dma_semaphore, #tpu.memory_space<semaphore_mem>>) src(%dma_wait3A_728 : memref<50x128xbf16, #tpu.memory_space<vmem>>) dst(%dma_wait3A_734 : memref<10000x128xbf16, #tpu.memory_space<vmem_shared>>)
      %add3A_735 = arith.constant 4 : i32
      %add3A_736 = arith.addi %mul3A_598, %add3A_735 : i32
      %add3A_737 = arith.constant 2 : i32
      %add3A_738 = arith.addi %add3A_736, %add3A_737 : i32
      %dma_start3A_739 = arith.constant 0 : i32
      %dma_start3A_740 = arith.constant 0 : i32
      %dma_start3A_741 = tpu.memref_slice %arg9[%scan3A_444, %dma_start3A_739, %dma_start3A_740] : memref<4x50x128xbf16, #tpu.memory_space<vmem>> -> memref<1x50x128xbf16, #tpu.memory_space<vmem>>
      %dma_start3A_742 = tpu.memref_squeeze %dma_start3A_741 : memref<1x50x128xbf16, #tpu.memory_space<vmem>> -> memref<50x128xbf16, #tpu.memory_space<vmem>>
      %dma_start3A_743 = arith.constant 0 : i32
      %dma_start3A_744 = tpu.memref_slice %arg7[%add3A_738, %dma_start3A_743] : memref<200x50xi32, #tpu.memory_space<vmem>> -> memref<1x50xi32, #tpu.memory_space<vmem>>
      %dma_start3A_745 = tpu.memref_squeeze %dma_start3A_744 : memref<1x50xi32, #tpu.memory_space<vmem>> -> memref<50xi32, #tpu.memory_space<vmem>>
      %dma_start3A_746 = arith.constant 0 : i32
      %dma_start3A_747 = arith.constant 0 : i32
      %dma_start3A_748 = tpu.memref_slice %arg2[%dma_start3A_746, %dma_start3A_747] : memref<10000x128xbf16, #tpu.memory_space<hbm>> -> memref<10000x128xbf16, #tpu.memory_space<hbm>>
      tpu.enqueue_indirect_dma source(%dma_start3A_748 : memref<10000x128xbf16, #tpu.memory_space<hbm>>) target(%dma_start3A_742 : memref<50x128xbf16, #tpu.memory_space<vmem>>) offsets(%dma_start3A_745 : memref<50xi32, #tpu.memory_space<vmem>>) semaphore(%arg12 : memref<!tpu.dma_semaphore, #tpu.memory_space<semaphore_mem>>)
      %add3A_749 = arith.constant 3 : i32
      %add3A_750 = arith.addi %mul3A_598, %add3A_749 : i32
      %dma_wait3A_751 = arith.constant 0 : i32
      %dma_wait3A_752 = arith.constant 0 : i32
      %dma_wait3A_753 = tpu.memref_slice %arg9[%scan3A_445, %dma_wait3A_751, %dma_wait3A_752] : memref<4x50x128xbf16, #tpu.memory_space<vmem>> -> memref<1x50x128xbf16, #tpu.memory_space<vmem>>
      %dma_wait3A_754 = tpu.memref_squeeze %dma_wait3A_753 : memref<1x50x128xbf16, #tpu.memory_space<vmem>> -> memref<50x128xbf16, #tpu.memory_space<vmem>>
      %dma_wait3A_755 = arith.constant 0 : i32
      %dma_wait3A_756 = tpu.memref_slice %arg7[%add3A_750, %dma_wait3A_755] : memref<200x50xi32, #tpu.memory_space<vmem>> -> memref<1x50xi32, #tpu.memory_space<vmem>>
      %dma_wait3A_757 = tpu.memref_squeeze %dma_wait3A_756 : memref<1x50xi32, #tpu.memory_space<vmem>> -> memref<50xi32, #tpu.memory_space<vmem>>
      %dma_wait3A_758 = arith.constant 0 : i32
      %dma_wait3A_759 = arith.constant 0 : i32
      %dma_wait3A_760 = tpu.memref_slice %arg2[%dma_wait3A_758, %dma_wait3A_759] : memref<10000x128xbf16, #tpu.memory_space<hbm>> -> memref<10000x128xbf16, #tpu.memory_space<hbm>>
      tpu.wait_indirect_dma semaphore(%arg13 : memref<!tpu.dma_semaphore, #tpu.memory_space<semaphore_mem>>) src(%dma_wait3A_760 : memref<10000x128xbf16, #tpu.memory_space<hbm>>) dst(%dma_wait3A_754 : memref<50x128xbf16, #tpu.memory_space<vmem>>)
      %add3A_761 = arith.constant 3 : i32
      %add3A_762 = arith.addi %mul3A_598, %add3A_761 : i32
      %dma_start3A_763 = arith.constant 0 : i32
      %dma_start3A_764 = arith.constant 0 : i32
      %dma_start3A_765 = tpu.memref_slice %arg9[%scan3A_445, %dma_start3A_763, %dma_start3A_764] : memref<4x50x128xbf16, #tpu.memory_space<vmem>> -> memref<1x50x128xbf16, #tpu.memory_space<vmem>>
      %dma_start3A_766 = tpu.memref_squeeze %dma_start3A_765 : memref<1x50x128xbf16, #tpu.memory_space<vmem>> -> memref<50x128xbf16, #tpu.memory_space<vmem>>
      %dma_start3A_767 = arith.constant 0 : i32
      %dma_start3A_768 = tpu.memref_slice %arg8[%add3A_762, %dma_start3A_767] : memref<200x50xi32, #tpu.memory_space<vmem>> -> memref<1x50xi32, #tpu.memory_space<vmem>>
      %dma_start3A_769 = tpu.memref_squeeze %dma_start3A_768 : memref<1x50xi32, #tpu.memory_space<vmem>> -> memref<50xi32, #tpu.memory_space<vmem>>
      %dma_start3A_770 = arith.constant 0 : i32
      %dma_start3A_771 = arith.constant 0 : i32
      %dma_start3A_772 = tpu.memref_slice %arg6[%dma_start3A_770, %dma_start3A_771] : memref<10000x128xbf16, #tpu.memory_space<vmem_shared>> -> memref<10000x128xbf16, #tpu.memory_space<vmem_shared>>
      tpu.enqueue_indirect_dma source(%dma_start3A_766 : memref<50x128xbf16, #tpu.memory_space<vmem>>) target(%dma_start3A_772 : memref<10000x128xbf16, #tpu.memory_space<vmem_shared>>) offsets(%dma_start3A_769 : memref<50xi32, #tpu.memory_space<vmem>>) semaphore(%arg17 : memref<!tpu.dma_semaphore, #tpu.memory_space<semaphore_mem>>) {add = true}
      %add3A_773 = arith.constant 3 : i32
      %add3A_774 = arith.addi %mul3A_598, %add3A_773 : i32
      %dma_wait3A_775 = arith.constant 0 : i32
      %dma_wait3A_776 = arith.constant 0 : i32
      %dma_wait3A_777 = tpu.memref_slice %arg9[%scan3A_445, %dma_wait3A_775, %dma_wait3A_776] : memref<4x50x128xbf16, #tpu.memory_space<vmem>> -> memref<1x50x128xbf16, #tpu.memory_space<vmem>>
      %dma_wait3A_778 = tpu.memref_squeeze %dma_wait3A_777 : memref<1x50x128xbf16, #tpu.memory_space<vmem>> -> memref<50x128xbf16, #tpu.memory_space<vmem>>
      %dma_wait3A_779 = arith.constant 0 : i32
      %dma_wait3A_780 = tpu.memref_slice %arg8[%add3A_774, %dma_wait3A_779] : memref<200x50xi32, #tpu.memory_space<vmem>> -> memref<1x50xi32, #tpu.memory_space<vmem>>
      %dma_wait3A_781 = tpu.memref_squeeze %dma_wait3A_780 : memref<1x50xi32, #tpu.memory_space<vmem>> -> memref<50xi32, #tpu.memory_space<vmem>>
      %dma_wait3A_782 = arith.constant 0 : i32
      %dma_wait3A_783 = arith.constant 0 : i32
      %dma_wait3A_784 = tpu.memref_slice %arg6[%dma_wait3A_782, %dma_wait3A_783] : memref<10000x128xbf16, #tpu.memory_space<vmem_shared>> -> memref<10000x128xbf16, #tpu.memory_space<vmem_shared>>
      tpu.wait_indirect_dma semaphore(%arg17 : memref<!tpu.dma_semaphore, #tpu.memory_space<semaphore_mem>>) src(%dma_wait3A_778 : memref<50x128xbf16, #tpu.memory_space<vmem>>) dst(%dma_wait3A_784 : memref<10000x128xbf16, #tpu.memory_space<vmem_shared>>)
      %add3A_785 = arith.constant 4 : i32
      %add3A_786 = arith.addi %mul3A_598, %add3A_785 : i32
      %add3A_787 = arith.constant 3 : i32
      %add3A_788 = arith.addi %add3A_786, %add3A_787 : i32
      %dma_start3A_789 = arith.constant 0 : i32
      %dma_start3A_790 = arith.constant 0 : i32
      %dma_start3A_791 = tpu.memref_slice %arg9[%scan3A_445, %dma_start3A_789, %dma_start3A_790] : memref<4x50x128xbf16, #tpu.memory_space<vmem>> -> memref<1x50x128xbf16, #tpu.memory_space<vmem>>
      %dma_start3A_792 = tpu.memref_squeeze %dma_start3A_791 : memref<1x50x128xbf16, #tpu.memory_space<vmem>> -> memref<50x128xbf16, #tpu.memory_space<vmem>>
      %dma_start3A_793 = arith.constant 0 : i32
      %dma_start3A_794 = tpu.memref_slice %arg7[%add3A_788, %dma_start3A_793] : memref<200x50xi32, #tpu.memory_space<vmem>> -> memref<1x50xi32, #tpu.memory_space<vmem>>
      %dma_start3A_795 = tpu.memref_squeeze %dma_start3A_794 : memref<1x50xi32, #tpu.memory_space<vmem>> -> memref<50xi32, #tpu.memory_space<vmem>>
      %dma_start3A_796 = arith.constant 0 : i32
      %dma_start3A_797 = arith.constant 0 : i32
      %dma_start3A_798 = tpu.memref_slice %arg2[%dma_start3A_796, %dma_start3A_797] : memref<10000x128xbf16, #tpu.memory_space<hbm>> -> memref<10000x128xbf16, #tpu.memory_space<hbm>>
      tpu.enqueue_indirect_dma source(%dma_start3A_798 : memref<10000x128xbf16, #tpu.memory_space<hbm>>) target(%dma_start3A_792 : memref<50x128xbf16, #tpu.memory_space<vmem>>) offsets(%dma_start3A_795 : memref<50xi32, #tpu.memory_space<vmem>>) semaphore(%arg13 : memref<!tpu.dma_semaphore, #tpu.memory_space<semaphore_mem>>)
    }
    %scan3A_450 = arith.constant 49 : i32
    %dma_wait3A_451 = arith.constant 196 : i32
    %dma_wait3A_452 = arith.constant 0 : i32
    %dma_wait3A_453 = arith.constant 0 : i32
    %dma_wait3A_454 = arith.constant 0 : i32
    %dma_wait3A_455 = tpu.memref_slice %arg9[%dma_wait3A_452, %dma_wait3A_453, %dma_wait3A_454] : memref<4x50x128xbf16, #tpu.memory_space<vmem>> -> memref<1x50x128xbf16, #tpu.memory_space<vmem>>
    %dma_wait3A_456 = tpu.memref_squeeze %dma_wait3A_455 : memref<1x50x128xbf16, #tpu.memory_space<vmem>> -> memref<50x128xbf16, #tpu.memory_space<vmem>>
    %dma_wait3A_457 = arith.constant 0 : i32
    %dma_wait3A_458 = tpu.memref_slice %arg7[%dma_wait3A_451, %dma_wait3A_457] : memref<200x50xi32, #tpu.memory_space<vmem>> -> memref<1x50xi32, #tpu.memory_space<vmem>>
    %dma_wait3A_459 = tpu.memref_squeeze %dma_wait3A_458 : memref<1x50xi32, #tpu.memory_space<vmem>> -> memref<50xi32, #tpu.memory_space<vmem>>
    %dma_wait3A_460 = arith.constant 0 : i32
    %dma_wait3A_461 = arith.constant 0 : i32
    %dma_wait3A_462 = tpu.memref_slice %arg2[%dma_wait3A_460, %dma_wait3A_461] : memref<10000x128xbf16, #tpu.memory_space<hbm>> -> memref<10000x128xbf16, #tpu.memory_space<hbm>>
    tpu.wait_indirect_dma semaphore(%arg10 : memref<!tpu.dma_semaphore, #tpu.memory_space<semaphore_mem>>) src(%dma_wait3A_462 : memref<10000x128xbf16, #tpu.memory_space<hbm>>) dst(%dma_wait3A_456 : memref<50x128xbf16, #tpu.memory_space<vmem>>)
    %dma_start3A_463 = arith.constant 0 : i32
    %dma_start3A_464 = arith.constant 196 : i32
    %dma_start3A_465 = arith.constant 0 : i32
    %dma_start3A_466 = arith.constant 0 : i32
    %dma_start3A_467 = tpu.memref_slice %arg9[%dma_start3A_463, %dma_start3A_465, %dma_start3A_466] : memref<4x50x128xbf16, #tpu.memory_space<vmem>> -> memref<1x50x128xbf16, #tpu.memory_space<vmem>>
    %dma_start3A_468 = tpu.memref_squeeze %dma_start3A_467 : memref<1x50x128xbf16, #tpu.memory_space<vmem>> -> memref<50x128xbf16, #tpu.memory_space<vmem>>
    %dma_start3A_469 = arith.constant 0 : i32
    %dma_start3A_470 = tpu.memref_slice %arg8[%dma_start3A_464, %dma_start3A_469] : memref<200x50xi32, #tpu.memory_space<vmem>> -> memref<1x50xi32, #tpu.memory_space<vmem>>
    %dma_start3A_471 = tpu.memref_squeeze %dma_start3A_470 : memref<1x50xi32, #tpu.memory_space<vmem>> -> memref<50xi32, #tpu.memory_space<vmem>>
    %dma_start3A_472 = arith.constant 0 : i32
    %dma_start3A_473 = arith.constant 0 : i32
    %dma_start3A_474 = tpu.memref_slice %arg6[%dma_start3A_472, %dma_start3A_473] : memref<10000x128xbf16, #tpu.memory_space<vmem_shared>> -> memref<10000x128xbf16, #tpu.memory_space<vmem_shared>>
    tpu.enqueue_indirect_dma source(%dma_start3A_468 : memref<50x128xbf16, #tpu.memory_space<vmem>>) target(%dma_start3A_474 : memref<10000x128xbf16, #tpu.memory_space<vmem_shared>>) offsets(%dma_start3A_471 : memref<50xi32, #tpu.memory_space<vmem>>) semaphore(%arg14 : memref<!tpu.dma_semaphore, #tpu.memory_space<semaphore_mem>>) {add = true}
    %dma_wait3A_475 = arith.constant 197 : i32
    %dma_wait3A_476 = arith.constant 1 : i32
    %dma_wait3A_477 = arith.constant 0 : i32
    %dma_wait3A_478 = arith.constant 0 : i32
    %dma_wait3A_479 = tpu.memref_slice %arg9[%dma_wait3A_476, %dma_wait3A_477, %dma_wait3A_478] : memref<4x50x128xbf16, #tpu.memory_space<vmem>> -> memref<1x50x128xbf16, #tpu.memory_space<vmem>>
    %dma_wait3A_480 = tpu.memref_squeeze %dma_wait3A_479 : memref<1x50x128xbf16, #tpu.memory_space<vmem>> -> memref<50x128xbf16, #tpu.memory_space<vmem>>
    %dma_wait3A_481 = arith.constant 0 : i32
    %dma_wait3A_482 = tpu.memref_slice %arg7[%dma_wait3A_475, %dma_wait3A_481] : memref<200x50xi32, #tpu.memory_space<vmem>> -> memref<1x50xi32, #tpu.memory_space<vmem>>
    %dma_wait3A_483 = tpu.memref_squeeze %dma_wait3A_482 : memref<1x50xi32, #tpu.memory_space<vmem>> -> memref<50xi32, #tpu.memory_space<vmem>>
    %dma_wait3A_484 = arith.constant 0 : i32
    %dma_wait3A_485 = arith.constant 0 : i32
    %dma_wait3A_486 = tpu.memref_slice %arg2[%dma_wait3A_484, %dma_wait3A_485] : memref<10000x128xbf16, #tpu.memory_space<hbm>> -> memref<10000x128xbf16, #tpu.memory_space<hbm>>
    tpu.wait_indirect_dma semaphore(%arg11 : memref<!tpu.dma_semaphore, #tpu.memory_space<semaphore_mem>>) src(%dma_wait3A_486 : memref<10000x128xbf16, #tpu.memory_space<hbm>>) dst(%dma_wait3A_480 : memref<50x128xbf16, #tpu.memory_space<vmem>>)
    %dma_start3A_487 = arith.constant 1 : i32
    %dma_start3A_488 = arith.constant 197 : i32
    %dma_start3A_489 = arith.constant 0 : i32
    %dma_start3A_490 = arith.constant 0 : i32
    %dma_start3A_491 = tpu.memref_slice %arg9[%dma_start3A_487, %dma_start3A_489, %dma_start3A_490] : memref<4x50x128xbf16, #tpu.memory_space<vmem>> -> memref<1x50x128xbf16, #tpu.memory_space<vmem>>
    %dma_start3A_492 = tpu.memref_squeeze %dma_start3A_491 : memref<1x50x128xbf16, #tpu.memory_space<vmem>> -> memref<50x128xbf16, #tpu.memory_space<vmem>>
    %dma_start3A_493 = arith.constant 0 : i32
    %dma_start3A_494 = tpu.memref_slice %arg8[%dma_start3A_488, %dma_start3A_493] : memref<200x50xi32, #tpu.memory_space<vmem>> -> memref<1x50xi32, #tpu.memory_space<vmem>>
    %dma_start3A_495 = tpu.memref_squeeze %dma_start3A_494 : memref<1x50xi32, #tpu.memory_space<vmem>> -> memref<50xi32, #tpu.memory_space<vmem>>
    %dma_start3A_496 = arith.constant 0 : i32
    %dma_start3A_497 = arith.constant 0 : i32
    %dma_start3A_498 = tpu.memref_slice %arg6[%dma_start3A_496, %dma_start3A_497] : memref<10000x128xbf16, #tpu.memory_space<vmem_shared>> -> memref<10000x128xbf16, #tpu.memory_space<vmem_shared>>
    tpu.enqueue_indirect_dma source(%dma_start3A_492 : memref<50x128xbf16, #tpu.memory_space<vmem>>) target(%dma_start3A_498 : memref<10000x128xbf16, #tpu.memory_space<vmem_shared>>) offsets(%dma_start3A_495 : memref<50xi32, #tpu.memory_space<vmem>>) semaphore(%arg15 : memref<!tpu.dma_semaphore, #tpu.memory_space<semaphore_mem>>) {add = true}
    %dma_wait3A_499 = arith.constant 198 : i32
    %dma_wait3A_500 = arith.constant 2 : i32
    %dma_wait3A_501 = arith.constant 0 : i32
    %dma_wait3A_502 = arith.constant 0 : i32
    %dma_wait3A_503 = tpu.memref_slice %arg9[%dma_wait3A_500, %dma_wait3A_501, %dma_wait3A_502] : memref<4x50x128xbf16, #tpu.memory_space<vmem>> -> memref<1x50x128xbf16, #tpu.memory_space<vmem>>
    %dma_wait3A_504 = tpu.memref_squeeze %dma_wait3A_503 : memref<1x50x128xbf16, #tpu.memory_space<vmem>> -> memref<50x128xbf16, #tpu.memory_space<vmem>>
    %dma_wait3A_505 = arith.constant 0 : i32
    %dma_wait3A_506 = tpu.memref_slice %arg7[%dma_wait3A_499, %dma_wait3A_505] : memref<200x50xi32, #tpu.memory_space<vmem>> -> memref<1x50xi32, #tpu.memory_space<vmem>>
    %dma_wait3A_507 = tpu.memref_squeeze %dma_wait3A_506 : memref<1x50xi32, #tpu.memory_space<vmem>> -> memref<50xi32, #tpu.memory_space<vmem>>
    %dma_wait3A_508 = arith.constant 0 : i32
    %dma_wait3A_509 = arith.constant 0 : i32
    %dma_wait3A_510 = tpu.memref_slice %arg2[%dma_wait3A_508, %dma_wait3A_509] : memref<10000x128xbf16, #tpu.memory_space<hbm>> -> memref<10000x128xbf16, #tpu.memory_space<hbm>>
    tpu.wait_indirect_dma semaphore(%arg12 : memref<!tpu.dma_semaphore, #tpu.memory_space<semaphore_mem>>) src(%dma_wait3A_510 : memref<10000x128xbf16, #tpu.memory_space<hbm>>) dst(%dma_wait3A_504 : memref<50x128xbf16, #tpu.memory_space<vmem>>)
    %dma_start3A_511 = arith.constant 2 : i32
    %dma_start3A_512 = arith.constant 198 : i32
    %dma_start3A_513 = arith.constant 0 : i32
    %dma_start3A_514 = arith.constant 0 : i32
    %dma_start3A_515 = tpu.memref_slice %arg9[%dma_start3A_511, %dma_start3A_513, %dma_start3A_514] : memref<4x50x128xbf16, #tpu.memory_space<vmem>> -> memref<1x50x128xbf16, #tpu.memory_space<vmem>>
    %dma_start3A_516 = tpu.memref_squeeze %dma_start3A_515 : memref<1x50x128xbf16, #tpu.memory_space<vmem>> -> memref<50x128xbf16, #tpu.memory_space<vmem>>
    %dma_start3A_517 = arith.constant 0 : i32
    %dma_start3A_518 = tpu.memref_slice %arg8[%dma_start3A_512, %dma_start3A_517] : memref<200x50xi32, #tpu.memory_space<vmem>> -> memref<1x50xi32, #tpu.memory_space<vmem>>
    %dma_start3A_519 = tpu.memref_squeeze %dma_start3A_518 : memref<1x50xi32, #tpu.memory_space<vmem>> -> memref<50xi32, #tpu.memory_space<vmem>>
    %dma_start3A_520 = arith.constant 0 : i32
    %dma_start3A_521 = arith.constant 0 : i32
    %dma_start3A_522 = tpu.memref_slice %arg6[%dma_start3A_520, %dma_start3A_521] : memref<10000x128xbf16, #tpu.memory_space<vmem_shared>> -> memref<10000x128xbf16, #tpu.memory_space<vmem_shared>>
    tpu.enqueue_indirect_dma source(%dma_start3A_516 : memref<50x128xbf16, #tpu.memory_space<vmem>>) target(%dma_start3A_522 : memref<10000x128xbf16, #tpu.memory_space<vmem_shared>>) offsets(%dma_start3A_519 : memref<50xi32, #tpu.memory_space<vmem>>) semaphore(%arg16 : memref<!tpu.dma_semaphore, #tpu.memory_space<semaphore_mem>>) {add = true}
    %dma_wait3A_523 = arith.constant 199 : i32
    %dma_wait3A_524 = arith.constant 3 : i32
    %dma_wait3A_525 = arith.constant 0 : i32
    %dma_wait3A_526 = arith.constant 0 : i32
    %dma_wait3A_527 = tpu.memref_slice %arg9[%dma_wait3A_524, %dma_wait3A_525, %dma_wait3A_526] : memref<4x50x128xbf16, #tpu.memory_space<vmem>> -> memref<1x50x128xbf16, #tpu.memory_space<vmem>>
    %dma_wait3A_528 = tpu.memref_squeeze %dma_wait3A_527 : memref<1x50x128xbf16, #tpu.memory_space<vmem>> -> memref<50x128xbf16, #tpu.memory_space<vmem>>
    %dma_wait3A_529 = arith.constant 0 : i32
    %dma_wait3A_530 = tpu.memref_slice %arg7[%dma_wait3A_523, %dma_wait3A_529] : memref<200x50xi32, #tpu.memory_space<vmem>> -> memref<1x50xi32, #tpu.memory_space<vmem>>
    %dma_wait3A_531 = tpu.memref_squeeze %dma_wait3A_530 : memref<1x50xi32, #tpu.memory_space<vmem>> -> memref<50xi32, #tpu.memory_space<vmem>>
    %dma_wait3A_532 = arith.constant 0 : i32
    %dma_wait3A_533 = arith.constant 0 : i32
    %dma_wait3A_534 = tpu.memref_slice %arg2[%dma_wait3A_532, %dma_wait3A_533] : memref<10000x128xbf16, #tpu.memory_space<hbm>> -> memref<10000x128xbf16, #tpu.memory_space<hbm>>
    tpu.wait_indirect_dma semaphore(%arg13 : memref<!tpu.dma_semaphore, #tpu.memory_space<semaphore_mem>>) src(%dma_wait3A_534 : memref<10000x128xbf16, #tpu.memory_space<hbm>>) dst(%dma_wait3A_528 : memref<50x128xbf16, #tpu.memory_space<vmem>>)
    %dma_start3A_535 = arith.constant 3 : i32
    %dma_start3A_536 = arith.constant 199 : i32
    %dma_start3A_537 = arith.constant 0 : i32
    %dma_start3A_538 = arith.constant 0 : i32
    %dma_start3A_539 = tpu.memref_slice %arg9[%dma_start3A_535, %dma_start3A_537, %dma_start3A_538] : memref<4x50x128xbf16, #tpu.memory_space<vmem>> -> memref<1x50x128xbf16, #tpu.memory_space<vmem>>
    %dma_start3A_540 = tpu.memref_squeeze %dma_start3A_539 : memref<1x50x128xbf16, #tpu.memory_space<vmem>> -> memref<50x128xbf16, #tpu.memory_space<vmem>>
    %dma_start3A_541 = arith.constant 0 : i32
    %dma_start3A_542 = tpu.memref_slice %arg8[%dma_start3A_536, %dma_start3A_541] : memref<200x50xi32, #tpu.memory_space<vmem>> -> memref<1x50xi32, #tpu.memory_space<vmem>>
    %dma_start3A_543 = tpu.memref_squeeze %dma_start3A_542 : memref<1x50xi32, #tpu.memory_space<vmem>> -> memref<50xi32, #tpu.memory_space<vmem>>
    %dma_start3A_544 = arith.constant 0 : i32
    %dma_start3A_545 = arith.constant 0 : i32
    %dma_start3A_546 = tpu.memref_slice %arg6[%dma_start3A_544, %dma_start3A_545] : memref<10000x128xbf16, #tpu.memory_space<vmem_shared>> -> memref<10000x128xbf16, #tpu.memory_space<vmem_shared>>
    tpu.enqueue_indirect_dma source(%dma_start3A_540 : memref<50x128xbf16, #tpu.memory_space<vmem>>) target(%dma_start3A_546 : memref<10000x128xbf16, #tpu.memory_space<vmem_shared>>) offsets(%dma_start3A_543 : memref<50xi32, #tpu.memory_space<vmem>>) semaphore(%arg17 : memref<!tpu.dma_semaphore, #tpu.memory_space<semaphore_mem>>) {add = true}
    %dma_wait3A_547 = arith.constant 0 : i32
    %dma_wait3A_548 = arith.constant 196 : i32
    %dma_wait3A_549 = arith.constant 0 : i32
    %dma_wait3A_550 = arith.constant 0 : i32
    %dma_wait3A_551 = tpu.memref_slice %arg9[%dma_wait3A_547, %dma_wait3A_549, %dma_wait3A_550] : memref<4x50x128xbf16, #tpu.memory_space<vmem>> -> memref<1x50x128xbf16, #tpu.memory_space<vmem>>
    %dma_wait3A_552 = tpu.memref_squeeze %dma_wait3A_551 : memref<1x50x128xbf16, #tpu.memory_space<vmem>> -> memref<50x128xbf16, #tpu.memory_space<vmem>>
    %dma_wait3A_553 = arith.constant 0 : i32
    %dma_wait3A_554 = tpu.memref_slice %arg8[%dma_wait3A_548, %dma_wait3A_553] : memref<200x50xi32, #tpu.memory_space<vmem>> -> memref<1x50xi32, #tpu.memory_space<vmem>>
    %dma_wait3A_555 = tpu.memref_squeeze %dma_wait3A_554 : memref<1x50xi32, #tpu.memory_space<vmem>> -> memref<50xi32, #tpu.memory_space<vmem>>
    %dma_wait3A_556 = arith.constant 0 : i32
    %dma_wait3A_557 = arith.constant 0 : i32
    %dma_wait3A_558 = tpu.memref_slice %arg6[%dma_wait3A_556, %dma_wait3A_557] : memref<10000x128xbf16, #tpu.memory_space<vmem_shared>> -> memref<10000x128xbf16, #tpu.memory_space<vmem_shared>>
    tpu.wait_indirect_dma semaphore(%arg14 : memref<!tpu.dma_semaphore, #tpu.memory_space<semaphore_mem>>) src(%dma_wait3A_552 : memref<50x128xbf16, #tpu.memory_space<vmem>>) dst(%dma_wait3A_558 : memref<10000x128xbf16, #tpu.memory_space<vmem_shared>>)
    %dma_wait3A_559 = arith.constant 1 : i32
    %dma_wait3A_560 = arith.constant 197 : i32
    %dma_wait3A_561 = arith.constant 0 : i32
    %dma_wait3A_562 = arith.constant 0 : i32
    %dma_wait3A_563 = tpu.memref_slice %arg9[%dma_wait3A_559, %dma_wait3A_561, %dma_wait3A_562] : memref<4x50x128xbf16, #tpu.memory_space<vmem>> -> memref<1x50x128xbf16, #tpu.memory_space<vmem>>
    %dma_wait3A_564 = tpu.memref_squeeze %dma_wait3A_563 : memref<1x50x128xbf16, #tpu.memory_space<vmem>> -> memref<50x128xbf16, #tpu.memory_space<vmem>>
    %dma_wait3A_565 = arith.constant 0 : i32
    %dma_wait3A_566 = tpu.memref_slice %arg8[%dma_wait3A_560, %dma_wait3A_565] : memref<200x50xi32, #tpu.memory_space<vmem>> -> memref<1x50xi32, #tpu.memory_space<vmem>>
    %dma_wait3A_567 = tpu.memref_squeeze %dma_wait3A_566 : memref<1x50xi32, #tpu.memory_space<vmem>> -> memref<50xi32, #tpu.memory_space<vmem>>
    %dma_wait3A_568 = arith.constant 0 : i32
    %dma_wait3A_569 = arith.constant 0 : i32
    %dma_wait3A_570 = tpu.memref_slice %arg6[%dma_wait3A_568, %dma_wait3A_569] : memref<10000x128xbf16, #tpu.memory_space<vmem_shared>> -> memref<10000x128xbf16, #tpu.memory_space<vmem_shared>>
    tpu.wait_indirect_dma semaphore(%arg15 : memref<!tpu.dma_semaphore, #tpu.memory_space<semaphore_mem>>) src(%dma_wait3A_564 : memref<50x128xbf16, #tpu.memory_space<vmem>>) dst(%dma_wait3A_570 : memref<10000x128xbf16, #tpu.memory_space<vmem_shared>>)
    %dma_wait3A_571 = arith.constant 2 : i32
    %dma_wait3A_572 = arith.constant 198 : i32
    %dma_wait3A_573 = arith.constant 0 : i32
    %dma_wait3A_574 = arith.constant 0 : i32
    %dma_wait3A_575 = tpu.memref_slice %arg9[%dma_wait3A_571, %dma_wait3A_573, %dma_wait3A_574] : memref<4x50x128xbf16, #tpu.memory_space<vmem>> -> memref<1x50x128xbf16, #tpu.memory_space<vmem>>
    %dma_wait3A_576 = tpu.memref_squeeze %dma_wait3A_575 : memref<1x50x128xbf16, #tpu.memory_space<vmem>> -> memref<50x128xbf16, #tpu.memory_space<vmem>>
    %dma_wait3A_577 = arith.constant 0 : i32
    %dma_wait3A_578 = tpu.memref_slice %arg8[%dma_wait3A_572, %dma_wait3A_577] : memref<200x50xi32, #tpu.memory_space<vmem>> -> memref<1x50xi32, #tpu.memory_space<vmem>>
    %dma_wait3A_579 = tpu.memref_squeeze %dma_wait3A_578 : memref<1x50xi32, #tpu.memory_space<vmem>> -> memref<50xi32, #tpu.memory_space<vmem>>
    %dma_wait3A_580 = arith.constant 0 : i32
    %dma_wait3A_581 = arith.constant 0 : i32
    %dma_wait3A_582 = tpu.memref_slice %arg6[%dma_wait3A_580, %dma_wait3A_581] : memref<10000x128xbf16, #tpu.memory_space<vmem_shared>> -> memref<10000x128xbf16, #tpu.memory_space<vmem_shared>>
    tpu.wait_indirect_dma semaphore(%arg16 : memref<!tpu.dma_semaphore, #tpu.memory_space<semaphore_mem>>) src(%dma_wait3A_576 : memref<50x128xbf16, #tpu.memory_space<vmem>>) dst(%dma_wait3A_582 : memref<10000x128xbf16, #tpu.memory_space<vmem_shared>>)
    %dma_wait3A_583 = arith.constant 3 : i32
    %dma_wait3A_584 = arith.constant 199 : i32
    %dma_wait3A_585 = arith.constant 0 : i32
    %dma_wait3A_586 = arith.constant 0 : i32
    %dma_wait3A_587 = tpu.memref_slice %arg9[%dma_wait3A_583, %dma_wait3A_585, %dma_wait3A_586] : memref<4x50x128xbf16, #tpu.memory_space<vmem>> -> memref<1x50x128xbf16, #tpu.memory_space<vmem>>
    %dma_wait3A_588 = tpu.memref_squeeze %dma_wait3A_587 : memref<1x50x128xbf16, #tpu.memory_space<vmem>> -> memref<50x128xbf16, #tpu.memory_space<vmem>>
    %dma_wait3A_589 = arith.constant 0 : i32
    %dma_wait3A_590 = tpu.memref_slice %arg8[%dma_wait3A_584, %dma_wait3A_589] : memref<200x50xi32, #tpu.memory_space<vmem>> -> memref<1x50xi32, #tpu.memory_space<vmem>>
    %dma_wait3A_591 = tpu.memref_squeeze %dma_wait3A_590 : memref<1x50xi32, #tpu.memory_space<vmem>> -> memref<50xi32, #tpu.memory_space<vmem>>
    %dma_wait3A_592 = arith.constant 0 : i32
    %dma_wait3A_593 = arith.constant 0 : i32
    %dma_wait3A_594 = tpu.memref_slice %arg6[%dma_wait3A_592, %dma_wait3A_593] : memref<10000x128xbf16, #tpu.memory_space<vmem_shared>> -> memref<10000x128xbf16, #tpu.memory_space<vmem_shared>>
    tpu.wait_indirect_dma semaphore(%arg17 : memref<!tpu.dma_semaphore, #tpu.memory_space<semaphore_mem>>) src(%dma_wait3A_588 : memref<50x128xbf16, #tpu.memory_space<vmem>>) dst(%dma_wait3A_594 : memref<10000x128xbf16, #tpu.memory_space<vmem_shared>>)
    %barrier3A_595 = arith.constant 0 : index
    tpu.barrier barrier_id(%barrier3A_595)
    "tpu.region"() ({
      %run_scoped3A = tpu.sem_alloc : memref<!tpu.dma_semaphore, #tpu.memory_space<semaphore_mem>>
      %dma_start3A_596 = arith.constant 0 : i32
      %dma_start3A_597 = tpu.memref_slice %arg5[%arg0, %mul3A_9, %dma_start3A_596] : memref<2x10000x128xbf16, #tpu.memory_space<hbm>> -> memref<1x625x128xbf16, #tpu.memory_space<hbm>>
      %dma_start3A_598 = tpu.memref_squeeze %dma_start3A_597 : memref<1x625x128xbf16, #tpu.memory_space<hbm>> -> memref<625x128xbf16, #tpu.memory_space<hbm>>
      %dma_start3A_599 = arith.constant 0 : i32
      %dma_start3A_600 = tpu.memref_slice %arg6[%mul3A_9, %dma_start3A_599] : memref<10000x128xbf16, #tpu.memory_space<vmem_shared>> -> memref<625x128xbf16, #tpu.memory_space<vmem_shared>>
      tpu.enqueue_dma source(%dma_start3A_600 : memref<625x128xbf16, #tpu.memory_space<vmem_shared>>) target(%dma_start3A_598 : memref<625x128xbf16, #tpu.memory_space<hbm>>) target_semaphore(%run_scoped3A : memref<!tpu.dma_semaphore, #tpu.memory_space<semaphore_mem>>)
      %dma_wait3A_601 = arith.constant 0 : i32
      %dma_wait3A_602 = tpu.memref_slice %arg5[%arg0, %mul3A_9, %dma_wait3A_601] : memref<2x10000x128xbf16, #tpu.memory_space<hbm>> -> memref<1x625x128xbf16, #tpu.memory_space<hbm>>
      %dma_wait3A_603 = tpu.memref_squeeze %dma_wait3A_602 : memref<1x625x128xbf16, #tpu.memory_space<hbm>> -> memref<625x128xbf16, #tpu.memory_space<hbm>>
      %dma_wait3A_604 = arith.constant 0 : i32
      %dma_wait3A_605 = tpu.memref_slice %arg6[%mul3A_9, %dma_wait3A_604] : memref<10000x128xbf16, #tpu.memory_space<vmem_shared>> -> memref<625x128xbf16, #tpu.memory_space<vmem_shared>>
      tpu.wait_dma2 semaphore(%run_scoped3A : memref<!tpu.dma_semaphore, #tpu.memory_space<semaphore_mem>>) src(%dma_wait3A_605 : memref<625x128xbf16, #tpu.memory_space<vmem_shared>>) dst(%dma_wait3A_603 : memref<625x128xbf16, #tpu.memory_space<hbm>>)
      tpu.yield
    }) : () -> ()
    return
  }
}

#map = affine_map<(d0, d1) -> (0)>
#map1 = affine_map<(d0, d1) -> (0, 0)>
module attributes {stable_mosaic.version = 14 : i64} {
  func.func @deg_kernel(%arg0: i32, %arg1: i32, %arg2: memref<320000xi32, #tpu.memory_space<hbm>>, %arg3: memref<32x10000xf32, #tpu.memory_space<hbm>>, %arg4: memref<10000xf32, #tpu.memory_space<vmem>>, %arg5: memref<10000xi32, #tpu.memory_space<vmem>>) attributes {dimension_semantics = [#tpu.dimension_semantics<core_parallel>, #tpu.dimension_semantics<subcore_parallel>], iteration_bounds = array<i64: 2, 16>, scalar_prefetch = 0 : i64, scratch_operands = 2 : i64, tpu.core_type = #tpu.core_type<sc_vector_subcore>, window_params = [{transform_indices = #map}, {transform_indices = #map1}]} {
    %mul3A = arith.constant 2 : i32
    %mul3A_0 = arith.muli %arg1, %mul3A : i32
    %add3A = arith.addi %mul3A_0, %arg0 : i32
    %broadcast_in_dim3A = arith.constant 0.000000e+00 : f32
    %broadcast_in_dim3A_1 = vector.broadcast %broadcast_in_dim3A : f32 to vector<16xf32>
    %scan3A = arith.constant 0 : i32
    %scan3A_2 = arith.constant 0 : i32
    %scan3A_3 = arith.constant 625 : i32
    %scan3A_4 = arith.addi %scan3A_2, %scan3A_3 : i32
    %scan3A_5 = arith.constant 1 : i32
    scf.for %scan3A_17 = %scan3A_2 to %scan3A_4 step %scan3A_5  : i32 {
      %mul3A_18 = arith.constant 16 : i32
      %mul3A_19 = arith.muli %scan3A_17, %mul3A_18 : i32
      %swap3A = arith.index_cast %mul3A_19 : i32 to index
      %swap3A_20 = tpu.vector_load %arg4[%swap3A] {strides = array<i32>} : memref<10000xf32, #tpu.memory_space<vmem>>, vector<16xf32>,
      tpu.vector_store %arg4[%swap3A], %broadcast_in_dim3A_1 {strides = array<i32>} : memref<10000xf32, #tpu.memory_space<vmem>>, vector<16xf32>,
    }
    %scan3A_6 = arith.constant 625 : i32
    %mul3A_7 = arith.constant 10000 : i32
    %mul3A_8 = arith.muli %add3A, %mul3A_7 : i32
    "tpu.region"() ({
      %run_scoped3A = tpu.sem_alloc : memref<!tpu.dma_semaphore, #tpu.memory_space<semaphore_mem>>
      %dma_start3A = tpu.memref_slice %arg2[%mul3A_8] : memref<320000xi32, #tpu.memory_space<hbm>> -> memref<10000xi32, #tpu.memory_space<hbm>>
      %dma_start3A_17 = tpu.memref_slice %arg2[%mul3A_8] : memref<320000xi32, #tpu.memory_space<hbm>> -> memref<10000xi32, #tpu.memory_space<hbm>>
      tpu.enqueue_dma source(%dma_start3A_17 : memref<10000xi32, #tpu.memory_space<hbm>>) target(%arg5 : memref<10000xi32, #tpu.memory_space<vmem>>) target_semaphore(%run_scoped3A : memref<!tpu.dma_semaphore, #tpu.memory_space<semaphore_mem>>)
      %dma_wait3A = tpu.memref_slice %arg2[%mul3A_8] : memref<320000xi32, #tpu.memory_space<hbm>> -> memref<10000xi32, #tpu.memory_space<hbm>>
      %dma_wait3A_18 = tpu.memref_slice %arg2[%mul3A_8] : memref<320000xi32, #tpu.memory_space<hbm>> -> memref<10000xi32, #tpu.memory_space<hbm>>
      tpu.wait_dma2 semaphore(%run_scoped3A : memref<!tpu.dma_semaphore, #tpu.memory_space<semaphore_mem>>) src(%dma_wait3A_18 : memref<10000xi32, #tpu.memory_space<hbm>>) dst(%arg5 : memref<10000xi32, #tpu.memory_space<vmem>>)
      tpu.yield
    }) : () -> ()
    %broadcast_in_dim3A_9 = arith.constant 1.000000e+00 : f32
    %broadcast_in_dim3A_10 = vector.broadcast %broadcast_in_dim3A_9 : f32 to vector<16xf32>
    %scan3A_11 = arith.constant 0 : i32
    %scan3A_12 = arith.constant 0 : i32
    %scan3A_13 = arith.constant 625 : i32
    %scan3A_14 = arith.addi %scan3A_12, %scan3A_13 : i32
    %scan3A_15 = arith.constant 1 : i32
    scf.for %scan3A_17 = %scan3A_12 to %scan3A_14 step %scan3A_15  : i32 {
      %mul3A_18 = arith.constant 16 : i32
      %mul3A_19 = arith.muli %scan3A_17, %mul3A_18 : i32
      %get3A = arith.index_cast %mul3A_19 : i32 to index
      %get3A_20 = tpu.vector_load %arg5[%get3A] {strides = array<i32>} : memref<10000xi32, #tpu.memory_space<vmem>>, vector<16xi32>,
      tpu.vector_store_idx %arg4[%get3A_20], %broadcast_in_dim3A_10 {add = true} : memref<10000xf32, #tpu.memory_space<vmem>>[vector<16xi32>], vector<16xf32>,
    }
    %scan3A_16 = arith.constant 625 : i32
    "tpu.region"() ({
      %run_scoped3A = tpu.sem_alloc : memref<!tpu.dma_semaphore, #tpu.memory_space<semaphore_mem>>
      %dma_start3A = arith.constant 0 : i32
      %dma_start3A_17 = tpu.memref_slice %arg3[%add3A, %dma_start3A] : memref<32x10000xf32, #tpu.memory_space<hbm>> -> memref<1x10000xf32, #tpu.memory_space<hbm>>
      %dma_start3A_18 = tpu.memref_squeeze %dma_start3A_17 : memref<1x10000xf32, #tpu.memory_space<hbm>> -> memref<10000xf32, #tpu.memory_space<hbm>>
      %dma_start3A_19 = arith.constant 0 : i32
      %dma_start3A_20 = tpu.memref_slice %arg3[%add3A, %dma_start3A_19] : memref<32x10000xf32, #tpu.memory_space<hbm>> -> memref<1x10000xf32, #tpu.memory_space<hbm>>
      %dma_start3A_21 = tpu.memref_squeeze %dma_start3A_20 : memref<1x10000xf32, #tpu.memory_space<hbm>> -> memref<10000xf32, #tpu.memory_space<hbm>>
      tpu.enqueue_dma source(%arg4 : memref<10000xf32, #tpu.memory_space<vmem>>) target(%dma_start3A_21 : memref<10000xf32, #tpu.memory_space<hbm>>) target_semaphore(%run_scoped3A : memref<!tpu.dma_semaphore, #tpu.memory_space<semaphore_mem>>)
      %dma_wait3A = arith.constant 0 : i32
      %dma_wait3A_22 = tpu.memref_slice %arg3[%add3A, %dma_wait3A] : memref<32x10000xf32, #tpu.memory_space<hbm>> -> memref<1x10000xf32, #tpu.memory_space<hbm>>
      %dma_wait3A_23 = tpu.memref_squeeze %dma_wait3A_22 : memref<1x10000xf32, #tpu.memory_space<hbm>> -> memref<10000xf32, #tpu.memory_space<hbm>>
      %dma_wait3A_24 = arith.constant 0 : i32
      %dma_wait3A_25 = tpu.memref_slice %arg3[%add3A, %dma_wait3A_24] : memref<32x10000xf32, #tpu.memory_space<hbm>> -> memref<1x10000xf32, #tpu.memory_space<hbm>>
      %dma_wait3A_26 = tpu.memref_squeeze %dma_wait3A_25 : memref<1x10000xf32, #tpu.memory_space<hbm>> -> memref<10000xf32, #tpu.memory_space<hbm>>
      tpu.wait_dma2 semaphore(%run_scoped3A : memref<!tpu.dma_semaphore, #tpu.memory_space<semaphore_mem>>) src(%arg4 : memref<10000xf32, #tpu.memory_space<vmem>>) dst(%dma_wait3A_26 : memref<10000xf32, #tpu.memory_space<hbm>>)
      tpu.yield
    }) : () -> ()
    return
  }
}

#map = affine_map<(d0, d1) -> (0, 0)>
#map1 = affine_map<(d0, d1) -> (0, 0, 0)>
module attributes {stable_mosaic.version = 14 : i64} {
  func.func @scat_kernel(%arg0: i32, %arg1: i32, %arg2: memref<10000x128xbf16, #tpu.memory_space<hbm>>, %arg3: memref<6400x50xi32, #tpu.memory_space<hbm>>, %arg4: memref<6400x50xi32, #tpu.memory_space<hbm>>, %arg5: memref<2x10000x128xbf16, #tpu.memory_space<hbm>>, %arg6: memref<10000x128xbf16, #tpu.memory_space<vmem_shared>>, %arg7: memref<200x50xi32, #tpu.memory_space<vmem>>, %arg8: memref<200x50xi32, #tpu.memory_space<vmem>>, %arg9: memref<4x50x128xbf16, #tpu.memory_space<vmem>>, %arg10: memref<!tpu.dma_semaphore, #tpu.memory_space<semaphore_mem>>, %arg11: memref<!tpu.dma_semaphore, #tpu.memory_space<semaphore_mem>>, %arg12: memref<!tpu.dma_semaphore, #tpu.memory_space<semaphore_mem>>, %arg13: memref<!tpu.dma_semaphore, #tpu.memory_space<semaphore_mem>>, %arg14: memref<!tpu.dma_semaphore, #tpu.memory_space<semaphore_mem>>, %arg15: memref<!tpu.dma_semaphore, #tpu.memory_space<semaphore_mem>>, %arg16: memref<!tpu.dma_semaphore, #tpu.memory_space<semaphore_mem>>, %arg17: memref<!tpu.dma_semaphore, #tpu.memory_space<semaphore_mem>>) attributes {dimension_semantics = [#tpu.dimension_semantics<core_parallel>, #tpu.dimension_semantics<subcore_parallel>], iteration_bounds = array<i64: 2, 16>, scalar_prefetch = 0 : i64, scratch_operands = 12 : i64, tpu.core_type = #tpu.core_type<sc_vector_subcore>, window_params = [{transform_indices = #map}, {transform_indices = #map}, {transform_indices = #map}, {transform_indices = #map1}]} {
    %mul3A = arith.constant 2 : i32
    %mul3A_0 = arith.muli %arg1, %mul3A : i32
    %add3A = arith.addi %mul3A_0, %arg0 : i32
    %broadcast_in_dim3A = arith.constant 0.000000e+00 : bf16
    %broadcast_in_dim3A_1 = vector.broadcast %broadcast_in_dim3A : bf16 to vector<32xbf16>
    %scan3A = arith.constant 0 : i32
    %scan3A_2 = arith.constant 0 : i32
    %scan3A_3 = arith.constant 0 : i32
    %scan3A_4 = arith.constant 50 : i32
    %scan3A_5 = arith.addi %scan3A_3, %scan3A_4 : i32
    %scan3A_6 = arith.constant 1 : i32
    scf.for %scan3A_596 = %scan3A_3 to %scan3A_5 step %scan3A_6  : i32 {
      %swap3A = arith.constant 0 : i32
      %swap3A_597 = arith.constant 0 : i32
      %swap3A_598 = tpu.memref_slice %arg9[%scan3A_2, %swap3A, %swap3A_597] : memref<4x50x128xbf16, #tpu.memory_space<vmem>> -> memref<1x50x128xbf16, #tpu.memory_space<vmem>>
      %swap3A_599 = tpu.memref_squeeze %swap3A_598 : memref<1x50x128xbf16, #tpu.memory_space<vmem>> -> memref<50x128xbf16, #tpu.memory_space<vmem>>
      %swap3A_600 = arith.index_cast %scan3A_596 : i32 to index
      %swap3A_601 = arith.constant 0 : index
      %swap3A_602 = tpu.vector_load %swap3A_599[%swap3A_600, %swap3A_601] {strides = array<i32>} : memref<50x128xbf16, #tpu.memory_space<vmem>>, vector<32xbf16>,
      tpu.vector_store %swap3A_599[%swap3A_600, %swap3A_601], %broadcast_in_dim3A_1 {strides = array<i32>} : memref<50x128xbf16, #tpu.memory_space<vmem>>, vector<32xbf16>,
      %swap3A_603 = arith.constant 0 : i32
      %swap3A_604 = arith.constant 0 : i32
      %swap3A_605 = tpu.memref_slice %arg9[%scan3A_2, %swap3A_603, %swap3A_604] : memref<4x50x128xbf16, #tpu.memory_space<vmem>> -> memref<1x50x128xbf16, #tpu.memory_space<vmem>>
      %swap3A_606 = tpu.memref_squeeze %swap3A_605 : memref<1x50x128xbf16, #tpu.memory_space<vmem>> -> memref<50x128xbf16, #tpu.memory_space<vmem>>
      %swap3A_607 = arith.index_cast %scan3A_596 : i32 to index
      %swap3A_608 = arith.constant 32 : index
      %swap3A_609 = tpu.vector_load %swap3A_606[%swap3A_607, %swap3A_608] {strides = array<i32>} : memref<50x128xbf16, #tpu.memory_space<vmem>>, vector<32xbf16>,
      tpu.vector_store %swap3A_606[%swap3A_607, %swap3A_608], %broadcast_in_dim3A_1 {strides = array<i32>} : memref<50x128xbf16, #tpu.memory_space<vmem>>, vector<32xbf16>,
      %swap3A_610 = arith.constant 0 : i32
      %swap3A_611 = arith.constant 0 : i32
      %swap3A_612 = tpu.memref_slice %arg9[%scan3A_2, %swap3A_610, %swap3A_611] : memref<4x50x128xbf16, #tpu.memory_space<vmem>> -> memref<1x50x128xbf16, #tpu.memory_space<vmem>>
      %swap3A_613 = tpu.memref_squeeze %swap3A_612 : memref<1x50x128xbf16, #tpu.memory_space<vmem>> -> memref<50x128xbf16, #tpu.memory_space<vmem>>
      %swap3A_614 = arith.index_cast %scan3A_596 : i32 to index
      %swap3A_615 = arith.constant 64 : index
      %swap3A_616 = tpu.vector_load %swap3A_613[%swap3A_614, %swap3A_615] {strides = array<i32>} : memref<50x128xbf16, #tpu.memory_space<vmem>>, vector<32xbf16>,
      tpu.vector_store %swap3A_613[%swap3A_614, %swap3A_615], %broadcast_in_dim3A_1 {strides = array<i32>} : memref<50x128xbf16, #tpu.memory_space<vmem>>, vector<32xbf16>,
      %swap3A_617 = arith.constant 0 : i32
      %swap3A_618 = arith.constant 0 : i32
      %swap3A_619 = tpu.memref_slice %arg9[%scan3A_2, %swap3A_617, %swap3A_618] : memref<4x50x128xbf16, #tpu.memory_space<vmem>> -> memref<1x50x128xbf16, #tpu.memory_space<vmem>>
      %swap3A_620 = tpu.memref_squeeze %swap3A_619 : memref<1x50x128xbf16, #tpu.memory_space<vmem>> -> memref<50x128xbf16, #tpu.memory_space<vmem>>
      %swap3A_621 = arith.index_cast %scan3A_596 : i32 to index
      %swap3A_622 = arith.constant 96 : index
      %swap3A_623 = tpu.vector_load %swap3A_620[%swap3A_621, %swap3A_622] {strides = array<i32>} : memref<50x128xbf16, #tpu.memory_space<vmem>>, vector<32xbf16>,
      tpu.vector_store %swap3A_620[%swap3A_621, %swap3A_622], %broadcast_in_dim3A_1 {strides = array<i32>} : memref<50x128xbf16, #tpu.memory_space<vmem>>, vector<32xbf16>,
    }
    %scan3A_7 = arith.constant 50 : i32
    %mul3A_8 = arith.constant 625 : i32
    %mul3A_9 = arith.muli %arg1, %mul3A_8 : i32
    %add3A_10 = arith.constant 0 : i32
    %add3A_11 = arith.addi %mul3A_9, %add3A_10 : i32
    %dma_start3A = arith.constant 0 : i32
    %dma_start3A_12 = arith.constant 0 : i32
    %dma_start3A_13 = arith.constant 0 : i32
    %dma_start3A_14 = tpu.memref_slice %arg9[%dma_start3A, %dma_start3A_12, %dma_start3A_13] : memref<4x50x128xbf16, #tpu.memory_space<vmem>> -> memref<1x50x128xbf16, #tpu.memory_space<vmem>>
    %dma_start3A_15 = tpu.memref_squeeze %dma_start3A_14 : memref<1x50x128xbf16, #tpu.memory_space<vmem>> -> memref<50x128xbf16, #tpu.memory_space<vmem>>
    %dma_start3A_16 = arith.constant 0 : i32
    %dma_start3A_17 = tpu.memref_slice %arg6[%add3A_11, %dma_start3A_16] : memref<10000x128xbf16, #tpu.memory_space<vmem_shared>> -> memref<50x128xbf16, #tpu.memory_space<vmem_shared>>
    %dma_start3A_18 = arith.constant 0 : i32
    %dma_start3A_19 = tpu.memref_slice %arg6[%add3A_11, %dma_start3A_18] : memref<10000x128xbf16, #tpu.memory_space<vmem_shared>> -> memref<50x128xbf16, #tpu.memory_space<vmem_shared>>
    %dma_start3A_20 = arith.constant 0 : i32
    %dma_start3A_21 = arith.constant 0 : i32
    %dma_start3A_22 = tpu.memref_slice %arg9[%dma_start3A, %dma_start3A_20, %dma_start3A_21] : memref<4x50x128xbf16, #tpu.memory_space<vmem>> -> memref<1x50x128xbf16, #tpu.memory_space<vmem>>
    %dma_start3A_23 = tpu.memref_squeeze %dma_start3A_22 : memref<1x50x128xbf16, #tpu.memory_space<vmem>> -> memref<50x128xbf16, #tpu.memory_space<vmem>>
    tpu.enqueue_dma source(%dma_start3A_23 : memref<50x128xbf16, #tpu.memory_space<vmem>>) target(%dma_start3A_19 : memref<50x128xbf16, #tpu.memory_space<vmem_shared>>) target_semaphore(%arg14 : memref<!tpu.dma_semaphore, #tpu.memory_space<semaphore_mem>>)
    %add3A_24 = arith.constant 50 : i32
    %add3A_25 = arith.addi %mul3A_9, %add3A_24 : i32
    %dma_start3A_26 = arith.constant 0 : i32
    %dma_start3A_27 = arith.constant 0 : i32
    %dma_start3A_28 = arith.constant 0 : i32
    %dma_start3A_29 = tpu.memref_slice %arg9[%dma_start3A_26, %dma_start3A_27, %dma_start3A_28] : memref<4x50x128xbf16, #tpu.memory_space<vmem>> -> memref<1x50x128xbf16, #tpu.memory_space<vmem>>
    %dma_start3A_30 = tpu.memref_squeeze %dma_start3A_29 : memref<1x50x128xbf16, #tpu.memory_space<vmem>> -> memref<50x128xbf16, #tpu.memory_space<vmem>>
    %dma_start3A_31 = arith.constant 0 : i32
    %dma_start3A_32 = tpu.memref_slice %arg6[%add3A_25, %dma_start3A_31] : memref<10000x128xbf16, #tpu.memory_space<vmem_shared>> -> memref<50x128xbf16, #tpu.memory_space<vmem_shared>>
    %dma_start3A_33 = arith.constant 0 : i32
    %dma_start3A_34 = tpu.memref_slice %arg6[%add3A_25, %dma_start3A_33] : memref<10000x128xbf16, #tpu.memory_space<vmem_shared>> -> memref<50x128xbf16, #tpu.memory_space<vmem_shared>>
    %dma_start3A_35 = arith.constant 0 : i32
    %dma_start3A_36 = arith.constant 0 : i32
    %dma_start3A_37 = tpu.memref_slice %arg9[%dma_start3A_26, %dma_start3A_35, %dma_start3A_36] : memref<4x50x128xbf16, #tpu.memory_space<vmem>> -> memref<1x50x128xbf16, #tpu.memory_space<vmem>>
    %dma_start3A_38 = tpu.memref_squeeze %dma_start3A_37 : memref<1x50x128xbf16, #tpu.memory_space<vmem>> -> memref<50x128xbf16, #tpu.memory_space<vmem>>
    tpu.enqueue_dma source(%dma_start3A_38 : memref<50x128xbf16, #tpu.memory_space<vmem>>) target(%dma_start3A_34 : memref<50x128xbf16, #tpu.memory_space<vmem_shared>>) target_semaphore(%arg14 : memref<!tpu.dma_semaphore, #tpu.memory_space<semaphore_mem>>)
    %add3A_39 = arith.constant 100 : i32
    %add3A_40 = arith.addi %mul3A_9, %add3A_39 : i32
    %dma_start3A_41 = arith.constant 0 : i32
    %dma_start3A_42 = arith.constant 0 : i32
    %dma_start3A_43 = arith.constant 0 : i32
    %dma_start3A_44 = tpu.memref_slice %arg9[%dma_start3A_41, %dma_start3A_42, %dma_start3A_43] : memref<4x50x128xbf16, #tpu.memory_space<vmem>> -> memref<1x50x128xbf16, #tpu.memory_space<vmem>>
    %dma_start3A_45 = tpu.memref_squeeze %dma_start3A_44 : memref<1x50x128xbf16, #tpu.memory_space<vmem>> -> memref<50x128xbf16, #tpu.memory_space<vmem>>
    %dma_start3A_46 = arith.constant 0 : i32
    %dma_start3A_47 = tpu.memref_slice %arg6[%add3A_40, %dma_start3A_46] : memref<10000x128xbf16, #tpu.memory_space<vmem_shared>> -> memref<50x128xbf16, #tpu.memory_space<vmem_shared>>
    %dma_start3A_48 = arith.constant 0 : i32
    %dma_start3A_49 = tpu.memref_slice %arg6[%add3A_40, %dma_start3A_48] : memref<10000x128xbf16, #tpu.memory_space<vmem_shared>> -> memref<50x128xbf16, #tpu.memory_space<vmem_shared>>
    %dma_start3A_50 = arith.constant 0 : i32
    %dma_start3A_51 = arith.constant 0 : i32
    %dma_start3A_52 = tpu.memref_slice %arg9[%dma_start3A_41, %dma_start3A_50, %dma_start3A_51] : memref<4x50x128xbf16, #tpu.memory_space<vmem>> -> memref<1x50x128xbf16, #tpu.memory_space<vmem>>
    %dma_start3A_53 = tpu.memref_squeeze %dma_start3A_52 : memref<1x50x128xbf16, #tpu.memory_space<vmem>> -> memref<50x128xbf16, #tpu.memory_space<vmem>>
    tpu.enqueue_dma source(%dma_start3A_53 : memref<50x128xbf16, #tpu.memory_space<vmem>>) target(%dma_start3A_49 : memref<50x128xbf16, #tpu.memory_space<vmem_shared>>) target_semaphore(%arg14 : memref<!tpu.dma_semaphore, #tpu.memory_space<semaphore_mem>>)
    %add3A_54 = arith.constant 150 : i32
    %add3A_55 = arith.addi %mul3A_9, %add3A_54 : i32
    %dma_start3A_56 = arith.constant 0 : i32
    %dma_start3A_57 = arith.constant 0 : i32
    %dma_start3A_58 = arith.constant 0 : i32
    %dma_start3A_59 = tpu.memref_slice %arg9[%dma_start3A_56, %dma_start3A_57, %dma_start3A_58] : memref<4x50x128xbf16, #tpu.memory_space<vmem>> -> memref<1x50x128xbf16, #tpu.memory_space<vmem>>
    %dma_start3A_60 = tpu.memref_squeeze %dma_start3A_59 : memref<1x50x128xbf16, #tpu.memory_space<vmem>> -> memref<50x128xbf16, #tpu.memory_space<vmem>>
    %dma_start3A_61 = arith.constant 0 : i32
    %dma_start3A_62 = tpu.memref_slice %arg6[%add3A_55, %dma_start3A_61] : memref<10000x128xbf16, #tpu.memory_space<vmem_shared>> -> memref<50x128xbf16, #tpu.memory_space<vmem_shared>>
    %dma_start3A_63 = arith.constant 0 : i32
    %dma_start3A_64 = tpu.memref_slice %arg6[%add3A_55, %dma_start3A_63] : memref<10000x128xbf16, #tpu.memory_space<vmem_shared>> -> memref<50x128xbf16, #tpu.memory_space<vmem_shared>>
    %dma_start3A_65 = arith.constant 0 : i32
    %dma_start3A_66 = arith.constant 0 : i32
    %dma_start3A_67 = tpu.memref_slice %arg9[%dma_start3A_56, %dma_start3A_65, %dma_start3A_66] : memref<4x50x128xbf16, #tpu.memory_space<vmem>> -> memref<1x50x128xbf16, #tpu.memory_space<vmem>>
    %dma_start3A_68 = tpu.memref_squeeze %dma_start3A_67 : memref<1x50x128xbf16, #tpu.memory_space<vmem>> -> memref<50x128xbf16, #tpu.memory_space<vmem>>
    tpu.enqueue_dma source(%dma_start3A_68 : memref<50x128xbf16, #tpu.memory_space<vmem>>) target(%dma_start3A_64 : memref<50x128xbf16, #tpu.memory_space<vmem_shared>>) target_semaphore(%arg14 : memref<!tpu.dma_semaphore, #tpu.memory_space<semaphore_mem>>)
    %add3A_69 = arith.constant 200 : i32
    %add3A_70 = arith.addi %mul3A_9, %add3A_69 : i32
    %dma_start3A_71 = arith.constant 0 : i32
    %dma_start3A_72 = arith.constant 0 : i32
    %dma_start3A_73 = arith.constant 0 : i32
    %dma_start3A_74 = tpu.memref_slice %arg9[%dma_start3A_71, %dma_start3A_72, %dma_start3A_73] : memref<4x50x128xbf16, #tpu.memory_space<vmem>> -> memref<1x50x128xbf16, #tpu.memory_space<vmem>>
    %dma_start3A_75 = tpu.memref_squeeze %dma_start3A_74 : memref<1x50x128xbf16, #tpu.memory_space<vmem>> -> memref<50x128xbf16, #tpu.memory_space<vmem>>
    %dma_start3A_76 = arith.constant 0 : i32
    %dma_start3A_77 = tpu.memref_slice %arg6[%add3A_70, %dma_start3A_76] : memref<10000x128xbf16, #tpu.memory_space<vmem_shared>> -> memref<50x128xbf16, #tpu.memory_space<vmem_shared>>
    %dma_start3A_78 = arith.constant 0 : i32
    %dma_start3A_79 = tpu.memref_slice %arg6[%add3A_70, %dma_start3A_78] : memref<10000x128xbf16, #tpu.memory_space<vmem_shared>> -> memref<50x128xbf16, #tpu.memory_space<vmem_shared>>
    %dma_start3A_80 = arith.constant 0 : i32
    %dma_start3A_81 = arith.constant 0 : i32
    %dma_start3A_82 = tpu.memref_slice %arg9[%dma_start3A_71, %dma_start3A_80, %dma_start3A_81] : memref<4x50x128xbf16, #tpu.memory_space<vmem>> -> memref<1x50x128xbf16, #tpu.memory_space<vmem>>
    %dma_start3A_83 = tpu.memref_squeeze %dma_start3A_82 : memref<1x50x128xbf16, #tpu.memory_space<vmem>> -> memref<50x128xbf16, #tpu.memory_space<vmem>>
    tpu.enqueue_dma source(%dma_start3A_83 : memref<50x128xbf16, #tpu.memory_space<vmem>>) target(%dma_start3A_79 : memref<50x128xbf16, #tpu.memory_space<vmem_shared>>) target_semaphore(%arg14 : memref<!tpu.dma_semaphore, #tpu.memory_space<semaphore_mem>>)
    %add3A_84 = arith.constant 250 : i32
    %add3A_85 = arith.addi %mul3A_9, %add3A_84 : i32
    %dma_start3A_86 = arith.constant 0 : i32
    %dma_start3A_87 = arith.constant 0 : i32
    %dma_start3A_88 = arith.constant 0 : i32
    %dma_start3A_89 = tpu.memref_slice %arg9[%dma_start3A_86, %dma_start3A_87, %dma_start3A_88] : memref<4x50x128xbf16, #tpu.memory_space<vmem>> -> memref<1x50x128xbf16, #tpu.memory_space<vmem>>
    %dma_start3A_90 = tpu.memref_squeeze %dma_start3A_89 : memref<1x50x128xbf16, #tpu.memory_space<vmem>> -> memref<50x128xbf16, #tpu.memory_space<vmem>>
    %dma_start3A_91 = arith.constant 0 : i32
    %dma_start3A_92 = tpu.memref_slice %arg6[%add3A_85, %dma_start3A_91] : memref<10000x128xbf16, #tpu.memory_space<vmem_shared>> -> memref<50x128xbf16, #tpu.memory_space<vmem_shared>>
    %dma_start3A_93 = arith.constant 0 : i32
    %dma_start3A_94 = tpu.memref_slice %arg6[%add3A_85, %dma_start3A_93] : memref<10000x128xbf16, #tpu.memory_space<vmem_shared>> -> memref<50x128xbf16, #tpu.memory_space<vmem_shared>>
    %dma_start3A_95 = arith.constant 0 : i32
    %dma_start3A_96 = arith.constant 0 : i32
    %dma_start3A_97 = tpu.memref_slice %arg9[%dma_start3A_86, %dma_start3A_95, %dma_start3A_96] : memref<4x50x128xbf16, #tpu.memory_space<vmem>> -> memref<1x50x128xbf16, #tpu.memory_space<vmem>>
    %dma_start3A_98 = tpu.memref_squeeze %dma_start3A_97 : memref<1x50x128xbf16, #tpu.memory_space<vmem>> -> memref<50x128xbf16, #tpu.memory_space<vmem>>
    tpu.enqueue_dma source(%dma_start3A_98 : memref<50x128xbf16, #tpu.memory_space<vmem>>) target(%dma_start3A_94 : memref<50x128xbf16, #tpu.memory_space<vmem_shared>>) target_semaphore(%arg14 : memref<!tpu.dma_semaphore, #tpu.memory_space<semaphore_mem>>)
    %add3A_99 = arith.constant 300 : i32
    %add3A_100 = arith.addi %mul3A_9, %add3A_99 : i32
    %dma_start3A_101 = arith.constant 0 : i32
    %dma_start3A_102 = arith.constant 0 : i32
    %dma_start3A_103 = arith.constant 0 : i32
    %dma_start3A_104 = tpu.memref_slice %arg9[%dma_start3A_101, %dma_start3A_102, %dma_start3A_103] : memref<4x50x128xbf16, #tpu.memory_space<vmem>> -> memref<1x50x128xbf16, #tpu.memory_space<vmem>>
    %dma_start3A_105 = tpu.memref_squeeze %dma_start3A_104 : memref<1x50x128xbf16, #tpu.memory_space<vmem>> -> memref<50x128xbf16, #tpu.memory_space<vmem>>
    %dma_start3A_106 = arith.constant 0 : i32
    %dma_start3A_107 = tpu.memref_slice %arg6[%add3A_100, %dma_start3A_106] : memref<10000x128xbf16, #tpu.memory_space<vmem_shared>> -> memref<50x128xbf16, #tpu.memory_space<vmem_shared>>
    %dma_start3A_108 = arith.constant 0 : i32
    %dma_start3A_109 = tpu.memref_slice %arg6[%add3A_100, %dma_start3A_108] : memref<10000x128xbf16, #tpu.memory_space<vmem_shared>> -> memref<50x128xbf16, #tpu.memory_space<vmem_shared>>
    %dma_start3A_110 = arith.constant 0 : i32
    %dma_start3A_111 = arith.constant 0 : i32
    %dma_start3A_112 = tpu.memref_slice %arg9[%dma_start3A_101, %dma_start3A_110, %dma_start3A_111] : memref<4x50x128xbf16, #tpu.memory_space<vmem>> -> memref<1x50x128xbf16, #tpu.memory_space<vmem>>
    %dma_start3A_113 = tpu.memref_squeeze %dma_start3A_112 : memref<1x50x128xbf16, #tpu.memory_space<vmem>> -> memref<50x128xbf16, #tpu.memory_space<vmem>>
    tpu.enqueue_dma source(%dma_start3A_113 : memref<50x128xbf16, #tpu.memory_space<vmem>>) target(%dma_start3A_109 : memref<50x128xbf16, #tpu.memory_space<vmem_shared>>) target_semaphore(%arg14 : memref<!tpu.dma_semaphore, #tpu.memory_space<semaphore_mem>>)
    %add3A_114 = arith.constant 350 : i32
    %add3A_115 = arith.addi %mul3A_9, %add3A_114 : i32
    %dma_start3A_116 = arith.constant 0 : i32
    %dma_start3A_117 = arith.constant 0 : i32
    %dma_start3A_118 = arith.constant 0 : i32
    %dma_start3A_119 = tpu.memref_slice %arg9[%dma_start3A_116, %dma_start3A_117, %dma_start3A_118] : memref<4x50x128xbf16, #tpu.memory_space<vmem>> -> memref<1x50x128xbf16, #tpu.memory_space<vmem>>
    %dma_start3A_120 = tpu.memref_squeeze %dma_start3A_119 : memref<1x50x128xbf16, #tpu.memory_space<vmem>> -> memref<50x128xbf16, #tpu.memory_space<vmem>>
    %dma_start3A_121 = arith.constant 0 : i32
    %dma_start3A_122 = tpu.memref_slice %arg6[%add3A_115, %dma_start3A_121] : memref<10000x128xbf16, #tpu.memory_space<vmem_shared>> -> memref<50x128xbf16, #tpu.memory_space<vmem_shared>>
    %dma_start3A_123 = arith.constant 0 : i32
    %dma_start3A_124 = tpu.memref_slice %arg6[%add3A_115, %dma_start3A_123] : memref<10000x128xbf16, #tpu.memory_space<vmem_shared>> -> memref<50x128xbf16, #tpu.memory_space<vmem_shared>>
    %dma_start3A_125 = arith.constant 0 : i32
    %dma_start3A_126 = arith.constant 0 : i32
    %dma_start3A_127 = tpu.memref_slice %arg9[%dma_start3A_116, %dma_start3A_125, %dma_start3A_126] : memref<4x50x128xbf16, #tpu.memory_space<vmem>> -> memref<1x50x128xbf16, #tpu.memory_space<vmem>>
    %dma_start3A_128 = tpu.memref_squeeze %dma_start3A_127 : memref<1x50x128xbf16, #tpu.memory_space<vmem>> -> memref<50x128xbf16, #tpu.memory_space<vmem>>
    tpu.enqueue_dma source(%dma_start3A_128 : memref<50x128xbf16, #tpu.memory_space<vmem>>) target(%dma_start3A_124 : memref<50x128xbf16, #tpu.memory_space<vmem_shared>>) target_semaphore(%arg14 : memref<!tpu.dma_semaphore, #tpu.memory_space<semaphore_mem>>)
    %add3A_129 = arith.constant 400 : i32
    %add3A_130 = arith.addi %mul3A_9, %add3A_129 : i32
    %dma_start3A_131 = arith.constant 0 : i32
    %dma_start3A_132 = arith.constant 0 : i32
    %dma_start3A_133 = arith.constant 0 : i32
    %dma_start3A_134 = tpu.memref_slice %arg9[%dma_start3A_131, %dma_start3A_132, %dma_start3A_133] : memref<4x50x128xbf16, #tpu.memory_space<vmem>> -> memref<1x50x128xbf16, #tpu.memory_space<vmem>>
    %dma_start3A_135 = tpu.memref_squeeze %dma_start3A_134 : memref<1x50x128xbf16, #tpu.memory_space<vmem>> -> memref<50x128xbf16, #tpu.memory_space<vmem>>
    %dma_start3A_136 = arith.constant 0 : i32
    %dma_start3A_137 = tpu.memref_slice %arg6[%add3A_130, %dma_start3A_136] : memref<10000x128xbf16, #tpu.memory_space<vmem_shared>> -> memref<50x128xbf16, #tpu.memory_space<vmem_shared>>
    %dma_start3A_138 = arith.constant 0 : i32
    %dma_start3A_139 = tpu.memref_slice %arg6[%add3A_130, %dma_start3A_138] : memref<10000x128xbf16, #tpu.memory_space<vmem_shared>> -> memref<50x128xbf16, #tpu.memory_space<vmem_shared>>
    %dma_start3A_140 = arith.constant 0 : i32
    %dma_start3A_141 = arith.constant 0 : i32
    %dma_start3A_142 = tpu.memref_slice %arg9[%dma_start3A_131, %dma_start3A_140, %dma_start3A_141] : memref<4x50x128xbf16, #tpu.memory_space<vmem>> -> memref<1x50x128xbf16, #tpu.memory_space<vmem>>
    %dma_start3A_143 = tpu.memref_squeeze %dma_start3A_142 : memref<1x50x128xbf16, #tpu.memory_space<vmem>> -> memref<50x128xbf16, #tpu.memory_space<vmem>>
    tpu.enqueue_dma source(%dma_start3A_143 : memref<50x128xbf16, #tpu.memory_space<vmem>>) target(%dma_start3A_139 : memref<50x128xbf16, #tpu.memory_space<vmem_shared>>) target_semaphore(%arg14 : memref<!tpu.dma_semaphore, #tpu.memory_space<semaphore_mem>>)
    %add3A_144 = arith.constant 450 : i32
    %add3A_145 = arith.addi %mul3A_9, %add3A_144 : i32
    %dma_start3A_146 = arith.constant 0 : i32
    %dma_start3A_147 = arith.constant 0 : i32
    %dma_start3A_148 = arith.constant 0 : i32
    %dma_start3A_149 = tpu.memref_slice %arg9[%dma_start3A_146, %dma_start3A_147, %dma_start3A_148] : memref<4x50x128xbf16, #tpu.memory_space<vmem>> -> memref<1x50x128xbf16, #tpu.memory_space<vmem>>
    %dma_start3A_150 = tpu.memref_squeeze %dma_start3A_149 : memref<1x50x128xbf16, #tpu.memory_space<vmem>> -> memref<50x128xbf16, #tpu.memory_space<vmem>>
    %dma_start3A_151 = arith.constant 0 : i32
    %dma_start3A_152 = tpu.memref_slice %arg6[%add3A_145, %dma_start3A_151] : memref<10000x128xbf16, #tpu.memory_space<vmem_shared>> -> memref<50x128xbf16, #tpu.memory_space<vmem_shared>>
    %dma_start3A_153 = arith.constant 0 : i32
    %dma_start3A_154 = tpu.memref_slice %arg6[%add3A_145, %dma_start3A_153] : memref<10000x128xbf16, #tpu.memory_space<vmem_shared>> -> memref<50x128xbf16, #tpu.memory_space<vmem_shared>>
    %dma_start3A_155 = arith.constant 0 : i32
    %dma_start3A_156 = arith.constant 0 : i32
    %dma_start3A_157 = tpu.memref_slice %arg9[%dma_start3A_146, %dma_start3A_155, %dma_start3A_156] : memref<4x50x128xbf16, #tpu.memory_space<vmem>> -> memref<1x50x128xbf16, #tpu.memory_space<vmem>>
    %dma_start3A_158 = tpu.memref_squeeze %dma_start3A_157 : memref<1x50x128xbf16, #tpu.memory_space<vmem>> -> memref<50x128xbf16, #tpu.memory_space<vmem>>
    tpu.enqueue_dma source(%dma_start3A_158 : memref<50x128xbf16, #tpu.memory_space<vmem>>) target(%dma_start3A_154 : memref<50x128xbf16, #tpu.memory_space<vmem_shared>>) target_semaphore(%arg14 : memref<!tpu.dma_semaphore, #tpu.memory_space<semaphore_mem>>)
    %add3A_159 = arith.constant 500 : i32
    %add3A_160 = arith.addi %mul3A_9, %add3A_159 : i32
    %dma_start3A_161 = arith.constant 0 : i32
    %dma_start3A_162 = arith.constant 0 : i32
    %dma_start3A_163 = arith.constant 0 : i32
    %dma_start3A_164 = tpu.memref_slice %arg9[%dma_start3A_161, %dma_start3A_162, %dma_start3A_163] : memref<4x50x128xbf16, #tpu.memory_space<vmem>> -> memref<1x50x128xbf16, #tpu.memory_space<vmem>>
    %dma_start3A_165 = tpu.memref_squeeze %dma_start3A_164 : memref<1x50x128xbf16, #tpu.memory_space<vmem>> -> memref<50x128xbf16, #tpu.memory_space<vmem>>
    %dma_start3A_166 = arith.constant 0 : i32
    %dma_start3A_167 = tpu.memref_slice %arg6[%add3A_160, %dma_start3A_166] : memref<10000x128xbf16, #tpu.memory_space<vmem_shared>> -> memref<50x128xbf16, #tpu.memory_space<vmem_shared>>
    %dma_start3A_168 = arith.constant 0 : i32
    %dma_start3A_169 = tpu.memref_slice %arg6[%add3A_160, %dma_start3A_168] : memref<10000x128xbf16, #tpu.memory_space<vmem_shared>> -> memref<50x128xbf16, #tpu.memory_space<vmem_shared>>
    %dma_start3A_170 = arith.constant 0 : i32
    %dma_start3A_171 = arith.constant 0 : i32
    %dma_start3A_172 = tpu.memref_slice %arg9[%dma_start3A_161, %dma_start3A_170, %dma_start3A_171] : memref<4x50x128xbf16, #tpu.memory_space<vmem>> -> memref<1x50x128xbf16, #tpu.memory_space<vmem>>
    %dma_start3A_173 = tpu.memref_squeeze %dma_start3A_172 : memref<1x50x128xbf16, #tpu.memory_space<vmem>> -> memref<50x128xbf16, #tpu.memory_space<vmem>>
    tpu.enqueue_dma source(%dma_start3A_173 : memref<50x128xbf16, #tpu.memory_space<vmem>>) target(%dma_start3A_169 : memref<50x128xbf16, #tpu.memory_space<vmem_shared>>) target_semaphore(%arg14 : memref<!tpu.dma_semaphore, #tpu.memory_space<semaphore_mem>>)
    %add3A_174 = arith.constant 550 : i32
    %add3A_175 = arith.addi %mul3A_9, %add3A_174 : i32
    %dma_start3A_176 = arith.constant 0 : i32
    %dma_start3A_177 = arith.constant 0 : i32
    %dma_start3A_178 = arith.constant 0 : i32
    %dma_start3A_179 = tpu.memref_slice %arg9[%dma_start3A_176, %dma_start3A_177, %dma_start3A_178] : memref<4x50x128xbf16, #tpu.memory_space<vmem>> -> memref<1x50x128xbf16, #tpu.memory_space<vmem>>
    %dma_start3A_180 = tpu.memref_squeeze %dma_start3A_179 : memref<1x50x128xbf16, #tpu.memory_space<vmem>> -> memref<50x128xbf16, #tpu.memory_space<vmem>>
    %dma_start3A_181 = arith.constant 0 : i32
    %dma_start3A_182 = tpu.memref_slice %arg6[%add3A_175, %dma_start3A_181] : memref<10000x128xbf16, #tpu.memory_space<vmem_shared>> -> memref<50x128xbf16, #tpu.memory_space<vmem_shared>>
    %dma_start3A_183 = arith.constant 0 : i32
    %dma_start3A_184 = tpu.memref_slice %arg6[%add3A_175, %dma_start3A_183] : memref<10000x128xbf16, #tpu.memory_space<vmem_shared>> -> memref<50x128xbf16, #tpu.memory_space<vmem_shared>>
    %dma_start3A_185 = arith.constant 0 : i32
    %dma_start3A_186 = arith.constant 0 : i32
    %dma_start3A_187 = tpu.memref_slice %arg9[%dma_start3A_176, %dma_start3A_185, %dma_start3A_186] : memref<4x50x128xbf16, #tpu.memory_space<vmem>> -> memref<1x50x128xbf16, #tpu.memory_space<vmem>>
    %dma_start3A_188 = tpu.memref_squeeze %dma_start3A_187 : memref<1x50x128xbf16, #tpu.memory_space<vmem>> -> memref<50x128xbf16, #tpu.memory_space<vmem>>
    tpu.enqueue_dma source(%dma_start3A_188 : memref<50x128xbf16, #tpu.memory_space<vmem>>) target(%dma_start3A_184 : memref<50x128xbf16, #tpu.memory_space<vmem_shared>>) target_semaphore(%arg14 : memref<!tpu.dma_semaphore, #tpu.memory_space<semaphore_mem>>)
    %add3A_189 = arith.constant 625 : i32
    %add3A_190 = arith.addi %mul3A_9, %add3A_189 : i32
    %sub3A = arith.constant 25 : i32
    %sub3A_191 = arith.subi %add3A_190, %sub3A : i32
    %dma_start3A_192 = arith.constant 0 : i32
    %dma_start3A_193 = arith.constant 0 : i32
    %dma_start3A_194 = arith.constant 0 : i32
    %dma_start3A_195 = tpu.memref_slice %arg9[%dma_start3A_192, %dma_start3A_193, %dma_start3A_194] : memref<4x50x128xbf16, #tpu.memory_space<vmem>> -> memref<1x50x128xbf16, #tpu.memory_space<vmem>>
    %dma_start3A_196 = tpu.memref_squeeze %dma_start3A_195 : memref<1x50x128xbf16, #tpu.memory_space<vmem>> -> memref<50x128xbf16, #tpu.memory_space<vmem>>
    %dma_start3A_197 = arith.constant 0 : i32
    %dma_start3A_198 = arith.constant 0 : i32
    %dma_start3A_199 = tpu.memref_slice %dma_start3A_196[%dma_start3A_197, %dma_start3A_198] : memref<50x128xbf16, #tpu.memory_space<vmem>> -> memref<25x128xbf16, #tpu.memory_space<vmem>>
    %dma_start3A_200 = arith.constant 0 : i32
    %dma_start3A_201 = tpu.memref_slice %arg6[%sub3A_191, %dma_start3A_200] : memref<10000x128xbf16, #tpu.memory_space<vmem_shared>> -> memref<25x128xbf16, #tpu.memory_space<vmem_shared>>
    %dma_start3A_202 = arith.constant 0 : i32
    %dma_start3A_203 = tpu.memref_slice %arg6[%sub3A_191, %dma_start3A_202] : memref<10000x128xbf16, #tpu.memory_space<vmem_shared>> -> memref<25x128xbf16, #tpu.memory_space<vmem_shared>>
    %dma_start3A_204 = arith.constant 0 : i32
    %dma_start3A_205 = arith.constant 0 : i32
    %dma_start3A_206 = tpu.memref_slice %arg9[%dma_start3A_192, %dma_start3A_204, %dma_start3A_205] : memref<4x50x128xbf16, #tpu.memory_space<vmem>> -> memref<1x50x128xbf16, #tpu.memory_space<vmem>>
    %dma_start3A_207 = tpu.memref_squeeze %dma_start3A_206 : memref<1x50x128xbf16, #tpu.memory_space<vmem>> -> memref<50x128xbf16, #tpu.memory_space<vmem>>
    %dma_start3A_208 = arith.constant 0 : i32
    %dma_start3A_209 = arith.constant 0 : i32
    %dma_start3A_210 = tpu.memref_slice %dma_start3A_207[%dma_start3A_208, %dma_start3A_209] : memref<50x128xbf16, #tpu.memory_space<vmem>> -> memref<25x128xbf16, #tpu.memory_space<vmem>>
    tpu.enqueue_dma source(%dma_start3A_210 : memref<25x128xbf16, #tpu.memory_space<vmem>>) target(%dma_start3A_203 : memref<25x128xbf16, #tpu.memory_space<vmem_shared>>) target_semaphore(%arg15 : memref<!tpu.dma_semaphore, #tpu.memory_space<semaphore_mem>>)
    %mul3A_211 = arith.constant 200 : i32
    %mul3A_212 = arith.muli %add3A, %mul3A_211 : i32
    "tpu.region"() ({
      %run_scoped3A = tpu.sem_alloc : memref<!tpu.dma_semaphore, #tpu.memory_space<semaphore_mem>>
      %dma_start3A_596 = arith.constant 0 : i32
      %dma_start3A_597 = tpu.memref_slice %arg3[%mul3A_212, %dma_start3A_596] : memref<6400x50xi32, #tpu.memory_space<hbm>> -> memref<200x50xi32, #tpu.memory_space<hbm>>
      %dma_start3A_598 = arith.constant 0 : i32
      %dma_start3A_599 = tpu.memref_slice %arg3[%mul3A_212, %dma_start3A_598] : memref<6400x50xi32, #tpu.memory_space<hbm>> -> memref<200x50xi32, #tpu.memory_space<hbm>>
      tpu.enqueue_dma source(%dma_start3A_599 : memref<200x50xi32, #tpu.memory_space<hbm>>) target(%arg7 : memref<200x50xi32, #tpu.memory_space<vmem>>) target_semaphore(%run_scoped3A : memref<!tpu.dma_semaphore, #tpu.memory_space<semaphore_mem>>)
      %dma_wait3A_600 = arith.constant 0 : i32
      %dma_wait3A_601 = tpu.memref_slice %arg3[%mul3A_212, %dma_wait3A_600] : memref<6400x50xi32, #tpu.memory_space<hbm>> -> memref<200x50xi32, #tpu.memory_space<hbm>>
      %dma_wait3A_602 = arith.constant 0 : i32
      %dma_wait3A_603 = tpu.memref_slice %arg3[%mul3A_212, %dma_wait3A_602] : memref<6400x50xi32, #tpu.memory_space<hbm>> -> memref<200x50xi32, #tpu.memory_space<hbm>>
      tpu.wait_dma2 semaphore(%run_scoped3A : memref<!tpu.dma_semaphore, #tpu.memory_space<semaphore_mem>>) src(%dma_wait3A_603 : memref<200x50xi32, #tpu.memory_space<hbm>>) dst(%arg7 : memref<200x50xi32, #tpu.memory_space<vmem>>)
      tpu.yield
    }) : () -> ()
    %mul3A_213 = arith.constant 200 : i32
    %mul3A_214 = arith.muli %add3A, %mul3A_213 : i32
    "tpu.region"() ({
      %run_scoped3A = tpu.sem_alloc : memref<!tpu.dma_semaphore, #tpu.memory_space<semaphore_mem>>
      %dma_start3A_596 = arith.constant 0 : i32
      %dma_start3A_597 = tpu.memref_slice %arg4[%mul3A_214, %dma_start3A_596] : memref<6400x50xi32, #tpu.memory_space<hbm>> -> memref<200x50xi32, #tpu.memory_space<hbm>>
      %dma_start3A_598 = arith.constant 0 : i32
      %dma_start3A_599 = tpu.memref_slice %arg4[%mul3A_214, %dma_start3A_598] : memref<6400x50xi32, #tpu.memory_space<hbm>> -> memref<200x50xi32, #tpu.memory_space<hbm>>
      tpu.enqueue_dma source(%dma_start3A_599 : memref<200x50xi32, #tpu.memory_space<hbm>>) target(%arg8 : memref<200x50xi32, #tpu.memory_space<vmem>>) target_semaphore(%run_scoped3A : memref<!tpu.dma_semaphore, #tpu.memory_space<semaphore_mem>>)
      %dma_wait3A_600 = arith.constant 0 : i32
      %dma_wait3A_601 = tpu.memref_slice %arg4[%mul3A_214, %dma_wait3A_600] : memref<6400x50xi32, #tpu.memory_space<hbm>> -> memref<200x50xi32, #tpu.memory_space<hbm>>
      %dma_wait3A_602 = arith.constant 0 : i32
      %dma_wait3A_603 = tpu.memref_slice %arg4[%mul3A_214, %dma_wait3A_602] : memref<6400x50xi32, #tpu.memory_space<hbm>> -> memref<200x50xi32, #tpu.memory_space<hbm>>
      tpu.wait_dma2 semaphore(%run_scoped3A : memref<!tpu.dma_semaphore, #tpu.memory_space<semaphore_mem>>) src(%dma_wait3A_603 : memref<200x50xi32, #tpu.memory_space<hbm>>) dst(%arg8 : memref<200x50xi32, #tpu.memory_space<vmem>>)
      tpu.yield
    }) : () -> ()
    %dma_wait3A = arith.constant 0 : i32
    %dma_wait3A_215 = arith.constant 0 : i32
    %dma_wait3A_216 = arith.constant 0 : i32
    %dma_wait3A_217 = tpu.memref_slice %arg9[%dma_wait3A, %dma_wait3A_215, %dma_wait3A_216] : memref<4x50x128xbf16, #tpu.memory_space<vmem>> -> memref<1x50x128xbf16, #tpu.memory_space<vmem>>
    %dma_wait3A_218 = tpu.memref_squeeze %dma_wait3A_217 : memref<1x50x128xbf16, #tpu.memory_space<vmem>> -> memref<50x128xbf16, #tpu.memory_space<vmem>>
    %dma_wait3A_219 = arith.constant 0 : i32
    %dma_wait3A_220 = tpu.memref_slice %arg6[%mul3A_9, %dma_wait3A_219] : memref<10000x128xbf16, #tpu.memory_space<vmem_shared>> -> memref<50x128xbf16, #tpu.memory_space<vmem_shared>>
    %dma_wait3A_221 = arith.constant 0 : i32
    %dma_wait3A_222 = tpu.memref_slice %arg6[%mul3A_9, %dma_wait3A_221] : memref<10000x128xbf16, #tpu.memory_space<vmem_shared>> -> memref<50x128xbf16, #tpu.memory_space<vmem_shared>>
    %dma_wait3A_223 = arith.constant 0 : i32
    %dma_wait3A_224 = arith.constant 0 : i32
    %dma_wait3A_225 = tpu.memref_slice %arg9[%dma_wait3A, %dma_wait3A_223, %dma_wait3A_224] : memref<4x50x128xbf16, #tpu.memory_space<vmem>> -> memref<1x50x128xbf16, #tpu.memory_space<vmem>>
    %dma_wait3A_226 = tpu.memref_squeeze %dma_wait3A_225 : memref<1x50x128xbf16, #tpu.memory_space<vmem>> -> memref<50x128xbf16, #tpu.memory_space<vmem>>
    tpu.wait_dma2 semaphore(%arg14 : memref<!tpu.dma_semaphore, #tpu.memory_space<semaphore_mem>>) src(%dma_wait3A_226 : memref<50x128xbf16, #tpu.memory_space<vmem>>) dst(%dma_wait3A_222 : memref<50x128xbf16, #tpu.memory_space<vmem_shared>>)
    %dma_wait3A_227 = arith.constant 0 : i32
    %dma_wait3A_228 = arith.constant 0 : i32
    %dma_wait3A_229 = arith.constant 0 : i32
    %dma_wait3A_230 = tpu.memref_slice %arg9[%dma_wait3A_227, %dma_wait3A_228, %dma_wait3A_229] : memref<4x50x128xbf16, #tpu.memory_space<vmem>> -> memref<1x50x128xbf16, #tpu.memory_space<vmem>>
    %dma_wait3A_231 = tpu.memref_squeeze %dma_wait3A_230 : memref<1x50x128xbf16, #tpu.memory_space<vmem>> -> memref<50x128xbf16, #tpu.memory_space<vmem>>
    %dma_wait3A_232 = arith.constant 0 : i32
    %dma_wait3A_233 = tpu.memref_slice %arg6[%mul3A_9, %dma_wait3A_232] : memref<10000x128xbf16, #tpu.memory_space<vmem_shared>> -> memref<50x128xbf16, #tpu.memory_space<vmem_shared>>
    %dma_wait3A_234 = arith.constant 0 : i32
    %dma_wait3A_235 = tpu.memref_slice %arg6[%mul3A_9, %dma_wait3A_234] : memref<10000x128xbf16, #tpu.memory_space<vmem_shared>> -> memref<50x128xbf16, #tpu.memory_space<vmem_shared>>
    %dma_wait3A_236 = arith.constant 0 : i32
    %dma_wait3A_237 = arith.constant 0 : i32
    %dma_wait3A_238 = tpu.memref_slice %arg9[%dma_wait3A_227, %dma_wait3A_236, %dma_wait3A_237] : memref<4x50x128xbf16, #tpu.memory_space<vmem>> -> memref<1x50x128xbf16, #tpu.memory_space<vmem>>
    %dma_wait3A_239 = tpu.memref_squeeze %dma_wait3A_238 : memref<1x50x128xbf16, #tpu.memory_space<vmem>> -> memref<50x128xbf16, #tpu.memory_space<vmem>>
    tpu.wait_dma2 semaphore(%arg14 : memref<!tpu.dma_semaphore, #tpu.memory_space<semaphore_mem>>) src(%dma_wait3A_239 : memref<50x128xbf16, #tpu.memory_space<vmem>>) dst(%dma_wait3A_235 : memref<50x128xbf16, #tpu.memory_space<vmem_shared>>)
    %dma_wait3A_240 = arith.constant 0 : i32
    %dma_wait3A_241 = arith.constant 0 : i32
    %dma_wait3A_242 = arith.constant 0 : i32
    %dma_wait3A_243 = tpu.memref_slice %arg9[%dma_wait3A_240, %dma_wait3A_241, %dma_wait3A_242] : memref<4x50x128xbf16, #tpu.memory_space<vmem>> -> memref<1x50x128xbf16, #tpu.memory_space<vmem>>
    %dma_wait3A_244 = tpu.memref_squeeze %dma_wait3A_243 : memref<1x50x128xbf16, #tpu.memory_space<vmem>> -> memref<50x128xbf16, #tpu.memory_space<vmem>>
    %dma_wait3A_245 = arith.constant 0 : i32
    %dma_wait3A_246 = tpu.memref_slice %arg6[%mul3A_9, %dma_wait3A_245] : memref<10000x128xbf16, #tpu.memory_space<vmem_shared>> -> memref<50x128xbf16, #tpu.memory_space<vmem_shared>>
    %dma_wait3A_247 = arith.constant 0 : i32
    %dma_wait3A_248 = tpu.memref_slice %arg6[%mul3A_9, %dma_wait3A_247] : memref<10000x128xbf16, #tpu.memory_space<vmem_shared>> -> memref<50x128xbf16, #tpu.memory_space<vmem_shared>>
    %dma_wait3A_249 = arith.constant 0 : i32
    %dma_wait3A_250 = arith.constant 0 : i32
    %dma_wait3A_251 = tpu.memref_slice %arg9[%dma_wait3A_240, %dma_wait3A_249, %dma_wait3A_250] : memref<4x50x128xbf16, #tpu.memory_space<vmem>> -> memref<1x50x128xbf16, #tpu.memory_space<vmem>>
    %dma_wait3A_252 = tpu.memref_squeeze %dma_wait3A_251 : memref<1x50x128xbf16, #tpu.memory_space<vmem>> -> memref<50x128xbf16, #tpu.memory_space<vmem>>
    tpu.wait_dma2 semaphore(%arg14 : memref<!tpu.dma_semaphore, #tpu.memory_space<semaphore_mem>>) src(%dma_wait3A_252 : memref<50x128xbf16, #tpu.memory_space<vmem>>) dst(%dma_wait3A_248 : memref<50x128xbf16, #tpu.memory_space<vmem_shared>>)
    %dma_wait3A_253 = arith.constant 0 : i32
    %dma_wait3A_254 = arith.constant 0 : i32
    %dma_wait3A_255 = arith.constant 0 : i32
    %dma_wait3A_256 = tpu.memref_slice %arg9[%dma_wait3A_253, %dma_wait3A_254, %dma_wait3A_255] : memref<4x50x128xbf16, #tpu.memory_space<vmem>> -> memref<1x50x128xbf16, #tpu.memory_space<vmem>>
    %dma_wait3A_257 = tpu.memref_squeeze %dma_wait3A_256 : memref<1x50x128xbf16, #tpu.memory_space<vmem>> -> memref<50x128xbf16, #tpu.memory_space<vmem>>
    %dma_wait3A_258 = arith.constant 0 : i32
    %dma_wait3A_259 = tpu.memref_slice %arg6[%mul3A_9, %dma_wait3A_258] : memref<10000x128xbf16, #tpu.memory_space<vmem_shared>> -> memref<50x128xbf16, #tpu.memory_space<vmem_shared>>
    %dma_wait3A_260 = arith.constant 0 : i32
    %dma_wait3A_261 = tpu.memref_slice %arg6[%mul3A_9, %dma_wait3A_260] : memref<10000x128xbf16, #tpu.memory_space<vmem_shared>> -> memref<50x128xbf16, #tpu.memory_space<vmem_shared>>
    %dma_wait3A_262 = arith.constant 0 : i32
    %dma_wait3A_263 = arith.constant 0 : i32
    %dma_wait3A_264 = tpu.memref_slice %arg9[%dma_wait3A_253, %dma_wait3A_262, %dma_wait3A_263] : memref<4x50x128xbf16, #tpu.memory_space<vmem>> -> memref<1x50x128xbf16, #tpu.memory_space<vmem>>
    %dma_wait3A_265 = tpu.memref_squeeze %dma_wait3A_264 : memref<1x50x128xbf16, #tpu.memory_space<vmem>> -> memref<50x128xbf16, #tpu.memory_space<vmem>>
    tpu.wait_dma2 semaphore(%arg14 : memref<!tpu.dma_semaphore, #tpu.memory_space<semaphore_mem>>) src(%dma_wait3A_265 : memref<50x128xbf16, #tpu.memory_space<vmem>>) dst(%dma_wait3A_261 : memref<50x128xbf16, #tpu.memory_space<vmem_shared>>)
    %dma_wait3A_266 = arith.constant 0 : i32
    %dma_wait3A_267 = arith.constant 0 : i32
    %dma_wait3A_268 = arith.constant 0 : i32
    %dma_wait3A_269 = tpu.memref_slice %arg9[%dma_wait3A_266, %dma_wait3A_267, %dma_wait3A_268] : memref<4x50x128xbf16, #tpu.memory_space<vmem>> -> memref<1x50x128xbf16, #tpu.memory_space<vmem>>
    %dma_wait3A_270 = tpu.memref_squeeze %dma_wait3A_269 : memref<1x50x128xbf16, #tpu.memory_space<vmem>> -> memref<50x128xbf16, #tpu.memory_space<vmem>>
    %dma_wait3A_271 = arith.constant 0 : i32
    %dma_wait3A_272 = tpu.memref_slice %arg6[%mul3A_9, %dma_wait3A_271] : memref<10000x128xbf16, #tpu.memory_space<vmem_shared>> -> memref<50x128xbf16, #tpu.memory_space<vmem_shared>>
    %dma_wait3A_273 = arith.constant 0 : i32
    %dma_wait3A_274 = tpu.memref_slice %arg6[%mul3A_9, %dma_wait3A_273] : memref<10000x128xbf16, #tpu.memory_space<vmem_shared>> -> memref<50x128xbf16, #tpu.memory_space<vmem_shared>>
    %dma_wait3A_275 = arith.constant 0 : i32
    %dma_wait3A_276 = arith.constant 0 : i32
    %dma_wait3A_277 = tpu.memref_slice %arg9[%dma_wait3A_266, %dma_wait3A_275, %dma_wait3A_276] : memref<4x50x128xbf16, #tpu.memory_space<vmem>> -> memref<1x50x128xbf16, #tpu.memory_space<vmem>>
    %dma_wait3A_278 = tpu.memref_squeeze %dma_wait3A_277 : memref<1x50x128xbf16, #tpu.memory_space<vmem>> -> memref<50x128xbf16, #tpu.memory_space<vmem>>
    tpu.wait_dma2 semaphore(%arg14 : memref<!tpu.dma_semaphore, #tpu.memory_space<semaphore_mem>>) src(%dma_wait3A_278 : memref<50x128xbf16, #tpu.memory_space<vmem>>) dst(%dma_wait3A_274 : memref<50x128xbf16, #tpu.memory_space<vmem_shared>>)
    %dma_wait3A_279 = arith.constant 0 : i32
    %dma_wait3A_280 = arith.constant 0 : i32
    %dma_wait3A_281 = arith.constant 0 : i32
    %dma_wait3A_282 = tpu.memref_slice %arg9[%dma_wait3A_279, %dma_wait3A_280, %dma_wait3A_281] : memref<4x50x128xbf16, #tpu.memory_space<vmem>> -> memref<1x50x128xbf16, #tpu.memory_space<vmem>>
    %dma_wait3A_283 = tpu.memref_squeeze %dma_wait3A_282 : memref<1x50x128xbf16, #tpu.memory_space<vmem>> -> memref<50x128xbf16, #tpu.memory_space<vmem>>
    %dma_wait3A_284 = arith.constant 0 : i32
    %dma_wait3A_285 = tpu.memref_slice %arg6[%mul3A_9, %dma_wait3A_284] : memref<10000x128xbf16, #tpu.memory_space<vmem_shared>> -> memref<50x128xbf16, #tpu.memory_space<vmem_shared>>
    %dma_wait3A_286 = arith.constant 0 : i32
    %dma_wait3A_287 = tpu.memref_slice %arg6[%mul3A_9, %dma_wait3A_286] : memref<10000x128xbf16, #tpu.memory_space<vmem_shared>> -> memref<50x128xbf16, #tpu.memory_space<vmem_shared>>
    %dma_wait3A_288 = arith.constant 0 : i32
    %dma_wait3A_289 = arith.constant 0 : i32
    %dma_wait3A_290 = tpu.memref_slice %arg9[%dma_wait3A_279, %dma_wait3A_288, %dma_wait3A_289] : memref<4x50x128xbf16, #tpu.memory_space<vmem>> -> memref<1x50x128xbf16, #tpu.memory_space<vmem>>
    %dma_wait3A_291 = tpu.memref_squeeze %dma_wait3A_290 : memref<1x50x128xbf16, #tpu.memory_space<vmem>> -> memref<50x128xbf16, #tpu.memory_space<vmem>>
    tpu.wait_dma2 semaphore(%arg14 : memref<!tpu.dma_semaphore, #tpu.memory_space<semaphore_mem>>) src(%dma_wait3A_291 : memref<50x128xbf16, #tpu.memory_space<vmem>>) dst(%dma_wait3A_287 : memref<50x128xbf16, #tpu.memory_space<vmem_shared>>)
    %dma_wait3A_292 = arith.constant 0 : i32
    %dma_wait3A_293 = arith.constant 0 : i32
    %dma_wait3A_294 = arith.constant 0 : i32
    %dma_wait3A_295 = tpu.memref_slice %arg9[%dma_wait3A_292, %dma_wait3A_293, %dma_wait3A_294] : memref<4x50x128xbf16, #tpu.memory_space<vmem>> -> memref<1x50x128xbf16, #tpu.memory_space<vmem>>
    %dma_wait3A_296 = tpu.memref_squeeze %dma_wait3A_295 : memref<1x50x128xbf16, #tpu.memory_space<vmem>> -> memref<50x128xbf16, #tpu.memory_space<vmem>>
    %dma_wait3A_297 = arith.constant 0 : i32
    %dma_wait3A_298 = tpu.memref_slice %arg6[%mul3A_9, %dma_wait3A_297] : memref<10000x128xbf16, #tpu.memory_space<vmem_shared>> -> memref<50x128xbf16, #tpu.memory_space<vmem_shared>>
    %dma_wait3A_299 = arith.constant 0 : i32
    %dma_wait3A_300 = tpu.memref_slice %arg6[%mul3A_9, %dma_wait3A_299] : memref<10000x128xbf16, #tpu.memory_space<vmem_shared>> -> memref<50x128xbf16, #tpu.memory_space<vmem_shared>>
    %dma_wait3A_301 = arith.constant 0 : i32
    %dma_wait3A_302 = arith.constant 0 : i32
    %dma_wait3A_303 = tpu.memref_slice %arg9[%dma_wait3A_292, %dma_wait3A_301, %dma_wait3A_302] : memref<4x50x128xbf16, #tpu.memory_space<vmem>> -> memref<1x50x128xbf16, #tpu.memory_space<vmem>>
    %dma_wait3A_304 = tpu.memref_squeeze %dma_wait3A_303 : memref<1x50x128xbf16, #tpu.memory_space<vmem>> -> memref<50x128xbf16, #tpu.memory_space<vmem>>
    tpu.wait_dma2 semaphore(%arg14 : memref<!tpu.dma_semaphore, #tpu.memory_space<semaphore_mem>>) src(%dma_wait3A_304 : memref<50x128xbf16, #tpu.memory_space<vmem>>) dst(%dma_wait3A_300 : memref<50x128xbf16, #tpu.memory_space<vmem_shared>>)
    %dma_wait3A_305 = arith.constant 0 : i32
    %dma_wait3A_306 = arith.constant 0 : i32
    %dma_wait3A_307 = arith.constant 0 : i32
    %dma_wait3A_308 = tpu.memref_slice %arg9[%dma_wait3A_305, %dma_wait3A_306, %dma_wait3A_307] : memref<4x50x128xbf16, #tpu.memory_space<vmem>> -> memref<1x50x128xbf16, #tpu.memory_space<vmem>>
    %dma_wait3A_309 = tpu.memref_squeeze %dma_wait3A_308 : memref<1x50x128xbf16, #tpu.memory_space<vmem>> -> memref<50x128xbf16, #tpu.memory_space<vmem>>
    %dma_wait3A_310 = arith.constant 0 : i32
    %dma_wait3A_311 = tpu.memref_slice %arg6[%mul3A_9, %dma_wait3A_310] : memref<10000x128xbf16, #tpu.memory_space<vmem_shared>> -> memref<50x128xbf16, #tpu.memory_space<vmem_shared>>
    %dma_wait3A_312 = arith.constant 0 : i32
    %dma_wait3A_313 = tpu.memref_slice %arg6[%mul3A_9, %dma_wait3A_312] : memref<10000x128xbf16, #tpu.memory_space<vmem_shared>> -> memref<50x128xbf16, #tpu.memory_space<vmem_shared>>
    %dma_wait3A_314 = arith.constant 0 : i32
    %dma_wait3A_315 = arith.constant 0 : i32
    %dma_wait3A_316 = tpu.memref_slice %arg9[%dma_wait3A_305, %dma_wait3A_314, %dma_wait3A_315] : memref<4x50x128xbf16, #tpu.memory_space<vmem>> -> memref<1x50x128xbf16, #tpu.memory_space<vmem>>
    %dma_wait3A_317 = tpu.memref_squeeze %dma_wait3A_316 : memref<1x50x128xbf16, #tpu.memory_space<vmem>> -> memref<50x128xbf16, #tpu.memory_space<vmem>>
    tpu.wait_dma2 semaphore(%arg14 : memref<!tpu.dma_semaphore, #tpu.memory_space<semaphore_mem>>) src(%dma_wait3A_317 : memref<50x128xbf16, #tpu.memory_space<vmem>>) dst(%dma_wait3A_313 : memref<50x128xbf16, #tpu.memory_space<vmem_shared>>)
    %dma_wait3A_318 = arith.constant 0 : i32
    %dma_wait3A_319 = arith.constant 0 : i32
    %dma_wait3A_320 = arith.constant 0 : i32
    %dma_wait3A_321 = tpu.memref_slice %arg9[%dma_wait3A_318, %dma_wait3A_319, %dma_wait3A_320] : memref<4x50x128xbf16, #tpu.memory_space<vmem>> -> memref<1x50x128xbf16, #tpu.memory_space<vmem>>
    %dma_wait3A_322 = tpu.memref_squeeze %dma_wait3A_321 : memref<1x50x128xbf16, #tpu.memory_space<vmem>> -> memref<50x128xbf16, #tpu.memory_space<vmem>>
    %dma_wait3A_323 = arith.constant 0 : i32
    %dma_wait3A_324 = tpu.memref_slice %arg6[%mul3A_9, %dma_wait3A_323] : memref<10000x128xbf16, #tpu.memory_space<vmem_shared>> -> memref<50x128xbf16, #tpu.memory_space<vmem_shared>>
    %dma_wait3A_325 = arith.constant 0 : i32
    %dma_wait3A_326 = tpu.memref_slice %arg6[%mul3A_9, %dma_wait3A_325] : memref<10000x128xbf16, #tpu.memory_space<vmem_shared>> -> memref<50x128xbf16, #tpu.memory_space<vmem_shared>>
    %dma_wait3A_327 = arith.constant 0 : i32
    %dma_wait3A_328 = arith.constant 0 : i32
    %dma_wait3A_329 = tpu.memref_slice %arg9[%dma_wait3A_318, %dma_wait3A_327, %dma_wait3A_328] : memref<4x50x128xbf16, #tpu.memory_space<vmem>> -> memref<1x50x128xbf16, #tpu.memory_space<vmem>>
    %dma_wait3A_330 = tpu.memref_squeeze %dma_wait3A_329 : memref<1x50x128xbf16, #tpu.memory_space<vmem>> -> memref<50x128xbf16, #tpu.memory_space<vmem>>
    tpu.wait_dma2 semaphore(%arg14 : memref<!tpu.dma_semaphore, #tpu.memory_space<semaphore_mem>>) src(%dma_wait3A_330 : memref<50x128xbf16, #tpu.memory_space<vmem>>) dst(%dma_wait3A_326 : memref<50x128xbf16, #tpu.memory_space<vmem_shared>>)
    %dma_wait3A_331 = arith.constant 0 : i32
    %dma_wait3A_332 = arith.constant 0 : i32
    %dma_wait3A_333 = arith.constant 0 : i32
    %dma_wait3A_334 = tpu.memref_slice %arg9[%dma_wait3A_331, %dma_wait3A_332, %dma_wait3A_333] : memref<4x50x128xbf16, #tpu.memory_space<vmem>> -> memref<1x50x128xbf16, #tpu.memory_space<vmem>>
    %dma_wait3A_335 = tpu.memref_squeeze %dma_wait3A_334 : memref<1x50x128xbf16, #tpu.memory_space<vmem>> -> memref<50x128xbf16, #tpu.memory_space<vmem>>
    %dma_wait3A_336 = arith.constant 0 : i32
    %dma_wait3A_337 = tpu.memref_slice %arg6[%mul3A_9, %dma_wait3A_336] : memref<10000x128xbf16, #tpu.memory_space<vmem_shared>> -> memref<50x128xbf16, #tpu.memory_space<vmem_shared>>
    %dma_wait3A_338 = arith.constant 0 : i32
    %dma_wait3A_339 = tpu.memref_slice %arg6[%mul3A_9, %dma_wait3A_338] : memref<10000x128xbf16, #tpu.memory_space<vmem_shared>> -> memref<50x128xbf16, #tpu.memory_space<vmem_shared>>
    %dma_wait3A_340 = arith.constant 0 : i32
    %dma_wait3A_341 = arith.constant 0 : i32
    %dma_wait3A_342 = tpu.memref_slice %arg9[%dma_wait3A_331, %dma_wait3A_340, %dma_wait3A_341] : memref<4x50x128xbf16, #tpu.memory_space<vmem>> -> memref<1x50x128xbf16, #tpu.memory_space<vmem>>
    %dma_wait3A_343 = tpu.memref_squeeze %dma_wait3A_342 : memref<1x50x128xbf16, #tpu.memory_space<vmem>> -> memref<50x128xbf16, #tpu.memory_space<vmem>>
    tpu.wait_dma2 semaphore(%arg14 : memref<!tpu.dma_semaphore, #tpu.memory_space<semaphore_mem>>) src(%dma_wait3A_343 : memref<50x128xbf16, #tpu.memory_space<vmem>>) dst(%dma_wait3A_339 : memref<50x128xbf16, #tpu.memory_space<vmem_shared>>)
    %dma_wait3A_344 = arith.constant 0 : i32
    %dma_wait3A_345 = arith.constant 0 : i32
    %dma_wait3A_346 = arith.constant 0 : i32
    %dma_wait3A_347 = tpu.memref_slice %arg9[%dma_wait3A_344, %dma_wait3A_345, %dma_wait3A_346] : memref<4x50x128xbf16, #tpu.memory_space<vmem>> -> memref<1x50x128xbf16, #tpu.memory_space<vmem>>
    %dma_wait3A_348 = tpu.memref_squeeze %dma_wait3A_347 : memref<1x50x128xbf16, #tpu.memory_space<vmem>> -> memref<50x128xbf16, #tpu.memory_space<vmem>>
    %dma_wait3A_349 = arith.constant 0 : i32
    %dma_wait3A_350 = tpu.memref_slice %arg6[%mul3A_9, %dma_wait3A_349] : memref<10000x128xbf16, #tpu.memory_space<vmem_shared>> -> memref<50x128xbf16, #tpu.memory_space<vmem_shared>>
    %dma_wait3A_351 = arith.constant 0 : i32
    %dma_wait3A_352 = tpu.memref_slice %arg6[%mul3A_9, %dma_wait3A_351] : memref<10000x128xbf16, #tpu.memory_space<vmem_shared>> -> memref<50x128xbf16, #tpu.memory_space<vmem_shared>>
    %dma_wait3A_353 = arith.constant 0 : i32
    %dma_wait3A_354 = arith.constant 0 : i32
    %dma_wait3A_355 = tpu.memref_slice %arg9[%dma_wait3A_344, %dma_wait3A_353, %dma_wait3A_354] : memref<4x50x128xbf16, #tpu.memory_space<vmem>> -> memref<1x50x128xbf16, #tpu.memory_space<vmem>>
    %dma_wait3A_356 = tpu.memref_squeeze %dma_wait3A_355 : memref<1x50x128xbf16, #tpu.memory_space<vmem>> -> memref<50x128xbf16, #tpu.memory_space<vmem>>
    tpu.wait_dma2 semaphore(%arg14 : memref<!tpu.dma_semaphore, #tpu.memory_space<semaphore_mem>>) src(%dma_wait3A_356 : memref<50x128xbf16, #tpu.memory_space<vmem>>) dst(%dma_wait3A_352 : memref<50x128xbf16, #tpu.memory_space<vmem_shared>>)
    %dma_wait3A_357 = arith.constant 0 : i32
    %dma_wait3A_358 = arith.constant 0 : i32
    %dma_wait3A_359 = arith.constant 0 : i32
    %dma_wait3A_360 = tpu.memref_slice %arg9[%dma_wait3A_357, %dma_wait3A_358, %dma_wait3A_359] : memref<4x50x128xbf16, #tpu.memory_space<vmem>> -> memref<1x50x128xbf16, #tpu.memory_space<vmem>>
    %dma_wait3A_361 = tpu.memref_squeeze %dma_wait3A_360 : memref<1x50x128xbf16, #tpu.memory_space<vmem>> -> memref<50x128xbf16, #tpu.memory_space<vmem>>
    %dma_wait3A_362 = arith.constant 0 : i32
    %dma_wait3A_363 = tpu.memref_slice %arg6[%mul3A_9, %dma_wait3A_362] : memref<10000x128xbf16, #tpu.memory_space<vmem_shared>> -> memref<50x128xbf16, #tpu.memory_space<vmem_shared>>
    %dma_wait3A_364 = arith.constant 0 : i32
    %dma_wait3A_365 = tpu.memref_slice %arg6[%mul3A_9, %dma_wait3A_364] : memref<10000x128xbf16, #tpu.memory_space<vmem_shared>> -> memref<50x128xbf16, #tpu.memory_space<vmem_shared>>
    %dma_wait3A_366 = arith.constant 0 : i32
    %dma_wait3A_367 = arith.constant 0 : i32
    %dma_wait3A_368 = tpu.memref_slice %arg9[%dma_wait3A_357, %dma_wait3A_366, %dma_wait3A_367] : memref<4x50x128xbf16, #tpu.memory_space<vmem>> -> memref<1x50x128xbf16, #tpu.memory_space<vmem>>
    %dma_wait3A_369 = tpu.memref_squeeze %dma_wait3A_368 : memref<1x50x128xbf16, #tpu.memory_space<vmem>> -> memref<50x128xbf16, #tpu.memory_space<vmem>>
    tpu.wait_dma2 semaphore(%arg14 : memref<!tpu.dma_semaphore, #tpu.memory_space<semaphore_mem>>) src(%dma_wait3A_369 : memref<50x128xbf16, #tpu.memory_space<vmem>>) dst(%dma_wait3A_365 : memref<50x128xbf16, #tpu.memory_space<vmem_shared>>)
    %add3A_370 = arith.constant 625 : i32
    %add3A_371 = arith.addi %mul3A_9, %add3A_370 : i32
    %sub3A_372 = arith.constant 25 : i32
    %sub3A_373 = arith.subi %add3A_371, %sub3A_372 : i32
    %dma_wait3A_374 = arith.constant 0 : i32
    %dma_wait3A_375 = arith.constant 0 : i32
    %dma_wait3A_376 = arith.constant 0 : i32
    %dma_wait3A_377 = tpu.memref_slice %arg9[%dma_wait3A_374, %dma_wait3A_375, %dma_wait3A_376] : memref<4x50x128xbf16, #tpu.memory_space<vmem>> -> memref<1x50x128xbf16, #tpu.memory_space<vmem>>
    %dma_wait3A_378 = tpu.memref_squeeze %dma_wait3A_377 : memref<1x50x128xbf16, #tpu.memory_space<vmem>> -> memref<50x128xbf16, #tpu.memory_space<vmem>>
    %dma_wait3A_379 = arith.constant 0 : i32
    %dma_wait3A_380 = arith.constant 0 : i32
    %dma_wait3A_381 = tpu.memref_slice %dma_wait3A_378[%dma_wait3A_379, %dma_wait3A_380] : memref<50x128xbf16, #tpu.memory_space<vmem>> -> memref<25x128xbf16, #tpu.memory_space<vmem>>
    %dma_wait3A_382 = arith.constant 0 : i32
    %dma_wait3A_383 = tpu.memref_slice %arg6[%sub3A_373, %dma_wait3A_382] : memref<10000x128xbf16, #tpu.memory_space<vmem_shared>> -> memref<25x128xbf16, #tpu.memory_space<vmem_shared>>
    %dma_wait3A_384 = arith.constant 0 : i32
    %dma_wait3A_385 = tpu.memref_slice %arg6[%sub3A_373, %dma_wait3A_384] : memref<10000x128xbf16, #tpu.memory_space<vmem_shared>> -> memref<25x128xbf16, #tpu.memory_space<vmem_shared>>
    %dma_wait3A_386 = arith.constant 0 : i32
    %dma_wait3A_387 = arith.constant 0 : i32
    %dma_wait3A_388 = tpu.memref_slice %arg9[%dma_wait3A_374, %dma_wait3A_386, %dma_wait3A_387] : memref<4x50x128xbf16, #tpu.memory_space<vmem>> -> memref<1x50x128xbf16, #tpu.memory_space<vmem>>
    %dma_wait3A_389 = tpu.memref_squeeze %dma_wait3A_388 : memref<1x50x128xbf16, #tpu.memory_space<vmem>> -> memref<50x128xbf16, #tpu.memory_space<vmem>>
    %dma_wait3A_390 = arith.constant 0 : i32
    %dma_wait3A_391 = arith.constant 0 : i32
    %dma_wait3A_392 = tpu.memref_slice %dma_wait3A_389[%dma_wait3A_390, %dma_wait3A_391] : memref<50x128xbf16, #tpu.memory_space<vmem>> -> memref<25x128xbf16, #tpu.memory_space<vmem>>
    tpu.wait_dma2 semaphore(%arg15 : memref<!tpu.dma_semaphore, #tpu.memory_space<semaphore_mem>>) src(%dma_wait3A_392 : memref<25x128xbf16, #tpu.memory_space<vmem>>) dst(%dma_wait3A_385 : memref<25x128xbf16, #tpu.memory_space<vmem_shared>>)
    %barrier3A = arith.constant 0 : index
    tpu.barrier barrier_id(%barrier3A)
    %dma_start3A_393 = arith.constant 0 : i32
    %dma_start3A_394 = arith.constant 0 : i32
    %dma_start3A_395 = arith.constant 0 : i32
    %dma_start3A_396 = arith.constant 0 : i32
    %dma_start3A_397 = tpu.memref_slice %arg9[%dma_start3A_394, %dma_start3A_395, %dma_start3A_396] : memref<4x50x128xbf16, #tpu.memory_space<vmem>> -> memref<1x50x128xbf16, #tpu.memory_space<vmem>>
    %dma_start3A_398 = tpu.memref_squeeze %dma_start3A_397 : memref<1x50x128xbf16, #tpu.memory_space<vmem>> -> memref<50x128xbf16, #tpu.memory_space<vmem>>
    %dma_start3A_399 = arith.constant 0 : i32
    %dma_start3A_400 = tpu.memref_slice %arg7[%dma_start3A_393, %dma_start3A_399] : memref<200x50xi32, #tpu.memory_space<vmem>> -> memref<1x50xi32, #tpu.memory_space<vmem>>
    %dma_start3A_401 = tpu.memref_squeeze %dma_start3A_400 : memref<1x50xi32, #tpu.memory_space<vmem>> -> memref<50xi32, #tpu.memory_space<vmem>>
    %dma_start3A_402 = arith.constant 0 : i32
    %dma_start3A_403 = arith.constant 0 : i32
    %dma_start3A_404 = tpu.memref_slice %arg2[%dma_start3A_402, %dma_start3A_403] : memref<10000x128xbf16, #tpu.memory_space<hbm>> -> memref<10000x128xbf16, #tpu.memory_space<hbm>>
    tpu.enqueue_indirect_dma source(%dma_start3A_404 : memref<10000x128xbf16, #tpu.memory_space<hbm>>) target(%dma_start3A_398 : memref<50x128xbf16, #tpu.memory_space<vmem>>) offsets(%dma_start3A_401 : memref<50xi32, #tpu.memory_space<vmem>>) semaphore(%arg10 : memref<!tpu.dma_semaphore, #tpu.memory_space<semaphore_mem>>)
    %dma_start3A_405 = arith.constant 1 : i32
    %dma_start3A_406 = arith.constant 1 : i32
    %dma_start3A_407 = arith.constant 0 : i32
    %dma_start3A_408 = arith.constant 0 : i32
    %dma_start3A_409 = tpu.memref_slice %arg9[%dma_start3A_406, %dma_start3A_407, %dma_start3A_408] : memref<4x50x128xbf16, #tpu.memory_space<vmem>> -> memref<1x50x128xbf16, #tpu.memory_space<vmem>>
    %dma_start3A_410 = tpu.memref_squeeze %dma_start3A_409 : memref<1x50x128xbf16, #tpu.memory_space<vmem>> -> memref<50x128xbf16, #tpu.memory_space<vmem>>
    %dma_start3A_411 = arith.constant 0 : i32
    %dma_start3A_412 = tpu.memref_slice %arg7[%dma_start3A_405, %dma_start3A_411] : memref<200x50xi32, #tpu.memory_space<vmem>> -> memref<1x50xi32, #tpu.memory_space<vmem>>
    %dma_start3A_413 = tpu.memref_squeeze %dma_start3A_412 : memref<1x50xi32, #tpu.memory_space<vmem>> -> memref<50xi32, #tpu.memory_space<vmem>>
    %dma_start3A_414 = arith.constant 0 : i32
    %dma_start3A_415 = arith.constant 0 : i32
    %dma_start3A_416 = tpu.memref_slice %arg2[%dma_start3A_414, %dma_start3A_415] : memref<10000x128xbf16, #tpu.memory_space<hbm>> -> memref<10000x128xbf16, #tpu.memory_space<hbm>>
    tpu.enqueue_indirect_dma source(%dma_start3A_416 : memref<10000x128xbf16, #tpu.memory_space<hbm>>) target(%dma_start3A_410 : memref<50x128xbf16, #tpu.memory_space<vmem>>) offsets(%dma_start3A_413 : memref<50xi32, #tpu.memory_space<vmem>>) semaphore(%arg11 : memref<!tpu.dma_semaphore, #tpu.memory_space<semaphore_mem>>)
    %dma_start3A_417 = arith.constant 2 : i32
    %dma_start3A_418 = arith.constant 2 : i32
    %dma_start3A_419 = arith.constant 0 : i32
    %dma_start3A_420 = arith.constant 0 : i32
    %dma_start3A_421 = tpu.memref_slice %arg9[%dma_start3A_418, %dma_start3A_419, %dma_start3A_420] : memref<4x50x128xbf16, #tpu.memory_space<vmem>> -> memref<1x50x128xbf16, #tpu.memory_space<vmem>>
    %dma_start3A_422 = tpu.memref_squeeze %dma_start3A_421 : memref<1x50x128xbf16, #tpu.memory_space<vmem>> -> memref<50x128xbf16, #tpu.memory_space<vmem>>
    %dma_start3A_423 = arith.constant 0 : i32
    %dma_start3A_424 = tpu.memref_slice %arg7[%dma_start3A_417, %dma_start3A_423] : memref<200x50xi32, #tpu.memory_space<vmem>> -> memref<1x50xi32, #tpu.memory_space<vmem>>
    %dma_start3A_425 = tpu.memref_squeeze %dma_start3A_424 : memref<1x50xi32, #tpu.memory_space<vmem>> -> memref<50xi32, #tpu.memory_space<vmem>>
    %dma_start3A_426 = arith.constant 0 : i32
    %dma_start3A_427 = arith.constant 0 : i32
    %dma_start3A_428 = tpu.memref_slice %arg2[%dma_start3A_426, %dma_start3A_427] : memref<10000x128xbf16, #tpu.memory_space<hbm>> -> memref<10000x128xbf16, #tpu.memory_space<hbm>>
    tpu.enqueue_indirect_dma source(%dma_start3A_428 : memref<10000x128xbf16, #tpu.memory_space<hbm>>) target(%dma_start3A_422 : memref<50x128xbf16, #tpu.memory_space<vmem>>) offsets(%dma_start3A_425 : memref<50xi32, #tpu.memory_space<vmem>>) semaphore(%arg12 : memref<!tpu.dma_semaphore, #tpu.memory_space<semaphore_mem>>)
    %dma_start3A_429 = arith.constant 3 : i32
    %dma_start3A_430 = arith.constant 3 : i32
    %dma_start3A_431 = arith.constant 0 : i32
    %dma_start3A_432 = arith.constant 0 : i32
    %dma_start3A_433 = tpu.memref_slice %arg9[%dma_start3A_430, %dma_start3A_431, %dma_start3A_432] : memref<4x50x128xbf16, #tpu.memory_space<vmem>> -> memref<1x50x128xbf16, #tpu.memory_space<vmem>>
    %dma_start3A_434 = tpu.memref_squeeze %dma_start3A_433 : memref<1x50x128xbf16, #tpu.memory_space<vmem>> -> memref<50x128xbf16, #tpu.memory_space<vmem>>
    %dma_start3A_435 = arith.constant 0 : i32
    %dma_start3A_436 = tpu.memref_slice %arg7[%dma_start3A_429, %dma_start3A_435] : memref<200x50xi32, #tpu.memory_space<vmem>> -> memref<1x50xi32, #tpu.memory_space<vmem>>
    %dma_start3A_437 = tpu.memref_squeeze %dma_start3A_436 : memref<1x50xi32, #tpu.memory_space<vmem>> -> memref<50xi32, #tpu.memory_space<vmem>>
    %dma_start3A_438 = arith.constant 0 : i32
    %dma_start3A_439 = arith.constant 0 : i32
    %dma_start3A_440 = tpu.memref_slice %arg2[%dma_start3A_438, %dma_start3A_439] : memref<10000x128xbf16, #tpu.memory_space<hbm>> -> memref<10000x128xbf16, #tpu.memory_space<hbm>>
    tpu.enqueue_indirect_dma source(%dma_start3A_440 : memref<10000x128xbf16, #tpu.memory_space<hbm>>) target(%dma_start3A_434 : memref<50x128xbf16, #tpu.memory_space<vmem>>) offsets(%dma_start3A_437 : memref<50xi32, #tpu.memory_space<vmem>>) semaphore(%arg13 : memref<!tpu.dma_semaphore, #tpu.memory_space<semaphore_mem>>)
    %scan3A_441 = arith.constant 0 : i32
    %scan3A_442 = arith.constant 0 : i32
    %scan3A_443 = arith.constant 1 : i32
    %scan3A_444 = arith.constant 2 : i32
    %scan3A_445 = arith.constant 3 : i32
    %scan3A_446 = arith.constant 0 : i32
    %scan3A_447 = arith.constant 49 : i32
    %scan3A_448 = arith.addi %scan3A_446, %scan3A_447 : i32
    %scan3A_449 = arith.constant 1 : i32
    scf.for %scan3A_596 = %scan3A_446 to %scan3A_448 step %scan3A_449  : i32 {
      %mul3A_597 = arith.constant 4 : i32
      %mul3A_598 = arith.muli %mul3A_597, %scan3A_596 : i32
      %add3A_599 = arith.constant 0 : i32
      %add3A_600 = arith.addi %mul3A_598, %add3A_599 : i32
      %dma_wait3A_601 = arith.constant 0 : i32
      %dma_wait3A_602 = arith.constant 0 : i32
      %dma_wait3A_603 = tpu.memref_slice %arg9[%scan3A_442, %dma_wait3A_601, %dma_wait3A_602] : memref<4x50x128xbf16, #tpu.memory_space<vmem>> -> memref<1x50x128xbf16, #tpu.memory_space<vmem>>
      %dma_wait3A_604 = tpu.memref_squeeze %dma_wait3A_603 : memref<1x50x128xbf16, #tpu.memory_space<vmem>> -> memref<50x128xbf16, #tpu.memory_space<vmem>>
      %dma_wait3A_605 = arith.constant 0 : i32
      %dma_wait3A_606 = tpu.memref_slice %arg7[%add3A_600, %dma_wait3A_605] : memref<200x50xi32, #tpu.memory_space<vmem>> -> memref<1x50xi32, #tpu.memory_space<vmem>>
      %dma_wait3A_607 = tpu.memref_squeeze %dma_wait3A_606 : memref<1x50xi32, #tpu.memory_space<vmem>> -> memref<50xi32, #tpu.memory_space<vmem>>
      %dma_wait3A_608 = arith.constant 0 : i32
      %dma_wait3A_609 = arith.constant 0 : i32
      %dma_wait3A_610 = tpu.memref_slice %arg2[%dma_wait3A_608, %dma_wait3A_609] : memref<10000x128xbf16, #tpu.memory_space<hbm>> -> memref<10000x128xbf16, #tpu.memory_space<hbm>>
      tpu.wait_indirect_dma semaphore(%arg10 : memref<!tpu.dma_semaphore, #tpu.memory_space<semaphore_mem>>) src(%dma_wait3A_610 : memref<10000x128xbf16, #tpu.memory_space<hbm>>) dst(%dma_wait3A_604 : memref<50x128xbf16, #tpu.memory_space<vmem>>)
      %add3A_611 = arith.constant 0 : i32
      %add3A_612 = arith.addi %mul3A_598, %add3A_611 : i32
      %dma_start3A_613 = arith.constant 0 : i32
      %dma_start3A_614 = arith.constant 0 : i32
      %dma_start3A_615 = tpu.memref_slice %arg9[%scan3A_442, %dma_start3A_613, %dma_start3A_614] : memref<4x50x128xbf16, #tpu.memory_space<vmem>> -> memref<1x50x128xbf16, #tpu.memory_space<vmem>>
      %dma_start3A_616 = tpu.memref_squeeze %dma_start3A_615 : memref<1x50x128xbf16, #tpu.memory_space<vmem>> -> memref<50x128xbf16, #tpu.memory_space<vmem>>
      %dma_start3A_617 = arith.constant 0 : i32
      %dma_start3A_618 = tpu.memref_slice %arg8[%add3A_612, %dma_start3A_617] : memref<200x50xi32, #tpu.memory_space<vmem>> -> memref<1x50xi32, #tpu.memory_space<vmem>>
      %dma_start3A_619 = tpu.memref_squeeze %dma_start3A_618 : memref<1x50xi32, #tpu.memory_space<vmem>> -> memref<50xi32, #tpu.memory_space<vmem>>
      %dma_start3A_620 = arith.constant 0 : i32
      %dma_start3A_621 = arith.constant 0 : i32
      %dma_start3A_622 = tpu.memref_slice %arg6[%dma_start3A_620, %dma_start3A_621] : memref<10000x128xbf16, #tpu.memory_space<vmem_shared>> -> memref<10000x128xbf16, #tpu.memory_space<vmem_shared>>
      tpu.enqueue_indirect_dma source(%dma_start3A_616 : memref<50x128xbf16, #tpu.memory_space<vmem>>) target(%dma_start3A_622 : memref<10000x128xbf16, #tpu.memory_space<vmem_shared>>) offsets(%dma_start3A_619 : memref<50xi32, #tpu.memory_space<vmem>>) semaphore(%arg14 : memref<!tpu.dma_semaphore, #tpu.memory_space<semaphore_mem>>) {add = true}
      %add3A_623 = arith.constant 0 : i32
      %add3A_624 = arith.addi %mul3A_598, %add3A_623 : i32
      %dma_wait3A_625 = arith.constant 0 : i32
      %dma_wait3A_626 = arith.constant 0 : i32
      %dma_wait3A_627 = tpu.memref_slice %arg9[%scan3A_442, %dma_wait3A_625, %dma_wait3A_626] : memref<4x50x128xbf16, #tpu.memory_space<vmem>> -> memref<1x50x128xbf16, #tpu.memory_space<vmem>>
      %dma_wait3A_628 = tpu.memref_squeeze %dma_wait3A_627 : memref<1x50x128xbf16, #tpu.memory_space<vmem>> -> memref<50x128xbf16, #tpu.memory_space<vmem>>
      %dma_wait3A_629 = arith.constant 0 : i32
      %dma_wait3A_630 = tpu.memref_slice %arg8[%add3A_624, %dma_wait3A_629] : memref<200x50xi32, #tpu.memory_space<vmem>> -> memref<1x50xi32, #tpu.memory_space<vmem>>
      %dma_wait3A_631 = tpu.memref_squeeze %dma_wait3A_630 : memref<1x50xi32, #tpu.memory_space<vmem>> -> memref<50xi32, #tpu.memory_space<vmem>>
      %dma_wait3A_632 = arith.constant 0 : i32
      %dma_wait3A_633 = arith.constant 0 : i32
      %dma_wait3A_634 = tpu.memref_slice %arg6[%dma_wait3A_632, %dma_wait3A_633] : memref<10000x128xbf16, #tpu.memory_space<vmem_shared>> -> memref<10000x128xbf16, #tpu.memory_space<vmem_shared>>
      tpu.wait_indirect_dma semaphore(%arg14 : memref<!tpu.dma_semaphore, #tpu.memory_space<semaphore_mem>>) src(%dma_wait3A_628 : memref<50x128xbf16, #tpu.memory_space<vmem>>) dst(%dma_wait3A_634 : memref<10000x128xbf16, #tpu.memory_space<vmem_shared>>)
      %add3A_635 = arith.constant 4 : i32
      %add3A_636 = arith.addi %mul3A_598, %add3A_635 : i32
      %add3A_637 = arith.constant 0 : i32
      %add3A_638 = arith.addi %add3A_636, %add3A_637 : i32
      %dma_start3A_639 = arith.constant 0 : i32
      %dma_start3A_640 = arith.constant 0 : i32
      %dma_start3A_641 = tpu.memref_slice %arg9[%scan3A_442, %dma_start3A_639, %dma_start3A_640] : memref<4x50x128xbf16, #tpu.memory_space<vmem>> -> memref<1x50x128xbf16, #tpu.memory_space<vmem>>
      %dma_start3A_642 = tpu.memref_squeeze %dma_start3A_641 : memref<1x50x128xbf16, #tpu.memory_space<vmem>> -> memref<50x128xbf16, #tpu.memory_space<vmem>>
      %dma_start3A_643 = arith.constant 0 : i32
      %dma_start3A_644 = tpu.memref_slice %arg7[%add3A_638, %dma_start3A_643] : memref<200x50xi32, #tpu.memory_space<vmem>> -> memref<1x50xi32, #tpu.memory_space<vmem>>
      %dma_start3A_645 = tpu.memref_squeeze %dma_start3A_644 : memref<1x50xi32, #tpu.memory_space<vmem>> -> memref<50xi32, #tpu.memory_space<vmem>>
      %dma_start3A_646 = arith.constant 0 : i32
      %dma_start3A_647 = arith.constant 0 : i32
      %dma_start3A_648 = tpu.memref_slice %arg2[%dma_start3A_646, %dma_start3A_647] : memref<10000x128xbf16, #tpu.memory_space<hbm>> -> memref<10000x128xbf16, #tpu.memory_space<hbm>>
      tpu.enqueue_indirect_dma source(%dma_start3A_648 : memref<10000x128xbf16, #tpu.memory_space<hbm>>) target(%dma_start3A_642 : memref<50x128xbf16, #tpu.memory_space<vmem>>) offsets(%dma_start3A_645 : memref<50xi32, #tpu.memory_space<vmem>>) semaphore(%arg10 : memref<!tpu.dma_semaphore, #tpu.memory_space<semaphore_mem>>)
      %add3A_649 = arith.constant 1 : i32
      %add3A_650 = arith.addi %mul3A_598, %add3A_649 : i32
      %dma_wait3A_651 = arith.constant 0 : i32
      %dma_wait3A_652 = arith.constant 0 : i32
      %dma_wait3A_653 = tpu.memref_slice %arg9[%scan3A_443, %dma_wait3A_651, %dma_wait3A_652] : memref<4x50x128xbf16, #tpu.memory_space<vmem>> -> memref<1x50x128xbf16, #tpu.memory_space<vmem>>
      %dma_wait3A_654 = tpu.memref_squeeze %dma_wait3A_653 : memref<1x50x128xbf16, #tpu.memory_space<vmem>> -> memref<50x128xbf16, #tpu.memory_space<vmem>>
      %dma_wait3A_655 = arith.constant 0 : i32
      %dma_wait3A_656 = tpu.memref_slice %arg7[%add3A_650, %dma_wait3A_655] : memref<200x50xi32, #tpu.memory_space<vmem>> -> memref<1x50xi32, #tpu.memory_space<vmem>>
      %dma_wait3A_657 = tpu.memref_squeeze %dma_wait3A_656 : memref<1x50xi32, #tpu.memory_space<vmem>> -> memref<50xi32, #tpu.memory_space<vmem>>
      %dma_wait3A_658 = arith.constant 0 : i32
      %dma_wait3A_659 = arith.constant 0 : i32
      %dma_wait3A_660 = tpu.memref_slice %arg2[%dma_wait3A_658, %dma_wait3A_659] : memref<10000x128xbf16, #tpu.memory_space<hbm>> -> memref<10000x128xbf16, #tpu.memory_space<hbm>>
      tpu.wait_indirect_dma semaphore(%arg11 : memref<!tpu.dma_semaphore, #tpu.memory_space<semaphore_mem>>) src(%dma_wait3A_660 : memref<10000x128xbf16, #tpu.memory_space<hbm>>) dst(%dma_wait3A_654 : memref<50x128xbf16, #tpu.memory_space<vmem>>)
      %add3A_661 = arith.constant 1 : i32
      %add3A_662 = arith.addi %mul3A_598, %add3A_661 : i32
      %dma_start3A_663 = arith.constant 0 : i32
      %dma_start3A_664 = arith.constant 0 : i32
      %dma_start3A_665 = tpu.memref_slice %arg9[%scan3A_443, %dma_start3A_663, %dma_start3A_664] : memref<4x50x128xbf16, #tpu.memory_space<vmem>> -> memref<1x50x128xbf16, #tpu.memory_space<vmem>>
      %dma_start3A_666 = tpu.memref_squeeze %dma_start3A_665 : memref<1x50x128xbf16, #tpu.memory_space<vmem>> -> memref<50x128xbf16, #tpu.memory_space<vmem>>
      %dma_start3A_667 = arith.constant 0 : i32
      %dma_start3A_668 = tpu.memref_slice %arg8[%add3A_662, %dma_start3A_667] : memref<200x50xi32, #tpu.memory_space<vmem>> -> memref<1x50xi32, #tpu.memory_space<vmem>>
      %dma_start3A_669 = tpu.memref_squeeze %dma_start3A_668 : memref<1x50xi32, #tpu.memory_space<vmem>> -> memref<50xi32, #tpu.memory_space<vmem>>
      %dma_start3A_670 = arith.constant 0 : i32
      %dma_start3A_671 = arith.constant 0 : i32
      %dma_start3A_672 = tpu.memref_slice %arg6[%dma_start3A_670, %dma_start3A_671] : memref<10000x128xbf16, #tpu.memory_space<vmem_shared>> -> memref<10000x128xbf16, #tpu.memory_space<vmem_shared>>
      tpu.enqueue_indirect_dma source(%dma_start3A_666 : memref<50x128xbf16, #tpu.memory_space<vmem>>) target(%dma_start3A_672 : memref<10000x128xbf16, #tpu.memory_space<vmem_shared>>) offsets(%dma_start3A_669 : memref<50xi32, #tpu.memory_space<vmem>>) semaphore(%arg15 : memref<!tpu.dma_semaphore, #tpu.memory_space<semaphore_mem>>) {add = true}
      %add3A_673 = arith.constant 1 : i32
      %add3A_674 = arith.addi %mul3A_598, %add3A_673 : i32
      %dma_wait3A_675 = arith.constant 0 : i32
      %dma_wait3A_676 = arith.constant 0 : i32
      %dma_wait3A_677 = tpu.memref_slice %arg9[%scan3A_443, %dma_wait3A_675, %dma_wait3A_676] : memref<4x50x128xbf16, #tpu.memory_space<vmem>> -> memref<1x50x128xbf16, #tpu.memory_space<vmem>>
      %dma_wait3A_678 = tpu.memref_squeeze %dma_wait3A_677 : memref<1x50x128xbf16, #tpu.memory_space<vmem>> -> memref<50x128xbf16, #tpu.memory_space<vmem>>
      %dma_wait3A_679 = arith.constant 0 : i32
      %dma_wait3A_680 = tpu.memref_slice %arg8[%add3A_674, %dma_wait3A_679] : memref<200x50xi32, #tpu.memory_space<vmem>> -> memref<1x50xi32, #tpu.memory_space<vmem>>
      %dma_wait3A_681 = tpu.memref_squeeze %dma_wait3A_680 : memref<1x50xi32, #tpu.memory_space<vmem>> -> memref<50xi32, #tpu.memory_space<vmem>>
      %dma_wait3A_682 = arith.constant 0 : i32
      %dma_wait3A_683 = arith.constant 0 : i32
      %dma_wait3A_684 = tpu.memref_slice %arg6[%dma_wait3A_682, %dma_wait3A_683] : memref<10000x128xbf16, #tpu.memory_space<vmem_shared>> -> memref<10000x128xbf16, #tpu.memory_space<vmem_shared>>
      tpu.wait_indirect_dma semaphore(%arg15 : memref<!tpu.dma_semaphore, #tpu.memory_space<semaphore_mem>>) src(%dma_wait3A_678 : memref<50x128xbf16, #tpu.memory_space<vmem>>) dst(%dma_wait3A_684 : memref<10000x128xbf16, #tpu.memory_space<vmem_shared>>)
      %add3A_685 = arith.constant 4 : i32
      %add3A_686 = arith.addi %mul3A_598, %add3A_685 : i32
      %add3A_687 = arith.constant 1 : i32
      %add3A_688 = arith.addi %add3A_686, %add3A_687 : i32
      %dma_start3A_689 = arith.constant 0 : i32
      %dma_start3A_690 = arith.constant 0 : i32
      %dma_start3A_691 = tpu.memref_slice %arg9[%scan3A_443, %dma_start3A_689, %dma_start3A_690] : memref<4x50x128xbf16, #tpu.memory_space<vmem>> -> memref<1x50x128xbf16, #tpu.memory_space<vmem>>
      %dma_start3A_692 = tpu.memref_squeeze %dma_start3A_691 : memref<1x50x128xbf16, #tpu.memory_space<vmem>> -> memref<50x128xbf16, #tpu.memory_space<vmem>>
      %dma_start3A_693 = arith.constant 0 : i32
      %dma_start3A_694 = tpu.memref_slice %arg7[%add3A_688, %dma_start3A_693] : memref<200x50xi32, #tpu.memory_space<vmem>> -> memref<1x50xi32, #tpu.memory_space<vmem>>
      %dma_start3A_695 = tpu.memref_squeeze %dma_start3A_694 : memref<1x50xi32, #tpu.memory_space<vmem>> -> memref<50xi32, #tpu.memory_space<vmem>>
      %dma_start3A_696 = arith.constant 0 : i32
      %dma_start3A_697 = arith.constant 0 : i32
      %dma_start3A_698 = tpu.memref_slice %arg2[%dma_start3A_696, %dma_start3A_697] : memref<10000x128xbf16, #tpu.memory_space<hbm>> -> memref<10000x128xbf16, #tpu.memory_space<hbm>>
      tpu.enqueue_indirect_dma source(%dma_start3A_698 : memref<10000x128xbf16, #tpu.memory_space<hbm>>) target(%dma_start3A_692 : memref<50x128xbf16, #tpu.memory_space<vmem>>) offsets(%dma_start3A_695 : memref<50xi32, #tpu.memory_space<vmem>>) semaphore(%arg11 : memref<!tpu.dma_semaphore, #tpu.memory_space<semaphore_mem>>)
      %add3A_699 = arith.constant 2 : i32
      %add3A_700 = arith.addi %mul3A_598, %add3A_699 : i32
      %dma_wait3A_701 = arith.constant 0 : i32
      %dma_wait3A_702 = arith.constant 0 : i32
      %dma_wait3A_703 = tpu.memref_slice %arg9[%scan3A_444, %dma_wait3A_701, %dma_wait3A_702] : memref<4x50x128xbf16, #tpu.memory_space<vmem>> -> memref<1x50x128xbf16, #tpu.memory_space<vmem>>
      %dma_wait3A_704 = tpu.memref_squeeze %dma_wait3A_703 : memref<1x50x128xbf16, #tpu.memory_space<vmem>> -> memref<50x128xbf16, #tpu.memory_space<vmem>>
      %dma_wait3A_705 = arith.constant 0 : i32
      %dma_wait3A_706 = tpu.memref_slice %arg7[%add3A_700, %dma_wait3A_705] : memref<200x50xi32, #tpu.memory_space<vmem>> -> memref<1x50xi32, #tpu.memory_space<vmem>>
      %dma_wait3A_707 = tpu.memref_squeeze %dma_wait3A_706 : memref<1x50xi32, #tpu.memory_space<vmem>> -> memref<50xi32, #tpu.memory_space<vmem>>
      %dma_wait3A_708 = arith.constant 0 : i32
      %dma_wait3A_709 = arith.constant 0 : i32
      %dma_wait3A_710 = tpu.memref_slice %arg2[%dma_wait3A_708, %dma_wait3A_709] : memref<10000x128xbf16, #tpu.memory_space<hbm>> -> memref<10000x128xbf16, #tpu.memory_space<hbm>>
      tpu.wait_indirect_dma semaphore(%arg12 : memref<!tpu.dma_semaphore, #tpu.memory_space<semaphore_mem>>) src(%dma_wait3A_710 : memref<10000x128xbf16, #tpu.memory_space<hbm>>) dst(%dma_wait3A_704 : memref<50x128xbf16, #tpu.memory_space<vmem>>)
      %add3A_711 = arith.constant 2 : i32
      %add3A_712 = arith.addi %mul3A_598, %add3A_711 : i32
      %dma_start3A_713 = arith.constant 0 : i32
      %dma_start3A_714 = arith.constant 0 : i32
      %dma_start3A_715 = tpu.memref_slice %arg9[%scan3A_444, %dma_start3A_713, %dma_start3A_714] : memref<4x50x128xbf16, #tpu.memory_space<vmem>> -> memref<1x50x128xbf16, #tpu.memory_space<vmem>>
      %dma_start3A_716 = tpu.memref_squeeze %dma_start3A_715 : memref<1x50x128xbf16, #tpu.memory_space<vmem>> -> memref<50x128xbf16, #tpu.memory_space<vmem>>
      %dma_start3A_717 = arith.constant 0 : i32
      %dma_start3A_718 = tpu.memref_slice %arg8[%add3A_712, %dma_start3A_717] : memref<200x50xi32, #tpu.memory_space<vmem>> -> memref<1x50xi32, #tpu.memory_space<vmem>>
      %dma_start3A_719 = tpu.memref_squeeze %dma_start3A_718 : memref<1x50xi32, #tpu.memory_space<vmem>> -> memref<50xi32, #tpu.memory_space<vmem>>
      %dma_start3A_720 = arith.constant 0 : i32
      %dma_start3A_721 = arith.constant 0 : i32
      %dma_start3A_722 = tpu.memref_slice %arg6[%dma_start3A_720, %dma_start3A_721] : memref<10000x128xbf16, #tpu.memory_space<vmem_shared>> -> memref<10000x128xbf16, #tpu.memory_space<vmem_shared>>
      tpu.enqueue_indirect_dma source(%dma_start3A_716 : memref<50x128xbf16, #tpu.memory_space<vmem>>) target(%dma_start3A_722 : memref<10000x128xbf16, #tpu.memory_space<vmem_shared>>) offsets(%dma_start3A_719 : memref<50xi32, #tpu.memory_space<vmem>>) semaphore(%arg16 : memref<!tpu.dma_semaphore, #tpu.memory_space<semaphore_mem>>) {add = true}
      %add3A_723 = arith.constant 2 : i32
      %add3A_724 = arith.addi %mul3A_598, %add3A_723 : i32
      %dma_wait3A_725 = arith.constant 0 : i32
      %dma_wait3A_726 = arith.constant 0 : i32
      %dma_wait3A_727 = tpu.memref_slice %arg9[%scan3A_444, %dma_wait3A_725, %dma_wait3A_726] : memref<4x50x128xbf16, #tpu.memory_space<vmem>> -> memref<1x50x128xbf16, #tpu.memory_space<vmem>>
      %dma_wait3A_728 = tpu.memref_squeeze %dma_wait3A_727 : memref<1x50x128xbf16, #tpu.memory_space<vmem>> -> memref<50x128xbf16, #tpu.memory_space<vmem>>
      %dma_wait3A_729 = arith.constant 0 : i32
      %dma_wait3A_730 = tpu.memref_slice %arg8[%add3A_724, %dma_wait3A_729] : memref<200x50xi32, #tpu.memory_space<vmem>> -> memref<1x50xi32, #tpu.memory_space<vmem>>
      %dma_wait3A_731 = tpu.memref_squeeze %dma_wait3A_730 : memref<1x50xi32, #tpu.memory_space<vmem>> -> memref<50xi32, #tpu.memory_space<vmem>>
      %dma_wait3A_732 = arith.constant 0 : i32
      %dma_wait3A_733 = arith.constant 0 : i32
      %dma_wait3A_734 = tpu.memref_slice %arg6[%dma_wait3A_732, %dma_wait3A_733] : memref<10000x128xbf16, #tpu.memory_space<vmem_shared>> -> memref<10000x128xbf16, #tpu.memory_space<vmem_shared>>
      tpu.wait_indirect_dma semaphore(%arg16 : memref<!tpu.dma_semaphore, #tpu.memory_space<semaphore_mem>>) src(%dma_wait3A_728 : memref<50x128xbf16, #tpu.memory_space<vmem>>) dst(%dma_wait3A_734 : memref<10000x128xbf16, #tpu.memory_space<vmem_shared>>)
      %add3A_735 = arith.constant 4 : i32
      %add3A_736 = arith.addi %mul3A_598, %add3A_735 : i32
      %add3A_737 = arith.constant 2 : i32
      %add3A_738 = arith.addi %add3A_736, %add3A_737 : i32
      %dma_start3A_739 = arith.constant 0 : i32
      %dma_start3A_740 = arith.constant 0 : i32
      %dma_start3A_741 = tpu.memref_slice %arg9[%scan3A_444, %dma_start3A_739, %dma_start3A_740] : memref<4x50x128xbf16, #tpu.memory_space<vmem>> -> memref<1x50x128xbf16, #tpu.memory_space<vmem>>
      %dma_start3A_742 = tpu.memref_squeeze %dma_start3A_741 : memref<1x50x128xbf16, #tpu.memory_space<vmem>> -> memref<50x128xbf16, #tpu.memory_space<vmem>>
      %dma_start3A_743 = arith.constant 0 : i32
      %dma_start3A_744 = tpu.memref_slice %arg7[%add3A_738, %dma_start3A_743] : memref<200x50xi32, #tpu.memory_space<vmem>> -> memref<1x50xi32, #tpu.memory_space<vmem>>
      %dma_start3A_745 = tpu.memref_squeeze %dma_start3A_744 : memref<1x50xi32, #tpu.memory_space<vmem>> -> memref<50xi32, #tpu.memory_space<vmem>>
      %dma_start3A_746 = arith.constant 0 : i32
      %dma_start3A_747 = arith.constant 0 : i32
      %dma_start3A_748 = tpu.memref_slice %arg2[%dma_start3A_746, %dma_start3A_747] : memref<10000x128xbf16, #tpu.memory_space<hbm>> -> memref<10000x128xbf16, #tpu.memory_space<hbm>>
      tpu.enqueue_indirect_dma source(%dma_start3A_748 : memref<10000x128xbf16, #tpu.memory_space<hbm>>) target(%dma_start3A_742 : memref<50x128xbf16, #tpu.memory_space<vmem>>) offsets(%dma_start3A_745 : memref<50xi32, #tpu.memory_space<vmem>>) semaphore(%arg12 : memref<!tpu.dma_semaphore, #tpu.memory_space<semaphore_mem>>)
      %add3A_749 = arith.constant 3 : i32
      %add3A_750 = arith.addi %mul3A_598, %add3A_749 : i32
      %dma_wait3A_751 = arith.constant 0 : i32
      %dma_wait3A_752 = arith.constant 0 : i32
      %dma_wait3A_753 = tpu.memref_slice %arg9[%scan3A_445, %dma_wait3A_751, %dma_wait3A_752] : memref<4x50x128xbf16, #tpu.memory_space<vmem>> -> memref<1x50x128xbf16, #tpu.memory_space<vmem>>
      %dma_wait3A_754 = tpu.memref_squeeze %dma_wait3A_753 : memref<1x50x128xbf16, #tpu.memory_space<vmem>> -> memref<50x128xbf16, #tpu.memory_space<vmem>>
      %dma_wait3A_755 = arith.constant 0 : i32
      %dma_wait3A_756 = tpu.memref_slice %arg7[%add3A_750, %dma_wait3A_755] : memref<200x50xi32, #tpu.memory_space<vmem>> -> memref<1x50xi32, #tpu.memory_space<vmem>>
      %dma_wait3A_757 = tpu.memref_squeeze %dma_wait3A_756 : memref<1x50xi32, #tpu.memory_space<vmem>> -> memref<50xi32, #tpu.memory_space<vmem>>
      %dma_wait3A_758 = arith.constant 0 : i32
      %dma_wait3A_759 = arith.constant 0 : i32
      %dma_wait3A_760 = tpu.memref_slice %arg2[%dma_wait3A_758, %dma_wait3A_759] : memref<10000x128xbf16, #tpu.memory_space<hbm>> -> memref<10000x128xbf16, #tpu.memory_space<hbm>>
      tpu.wait_indirect_dma semaphore(%arg13 : memref<!tpu.dma_semaphore, #tpu.memory_space<semaphore_mem>>) src(%dma_wait3A_760 : memref<10000x128xbf16, #tpu.memory_space<hbm>>) dst(%dma_wait3A_754 : memref<50x128xbf16, #tpu.memory_space<vmem>>)
      %add3A_761 = arith.constant 3 : i32
      %add3A_762 = arith.addi %mul3A_598, %add3A_761 : i32
      %dma_start3A_763 = arith.constant 0 : i32
      %dma_start3A_764 = arith.constant 0 : i32
      %dma_start3A_765 = tpu.memref_slice %arg9[%scan3A_445, %dma_start3A_763, %dma_start3A_764] : memref<4x50x128xbf16, #tpu.memory_space<vmem>> -> memref<1x50x128xbf16, #tpu.memory_space<vmem>>
      %dma_start3A_766 = tpu.memref_squeeze %dma_start3A_765 : memref<1x50x128xbf16, #tpu.memory_space<vmem>> -> memref<50x128xbf16, #tpu.memory_space<vmem>>
      %dma_start3A_767 = arith.constant 0 : i32
      %dma_start3A_768 = tpu.memref_slice %arg8[%add3A_762, %dma_start3A_767] : memref<200x50xi32, #tpu.memory_space<vmem>> -> memref<1x50xi32, #tpu.memory_space<vmem>>
      %dma_start3A_769 = tpu.memref_squeeze %dma_start3A_768 : memref<1x50xi32, #tpu.memory_space<vmem>> -> memref<50xi32, #tpu.memory_space<vmem>>
      %dma_start3A_770 = arith.constant 0 : i32
      %dma_start3A_771 = arith.constant 0 : i32
      %dma_start3A_772 = tpu.memref_slice %arg6[%dma_start3A_770, %dma_start3A_771] : memref<10000x128xbf16, #tpu.memory_space<vmem_shared>> -> memref<10000x128xbf16, #tpu.memory_space<vmem_shared>>
      tpu.enqueue_indirect_dma source(%dma_start3A_766 : memref<50x128xbf16, #tpu.memory_space<vmem>>) target(%dma_start3A_772 : memref<10000x128xbf16, #tpu.memory_space<vmem_shared>>) offsets(%dma_start3A_769 : memref<50xi32, #tpu.memory_space<vmem>>) semaphore(%arg17 : memref<!tpu.dma_semaphore, #tpu.memory_space<semaphore_mem>>) {add = true}
      %add3A_773 = arith.constant 3 : i32
      %add3A_774 = arith.addi %mul3A_598, %add3A_773 : i32
      %dma_wait3A_775 = arith.constant 0 : i32
      %dma_wait3A_776 = arith.constant 0 : i32
      %dma_wait3A_777 = tpu.memref_slice %arg9[%scan3A_445, %dma_wait3A_775, %dma_wait3A_776] : memref<4x50x128xbf16, #tpu.memory_space<vmem>> -> memref<1x50x128xbf16, #tpu.memory_space<vmem>>
      %dma_wait3A_778 = tpu.memref_squeeze %dma_wait3A_777 : memref<1x50x128xbf16, #tpu.memory_space<vmem>> -> memref<50x128xbf16, #tpu.memory_space<vmem>>
      %dma_wait3A_779 = arith.constant 0 : i32
      %dma_wait3A_780 = tpu.memref_slice %arg8[%add3A_774, %dma_wait3A_779] : memref<200x50xi32, #tpu.memory_space<vmem>> -> memref<1x50xi32, #tpu.memory_space<vmem>>
      %dma_wait3A_781 = tpu.memref_squeeze %dma_wait3A_780 : memref<1x50xi32, #tpu.memory_space<vmem>> -> memref<50xi32, #tpu.memory_space<vmem>>
      %dma_wait3A_782 = arith.constant 0 : i32
      %dma_wait3A_783 = arith.constant 0 : i32
      %dma_wait3A_784 = tpu.memref_slice %arg6[%dma_wait3A_782, %dma_wait3A_783] : memref<10000x128xbf16, #tpu.memory_space<vmem_shared>> -> memref<10000x128xbf16, #tpu.memory_space<vmem_shared>>
      tpu.wait_indirect_dma semaphore(%arg17 : memref<!tpu.dma_semaphore, #tpu.memory_space<semaphore_mem>>) src(%dma_wait3A_778 : memref<50x128xbf16, #tpu.memory_space<vmem>>) dst(%dma_wait3A_784 : memref<10000x128xbf16, #tpu.memory_space<vmem_shared>>)
      %add3A_785 = arith.constant 4 : i32
      %add3A_786 = arith.addi %mul3A_598, %add3A_785 : i32
      %add3A_787 = arith.constant 3 : i32
      %add3A_788 = arith.addi %add3A_786, %add3A_787 : i32
      %dma_start3A_789 = arith.constant 0 : i32
      %dma_start3A_790 = arith.constant 0 : i32
      %dma_start3A_791 = tpu.memref_slice %arg9[%scan3A_445, %dma_start3A_789, %dma_start3A_790] : memref<4x50x128xbf16, #tpu.memory_space<vmem>> -> memref<1x50x128xbf16, #tpu.memory_space<vmem>>
      %dma_start3A_792 = tpu.memref_squeeze %dma_start3A_791 : memref<1x50x128xbf16, #tpu.memory_space<vmem>> -> memref<50x128xbf16, #tpu.memory_space<vmem>>
      %dma_start3A_793 = arith.constant 0 : i32
      %dma_start3A_794 = tpu.memref_slice %arg7[%add3A_788, %dma_start3A_793] : memref<200x50xi32, #tpu.memory_space<vmem>> -> memref<1x50xi32, #tpu.memory_space<vmem>>
      %dma_start3A_795 = tpu.memref_squeeze %dma_start3A_794 : memref<1x50xi32, #tpu.memory_space<vmem>> -> memref<50xi32, #tpu.memory_space<vmem>>
      %dma_start3A_796 = arith.constant 0 : i32
      %dma_start3A_797 = arith.constant 0 : i32
      %dma_start3A_798 = tpu.memref_slice %arg2[%dma_start3A_796, %dma_start3A_797] : memref<10000x128xbf16, #tpu.memory_space<hbm>> -> memref<10000x128xbf16, #tpu.memory_space<hbm>>
      tpu.enqueue_indirect_dma source(%dma_start3A_798 : memref<10000x128xbf16, #tpu.memory_space<hbm>>) target(%dma_start3A_792 : memref<50x128xbf16, #tpu.memory_space<vmem>>) offsets(%dma_start3A_795 : memref<50xi32, #tpu.memory_space<vmem>>) semaphore(%arg13 : memref<!tpu.dma_semaphore, #tpu.memory_space<semaphore_mem>>)
    }
    %scan3A_450 = arith.constant 49 : i32
    %dma_wait3A_451 = arith.constant 196 : i32
    %dma_wait3A_452 = arith.constant 0 : i32
    %dma_wait3A_453 = arith.constant 0 : i32
    %dma_wait3A_454 = arith.constant 0 : i32
    %dma_wait3A_455 = tpu.memref_slice %arg9[%dma_wait3A_452, %dma_wait3A_453, %dma_wait3A_454] : memref<4x50x128xbf16, #tpu.memory_space<vmem>> -> memref<1x50x128xbf16, #tpu.memory_space<vmem>>
    %dma_wait3A_456 = tpu.memref_squeeze %dma_wait3A_455 : memref<1x50x128xbf16, #tpu.memory_space<vmem>> -> memref<50x128xbf16, #tpu.memory_space<vmem>>
    %dma_wait3A_457 = arith.constant 0 : i32
    %dma_wait3A_458 = tpu.memref_slice %arg7[%dma_wait3A_451, %dma_wait3A_457] : memref<200x50xi32, #tpu.memory_space<vmem>> -> memref<1x50xi32, #tpu.memory_space<vmem>>
    %dma_wait3A_459 = tpu.memref_squeeze %dma_wait3A_458 : memref<1x50xi32, #tpu.memory_space<vmem>> -> memref<50xi32, #tpu.memory_space<vmem>>
    %dma_wait3A_460 = arith.constant 0 : i32
    %dma_wait3A_461 = arith.constant 0 : i32
    %dma_wait3A_462 = tpu.memref_slice %arg2[%dma_wait3A_460, %dma_wait3A_461] : memref<10000x128xbf16, #tpu.memory_space<hbm>> -> memref<10000x128xbf16, #tpu.memory_space<hbm>>
    tpu.wait_indirect_dma semaphore(%arg10 : memref<!tpu.dma_semaphore, #tpu.memory_space<semaphore_mem>>) src(%dma_wait3A_462 : memref<10000x128xbf16, #tpu.memory_space<hbm>>) dst(%dma_wait3A_456 : memref<50x128xbf16, #tpu.memory_space<vmem>>)
    %dma_start3A_463 = arith.constant 0 : i32
    %dma_start3A_464 = arith.constant 196 : i32
    %dma_start3A_465 = arith.constant 0 : i32
    %dma_start3A_466 = arith.constant 0 : i32
    %dma_start3A_467 = tpu.memref_slice %arg9[%dma_start3A_463, %dma_start3A_465, %dma_start3A_466] : memref<4x50x128xbf16, #tpu.memory_space<vmem>> -> memref<1x50x128xbf16, #tpu.memory_space<vmem>>
    %dma_start3A_468 = tpu.memref_squeeze %dma_start3A_467 : memref<1x50x128xbf16, #tpu.memory_space<vmem>> -> memref<50x128xbf16, #tpu.memory_space<vmem>>
    %dma_start3A_469 = arith.constant 0 : i32
    %dma_start3A_470 = tpu.memref_slice %arg8[%dma_start3A_464, %dma_start3A_469] : memref<200x50xi32, #tpu.memory_space<vmem>> -> memref<1x50xi32, #tpu.memory_space<vmem>>
    %dma_start3A_471 = tpu.memref_squeeze %dma_start3A_470 : memref<1x50xi32, #tpu.memory_space<vmem>> -> memref<50xi32, #tpu.memory_space<vmem>>
    %dma_start3A_472 = arith.constant 0 : i32
    %dma_start3A_473 = arith.constant 0 : i32
    %dma_start3A_474 = tpu.memref_slice %arg6[%dma_start3A_472, %dma_start3A_473] : memref<10000x128xbf16, #tpu.memory_space<vmem_shared>> -> memref<10000x128xbf16, #tpu.memory_space<vmem_shared>>
    tpu.enqueue_indirect_dma source(%dma_start3A_468 : memref<50x128xbf16, #tpu.memory_space<vmem>>) target(%dma_start3A_474 : memref<10000x128xbf16, #tpu.memory_space<vmem_shared>>) offsets(%dma_start3A_471 : memref<50xi32, #tpu.memory_space<vmem>>) semaphore(%arg14 : memref<!tpu.dma_semaphore, #tpu.memory_space<semaphore_mem>>) {add = true}
    %dma_wait3A_475 = arith.constant 197 : i32
    %dma_wait3A_476 = arith.constant 1 : i32
    %dma_wait3A_477 = arith.constant 0 : i32
    %dma_wait3A_478 = arith.constant 0 : i32
    %dma_wait3A_479 = tpu.memref_slice %arg9[%dma_wait3A_476, %dma_wait3A_477, %dma_wait3A_478] : memref<4x50x128xbf16, #tpu.memory_space<vmem>> -> memref<1x50x128xbf16, #tpu.memory_space<vmem>>
    %dma_wait3A_480 = tpu.memref_squeeze %dma_wait3A_479 : memref<1x50x128xbf16, #tpu.memory_space<vmem>> -> memref<50x128xbf16, #tpu.memory_space<vmem>>
    %dma_wait3A_481 = arith.constant 0 : i32
    %dma_wait3A_482 = tpu.memref_slice %arg7[%dma_wait3A_475, %dma_wait3A_481] : memref<200x50xi32, #tpu.memory_space<vmem>> -> memref<1x50xi32, #tpu.memory_space<vmem>>
    %dma_wait3A_483 = tpu.memref_squeeze %dma_wait3A_482 : memref<1x50xi32, #tpu.memory_space<vmem>> -> memref<50xi32, #tpu.memory_space<vmem>>
    %dma_wait3A_484 = arith.constant 0 : i32
    %dma_wait3A_485 = arith.constant 0 : i32
    %dma_wait3A_486 = tpu.memref_slice %arg2[%dma_wait3A_484, %dma_wait3A_485] : memref<10000x128xbf16, #tpu.memory_space<hbm>> -> memref<10000x128xbf16, #tpu.memory_space<hbm>>
    tpu.wait_indirect_dma semaphore(%arg11 : memref<!tpu.dma_semaphore, #tpu.memory_space<semaphore_mem>>) src(%dma_wait3A_486 : memref<10000x128xbf16, #tpu.memory_space<hbm>>) dst(%dma_wait3A_480 : memref<50x128xbf16, #tpu.memory_space<vmem>>)
    %dma_start3A_487 = arith.constant 1 : i32
    %dma_start3A_488 = arith.constant 197 : i32
    %dma_start3A_489 = arith.constant 0 : i32
    %dma_start3A_490 = arith.constant 0 : i32
    %dma_start3A_491 = tpu.memref_slice %arg9[%dma_start3A_487, %dma_start3A_489, %dma_start3A_490] : memref<4x50x128xbf16, #tpu.memory_space<vmem>> -> memref<1x50x128xbf16, #tpu.memory_space<vmem>>
    %dma_start3A_492 = tpu.memref_squeeze %dma_start3A_491 : memref<1x50x128xbf16, #tpu.memory_space<vmem>> -> memref<50x128xbf16, #tpu.memory_space<vmem>>
    %dma_start3A_493 = arith.constant 0 : i32
    %dma_start3A_494 = tpu.memref_slice %arg8[%dma_start3A_488, %dma_start3A_493] : memref<200x50xi32, #tpu.memory_space<vmem>> -> memref<1x50xi32, #tpu.memory_space<vmem>>
    %dma_start3A_495 = tpu.memref_squeeze %dma_start3A_494 : memref<1x50xi32, #tpu.memory_space<vmem>> -> memref<50xi32, #tpu.memory_space<vmem>>
    %dma_start3A_496 = arith.constant 0 : i32
    %dma_start3A_497 = arith.constant 0 : i32
    %dma_start3A_498 = tpu.memref_slice %arg6[%dma_start3A_496, %dma_start3A_497] : memref<10000x128xbf16, #tpu.memory_space<vmem_shared>> -> memref<10000x128xbf16, #tpu.memory_space<vmem_shared>>
    tpu.enqueue_indirect_dma source(%dma_start3A_492 : memref<50x128xbf16, #tpu.memory_space<vmem>>) target(%dma_start3A_498 : memref<10000x128xbf16, #tpu.memory_space<vmem_shared>>) offsets(%dma_start3A_495 : memref<50xi32, #tpu.memory_space<vmem>>) semaphore(%arg15 : memref<!tpu.dma_semaphore, #tpu.memory_space<semaphore_mem>>) {add = true}
    %dma_wait3A_499 = arith.constant 198 : i32
    %dma_wait3A_500 = arith.constant 2 : i32
    %dma_wait3A_501 = arith.constant 0 : i32
    %dma_wait3A_502 = arith.constant 0 : i32
    %dma_wait3A_503 = tpu.memref_slice %arg9[%dma_wait3A_500, %dma_wait3A_501, %dma_wait3A_502] : memref<4x50x128xbf16, #tpu.memory_space<vmem>> -> memref<1x50x128xbf16, #tpu.memory_space<vmem>>
    %dma_wait3A_504 = tpu.memref_squeeze %dma_wait3A_503 : memref<1x50x128xbf16, #tpu.memory_space<vmem>> -> memref<50x128xbf16, #tpu.memory_space<vmem>>
    %dma_wait3A_505 = arith.constant 0 : i32
    %dma_wait3A_506 = tpu.memref_slice %arg7[%dma_wait3A_499, %dma_wait3A_505] : memref<200x50xi32, #tpu.memory_space<vmem>> -> memref<1x50xi32, #tpu.memory_space<vmem>>
    %dma_wait3A_507 = tpu.memref_squeeze %dma_wait3A_506 : memref<1x50xi32, #tpu.memory_space<vmem>> -> memref<50xi32, #tpu.memory_space<vmem>>
    %dma_wait3A_508 = arith.constant 0 : i32
    %dma_wait3A_509 = arith.constant 0 : i32
    %dma_wait3A_510 = tpu.memref_slice %arg2[%dma_wait3A_508, %dma_wait3A_509] : memref<10000x128xbf16, #tpu.memory_space<hbm>> -> memref<10000x128xbf16, #tpu.memory_space<hbm>>
    tpu.wait_indirect_dma semaphore(%arg12 : memref<!tpu.dma_semaphore, #tpu.memory_space<semaphore_mem>>) src(%dma_wait3A_510 : memref<10000x128xbf16, #tpu.memory_space<hbm>>) dst(%dma_wait3A_504 : memref<50x128xbf16, #tpu.memory_space<vmem>>)
    %dma_start3A_511 = arith.constant 2 : i32
    %dma_start3A_512 = arith.constant 198 : i32
    %dma_start3A_513 = arith.constant 0 : i32
    %dma_start3A_514 = arith.constant 0 : i32
    %dma_start3A_515 = tpu.memref_slice %arg9[%dma_start3A_511, %dma_start3A_513, %dma_start3A_514] : memref<4x50x128xbf16, #tpu.memory_space<vmem>> -> memref<1x50x128xbf16, #tpu.memory_space<vmem>>
    %dma_start3A_516 = tpu.memref_squeeze %dma_start3A_515 : memref<1x50x128xbf16, #tpu.memory_space<vmem>> -> memref<50x128xbf16, #tpu.memory_space<vmem>>
    %dma_start3A_517 = arith.constant 0 : i32
    %dma_start3A_518 = tpu.memref_slice %arg8[%dma_start3A_512, %dma_start3A_517] : memref<200x50xi32, #tpu.memory_space<vmem>> -> memref<1x50xi32, #tpu.memory_space<vmem>>
    %dma_start3A_519 = tpu.memref_squeeze %dma_start3A_518 : memref<1x50xi32, #tpu.memory_space<vmem>> -> memref<50xi32, #tpu.memory_space<vmem>>
    %dma_start3A_520 = arith.constant 0 : i32
    %dma_start3A_521 = arith.constant 0 : i32
    %dma_start3A_522 = tpu.memref_slice %arg6[%dma_start3A_520, %dma_start3A_521] : memref<10000x128xbf16, #tpu.memory_space<vmem_shared>> -> memref<10000x128xbf16, #tpu.memory_space<vmem_shared>>
    tpu.enqueue_indirect_dma source(%dma_start3A_516 : memref<50x128xbf16, #tpu.memory_space<vmem>>) target(%dma_start3A_522 : memref<10000x128xbf16, #tpu.memory_space<vmem_shared>>) offsets(%dma_start3A_519 : memref<50xi32, #tpu.memory_space<vmem>>) semaphore(%arg16 : memref<!tpu.dma_semaphore, #tpu.memory_space<semaphore_mem>>) {add = true}
    %dma_wait3A_523 = arith.constant 199 : i32
    %dma_wait3A_524 = arith.constant 3 : i32
    %dma_wait3A_525 = arith.constant 0 : i32
    %dma_wait3A_526 = arith.constant 0 : i32
    %dma_wait3A_527 = tpu.memref_slice %arg9[%dma_wait3A_524, %dma_wait3A_525, %dma_wait3A_526] : memref<4x50x128xbf16, #tpu.memory_space<vmem>> -> memref<1x50x128xbf16, #tpu.memory_space<vmem>>
    %dma_wait3A_528 = tpu.memref_squeeze %dma_wait3A_527 : memref<1x50x128xbf16, #tpu.memory_space<vmem>> -> memref<50x128xbf16, #tpu.memory_space<vmem>>
    %dma_wait3A_529 = arith.constant 0 : i32
    %dma_wait3A_530 = tpu.memref_slice %arg7[%dma_wait3A_523, %dma_wait3A_529] : memref<200x50xi32, #tpu.memory_space<vmem>> -> memref<1x50xi32, #tpu.memory_space<vmem>>
    %dma_wait3A_531 = tpu.memref_squeeze %dma_wait3A_530 : memref<1x50xi32, #tpu.memory_space<vmem>> -> memref<50xi32, #tpu.memory_space<vmem>>
    %dma_wait3A_532 = arith.constant 0 : i32
    %dma_wait3A_533 = arith.constant 0 : i32
    %dma_wait3A_534 = tpu.memref_slice %arg2[%dma_wait3A_532, %dma_wait3A_533] : memref<10000x128xbf16, #tpu.memory_space<hbm>> -> memref<10000x128xbf16, #tpu.memory_space<hbm>>
    tpu.wait_indirect_dma semaphore(%arg13 : memref<!tpu.dma_semaphore, #tpu.memory_space<semaphore_mem>>) src(%dma_wait3A_534 : memref<10000x128xbf16, #tpu.memory_space<hbm>>) dst(%dma_wait3A_528 : memref<50x128xbf16, #tpu.memory_space<vmem>>)
    %dma_start3A_535 = arith.constant 3 : i32
    %dma_start3A_536 = arith.constant 199 : i32
    %dma_start3A_537 = arith.constant 0 : i32
    %dma_start3A_538 = arith.constant 0 : i32
    %dma_start3A_539 = tpu.memref_slice %arg9[%dma_start3A_535, %dma_start3A_537, %dma_start3A_538] : memref<4x50x128xbf16, #tpu.memory_space<vmem>> -> memref<1x50x128xbf16, #tpu.memory_space<vmem>>
    %dma_start3A_540 = tpu.memref_squeeze %dma_start3A_539 : memref<1x50x128xbf16, #tpu.memory_space<vmem>> -> memref<50x128xbf16, #tpu.memory_space<vmem>>
    %dma_start3A_541 = arith.constant 0 : i32
    %dma_start3A_542 = tpu.memref_slice %arg8[%dma_start3A_536, %dma_start3A_541] : memref<200x50xi32, #tpu.memory_space<vmem>> -> memref<1x50xi32, #tpu.memory_space<vmem>>
    %dma_start3A_543 = tpu.memref_squeeze %dma_start3A_542 : memref<1x50xi32, #tpu.memory_space<vmem>> -> memref<50xi32, #tpu.memory_space<vmem>>
    %dma_start3A_544 = arith.constant 0 : i32
    %dma_start3A_545 = arith.constant 0 : i32
    %dma_start3A_546 = tpu.memref_slice %arg6[%dma_start3A_544, %dma_start3A_545] : memref<10000x128xbf16, #tpu.memory_space<vmem_shared>> -> memref<10000x128xbf16, #tpu.memory_space<vmem_shared>>
    tpu.enqueue_indirect_dma source(%dma_start3A_540 : memref<50x128xbf16, #tpu.memory_space<vmem>>) target(%dma_start3A_546 : memref<10000x128xbf16, #tpu.memory_space<vmem_shared>>) offsets(%dma_start3A_543 : memref<50xi32, #tpu.memory_space<vmem>>) semaphore(%arg17 : memref<!tpu.dma_semaphore, #tpu.memory_space<semaphore_mem>>) {add = true}
    %dma_wait3A_547 = arith.constant 0 : i32
    %dma_wait3A_548 = arith.constant 196 : i32
    %dma_wait3A_549 = arith.constant 0 : i32
    %dma_wait3A_550 = arith.constant 0 : i32
    %dma_wait3A_551 = tpu.memref_slice %arg9[%dma_wait3A_547, %dma_wait3A_549, %dma_wait3A_550] : memref<4x50x128xbf16, #tpu.memory_space<vmem>> -> memref<1x50x128xbf16, #tpu.memory_space<vmem>>
    %dma_wait3A_552 = tpu.memref_squeeze %dma_wait3A_551 : memref<1x50x128xbf16, #tpu.memory_space<vmem>> -> memref<50x128xbf16, #tpu.memory_space<vmem>>
    %dma_wait3A_553 = arith.constant 0 : i32
    %dma_wait3A_554 = tpu.memref_slice %arg8[%dma_wait3A_548, %dma_wait3A_553] : memref<200x50xi32, #tpu.memory_space<vmem>> -> memref<1x50xi32, #tpu.memory_space<vmem>>
    %dma_wait3A_555 = tpu.memref_squeeze %dma_wait3A_554 : memref<1x50xi32, #tpu.memory_space<vmem>> -> memref<50xi32, #tpu.memory_space<vmem>>
    %dma_wait3A_556 = arith.constant 0 : i32
    %dma_wait3A_557 = arith.constant 0 : i32
    %dma_wait3A_558 = tpu.memref_slice %arg6[%dma_wait3A_556, %dma_wait3A_557] : memref<10000x128xbf16, #tpu.memory_space<vmem_shared>> -> memref<10000x128xbf16, #tpu.memory_space<vmem_shared>>
    tpu.wait_indirect_dma semaphore(%arg14 : memref<!tpu.dma_semaphore, #tpu.memory_space<semaphore_mem>>) src(%dma_wait3A_552 : memref<50x128xbf16, #tpu.memory_space<vmem>>) dst(%dma_wait3A_558 : memref<10000x128xbf16, #tpu.memory_space<vmem_shared>>)
    %dma_wait3A_559 = arith.constant 1 : i32
    %dma_wait3A_560 = arith.constant 197 : i32
    %dma_wait3A_561 = arith.constant 0 : i32
    %dma_wait3A_562 = arith.constant 0 : i32
    %dma_wait3A_563 = tpu.memref_slice %arg9[%dma_wait3A_559, %dma_wait3A_561, %dma_wait3A_562] : memref<4x50x128xbf16, #tpu.memory_space<vmem>> -> memref<1x50x128xbf16, #tpu.memory_space<vmem>>
    %dma_wait3A_564 = tpu.memref_squeeze %dma_wait3A_563 : memref<1x50x128xbf16, #tpu.memory_space<vmem>> -> memref<50x128xbf16, #tpu.memory_space<vmem>>
    %dma_wait3A_565 = arith.constant 0 : i32
    %dma_wait3A_566 = tpu.memref_slice %arg8[%dma_wait3A_560, %dma_wait3A_565] : memref<200x50xi32, #tpu.memory_space<vmem>> -> memref<1x50xi32, #tpu.memory_space<vmem>>
    %dma_wait3A_567 = tpu.memref_squeeze %dma_wait3A_566 : memref<1x50xi32, #tpu.memory_space<vmem>> -> memref<50xi32, #tpu.memory_space<vmem>>
    %dma_wait3A_568 = arith.constant 0 : i32
    %dma_wait3A_569 = arith.constant 0 : i32
    %dma_wait3A_570 = tpu.memref_slice %arg6[%dma_wait3A_568, %dma_wait3A_569] : memref<10000x128xbf16, #tpu.memory_space<vmem_shared>> -> memref<10000x128xbf16, #tpu.memory_space<vmem_shared>>
    tpu.wait_indirect_dma semaphore(%arg15 : memref<!tpu.dma_semaphore, #tpu.memory_space<semaphore_mem>>) src(%dma_wait3A_564 : memref<50x128xbf16, #tpu.memory_space<vmem>>) dst(%dma_wait3A_570 : memref<10000x128xbf16, #tpu.memory_space<vmem_shared>>)
    %dma_wait3A_571 = arith.constant 2 : i32
    %dma_wait3A_572 = arith.constant 198 : i32
    %dma_wait3A_573 = arith.constant 0 : i32
    %dma_wait3A_574 = arith.constant 0 : i32
    %dma_wait3A_575 = tpu.memref_slice %arg9[%dma_wait3A_571, %dma_wait3A_573, %dma_wait3A_574] : memref<4x50x128xbf16, #tpu.memory_space<vmem>> -> memref<1x50x128xbf16, #tpu.memory_space<vmem>>
    %dma_wait3A_576 = tpu.memref_squeeze %dma_wait3A_575 : memref<1x50x128xbf16, #tpu.memory_space<vmem>> -> memref<50x128xbf16, #tpu.memory_space<vmem>>
    %dma_wait3A_577 = arith.constant 0 : i32
    %dma_wait3A_578 = tpu.memref_slice %arg8[%dma_wait3A_572, %dma_wait3A_577] : memref<200x50xi32, #tpu.memory_space<vmem>> -> memref<1x50xi32, #tpu.memory_space<vmem>>
    %dma_wait3A_579 = tpu.memref_squeeze %dma_wait3A_578 : memref<1x50xi32, #tpu.memory_space<vmem>> -> memref<50xi32, #tpu.memory_space<vmem>>
    %dma_wait3A_580 = arith.constant 0 : i32
    %dma_wait3A_581 = arith.constant 0 : i32
    %dma_wait3A_582 = tpu.memref_slice %arg6[%dma_wait3A_580, %dma_wait3A_581] : memref<10000x128xbf16, #tpu.memory_space<vmem_shared>> -> memref<10000x128xbf16, #tpu.memory_space<vmem_shared>>
    tpu.wait_indirect_dma semaphore(%arg16 : memref<!tpu.dma_semaphore, #tpu.memory_space<semaphore_mem>>) src(%dma_wait3A_576 : memref<50x128xbf16, #tpu.memory_space<vmem>>) dst(%dma_wait3A_582 : memref<10000x128xbf16, #tpu.memory_space<vmem_shared>>)
    %dma_wait3A_583 = arith.constant 3 : i32
    %dma_wait3A_584 = arith.constant 199 : i32
    %dma_wait3A_585 = arith.constant 0 : i32
    %dma_wait3A_586 = arith.constant 0 : i32
    %dma_wait3A_587 = tpu.memref_slice %arg9[%dma_wait3A_583, %dma_wait3A_585, %dma_wait3A_586] : memref<4x50x128xbf16, #tpu.memory_space<vmem>> -> memref<1x50x128xbf16, #tpu.memory_space<vmem>>
    %dma_wait3A_588 = tpu.memref_squeeze %dma_wait3A_587 : memref<1x50x128xbf16, #tpu.memory_space<vmem>> -> memref<50x128xbf16, #tpu.memory_space<vmem>>
    %dma_wait3A_589 = arith.constant 0 : i32
    %dma_wait3A_590 = tpu.memref_slice %arg8[%dma_wait3A_584, %dma_wait3A_589] : memref<200x50xi32, #tpu.memory_space<vmem>> -> memref<1x50xi32, #tpu.memory_space<vmem>>
    %dma_wait3A_591 = tpu.memref_squeeze %dma_wait3A_590 : memref<1x50xi32, #tpu.memory_space<vmem>> -> memref<50xi32, #tpu.memory_space<vmem>>
    %dma_wait3A_592 = arith.constant 0 : i32
    %dma_wait3A_593 = arith.constant 0 : i32
    %dma_wait3A_594 = tpu.memref_slice %arg6[%dma_wait3A_592, %dma_wait3A_593] : memref<10000x128xbf16, #tpu.memory_space<vmem_shared>> -> memref<10000x128xbf16, #tpu.memory_space<vmem_shared>>
    tpu.wait_indirect_dma semaphore(%arg17 : memref<!tpu.dma_semaphore, #tpu.memory_space<semaphore_mem>>) src(%dma_wait3A_588 : memref<50x128xbf16, #tpu.memory_space<vmem>>) dst(%dma_wait3A_594 : memref<10000x128xbf16, #tpu.memory_space<vmem_shared>>)
    %barrier3A_595 = arith.constant 0 : index
    tpu.barrier barrier_id(%barrier3A_595)
    "tpu.region"() ({
      %run_scoped3A = tpu.sem_alloc : memref<!tpu.dma_semaphore, #tpu.memory_space<semaphore_mem>>
      %dma_start3A_596 = arith.constant 0 : i32
      %dma_start3A_597 = tpu.memref_slice %arg5[%arg0, %mul3A_9, %dma_start3A_596] : memref<2x10000x128xbf16, #tpu.memory_space<hbm>> -> memref<1x625x128xbf16, #tpu.memory_space<hbm>>
      %dma_start3A_598 = tpu.memref_squeeze %dma_start3A_597 : memref<1x625x128xbf16, #tpu.memory_space<hbm>> -> memref<625x128xbf16, #tpu.memory_space<hbm>>
      %dma_start3A_599 = arith.constant 0 : i32
      %dma_start3A_600 = tpu.memref_slice %arg6[%mul3A_9, %dma_start3A_599] : memref<10000x128xbf16, #tpu.memory_space<vmem_shared>> -> memref<625x128xbf16, #tpu.memory_space<vmem_shared>>
      tpu.enqueue_dma source(%dma_start3A_600 : memref<625x128xbf16, #tpu.memory_space<vmem_shared>>) target(%dma_start3A_598 : memref<625x128xbf16, #tpu.memory_space<hbm>>) target_semaphore(%run_scoped3A : memref<!tpu.dma_semaphore, #tpu.memory_space<semaphore_mem>>)
      %dma_wait3A_601 = arith.constant 0 : i32
      %dma_wait3A_602 = tpu.memref_slice %arg5[%arg0, %mul3A_9, %dma_wait3A_601] : memref<2x10000x128xbf16, #tpu.memory_space<hbm>> -> memref<1x625x128xbf16, #tpu.memory_space<hbm>>
      %dma_wait3A_603 = tpu.memref_squeeze %dma_wait3A_602 : memref<1x625x128xbf16, #tpu.memory_space<hbm>> -> memref<625x128xbf16, #tpu.memory_space<hbm>>
      %dma_wait3A_604 = arith.constant 0 : i32
      %dma_wait3A_605 = tpu.memref_slice %arg6[%mul3A_9, %dma_wait3A_604] : memref<10000x128xbf16, #tpu.memory_space<vmem_shared>> -> memref<625x128xbf16, #tpu.memory_space<vmem_shared>>
      tpu.wait_dma2 semaphore(%run_scoped3A : memref<!tpu.dma_semaphore, #tpu.memory_space<semaphore_mem>>) src(%dma_wait3A_605 : memref<625x128xbf16, #tpu.memory_space<vmem_shared>>) dst(%dma_wait3A_603 : memref<625x128xbf16, #tpu.memory_space<hbm>>)
      tpu.yield
    }) : () -> ()
    return
  }
}

module attributes {stable_mosaic.version = 14 : i64} {
  func.func @body(%arg0: i32, %arg1: memref<2000x128xf32, #tpu.memory_space<vmem>>, %arg2: memref<128x128xf32, #tpu.memory_space<vmem>>, %arg3: memref<2000x128xf32, #tpu.memory_space<vmem>>) attributes {dimension_semantics = [#tpu.dimension_semantics<arbitrary>], iteration_bounds = array<i64: 5>, scalar_prefetch = 0 : i64, scratch_operands = 0 : i64, tpu.core_type = #tpu.core_type<tc>, window_params = [{transform_indices = @transform_0, window_bounds = array<i64: 2000, 128>}, {pipeline_mode = #tpu.pipeline_mode<synchronous>, transform_indices = @transform_1, window_bounds = array<i64: 128, 128>}, {transform_indices = @transform_2, window_bounds = array<i64: 2000, 128>}]} {
    %get3A = arith.constant 0 : index
    %get3A_0 = arith.constant 0 : index
    %get3A_1 = vector.load %arg1[%get3A, %get3A_0] : memref<2000x128xf32, #tpu.memory_space<vmem>>, vector<2000x128xf32>
    %get3A_2 = arith.constant 0 : index
    %get3A_3 = arith.constant 0 : index
    %get3A_4 = vector.load %arg2[%get3A_2, %get3A_3] : memref<128x128xf32, #tpu.memory_space<vmem>>, vector<128x128xf32>
    %dot_general3A = arith.constant dense<0.000000e+00> : vector<2000x128xf32>
    %dot_general3A_5 = tpu.matmul %get3A_1, %get3A_4, %dot_general3A {dimension_numbers = #tpu.dot_dimension_numbers<[1], [0], [0], [1], [0, 0, 1, 1], [], []>, transpose_lhs_hint = false} : vector<2000x128xf32>, vector<128x128xf32>, vector<2000x128xf32> -> vector<2000x128xf32>
    %swap3A = arith.constant 0 : index
    %swap3A_6 = arith.constant 0 : index
    %swap3A_7 = vector.load %arg3[%swap3A, %swap3A_6] : memref<2000x128xf32, #tpu.memory_space<vmem>>, vector<2000x128xf32>
    tpu.vector_store %arg3[%swap3A, %swap3A_6], %dot_general3A_5 {strides = array<i32>} : memref<2000x128xf32, #tpu.memory_space<vmem>>, vector<2000x128xf32>,
    return
  }
  func.func @transform_0(%arg0: i32) -> (i32, i32) {
    %c0_i32 = arith.constant 0 : i32
    %c0_i32_0 = arith.constant 0 : i32
    return %arg0, %c0_i32 : i32, i32
  }
  func.func @transform_1(%arg0: i32) -> (i32, i32) {
    %c0_i32 = arith.constant 0 : i32
    %c0_i32_0 = arith.constant 0 : i32
    %c0_i32_1 = arith.constant 0 : i32
    return %c0_i32, %c0_i32_0 : i32, i32
  }
  func.func @transform_2(%arg0: i32) -> (i32, i32) {
    %c0_i32 = arith.constant 0 : i32
    %c0_i32_0 = arith.constant 0 : i32
    return %arg0, %c0_i32 : i32, i32
  }
}

module attributes {stable_mosaic.version = 14 : i64} {
  func.func @body(%arg0: i32, %arg1: memref<2000x128xf32, #tpu.memory_space<vmem>>, %arg2: memref<2000x1xf32, #tpu.memory_space<vmem>>, %arg3: memref<2000x128xbf16, #tpu.memory_space<vmem>>) attributes {dimension_semantics = [#tpu.dimension_semantics<arbitrary>], iteration_bounds = array<i64: 5>, scalar_prefetch = 0 : i64, scratch_operands = 0 : i64, tpu.core_type = #tpu.core_type<tc>, window_params = [{transform_indices = @transform_0, window_bounds = array<i64: 2000, 128>}, {transform_indices = @transform_1, window_bounds = array<i64: 2000, 1>}, {transform_indices = @transform_2, window_bounds = array<i64: 2000, 128>}]} {
    %get3A = arith.constant 0 : index
    %get3A_0 = arith.constant 0 : index
    %get3A_1 = vector.load %arg1[%get3A, %get3A_0] : memref<2000x128xf32, #tpu.memory_space<vmem>>, vector<2000x128xf32>
    %get3A_2 = arith.constant 0 : index
    %get3A_3 = arith.constant 0 : index
    %get3A_4 = vector.load %arg2[%get3A_2, %get3A_3] : memref<2000x1xf32, #tpu.memory_space<vmem>>, vector<2000x1xf32>
    %mul3A = vector.broadcast %get3A_4 : vector<2000x1xf32> to vector<2000x128xf32>
    %mul3A_5 = arith.mulf %get3A_1, %mul3A : vector<2000x128xf32>
    %convert_element_type3A = arith.truncf %mul3A_5 : vector<2000x128xf32> to vector<2000x128xbf16>
    %swap3A = arith.constant 0 : index
    %swap3A_6 = arith.constant 0 : index
    %swap3A_7 = vector.load %arg3[%swap3A, %swap3A_6] : memref<2000x128xbf16, #tpu.memory_space<vmem>>, vector<2000x128xbf16>
    tpu.vector_store %arg3[%swap3A, %swap3A_6], %convert_element_type3A {strides = array<i32>} : memref<2000x128xbf16, #tpu.memory_space<vmem>>, vector<2000x128xbf16>,
    return
  }
  func.func @transform_0(%arg0: i32) -> (i32, i32) {
    %c0_i32 = arith.constant 0 : i32
    %c0_i32_0 = arith.constant 0 : i32
    return %arg0, %c0_i32 : i32, i32
  }
  func.func @transform_1(%arg0: i32) -> (i32, i32) {
    %c0_i32 = arith.constant 0 : i32
    %c0_i32_0 = arith.constant 0 : i32
    return %arg0, %c0_i32 : i32, i32
  }
  func.func @transform_2(%arg0: i32) -> (i32, i32) {
    %c0_i32 = arith.constant 0 : i32
    %c0_i32_0 = arith.constant 0 : i32
    return %arg0, %c0_i32 : i32, i32
  }
}

module attributes {stable_mosaic.version = 14 : i64} {
  func.func @body(%arg0: i32, %arg1: memref<2000x128xbf16, #tpu.memory_space<vmem>>, %arg2: memref<2000x128xbf16, #tpu.memory_space<vmem>>, %arg3: memref<2000x128xbf16, #tpu.memory_space<vmem>>, %arg4: memref<2000x1xf32, #tpu.memory_space<vmem>>, %arg5: memref<1x128xf32, #tpu.memory_space<vmem>>, %arg6: memref<128x128xf32, #tpu.memory_space<vmem>>, %arg7: memref<2000x128xbf16, #tpu.memory_space<vmem>>) attributes {dimension_semantics = [#tpu.dimension_semantics<arbitrary>], iteration_bounds = array<i64: 5>, scalar_prefetch = 0 : i64, scratch_operands = 0 : i64, tpu.core_type = #tpu.core_type<tc>, window_params = [{transform_indices = @transform_0, window_bounds = array<i64: 2000, 128>}, {transform_indices = @transform_1, window_bounds = array<i64: 2000, 128>}, {transform_indices = @transform_2, window_bounds = array<i64: 2000, 128>}, {transform_indices = @transform_3, window_bounds = array<i64: 2000, 1>}, {pipeline_mode = #tpu.pipeline_mode<synchronous>, transform_indices = @transform_4, window_bounds = array<i64: 1, 128>}, {pipeline_mode = #tpu.pipeline_mode<synchronous>, transform_indices = @transform_5, window_bounds = array<i64: 128, 128>}, {transform_indices = @transform_6, window_bounds = array<i64: 2000, 128>}]} {
    %get3A = arith.constant 0 : index
    %get3A_0 = arith.constant 0 : index
    %get3A_1 = vector.load %arg4[%get3A, %get3A_0] : memref<2000x1xf32, #tpu.memory_space<vmem>>, vector<2000x1xf32>
    %get3A_2 = arith.constant 0 : index
    %get3A_3 = arith.constant 0 : index
    %get3A_4 = vector.load %arg1[%get3A_2, %get3A_3] : memref<2000x128xbf16, #tpu.memory_space<vmem>>, vector<2000x128xbf16>
    %convert_element_type3A = arith.extf %get3A_4 : vector<2000x128xbf16> to vector<2000x128xf32>
    %get3A_5 = arith.constant 0 : index
    %get3A_6 = arith.constant 0 : index
    %get3A_7 = vector.load %arg2[%get3A_5, %get3A_6] : memref<2000x128xbf16, #tpu.memory_space<vmem>>, vector<2000x128xbf16>
    %convert_element_type3A_8 = arith.extf %get3A_7 : vector<2000x128xbf16> to vector<2000x128xf32>
    %add3A = arith.addf %convert_element_type3A, %convert_element_type3A_8 : vector<2000x128xf32>
    %get3A_9 = arith.constant 0 : index
    %get3A_10 = arith.constant 0 : index
    %get3A_11 = vector.load %arg3[%get3A_9, %get3A_10] : memref<2000x128xbf16, #tpu.memory_space<vmem>>, vector<2000x128xbf16>
    %convert_element_type3A_12 = arith.extf %get3A_11 : vector<2000x128xbf16> to vector<2000x128xf32>
    %add3A_13 = arith.addf %add3A, %convert_element_type3A_12 : vector<2000x128xf32>
    %mul3A = vector.broadcast %get3A_1 : vector<2000x1xf32> to vector<2000x128xf32>
    %mul3A_14 = arith.mulf %mul3A, %add3A_13 : vector<2000x128xf32>
    %get3A_15 = arith.constant 0 : index
    %get3A_16 = arith.constant 0 : index
    %get3A_17 = vector.load %arg5[%get3A_15, %get3A_16] : memref<1x128xf32, #tpu.memory_space<vmem>>, vector<1x128xf32>
    %add3A_18 = vector.broadcast %get3A_17 : vector<1x128xf32> to vector<2000x128xf32>
    %add3A_19 = arith.addf %mul3A_14, %add3A_18 : vector<2000x128xf32>
    %max3A = arith.constant 0.000000e+00 : f32
    %max3A_20 = vector.broadcast %max3A : f32 to vector<2000x128xf32>
    %max3A_21 = arith.maximumf %add3A_19, %max3A_20 : vector<2000x128xf32>
    %get3A_22 = arith.constant 0 : index
    %get3A_23 = arith.constant 0 : index
    %get3A_24 = vector.load %arg6[%get3A_22, %get3A_23] : memref<128x128xf32, #tpu.memory_space<vmem>>, vector<128x128xf32>
    %dot_general3A = arith.constant dense<0.000000e+00> : vector<2000x128xf32>
    %dot_general3A_25 = tpu.matmul %max3A_21, %get3A_24, %dot_general3A {dimension_numbers = #tpu.dot_dimension_numbers<[1], [0], [0], [1], [0, 0, 1, 1], [], []>, transpose_lhs_hint = false} : vector<2000x128xf32>, vector<128x128xf32>, vector<2000x128xf32> -> vector<2000x128xf32>
    %mul3A_26 = vector.broadcast %get3A_1 : vector<2000x1xf32> to vector<2000x128xf32>
    %mul3A_27 = arith.mulf %dot_general3A_25, %mul3A_26 : vector<2000x128xf32>
    %convert_element_type3A_28 = arith.truncf %mul3A_27 : vector<2000x128xf32> to vector<2000x128xbf16>
    %swap3A = arith.constant 0 : index
    %swap3A_29 = arith.constant 0 : index
    %swap3A_30 = vector.load %arg7[%swap3A, %swap3A_29] : memref<2000x128xbf16, #tpu.memory_space<vmem>>, vector<2000x128xbf16>
    tpu.vector_store %arg7[%swap3A, %swap3A_29], %convert_element_type3A_28 {strides = array<i32>} : memref<2000x128xbf16, #tpu.memory_space<vmem>>, vector<2000x128xbf16>,
    return
  }
  func.func @transform_0(%arg0: i32) -> (i32, i32) {
    %c0_i32 = arith.constant 0 : i32
    %c0_i32_0 = arith.constant 0 : i32
    return %arg0, %c0_i32 : i32, i32
  }
  func.func @transform_1(%arg0: i32) -> (i32, i32) {
    %c0_i32 = arith.constant 0 : i32
    %c0_i32_0 = arith.constant 0 : i32
    return %arg0, %c0_i32 : i32, i32
  }
  func.func @transform_2(%arg0: i32) -> (i32, i32) {
    %c0_i32 = arith.constant 0 : i32
    %c0_i32_0 = arith.constant 0 : i32
    return %arg0, %c0_i32 : i32, i32
  }
  func.func @transform_3(%arg0: i32) -> (i32, i32) {
    %c0_i32 = arith.constant 0 : i32
    %c0_i32_0 = arith.constant 0 : i32
    return %arg0, %c0_i32 : i32, i32
  }
  func.func @transform_4(%arg0: i32) -> (i32, i32) {
    %c0_i32 = arith.constant 0 : i32
    %c0_i32_0 = arith.constant 0 : i32
    %c0_i32_1 = arith.constant 0 : i32
    return %c0_i32, %c0_i32_0 : i32, i32
  }
  func.func @transform_5(%arg0: i32) -> (i32, i32) {
    %c0_i32 = arith.constant 0 : i32
    %c0_i32_0 = arith.constant 0 : i32
    %c0_i32_1 = arith.constant 0 : i32
    return %c0_i32, %c0_i32_0 : i32, i32
  }
  func.func @transform_6(%arg0: i32) -> (i32, i32) {
    %c0_i32 = arith.constant 0 : i32
    %c0_i32_0 = arith.constant 0 : i32
    return %arg0, %c0_i32 : i32, i32
  }
}

module attributes {stable_mosaic.version = 14 : i64} {
  func.func @body(%arg0: i32, %arg1: memref<2000x128xbf16, #tpu.memory_space<vmem>>, %arg2: memref<2000x128xbf16, #tpu.memory_space<vmem>>, %arg3: memref<2000x128xbf16, #tpu.memory_space<vmem>>, %arg4: memref<2000x1xf32, #tpu.memory_space<vmem>>, %arg5: memref<1x128xf32, #tpu.memory_space<vmem>>, %arg6: memref<2000x128xf32, #tpu.memory_space<vmem>>, %arg7: memref<128x128xf32, #tpu.memory_space<vmem>>, %arg8: memref<128x128xf32, #tpu.memory_space<vmem>>, %arg9: memref<1x128xf32, #tpu.memory_space<vmem>>, %arg10: memref<128x64xf32, #tpu.memory_space<vmem>>, %arg11: memref<1x64xf32, #tpu.memory_space<vmem>>, %arg12: memref<2000x64xf32, #tpu.memory_space<vmem>>) attributes {dimension_semantics = [#tpu.dimension_semantics<arbitrary>], iteration_bounds = array<i64: 5>, scalar_prefetch = 0 : i64, scratch_operands = 0 : i64, tpu.core_type = #tpu.core_type<tc>, window_params = [{transform_indices = @transform_0, window_bounds = array<i64: 2000, 128>}, {transform_indices = @transform_1, window_bounds = array<i64: 2000, 128>}, {transform_indices = @transform_2, window_bounds = array<i64: 2000, 128>}, {transform_indices = @transform_3, window_bounds = array<i64: 2000, 1>}, {pipeline_mode = #tpu.pipeline_mode<synchronous>, transform_indices = @transform_4, window_bounds = array<i64: 1, 128>}, {transform_indices = @transform_5, window_bounds = array<i64: 2000, 128>}, {pipeline_mode = #tpu.pipeline_mode<synchronous>, transform_indices = @transform_6, window_bounds = array<i64: 128, 128>}, {pipeline_mode = #tpu.pipeline_mode<synchronous>, transform_indices = @transform_7, window_bounds = array<i64: 128, 128>}, {pipeline_mode = #tpu.pipeline_mode<synchronous>, transform_indices = @transform_8, window_bounds = array<i64: 1, 128>}, {pipeline_mode = #tpu.pipeline_mode<synchronous>, transform_indices = @transform_9, window_bounds = array<i64: 128, 64>}, {pipeline_mode = #tpu.pipeline_mode<synchronous>, transform_indices = @transform_10, window_bounds = array<i64: 1, 64>}, {transform_indices = @transform_11, window_bounds = array<i64: 2000, 64>}]} {
    %get3A = arith.constant 0 : index
    %get3A_0 = arith.constant 0 : index
    %get3A_1 = vector.load %arg4[%get3A, %get3A_0] : memref<2000x1xf32, #tpu.memory_space<vmem>>, vector<2000x1xf32>
    %get3A_2 = arith.constant 0 : index
    %get3A_3 = arith.constant 0 : index
    %get3A_4 = vector.load %arg1[%get3A_2, %get3A_3] : memref<2000x128xbf16, #tpu.memory_space<vmem>>, vector<2000x128xbf16>
    %convert_element_type3A = arith.extf %get3A_4 : vector<2000x128xbf16> to vector<2000x128xf32>
    %get3A_5 = arith.constant 0 : index
    %get3A_6 = arith.constant 0 : index
    %get3A_7 = vector.load %arg2[%get3A_5, %get3A_6] : memref<2000x128xbf16, #tpu.memory_space<vmem>>, vector<2000x128xbf16>
    %convert_element_type3A_8 = arith.extf %get3A_7 : vector<2000x128xbf16> to vector<2000x128xf32>
    %add3A = arith.addf %convert_element_type3A, %convert_element_type3A_8 : vector<2000x128xf32>
    %get3A_9 = arith.constant 0 : index
    %get3A_10 = arith.constant 0 : index
    %get3A_11 = vector.load %arg3[%get3A_9, %get3A_10] : memref<2000x128xbf16, #tpu.memory_space<vmem>>, vector<2000x128xbf16>
    %convert_element_type3A_12 = arith.extf %get3A_11 : vector<2000x128xbf16> to vector<2000x128xf32>
    %add3A_13 = arith.addf %add3A, %convert_element_type3A_12 : vector<2000x128xf32>
    %mul3A = vector.broadcast %get3A_1 : vector<2000x1xf32> to vector<2000x128xf32>
    %mul3A_14 = arith.mulf %mul3A, %add3A_13 : vector<2000x128xf32>
    %get3A_15 = arith.constant 0 : index
    %get3A_16 = arith.constant 0 : index
    %get3A_17 = vector.load %arg5[%get3A_15, %get3A_16] : memref<1x128xf32, #tpu.memory_space<vmem>>, vector<1x128xf32>
    %add3A_18 = vector.broadcast %get3A_17 : vector<1x128xf32> to vector<2000x128xf32>
    %add3A_19 = arith.addf %mul3A_14, %add3A_18 : vector<2000x128xf32>
    %get3A_20 = arith.constant 0 : index
    %get3A_21 = arith.constant 0 : index
    %get3A_22 = vector.load %arg7[%get3A_20, %get3A_21] : memref<128x128xf32, #tpu.memory_space<vmem>>, vector<128x128xf32>
    %dot_general3A = arith.constant dense<0.000000e+00> : vector<2000x128xf32>
    %dot_general3A_23 = tpu.matmul %add3A_19, %get3A_22, %dot_general3A {dimension_numbers = #tpu.dot_dimension_numbers<[1], [0], [0], [1], [0, 0, 1, 1], [], []>, transpose_lhs_hint = false} : vector<2000x128xf32>, vector<128x128xf32>, vector<2000x128xf32> -> vector<2000x128xf32>
    %get3A_24 = arith.constant 0 : index
    %get3A_25 = arith.constant 0 : index
    %get3A_26 = vector.load %arg6[%get3A_24, %get3A_25] : memref<2000x128xf32, #tpu.memory_space<vmem>>, vector<2000x128xf32>
    %get3A_27 = arith.constant 0 : index
    %get3A_28 = arith.constant 0 : index
    %get3A_29 = vector.load %arg8[%get3A_27, %get3A_28] : memref<128x128xf32, #tpu.memory_space<vmem>>, vector<128x128xf32>
    %dot_general3A_30 = arith.constant dense<0.000000e+00> : vector<2000x128xf32>
    %dot_general3A_31 = tpu.matmul %get3A_26, %get3A_29, %dot_general3A_30 {dimension_numbers = #tpu.dot_dimension_numbers<[1], [0], [0], [1], [0, 0, 1, 1], [], []>, transpose_lhs_hint = false} : vector<2000x128xf32>, vector<128x128xf32>, vector<2000x128xf32> -> vector<2000x128xf32>
    %add3A_32 = arith.addf %dot_general3A_23, %dot_general3A_31 : vector<2000x128xf32>
    %get3A_33 = arith.constant 0 : index
    %get3A_34 = arith.constant 0 : index
    %get3A_35 = vector.load %arg9[%get3A_33, %get3A_34] : memref<1x128xf32, #tpu.memory_space<vmem>>, vector<1x128xf32>
    %add3A_36 = vector.broadcast %get3A_35 : vector<1x128xf32> to vector<2000x128xf32>
    %add3A_37 = arith.addf %add3A_32, %add3A_36 : vector<2000x128xf32>
    %max3A = arith.constant 0.000000e+00 : f32
    %max3A_38 = vector.broadcast %max3A : f32 to vector<2000x128xf32>
    %max3A_39 = arith.maximumf %add3A_37, %max3A_38 : vector<2000x128xf32>
    %get3A_40 = arith.constant 0 : index
    %get3A_41 = arith.constant 0 : index
    %get3A_42 = vector.load %arg10[%get3A_40, %get3A_41] : memref<128x64xf32, #tpu.memory_space<vmem>>, vector<128x64xf32>
    %dot_general3A_43 = arith.constant dense<0.000000e+00> : vector<2000x64xf32>
    %dot_general3A_44 = tpu.matmul %max3A_39, %get3A_42, %dot_general3A_43 {dimension_numbers = #tpu.dot_dimension_numbers<[1], [0], [0], [1], [0, 0, 1, 1], [], []>, transpose_lhs_hint = false} : vector<2000x128xf32>, vector<128x64xf32>, vector<2000x64xf32> -> vector<2000x64xf32>
    %get3A_45 = arith.constant 0 : index
    %get3A_46 = arith.constant 0 : index
    %get3A_47 = vector.load %arg11[%get3A_45, %get3A_46] : memref<1x64xf32, #tpu.memory_space<vmem>>, vector<1x64xf32>
    %add3A_48 = vector.broadcast %get3A_47 : vector<1x64xf32> to vector<2000x64xf32>
    %add3A_49 = arith.addf %dot_general3A_44, %add3A_48 : vector<2000x64xf32>
    %swap3A = arith.constant 0 : index
    %swap3A_50 = arith.constant 0 : index
    %swap3A_51 = vector.load %arg12[%swap3A, %swap3A_50] : memref<2000x64xf32, #tpu.memory_space<vmem>>, vector<2000x64xf32>
    tpu.vector_store %arg12[%swap3A, %swap3A_50], %add3A_49 {strides = array<i32>} : memref<2000x64xf32, #tpu.memory_space<vmem>>, vector<2000x64xf32>,
    return
  }
  func.func @transform_0(%arg0: i32) -> (i32, i32) {
    %c0_i32 = arith.constant 0 : i32
    %c0_i32_0 = arith.constant 0 : i32
    return %arg0, %c0_i32 : i32, i32
  }
  func.func @transform_1(%arg0: i32) -> (i32, i32) {
    %c0_i32 = arith.constant 0 : i32
    %c0_i32_0 = arith.constant 0 : i32
    return %arg0, %c0_i32 : i32, i32
  }
  func.func @transform_2(%arg0: i32) -> (i32, i32) {
    %c0_i32 = arith.constant 0 : i32
    %c0_i32_0 = arith.constant 0 : i32
    return %arg0, %c0_i32 : i32, i32
  }
  func.func @transform_3(%arg0: i32) -> (i32, i32) {
    %c0_i32 = arith.constant 0 : i32
    %c0_i32_0 = arith.constant 0 : i32
    return %arg0, %c0_i32 : i32, i32
  }
  func.func @transform_4(%arg0: i32) -> (i32, i32) {
    %c0_i32 = arith.constant 0 : i32
    %c0_i32_0 = arith.constant 0 : i32
    %c0_i32_1 = arith.constant 0 : i32
    return %c0_i32, %c0_i32_0 : i32, i32
  }
  func.func @transform_5(%arg0: i32) -> (i32, i32) {
    %c0_i32 = arith.constant 0 : i32
    %c0_i32_0 = arith.constant 0 : i32
    return %arg0, %c0_i32 : i32, i32
  }
  func.func @transform_6(%arg0: i32) -> (i32, i32) {
    %c0_i32 = arith.constant 0 : i32
    %c0_i32_0 = arith.constant 0 : i32
    %c0_i32_1 = arith.constant 0 : i32
    return %c0_i32, %c0_i32_0 : i32, i32
  }
  func.func @transform_7(%arg0: i32) -> (i32, i32) {
    %c0_i32 = arith.constant 0 : i32
    %c0_i32_0 = arith.constant 0 : i32
    %c0_i32_1 = arith.constant 0 : i32
    return %c0_i32, %c0_i32_0 : i32, i32
  }
  func.func @transform_8(%arg0: i32) -> (i32, i32) {
    %c0_i32 = arith.constant 0 : i32
    %c0_i32_0 = arith.constant 0 : i32
    %c0_i32_1 = arith.constant 0 : i32
    return %c0_i32, %c0_i32_0 : i32, i32
  }
  func.func @transform_9(%arg0: i32) -> (i32, i32) {
    %c0_i32 = arith.constant 0 : i32
    %c0_i32_0 = arith.constant 0 : i32
    %c0_i32_1 = arith.constant 0 : i32
    return %c0_i32, %c0_i32_0 : i32, i32
  }
  func.func @transform_10(%arg0: i32) -> (i32, i32) {
    %c0_i32 = arith.constant 0 : i32
    %c0_i32_0 = arith.constant 0 : i32
    %c0_i32_1 = arith.constant 0 : i32
    return %c0_i32, %c0_i32_0 : i32, i32
  }
  func.func @transform_11(%arg0: i32) -> (i32, i32) {
    %c0_i32 = arith.constant 0 : i32
    %c0_i32_0 = arith.constant 0 : i32
    return %arg0, %c0_i32 : i32, i32
  }
}

</mosaic_0001>

<sc_bundles>
// kernel: kernel.12.cloned.1.call-start
scs
__scs_entry_jumppad:
0x0: {  	(pc) =	sbr.rel $0x88, $3  }
0x1: {  	(tag) =	ssettag $0x0;
	lr =	simm.s32 $0x1  }
0x2: {  	[smem:$0x3F97] =	sst lr;
	_ =	strace $0xD0000000  }
0x3: {  	_ = 	snop  }
0x4: {  	_ = 	snop  }
0x5: {  	_ = 	snop  }
0x6: {  	_ = 	snop  }
0x7: {  	_ = 	snop  }
__scs_overlays_trampoline_lowered:
0x8: {  	[smem:$0x3FA6] =	sst s0  }
0x9: {  	[smem:$0x3FA7] =	sst s1  }
0xa: {  	[smem:$0x3FA8] =	sst s2  }
0xb: {  	[smem:$0x3FA9] =	sst s3  }
0xc: {  	[smem:$0x3FAA] =	sst s4  }
0xd: {  	[smem:$0x3FAB] =	sst s5  }
0xe: {  	[smem:$0x3FAC] =	sst s6  }
0xf: {  	[smem:$0x3FAD] =	sst s7  }
0x10: {  	[smem:$0x3FAE] =	sst s8  }
0x11: {  	[smem:$0x3FAF] =	sst s9;
	s0 =	simm.s32 @!p0 $0x0  }
0x12: {  	s1 =	sld [smem:$0x3F95];
	s0 =	simm.s32 @p0 $0x1  }
0x13: {  	[smem:$0x3FB0] =	sst s0;
	s0 =	simm.s32 @!p1 $0x0  }
0x14: {  	s2 =	sld [smem:$0x3F94];
	s0 =	simm.s32 @p1 $0x1  }
0x15: {  	[smem:$0x3FB1] =	sst s0;
	s0 =	simm.s32 @!p2 $0x0  }
0x16: {  	s3 =	sld [smem:$0x3FDB];
	s0 =	simm.s32 @p2 $0x1  }
0x17: {  	s4 =	simm.s32 $0x1BF5;
	[smem:$0x3FB3] =	sst s0  }
0x18: {  	s0 =	sld [smem:$0x3F96];
	_ =	swait.ge [sflag:s4], $0x0  }
0x19: {  	s7 =	sld [smem:$0x3F97]  }
0x1a: {  	s8 =	sadd.s32 $0xFFFFE003, lr  }
0x1b: {  	s9 =	sadd.s32 $0xFFFFFEF7, lr;
	s5 =	simm.s32 $0xFFFFFFFF;
	p2 =	slt.u32 s8, $0xFFFFF086  }
0x1c: {  	p1 =	slt.u32 s9, $0xF7A;
	s5 =	simm.s32 @!p2 $0x0  }
0x1d: {  	s5 =	simm.s32 @p1 $0x1;
	p0 =	seq.s32 s7, s2  }
0x1e: {  	s7 =	smul.u32 @!p0 $0xF7A, s2;
	p2 =	seq.s32 @!p0 s5, $0x0  }
0x1f: {  	s9 =	smul.u32 $0xF7A, s1;
	s8 =	simm.s32 @!p0 $0x1BF5;
	p2 =	por !p2, p0  }
0x20: {  	[sflag:s8] =	ssyncset.s32 @!p0 $0xFFFFF086;
	s6 =	sadd.s32 @!p0 s3, s7;
	s7 =	simm.s32 @!p0 $0x108  }
0x21: {  	s3 =	sadd.s32 s3, s9;
	s6 =	sadd.s32 @!p0 $0x88, s6;
	s7 =	simm.s32 @p2 $0x1082  }
0x22: {  	[simem:s7], [sflag:s8] =	dma.local @!p0 [hbm:s6], $0xF7A  }
0x23: {  	s9 =	sor.u32 $0xD0000000, s2;
	s6 =	simm.s32 $0x108;
	_ =	swait.ge @!p0 [sflag:s8], $0x0  }
0x24: {  	s3 =	sadd.s32 $0x88, s3;
	s6 =	simm.s32 @!p1 $0x1082;
	[sflag:s4] =	ssyncset.s32 $0xFFFFF086  }
0x25: {  	[simem:s6], [sflag:s4] =	dma.local [hbm:s3], $0xF7A  }
0x26: {  	[smem:$0x3F97] =	sst s1;
	(tag) =	ssettag s2;
	_ =	strace s9  }
0x27: {  	s1 =	sld [smem:$0x3FA7]  }
0x28: {  	s2 =	sld [smem:$0x3FA8]  }
0x29: {  	s4 =	sld [smem:$0x3FAA]  }
0x2a: {  	p0 =	seq.s32 s5, $0x0;
	s5 =	sld [smem:$0x3FAB]  }
0x2b: {  	s6 =	sld [smem:$0x3FAC]  }
0x2c: {  	s7 =	sld [smem:$0x3FAD]  }
0x2d: {  	s3 =	simm.s32 $0x108;
	s8 =	sld [smem:$0x3FAE]  }
0x2e: {  	s3 =	simm.s32 @!p0 $0x1082;
	s9 =	sld [smem:$0x3FAF]  }
0x2f: {  	lr =	sadd.s32 s0, s3;
	s0 =	sld [smem:$0x3FA6]  }
0x30: {  	s3 =	sld [smem:$0x3FA9]  }
0x31: {  	[smem:$0x3FB2] =	sst s10  }
0x32: {  	s10 =	sld [smem:$0x3FB0];
	_ =	sdelay $0x3  }
0x33: {  	p0 =	seq.s32 s10, $0x1;
	s10 =	sld [smem:$0x3FB2];
	_ =	sdelay $0x3  }
0x34: {  	[smem:$0x3FB2] =	sst s10  }
0x35: {  	s10 =	sld [smem:$0x3FB1];
	_ =	sdelay $0x3  }
0x36: {  	p1 =	seq.s32 s10, $0x1;
	s10 =	sld [smem:$0x3FB2];
	_ =	sdelay $0x3  }
0x37: {  	[smem:$0x3FB2] =	sst s10  }
0x38: {  	s10 =	sld [smem:$0x3FB3]  }
0x39: {  	_ = 	snop;
	(pc) =	sbr.ind lr, $3  }
0x3a: {  	_ = 	snop  }
0x3b: {  	_ = 	snop  }
0x3c: {  	p2 =	seq.s32 s10, $0x1;
	s10 =	sld [smem:$0x3FB2]  }
0x3d: {  	_ =	shalt  }
0x3e: {  	_ =	shalt  }
0x3f: {  	_ =	shalt  }
0x40: {  	_ =	shalt  }
0x41: {  	_ =	shalt  }
0x42: {  	_ =	shalt  }
0x43: {  	_ =	shalt  }
0x44: {  	_ =	shalt  }
0x45: {  	_ =	shalt  }
0x46: {  	_ =	shalt  }
0x47: {  	_ =	shalt  }
0x48: {  	_ =	shalt  }
0x49: {  	_ =	shalt  }
0x4a: {  	_ =	shalt  }
0x4b: {  	_ =	shalt  }
0x4c: {  	_ =	shalt  }
0x4d: {  	_ =	shalt  }
0x4e: {  	_ =	shalt  }
0x4f: {  	_ =	shalt  }
0x50: {  	_ =	shalt  }
0x51: {  	_ =	shalt  }
0x52: {  	_ =	shalt  }
0x53: {  	_ =	shalt  }
0x54: {  	_ =	shalt  }
0x55: {  	_ =	shalt  }
0x56: {  	_ =	shalt  }
0x57: {  	_ =	shalt  }
0x58: {  	_ =	shalt  }
0x59: {  	_ =	shalt  }
0x5a: {  	_ =	shalt  }
0x5b: {  	_ =	shalt  }
0x5c: {  	_ =	shalt  }
0x5d: {  	_ =	shalt  }
0x5e: {  	_ =	shalt  }
0x5f: {  	_ =	shalt  }
0x60: {  	_ =	shalt  }
0x61: {  	_ =	shalt  }
0x62: {  	_ =	shalt  }
0x63: {  	_ =	shalt  }
0x64: {  	_ =	shalt  }
0x65: {  	_ =	shalt  }
0x66: {  	_ =	shalt  }
0x67: {  	_ =	shalt  }
0x68: {  	_ =	shalt  }
0x69: {  	_ =	shalt  }
0x6a: {  	_ =	shalt  }
0x6b: {  	_ =	shalt  }
0x6c: {  	_ =	shalt  }
0x6d: {  	_ =	shalt  }
0x6e: {  	_ =	shalt  }
0x6f: {  	_ =	shalt  }
0x70: {  	_ =	shalt  }
0x71: {  	_ =	shalt  }
0x72: {  	_ =	shalt  }
0x73: {  	_ =	shalt  }
0x74: {  	_ =	shalt  }
0x75: {  	_ =	shalt  }
0x76: {  	_ =	shalt  }
0x77: {  	_ =	shalt  }
0x78: {  	_ =	shalt  }
0x79: {  	_ =	shalt  }
0x7a: {  	_ =	shalt  }
0x7b: {  	_ =	shalt  }
0x7c: {  	_ =	shalt  }
0x7d: {  	_ =	shalt  }
0x7e: {  	_ =	shalt  }
0x7f: {  	_ =	shalt  }
0x80: {  	_ =	shalt  }
0x81: {  	_ =	shalt  }
0x82: {  	_ =	shalt  }
0x83: {  	_ =	shalt  }
0x84: {  	_ =	shalt  }
0x85: {  	_ =	shalt  }
0x86: {  	_ =	shalt  }
0x87: {  	_ =	shalt  }
.Lfunc_end0:
.L_simem_size_0:
called_computation.1_lowered:
.L_overlay_start_0:
0x88: {  	s2 =	sld [smem:$0x3FD9]  }
0x89: {  	s3 =	sld [smem:$0x3FFE];
	_ =	sdelay $0x1  }
0x8a: {  	s1 =	srdreg.scid  }
0x8b: {  	s0 =	sand.u32 $0x1, s1  }
0x8c: {  	s17 =	sshll.u32 s0, $0xA;
	s2 =	sadd.s32 s3, s2  }
0x8d: {  	s2 =	sadd.s32 s2, s17  }
0x8e: {  	[smem:$0x3FBE] =	sst s2  }
0x8f: {  	_ = 	snop  }
0x90: {  	s2 =	sld [smem:$0x3FD0];
	(tm) =	ssettm $0x1  }
0x91: {  	s18 =	sld [smem:$0x3FFB];
	_ =	sdelay $0x3  }
0x92: {  	_ =	strace s18  }
0x93: {  	s3 =	sld [smem:$0x3FFC];
	_ =	sdelay $0x3  }
0x94: {  	_ =	strace s3  }
0x95: {  	s3 =	sld [smem:$0x3FFD];
	_ =	sdelay $0x3  }
0x96: {  	_ =	strace s3  }
0x97: {  	_ =	strace $0x8FFFFFFF  }
0x98: {  	s19 =	sld [smem:$0x3FDB];
	_ =	sdelay $0x1  }
0x99: {  	s4 =	simm.s32 $_scs_section_size  }
0x9a: {  	s5 =	simm.s32 $_size__tile_overlayer_lowered;
	s6 =	simm.s32 $_tile_overlayer_lowered  }
0x9b: {  	s22 =	simm.s32 $0x1BFF;
	s21 =	sshll.u32 s6, $0x1;
	s3 =	sadd.s32 s4, s19  }
0x9c: {  	s7 =	simm.s32 $0x0;
	s20 =	sshll.u32 s5, $0x1;
	s5 =	sadd.s32 s21, s3  }
0x9d: {  	[timem:s7], [sflag:s22] =	dma.local [hbm:s5], s20  }
0x9e: {  	_ =	swait.ge [sflag:s22], s20  }
0x9f: {  	s4 =	ssub.s32 $0x0, s20;
	[sflag:s22] =	ssyncset.done $0x0  }
0xa0: {  	[sflag:s22] =	ssyncadd.s32 s4;
	_ =	sdelay $0x1  }
0xa1: {  	s23 =	simm.s32 $0x1B8B  }
0xa2: {  	_ =	swait.ge [sflag:s23], $0x1  }
0xa3: {  	[sflag:s23] =	ssyncset.done $0x0  }
0xa4: {  	s25 =	simm.s32 $0x1B8E;
	s24 =	sld [smem:$0x3FFE];
	[sflag:s23] =	ssyncadd.s32 $0xFFFFFFFF  }
0xa5: {  	s26 =	simm.s32 $execute0_lowered;
	[smem:$0x3FD2] =	sst s25  }
0xa6: {  	s5 =	sshll.u32 s26, $0x1;
	_ =	strace $0x80000049;
	[dreg:$0x1] =	wrdreg $0xFFFFFFFF  }
0xa7: {  	s28 =	simm.s32 $_size_execute0_lowered;
	s3 =	sadd.s32 s3, s5;
	[dreg:$0x0] =	wrdreg $0x0  }
0xa8: {  	s5 =	sshll.u32 s28, $0x1;
	[dreg:$0x2] =	wrdreg s3  }
0xa9: {  	[dreg:$0x3] =	wrdreg s5  }
0xaa: {  	[dreg:$0x4] =	wrdreg $0xC0  }
0xab: {  	_ =	task [dreg:s7], $0x5FFFF  }
0xac: {  	[dreg:$0x1] =	wrdreg $0xFFFFFFFF  }
0xad: {  	[dreg:$0x0] =	wrdreg $0x60  }
0xae: {  	[dreg:$0x2] =	wrdreg s2  }
0xaf: {  	[dreg:$0x3] =	wrdreg s24  }
0xb0: {  	[dreg:$0x4] =	wrdreg $0x0  }
0xb1: {  	[dreg:$0x5] =	wrdreg $0x9  }
0xb2: {  	_ =	task.clear_ibuf [dreg:s7], $0x6FFFF;
	_ =	strace $0x90000049  }
0xb3: {  	s29 =	simm.s32 $0x9;
	_ =	strace $0x8000004B  }
0xb4: {  	_ =	swait.ge [sflag:s29], $0x1  }
0xb5: {  	[sflag:s29] =	ssyncadd.s32 $0xFFFFFFFF  }
0xb6: {  	_ =	strace $0x9000004B  }
0xb7: {  	_ =	sfence  }
0xb8: {  	s30 =	sld [smem:$0x0];
	_ =	sdelay $0x2  }
0xb9: {  	s31 =	sshll.u32 s1, $0xD;
	s1 =	sshrl.u32 s1, $0x2  }
0xba: {  	s3 =	sand.u32 $0x4000, s31;
	s1 =	sadd.s32 s1, s30  }
0xbb: {  	s0 =	sor.u32 s3, s0;
	s1 =	sshll.u32 s1, $0x11  }
0xbc: {  	s0 =	sor.u32 s1, s0  }
0xbd: {  	s0 =	sadd.s32 $0x8F2B, s0  }
0xbe: {  	[sflag:s0] =	ssyncadd.remote.s32 $0x1  }
0xbf: {  	_ =	sfence.sel $0xFFFF  }
0xc0: {  	[dreg:$0x0] =	wrdreg $0xFFFFFFFF;
	(pc) =	sbr.abs _section_cstart, $3  }
0xc1: {  	[dreg:$0x1] =	wrdreg $0xFFFFFFFF  }
0xc2: {  	_ =	task.clear_ibuf [dreg:s7], $0x2FFFF;
	_ =	strace $0x9FFFFFFF  }
0xc3: {  	(tm) =	ssettm $0x7FFFFFFF  }
tec
execute0_lowered:
.L_overlay_start_1:
0x0: {  	(tag) =	ssettag $0x1  }
0x1: {  	s1 =	rddreg [dreg:$0x0];
	s0 =	srdreg.scid  }
0x2: {  	s8 =	stileid.u32;
	s2 =	rddreg [dreg:$0x1]  }
0x3: {  	s3 =	rddreg [dreg:$0x2];
	s4 =	simm.s32 $0x0;
	s28 =	simm.s32 $0x6  }
0x4: {  	s29 =	simm.s32 $0x32;
	s31 =	simm.s32 $0x10040;
	s30 =	simm.s32 $0x11940  }
0x5: {  	s9 =	simm.s32 $0x8;
	s0 =	sand.u32 $0x1, s0;
	s5 =	smul.u32 $0x13880, s8  }
0x6: {  	s6 =	sshll.u32 s8, $0x1;
	[smem:$0x7FF] =	sst s4;
	s8 =	smul.u32 $0x27100, s8  }
0x7: {  	s7 =	smul.u32 $0x138800, s0;
	s6 =	sor.u32 s0, s6;
	s0 =	ssub.s32 $0x2, s0  }
0x8: {  	_ =	strace $0x8000004A;
	s6 =	smul.u32 $0x578, s6;
	s19 =	sshrl.u32 s0, $0x1  }
0x9: {  	s8 =	sshrl.u32 s8, $0x2;
	s7 =	sadd.s32 s5, s7;
	s5 =	sshrl.u32 s5, $0x1  }
0xa: {  	s0 =	ssub.s32 s0, s19;
	s20 =	sadd.s32 s8, s3;
	s7 =	sshrl.u32 s7, $0x4  }
0xb: {  	s6 =	sadd.s32 s6, s2;
	s5 =	sadd.s32 s5, s3;
	s8 =	sadd.s32 $0xC80, s20  }
0xc: {  	s21 =	sadd.s32 $0x1900, s20;
	s22 =	sadd.s32 $0x2580, s20;
	[dreg:$0x4] =	wrdreg s8  }
0xd: {  	s23 =	sadd.s32 $0x3200, s20;
	s24 =	sadd.s32 $0x3E80, s20;
	[dreg:$0x5] =	wrdreg s21  }
0xe: {  	s25 =	sadd.s32 $0x4B00, s20;
	s26 =	sadd.s32 $0x5780, s20;
	[dreg:$0x6] =	wrdreg s22  }
0xf: {  	s13 =	sadd.s32 $0x6400, s20;
	s14 =	sadd.s32 $0x7080, s20;
	[dreg:$0x7] =	wrdreg s23  }
0x10: {  	s15 =	sadd.s32 $0x7D00, s20;
	s16 =	sadd.s32 $0x8980, s20;
	[dreg:$0x8] =	wrdreg s24  }
0x11: {  	s17 =	sadd.s32 $0x9600, s20;
	s2 =	sadd.s32 s7, s2;
	[dreg:$0x9] =	wrdreg s25  }
0x12: {  	[dreg:$0xa] =	wrdreg s26;
	s18 =	sadd.s32 $0x16C00, s6;
	s19 =	sadd.s32 $0xBC00, s6  }
0x13: {  	s21 =	smax.u32 s0, $0x1;
	s22 =	simm.s32 $0xF3C0;
	s23 =	simm.s32 $0x9C40  }
0x14: {  	s24 =	simm.s32 $0x9;
	s26 =	simm.s32 $0x5;
	s0 =	simm.s32 $0x10CC0  }
0x15: {  	s25 =	simm.s32 $0x2;
	s6 =	simm.s32 $0x3;
	s7 =	simm.s32 $0x7  }
0x16: {  	v0 =	vimm.bf16 $0.0e+00;
	s8 =	simm.s32 $0x4;
	s20 =	sadd.s32 $0x21C00, s2;
	s2 =	simm.s32 $0x1  }
.LBB2_1:
0x17: {  	s11 =	simm.s32 $0x100;
	s10 =	simm.s32 $0x0  }
.LBB2_2:
0x18: {  	p0 =	sne.s32 s11, $0x3100;
	[tilespmem:s10+$0xF3F0] =	vst v0;
	s12 =	smov.u32 s11;
	s11 =	sadd.s32 $0x100, s11  }
.Ltmp0:
0x19: {  	[tilespmem:s10+$0xF3E0] =	vst v0;
	(pc) =	sbr.rel @p0 .LBB2_2-.Ltmp0, $3  }
0x1a: {  	[tilespmem:s10+$0xF3C0] =	vst v0  }
0x1b: {  	[tilespmem:s10+$0xF3D0] =	vst v0;
	_ =	sdelay $0x1  }
0x1c: {  	s10 =	sshra.s32 s12, $0x2  }
0x1d: {  	[tilespmem:s10+$0xF3F0] =	vst v0  }
0x1e: {  	[tilespmem:s10+$0xF3E0] =	vst v0  }
0x1f: {  	[tilespmem:s10+$0xF3C0] =	vst v0  }
0x20: {  	[tilespmem:s10+$0xF3D0] =	vst v0  }
0x21: {  	[spmem:s5] =	stream.linear.scatter [tilespmem:s22], [sflag:$0x5], $0xC80, $0x38;
	[tilespmem:$0x125C0] =	vst v63  }
0x22: {  	s11 =	rddreg [dreg:$0x4]  }
0x23: {  	[spmem:s11] =	stream.linear.scatter [tilespmem:s22], [sflag:$0x5], $0xC80, $0x38;
	[tilespmem:$0x125C0] =	vst v63  }
0x24: {  	s12 =	rddreg [dreg:$0x5]  }
0x25: {  	[spmem:s12] =	stream.linear.scatter [tilespmem:s22], [sflag:$0x5], $0xC80, $0x38;
	[tilespmem:$0x125C0] =	vst v63  }
0x26: {  	s11 =	rddreg [dreg:$0x6]  }
0x27: {  	[spmem:s11] =	stream.linear.scatter [tilespmem:s22], [sflag:$0x5], $0xC80, $0x38;
	[tilespmem:$0x125C0] =	vst v63  }
0x28: {  	s12 =	rddreg [dreg:$0x7]  }
0x29: {  	[spmem:s12] =	stream.linear.scatter [tilespmem:s22], [sflag:$0x5], $0xC80, $0x38;
	[tilespmem:$0x125C0] =	vst v63  }
0x2a: {  	s11 =	rddreg [dreg:$0x8]  }
0x2b: {  	[spmem:s11] =	stream.linear.scatter [tilespmem:s22], [sflag:$0x5], $0xC80, $0x38;
	[tilespmem:$0x125C0] =	vst v63  }
0x2c: {  	s12 =	rddreg [dreg:$0x9]  }
0x2d: {  	[spmem:s12] =	stream.linear.scatter [tilespmem:s22], [sflag:$0x5], $0xC80, $0x38;
	[tilespmem:$0x125C0] =	vst v63  }
0x2e: {  	s11 =	rddreg [dreg:$0xa]  }
0x2f: {  	[spmem:s11] =	stream.linear.scatter [tilespmem:s22], [sflag:$0x5], $0xC80, $0x38;
	[tilespmem:$0x125C0] =	vst v63  }
0x30: {  	_ = 	snop  }
0x31: {  	[spmem:s13] =	stream.linear.scatter [tilespmem:s22], [sflag:$0x5], $0xC80, $0x38;
	[tilespmem:$0x125C0] =	vst v63  }
0x32: {  	_ = 	snop  }
0x33: {  	[spmem:s14] =	stream.linear.scatter [tilespmem:s22], [sflag:$0x5], $0xC80, $0x38;
	[tilespmem:$0x125C0] =	vst v63  }
0x34: {  	_ = 	snop  }
0x35: {  	[spmem:s15] =	stream.linear.scatter [tilespmem:s22], [sflag:$0x5], $0xC80, $0x38;
	[tilespmem:$0x125C0] =	vst v63  }
0x36: {  	_ = 	snop  }
0x37: {  	[spmem:s16] =	stream.linear.scatter [tilespmem:s22], [sflag:$0x5], $0xC80, $0x38;
	[tilespmem:$0x125C0] =	vst v63  }
0x38: {  	_ = 	snop  }
0x39: {  	[spmem:s17] =	stream.linear.scatter [tilespmem:s22], [sflag:$0x6], $0x640, $0x38;
	[tilespmem:$0x125C0] =	vst v63  }
0x3a: {  	s12 =	simm.s32 $0x0  }
0x3b: {  	[tilespmem:s23], [sflag:$0x9] =	stream.linear.gather [hbm4b:s18+s12], $0x2BC0, $0x38;
	[tilespmem:$0x125C0] =	vst v63  }
0x3c: {  	_ =	swait.ge [sflag:s24], $0x2BC0  }
0x3d: {  	[sflag:s24] =	ssyncset.done $0x0  }
0x3e: {  	s11 =	simm.s32 $0xC800;
	[sflag:s24] =	ssyncadd.s32 $0xFFFFD440  }
0x3f: {  	[tilespmem:s11], [sflag:$0x9] =	stream.linear.gather [hbm4b:s19+s12], $0x2BC0, $0x38;
	[tilespmem:$0x125C0] =	vst v63  }
0x40: {  	_ =	swait.ge [sflag:s24], $0x2BC0  }
0x41: {  	[sflag:s24] =	ssyncset.done $0x0  }
0x42: {  	[sflag:s24] =	ssyncadd.s32 $0xFFFFD440  }
0x43: {  	_ =	swait.ge [sflag:s26], $0xC80  }
0x44: {  	[sflag:s26] =	ssyncset.done $0x0  }
0x45: {  	[sflag:s26] =	ssyncadd.s32 $0xFFFFF380  }
0x46: {  	_ =	swait.ge [sflag:s26], $0xC80  }
0x47: {  	[sflag:s26] =	ssyncset.done $0x0  }
0x48: {  	[sflag:s26] =	ssyncadd.s32 $0xFFFFF380  }
0x49: {  	_ =	swait.ge [sflag:s26], $0xC80  }
0x4a: {  	[sflag:s26] =	ssyncset.done $0x0  }
0x4b: {  	[sflag:s26] =	ssyncadd.s32 $0xFFFFF380  }
0x4c: {  	_ =	swait.ge [sflag:s26], $0xC80  }
0x4d: {  	[sflag:s26] =	ssyncset.done $0x0  }
0x4e: {  	[sflag:s26] =	ssyncadd.s32 $0xFFFFF380  }
0x4f: {  	_ =	swait.ge [sflag:s26], $0xC80  }
0x50: {  	[sflag:s26] =	ssyncset.done $0x0  }
0x51: {  	[sflag:s26] =	ssyncadd.s32 $0xFFFFF380  }
0x52: {  	_ =	swait.ge [sflag:s26], $0xC80  }
0x53: {  	[sflag:s26] =	ssyncset.done $0x0  }
0x54: {  	[sflag:s26] =	ssyncadd.s32 $0xFFFFF380  }
0x55: {  	_ =	swait.ge [sflag:s26], $0xC80  }
0x56: {  	[sflag:s26] =	ssyncset.done $0x0  }
0x57: {  	[sflag:s26] =	ssyncadd.s32 $0xFFFFF380  }
0x58: {  	_ =	swait.ge [sflag:s26], $0xC80  }
0x59: {  	[sflag:s26] =	ssyncset.done $0x0  }
0x5a: {  	[sflag:s26] =	ssyncadd.s32 $0xFFFFF380  }
0x5b: {  	_ =	swait.ge [sflag:s26], $0xC80  }
0x5c: {  	[sflag:s26] =	ssyncset.done $0x0  }
0x5d: {  	[sflag:s26] =	ssyncadd.s32 $0xFFFFF380  }
0x5e: {  	_ =	swait.ge [sflag:s26], $0xC80  }
0x5f: {  	[sflag:s26] =	ssyncset.done $0x0  }
0x60: {  	[sflag:s26] =	ssyncadd.s32 $0xFFFFF380  }
0x61: {  	_ =	swait.ge [sflag:s26], $0xC80  }
0x62: {  	[sflag:s26] =	ssyncset.done $0x0  }
0x63: {  	[sflag:s26] =	ssyncadd.s32 $0xFFFFF380  }
0x64: {  	_ =	swait.ge [sflag:s26], $0xC80  }
0x65: {  	[sflag:s26] =	ssyncset.done $0x0  }
0x66: {  	[sflag:s26] =	ssyncadd.s32 $0xFFFFF380  }
0x67: {  	_ =	swait.ge [sflag:s28], $0x640  }
0x68: {  	[sflag:s28] =	ssyncset.done $0x0  }
0x69: {  	[sflag:s28] =	ssyncadd.s32 $0xFFFFF9C0  }
0x6a: {  	[bflag:$0x0] =	sbarrier.arrive $0xFFFF  }
0x6b: {  	[tilespmem:s22], [sflag:$0x1] =	stream.indirect.gather [hbm4b:s1+s29], $0x40, s23, s29, $0xb8;
	[tilespmem:$0x125C0] =	vst v63  }
0x6c: {  	s11 =	simm.s32 $0x9C78  }
0x6d: {  	[tilespmem:s31], [sflag:$0x2] =	stream.indirect.gather [hbm4b:s1+s29], $0x40, s11, s29, $0xb8;
	[tilespmem:$0x125C0] =	vst v63  }
0x6e: {  	s12 =	simm.s32 $0x9CB0  }
0x6f: {  	[tilespmem:s0], [sflag:$0x3] =	stream.indirect.gather [hbm4b:s1+s29], $0x40, s12, s29, $0xb8;
	[tilespmem:$0x125C0] =	vst v63  }
0x70: {  	s11 =	simm.s32 $0x9CE8  }
0x71: {  	[tilespmem:s30], [sflag:$0x4] =	stream.indirect.gather [hbm4b:s1+s29], $0x40, s11, s29, $0xb8;
	[tilespmem:$0x125C0] =	vst v63  }
0x72: {  	_ =	swait.ge [sflag:s2], $0xC80  }
0x73: {  	[sflag:s2] =	ssyncset.done $0x0  }
0x74: {  	s12 =	simm.s32 $0xC800;
	[sflag:s2] =	ssyncadd.s32 $0xFFFFF380  }
0x75: {  	[spmem:s3] =	stream.indirect.scatter.add.bf16 [tilespmem:s22], [sflag:$0x5], $0x40, s12, s29, $0xb8;
	[tilespmem:$0x125C0] =	vst v63  }
0x76: {  	_ =	swait.ge [sflag:s26], $0xC80  }
0x77: {  	[sflag:s26] =	ssyncset.done $0x0  }
0x78: {  	s11 =	simm.s32 $0x9D20;
	[sflag:s26] =	ssyncadd.s32 $0xFFFFF380  }
0x79: {  	[tilespmem:s22], [sflag:$0x1] =	stream.indirect.gather [hbm4b:s1+s29], $0x40, s11, s29, $0xb8;
	[tilespmem:$0x125C0] =	vst v63  }
0x7a: {  	_ =	swait.ge [sflag:s25], $0xC80  }
0x7b: {  	[sflag:s25] =	ssyncset.done $0x0  }
0x7c: {  	s12 =	simm.s32 $0xC838;
	[sflag:s25] =	ssyncadd.s32 $0xFFFFF380  }
0x7d: {  	[spmem:s3] =	stream.indirect.scatter.add.bf16 [tilespmem:s31], [sflag:$0x6], $0x40, s12, s29, $0xb8;
	[tilespmem:$0x125C0] =	vst v63  }
0x7e: {  	_ =	swait.ge [sflag:s28], $0xC80  }
0x7f: {  	[sflag:s28] =	ssyncset.done $0x0  }
0x80: {  	s11 =	simm.s32 $0x9D58;
	[sflag:s28] =	ssyncadd.s32 $0xFFFFF380  }
0x81: {  	[tilespmem:s31], [sflag:$0x2] =	stream.indirect.gather [hbm4b:s1+s29], $0x40, s11, s29, $0xb8;
	[tilespmem:$0x125C0] =	vst v63  }
0x82: {  	_ =	swait.ge [sflag:s6], $0xC80  }
0x83: {  	[sflag:s6] =	ssyncset.done $0x0  }
0x84: {  	s12 =	simm.s32 $0xC870;
	[sflag:s6] =	ssyncadd.s32 $0xFFFFF380  }
0x85: {  	[spmem:s3] =	stream.indirect.scatter.add.bf16 [tilespmem:s0], [sflag:$0x7], $0x40, s12, s29, $0xb8;
	[tilespmem:$0x125C0] =	vst v63  }
0x86: {  	_ =	swait.ge [sflag:s7], $0xC80  }
0x87: {  	[sflag:s7] =	ssyncset.done $0x0  }
0x88: {  	s11 =	simm.s32 $0x9D90;
	[sflag:s7] =	ssyncadd.s32 $0xFFFFF380  }
0x89: {  	[tilespmem:s0], [sflag:$0x3] =	stream.indirect.gather [hbm4b:s1+s29], $0x40, s11, s29, $0xb8;
	[tilespmem:$0x125C0] =	vst v63  }
0x8a: {  	_ =	swait.ge [sflag:s8], $0xC80  }
0x8b: {  	[sflag:s8] =	ssyncset.done $0x0  }
0x8c: {  	s12 =	simm.s32 $0xC8A8;
	[sflag:s8] =	ssyncadd.s32 $0xFFFFF380  }
0x8d: {  	[spmem:s3] =	stream.indirect.scatter.add.bf16 [tilespmem:s30], [sflag:$0x8], $0x40, s12, s29, $0xb8;
	[tilespmem:$0x125C0] =	vst v63  }
0x8e: {  	_ =	swait.ge [sflag:s9], $0xC80  }
0x8f: {  	[sflag:s9] =	ssyncset.done $0x0  }
0x90: {  	s10 =	simm.s32 $0x380;
	s11 =	simm.s32 $0x9DC8;
	[sflag:s9] =	ssyncadd.s32 $0xFFFFF380  }
.LBB2_4:
0x91: {  	[tilespmem:s30], [sflag:$0x4] =	stream.indirect.gather [hbm4b:s1+s29], $0x40, s11, s29, $0xb8;
	[tilespmem:$0x125C0] =	vst v63  }
0x92: {  	s11 =	smov.u32 s10  }
0x93: {  	p0 =	sne.s32 s10, $0xA800;
	s10 =	sadd.s32 $0x380, s10;
	_ =	swait.ge [sflag:s2], $0xC80  }
0x94: {  	s11 =	sshra.s32 s11, $0x2;
	[sflag:s2] =	ssyncset.done $0x0  }
0x95: {  	s12 =	sadd.s32 $0xC800, s11;
	[sflag:s2] =	ssyncadd.s32 $0xFFFFF380  }
0x96: {  	[spmem:s3] =	stream.indirect.scatter.add.bf16 [tilespmem:s22], [sflag:$0x5], $0x40, s12, s29, $0xb8;
	[tilespmem:$0x125C0] =	vst v63  }
0x97: {  	_ =	swait.ge [sflag:s26], $0xC80  }
0x98: {  	[sflag:s26] =	ssyncset.done $0x0  }
0x99: {  	s12 =	sadd.s32 $0x9D20, s11;
	[sflag:s26] =	ssyncadd.s32 $0xFFFFF380  }
0x9a: {  	[tilespmem:s22], [sflag:$0x1] =	stream.indirect.gather [hbm4b:s1+s29], $0x40, s12, s29, $0xb8;
	[tilespmem:$0x125C0] =	vst v63  }
0x9b: {  	_ =	swait.ge [sflag:s25], $0xC80  }
0x9c: {  	[sflag:s25] =	ssyncset.done $0x0  }
0x9d: {  	s12 =	sadd.s32 $0xC838, s11;
	[sflag:s25] =	ssyncadd.s32 $0xFFFFF380  }
0x9e: {  	[spmem:s3] =	stream.indirect.scatter.add.bf16 [tilespmem:s31], [sflag:$0x6], $0x40, s12, s29, $0xb8;
	[tilespmem:$0x125C0] =	vst v63  }
0x9f: {  	_ =	swait.ge [sflag:s28], $0xC80  }
0xa0: {  	[sflag:s28] =	ssyncset.done $0x0  }
0xa1: {  	s12 =	sadd.s32 $0x9D58, s11;
	[sflag:s28] =	ssyncadd.s32 $0xFFFFF380  }
0xa2: {  	[tilespmem:s31], [sflag:$0x2] =	stream.indirect.gather [hbm4b:s1+s29], $0x40, s12, s29, $0xb8;
	[tilespmem:$0x125C0] =	vst v63  }
0xa3: {  	_ =	swait.ge [sflag:s6], $0xC80  }
0xa4: {  	[sflag:s6] =	ssyncset.done $0x0  }
0xa5: {  	s12 =	sadd.s32 $0xC870, s11;
	[sflag:s6] =	ssyncadd.s32 $0xFFFFF380  }
0xa6: {  	[spmem:s3] =	stream.indirect.scatter.add.bf16 [tilespmem:s0], [sflag:$0x7], $0x40, s12, s29, $0xb8;
	[tilespmem:$0x125C0] =	vst v63  }
0xa7: {  	_ =	swait.ge [sflag:s7], $0xC80  }
0xa8: {  	[sflag:s7] =	ssyncset.done $0x0  }
0xa9: {  	s12 =	sadd.s32 $0x9D90, s11;
	[sflag:s7] =	ssyncadd.s32 $0xFFFFF380  }
0xaa: {  	[tilespmem:s0], [sflag:$0x3] =	stream.indirect.gather [hbm4b:s1+s29], $0x40, s12, s29, $0xb8;
	[tilespmem:$0x125C0] =	vst v63  }
0xab: {  	_ =	swait.ge [sflag:s8], $0xC80  }
0xac: {  	[sflag:s8] =	ssyncset.done $0x0  }
.Ltmp1:
0xad: {  	s12 =	sadd.s32 $0xC8A8, s11;
	[sflag:s8] =	ssyncadd.s32 $0xFFFFF380;
	(pc) =	sbr.rel @p0 .LBB2_4-.Ltmp1, $4  }
0xae: {  	[spmem:s3] =	stream.indirect.scatter.add.bf16 [tilespmem:s30], [sflag:$0x8], $0x40, s12, s29, $0xb8;
	[tilespmem:$0x125C0] =	vst v63  }
0xaf: {  	_ =	swait.ge [sflag:s9], $0xC80  }
0xb0: {  	[sflag:s9] =	ssyncset.done $0x0  }
0xb1: {  	s11 =	sadd.s32 $0x9DC8, s11;
	[sflag:s9] =	ssyncadd.s32 $0xFFFFF380  }
0xb2: {  	[tilespmem:s30], [sflag:$0x4] =	stream.indirect.gather [hbm4b:s1+s29], $0x40, s11, s29, $0xb8;
	[tilespmem:$0x125C0] =	vst v63  }
0xb3: {  	_ =	swait.ge [sflag:s2], $0xC80  }
0xb4: {  	[sflag:s2] =	ssyncset.done $0x0  }
0xb5: {  	s10 =	simm.s32 $0xF2E0;
	[sflag:s2] =	ssyncadd.s32 $0xFFFFF380  }
0xb6: {  	[spmem:s3] =	stream.indirect.scatter.add.bf16 [tilespmem:s22], [sflag:$0x5], $0x40, s10, s29, $0xb8;
	[tilespmem:$0x125C0] =	vst v63  }
0xb7: {  	_ =	swait.ge [sflag:s25], $0xC80  }
0xb8: {  	[sflag:s25] =	ssyncset.done $0x0  }
0xb9: {  	s12 =	simm.s32 $0xF318;
	[sflag:s25] =	ssyncadd.s32 $0xFFFFF380  }
0xba: {  	[spmem:s3] =	stream.indirect.scatter.add.bf16 [tilespmem:s31], [sflag:$0x6], $0x40, s12, s29, $0xb8;
	[tilespmem:$0x125C0] =	vst v63  }
0xbb: {  	_ =	swait.ge [sflag:s6], $0xC80  }
0xbc: {  	[sflag:s6] =	ssyncset.done $0x0  }
0xbd: {  	s11 =	simm.s32 $0xF350;
	[sflag:s6] =	ssyncadd.s32 $0xFFFFF380  }
0xbe: {  	[spmem:s3] =	stream.indirect.scatter.add.bf16 [tilespmem:s0], [sflag:$0x7], $0x40, s11, s29, $0xb8;
	[tilespmem:$0x125C0] =	vst v63  }
0xbf: {  	_ =	swait.ge [sflag:s8], $0xC80  }
0xc0: {  	[sflag:s8] =	ssyncset.done $0x0  }
0xc1: {  	s12 =	simm.s32 $0xF388;
	[sflag:s8] =	ssyncadd.s32 $0xFFFFF380  }
0xc2: {  	[spmem:s3] =	stream.indirect.scatter.add.bf16 [tilespmem:s30], [sflag:$0x8], $0x40, s12, s29, $0xb8;
	[tilespmem:$0x125C0] =	vst v63  }
0xc3: {  	_ =	swait.ge [sflag:s26], $0xC80  }
0xc4: {  	[sflag:s26] =	ssyncset.done $0x0  }
0xc5: {  	[sflag:s26] =	ssyncadd.s32 $0xFFFFF380  }
0xc6: {  	_ =	swait.ge [sflag:s28], $0xC80  }
0xc7: {  	[sflag:s28] =	ssyncset.done $0x0  }
0xc8: {  	[sflag:s28] =	ssyncadd.s32 $0xFFFFF380  }
0xc9: {  	_ =	swait.ge [sflag:s7], $0xC80  }
0xca: {  	[sflag:s7] =	ssyncset.done $0x0  }
0xcb: {  	[sflag:s7] =	ssyncadd.s32 $0xFFFFF380  }
0xcc: {  	s11 =	stileid.u32;
	_ =	swait.ge [sflag:s9], $0xC80  }
0xcd: {  	s4 =	sadd.s32 $0x1, s4;
	s10 =	sshll.u32 s11, $0x6;
	[sflag:s9] =	ssyncset.done $0x0  }
0xce: {  	p0 =	sne.s32 s4, s21;
	s10 =	sor.u32 $0x1C09, s10;
	[sflag:s9] =	ssyncadd.s32 $0xFFFFF380  }
.Ltmp2:
0xcf: {  	s12 =	sshrl.u32 s5, $0x3;
	[bflag:$0x0] =	sbarrier.arrive $0xFFFF;
	(pc) =	sbr.rel @p0 .LBB2_1-.Ltmp2, $4  }
0xd0: {  	[hbm:s20], [sflag:s10] =	dma.local [spmem:s12], $0x1388  }
0xd1: {  	_ =	swait.ge [sflag:s24], $0x1388  }
0xd2: {  	[sflag:s24] =	ssyncset.done $0x0  }
0xd3: {  	[sflag:s24] =	ssyncadd.s32 $0xFFFFEC78  }
0xd4: {  	_ =	sfence.sel $0x180000  }
0xd5: {  	[bflag:$0x0] =	sbarrier.arrive $0xFFFF  }
0xd6: {  	_ =	strace $0x9000004A  }
0xd7: {  	s0 =	stileid.u32;
	[bflag:$0x2] =	sbarrier.arrive $0xFFFF  }
0xd8: {  	p0 =	sne.s32 s0, $0x0;
	s0 =	rddreg [dreg:$0x3]  }
0xd9: {  	s0 =	sadd.s32 @!p0 $0x100000, s0  }
0xda: {  	[sflag:s0] =	ssyncadd.tile.s32 @!p0 $0x1;
	_ =	shalt  }
.Lfunc_end2:
_tile_overlayer_lowered:
.L_overlay_start_2:
0xdb: {  	(tag) =	ssettag $0x2  }
0xdc: {  	s0 =	rddreg [dreg:$0x0];
	s2 =	stileid.u32  }
0xdd: {  	s1 =	rddreg [dreg:$0x1];
	p0 =	sne.s32 s2, $0x0  }
0xde: {  	s3 =	rddreg [dreg:$0x2];
	[bflag:$0x3] =	sbarrier.arrive $0xFFFF;
	s2 =	simm.s32 @!p0 $0x1C09  }
0xdf: {  	[timem:s3], [sflag:s2] =	dma.local @!p0 [hbm:s0], s1  }
0xe0: {  	s0 =	simm.s32 @!p0 $0x9  }
0xe1: {  	_ =	swait.ge @!p0 [sflag:s0], s1  }
0xe2: {  	s1 =	ssub.s32 @!p0 $0x0, s1;
	[sflag:s0] =	ssyncset.done @!p0 $0x0  }
0xe3: {  	[sflag:s0] =	ssyncadd.s32 @!p0 s1  }
0xe4: {  	[bflag:$0x3] =	sbarrier.arrive $0xFFFF  }
0xe5: {  	_ =	shalt  }

// kernel: kernel.15.cloned.1.call-start
scs
__scs_entry_jumppad:
0x0: {  	(pc) =	sbr.rel $0x88, $3  }
0x1: {  	(tag) =	ssettag $0x0;
	lr =	simm.s32 $0x1  }
0x2: {  	[smem:$0x3F97] =	sst lr;
	_ =	strace $0xD0000000  }
0x3: {  	_ = 	snop  }
0x4: {  	_ = 	snop  }
0x5: {  	_ = 	snop  }
0x6: {  	_ = 	snop  }
0x7: {  	_ = 	snop  }
__scs_overlays_trampoline_lowered:
0x8: {  	[smem:$0x3FA6] =	sst s0  }
0x9: {  	[smem:$0x3FA7] =	sst s1  }
0xa: {  	[smem:$0x3FA8] =	sst s2  }
0xb: {  	[smem:$0x3FA9] =	sst s3  }
0xc: {  	[smem:$0x3FAA] =	sst s4  }
0xd: {  	[smem:$0x3FAB] =	sst s5  }
0xe: {  	[smem:$0x3FAC] =	sst s6  }
0xf: {  	[smem:$0x3FAD] =	sst s7  }
0x10: {  	[smem:$0x3FAE] =	sst s8  }
0x11: {  	[smem:$0x3FAF] =	sst s9;
	s0 =	simm.s32 @!p0 $0x0  }
0x12: {  	s1 =	sld [smem:$0x3F95];
	s0 =	simm.s32 @p0 $0x1  }
0x13: {  	[smem:$0x3FB0] =	sst s0;
	s0 =	simm.s32 @!p1 $0x0  }
0x14: {  	s2 =	sld [smem:$0x3F94];
	s0 =	simm.s32 @p1 $0x1  }
0x15: {  	[smem:$0x3FB1] =	sst s0;
	s0 =	simm.s32 @!p2 $0x0  }
0x16: {  	s3 =	sld [smem:$0x3FDB];
	s0 =	simm.s32 @p2 $0x1  }
0x17: {  	s4 =	simm.s32 $0x1BF5;
	[smem:$0x3FB3] =	sst s0  }
0x18: {  	s0 =	sld [smem:$0x3F96];
	_ =	swait.ge [sflag:s4], $0x0  }
0x19: {  	s7 =	sld [smem:$0x3F97]  }
0x1a: {  	s8 =	sadd.s32 $0xFFFFE003, lr  }
0x1b: {  	s9 =	sadd.s32 $0xFFFFFEF7, lr;
	s5 =	simm.s32 $0xFFFFFFFF;
	p2 =	slt.u32 s8, $0xFFFFF086  }
0x1c: {  	p1 =	slt.u32 s9, $0xF7A;
	s5 =	simm.s32 @!p2 $0x0  }
0x1d: {  	s5 =	simm.s32 @p1 $0x1;
	p0 =	seq.s32 s7, s2  }
0x1e: {  	s7 =	smul.u32 @!p0 $0xF7A, s2;
	p2 =	seq.s32 @!p0 s5, $0x0  }
0x1f: {  	s9 =	smul.u32 $0xF7A, s1;
	s8 =	simm.s32 @!p0 $0x1BF5;
	p2 =	por !p2, p0  }
0x20: {  	[sflag:s8] =	ssyncset.s32 @!p0 $0xFFFFF086;
	s6 =	sadd.s32 @!p0 s3, s7;
	s7 =	simm.s32 @!p0 $0x108  }
0x21: {  	s3 =	sadd.s32 s3, s9;
	s6 =	sadd.s32 @!p0 $0x88, s6;
	s7 =	simm.s32 @p2 $0x1082  }
0x22: {  	[simem:s7], [sflag:s8] =	dma.local @!p0 [hbm:s6], $0xF7A  }
0x23: {  	s9 =	sor.u32 $0xD0000000, s2;
	s6 =	simm.s32 $0x108;
	_ =	swait.ge @!p0 [sflag:s8], $0x0  }
0x24: {  	s3 =	sadd.s32 $0x88, s3;
	s6 =	simm.s32 @!p1 $0x1082;
	[sflag:s4] =	ssyncset.s32 $0xFFFFF086  }
0x25: {  	[simem:s6], [sflag:s4] =	dma.local [hbm:s3], $0xF7A  }
0x26: {  	[smem:$0x3F97] =	sst s1;
	(tag) =	ssettag s2;
	_ =	strace s9  }
0x27: {  	s1 =	sld [smem:$0x3FA7]  }
0x28: {  	s2 =	sld [smem:$0x3FA8]  }
0x29: {  	s4 =	sld [smem:$0x3FAA]  }
0x2a: {  	p0 =	seq.s32 s5, $0x0;
	s5 =	sld [smem:$0x3FAB]  }
0x2b: {  	s6 =	sld [smem:$0x3FAC]  }
0x2c: {  	s7 =	sld [smem:$0x3FAD]  }
0x2d: {  	s3 =	simm.s32 $0x108;
	s8 =	sld [smem:$0x3FAE]  }
0x2e: {  	s3 =	simm.s32 @!p0 $0x1082;
	s9 =	sld [smem:$0x3FAF]  }
0x2f: {  	lr =	sadd.s32 s0, s3;
	s0 =	sld [smem:$0x3FA6]  }
0x30: {  	s3 =	sld [smem:$0x3FA9]  }
0x31: {  	[smem:$0x3FB2] =	sst s10  }
0x32: {  	s10 =	sld [smem:$0x3FB0];
	_ =	sdelay $0x3  }
0x33: {  	p0 =	seq.s32 s10, $0x1;
	s10 =	sld [smem:$0x3FB2];
	_ =	sdelay $0x3  }
0x34: {  	[smem:$0x3FB2] =	sst s10  }
0x35: {  	s10 =	sld [smem:$0x3FB1];
	_ =	sdelay $0x3  }
0x36: {  	p1 =	seq.s32 s10, $0x1;
	s10 =	sld [smem:$0x3FB2];
	_ =	sdelay $0x3  }
0x37: {  	[smem:$0x3FB2] =	sst s10  }
0x38: {  	s10 =	sld [smem:$0x3FB3]  }
0x39: {  	_ = 	snop;
	(pc) =	sbr.ind lr, $3  }
0x3a: {  	_ = 	snop  }
0x3b: {  	_ = 	snop  }
0x3c: {  	p2 =	seq.s32 s10, $0x1;
	s10 =	sld [smem:$0x3FB2]  }
0x3d: {  	_ =	shalt  }
0x3e: {  	_ =	shalt  }
0x3f: {  	_ =	shalt  }
0x40: {  	_ =	shalt  }
0x41: {  	_ =	shalt  }
0x42: {  	_ =	shalt  }
0x43: {  	_ =	shalt  }
0x44: {  	_ =	shalt  }
0x45: {  	_ =	shalt  }
0x46: {  	_ =	shalt  }
0x47: {  	_ =	shalt  }
0x48: {  	_ =	shalt  }
0x49: {  	_ =	shalt  }
0x4a: {  	_ =	shalt  }
0x4b: {  	_ =	shalt  }
0x4c: {  	_ =	shalt  }
0x4d: {  	_ =	shalt  }
0x4e: {  	_ =	shalt  }
0x4f: {  	_ =	shalt  }
0x50: {  	_ =	shalt  }
0x51: {  	_ =	shalt  }
0x52: {  	_ =	shalt  }
0x53: {  	_ =	shalt  }
0x54: {  	_ =	shalt  }
0x55: {  	_ =	shalt  }
0x56: {  	_ =	shalt  }
0x57: {  	_ =	shalt  }
0x58: {  	_ =	shalt  }
0x59: {  	_ =	shalt  }
0x5a: {  	_ =	shalt  }
0x5b: {  	_ =	shalt  }
0x5c: {  	_ =	shalt  }
0x5d: {  	_ =	shalt  }
0x5e: {  	_ =	shalt  }
0x5f: {  	_ =	shalt  }
0x60: {  	_ =	shalt  }
0x61: {  	_ =	shalt  }
0x62: {  	_ =	shalt  }
0x63: {  	_ =	shalt  }
0x64: {  	_ =	shalt  }
0x65: {  	_ =	shalt  }
0x66: {  	_ =	shalt  }
0x67: {  	_ =	shalt  }
0x68: {  	_ =	shalt  }
0x69: {  	_ =	shalt  }
0x6a: {  	_ =	shalt  }
0x6b: {  	_ =	shalt  }
0x6c: {  	_ =	shalt  }
0x6d: {  	_ =	shalt  }
0x6e: {  	_ =	shalt  }
0x6f: {  	_ =	shalt  }
0x70: {  	_ =	shalt  }
0x71: {  	_ =	shalt  }
0x72: {  	_ =	shalt  }
0x73: {  	_ =	shalt  }
0x74: {  	_ =	shalt  }
0x75: {  	_ =	shalt  }
0x76: {  	_ =	shalt  }
0x77: {  	_ =	shalt  }
0x78: {  	_ =	shalt  }
0x79: {  	_ =	shalt  }
0x7a: {  	_ =	shalt  }
0x7b: {  	_ =	shalt  }
0x7c: {  	_ =	shalt  }
0x7d: {  	_ =	shalt  }
0x7e: {  	_ =	shalt  }
0x7f: {  	_ =	shalt  }
0x80: {  	_ =	shalt  }
0x81: {  	_ =	shalt  }
0x82: {  	_ =	shalt  }
0x83: {  	_ =	shalt  }
0x84: {  	_ =	shalt  }
0x85: {  	_ =	shalt  }
0x86: {  	_ =	shalt  }
0x87: {  	_ =	shalt  }
.Lfunc_end0:
.L_simem_size_0:
called_computation.2_lowered:
.L_overlay_start_0:
0x88: {  	s2 =	sld [smem:$0x3FD9]  }
0x89: {  	s3 =	sld [smem:$0x3FFE];
	_ =	sdelay $0x1  }
0x8a: {  	s1 =	srdreg.scid  }
0x8b: {  	s0 =	sand.u32 $0x1, s1  }
0x8c: {  	s17 =	sshll.u32 s0, $0xA;
	s2 =	sadd.s32 s3, s2  }
0x8d: {  	s2 =	sadd.s32 s2, s17  }
0x8e: {  	[smem:$0x3FBE] =	sst s2  }
0x8f: {  	_ = 	snop  }
0x90: {  	s2 =	sld [smem:$0x3FD0];
	(tm) =	ssettm $0x1  }
0x91: {  	s18 =	sld [smem:$0x3FFB];
	_ =	sdelay $0x3  }
0x92: {  	_ =	strace s18  }
0x93: {  	s3 =	sld [smem:$0x3FFC];
	_ =	sdelay $0x3  }
0x94: {  	_ =	strace s3  }
0x95: {  	s3 =	sld [smem:$0x3FFD];
	_ =	sdelay $0x3  }
0x96: {  	_ =	strace s3  }
0x97: {  	_ =	strace $0x8FFFFFFF  }
0x98: {  	s19 =	sld [smem:$0x3FDB];
	_ =	sdelay $0x1  }
0x99: {  	s4 =	simm.s32 $_scs_section_size  }
0x9a: {  	s5 =	simm.s32 $_size__tile_overlayer_lowered;
	s6 =	simm.s32 $_tile_overlayer_lowered  }
0x9b: {  	s22 =	simm.s32 $0x1BFF;
	s21 =	sshll.u32 s6, $0x1;
	s3 =	sadd.s32 s4, s19  }
0x9c: {  	s7 =	simm.s32 $0x0;
	s20 =	sshll.u32 s5, $0x1;
	s5 =	sadd.s32 s21, s3  }
0x9d: {  	[timem:s7], [sflag:s22] =	dma.local [hbm:s5], s20  }
0x9e: {  	_ =	swait.ge [sflag:s22], s20  }
0x9f: {  	s4 =	ssub.s32 $0x0, s20;
	[sflag:s22] =	ssyncset.done $0x0  }
0xa0: {  	[sflag:s22] =	ssyncadd.s32 s4;
	_ =	sdelay $0x1  }
0xa1: {  	s23 =	simm.s32 $0x1B8B  }
0xa2: {  	_ =	swait.ge [sflag:s23], $0x1  }
0xa3: {  	[sflag:s23] =	ssyncset.done $0x0  }
0xa4: {  	s25 =	simm.s32 $0x1B8E;
	s24 =	sld [smem:$0x3FFE];
	[sflag:s23] =	ssyncadd.s32 $0xFFFFFFFF  }
0xa5: {  	s26 =	simm.s32 $execute0_lowered;
	[smem:$0x3FD2] =	sst s25  }
0xa6: {  	s5 =	sshll.u32 s26, $0x1;
	_ =	strace $0x8000004C;
	[dreg:$0x1] =	wrdreg $0xFFFFFFFF  }
0xa7: {  	s28 =	simm.s32 $_size_execute0_lowered;
	s3 =	sadd.s32 s3, s5;
	[dreg:$0x0] =	wrdreg $0x0  }
0xa8: {  	s5 =	sshll.u32 s28, $0x1;
	[dreg:$0x2] =	wrdreg s3  }
0xa9: {  	[dreg:$0x3] =	wrdreg s5  }
0xaa: {  	[dreg:$0x4] =	wrdreg $0xC0  }
0xab: {  	_ =	task [dreg:s7], $0x5FFFF  }
0xac: {  	[dreg:$0x1] =	wrdreg $0xFFFFFFFF  }
0xad: {  	[dreg:$0x0] =	wrdreg $0x60  }
0xae: {  	[dreg:$0x2] =	wrdreg s2  }
0xaf: {  	[dreg:$0x3] =	wrdreg s24  }
0xb0: {  	[dreg:$0x4] =	wrdreg $0x0  }
0xb1: {  	[dreg:$0x5] =	wrdreg $0x9  }
0xb2: {  	_ =	task.clear_ibuf [dreg:s7], $0x6FFFF;
	_ =	strace $0x9000004C  }
0xb3: {  	s29 =	simm.s32 $0x9;
	_ =	strace $0x8000004E  }
0xb4: {  	_ =	swait.ge [sflag:s29], $0x1  }
0xb5: {  	[sflag:s29] =	ssyncadd.s32 $0xFFFFFFFF  }
0xb6: {  	_ =	strace $0x9000004E  }
0xb7: {  	_ =	sfence  }
0xb8: {  	s30 =	sld [smem:$0x0];
	_ =	sdelay $0x2  }
0xb9: {  	s31 =	sshll.u32 s1, $0xD;
	s1 =	sshrl.u32 s1, $0x2  }
0xba: {  	s3 =	sand.u32 $0x4000, s31;
	s1 =	sadd.s32 s1, s30  }
0xbb: {  	s0 =	sor.u32 s3, s0;
	s1 =	sshll.u32 s1, $0x11  }
0xbc: {  	s0 =	sor.u32 s1, s0  }
0xbd: {  	s0 =	sadd.s32 $0x8F2B, s0  }
0xbe: {  	[sflag:s0] =	ssyncadd.remote.s32 $0x1  }
0xbf: {  	_ =	sfence.sel $0xFFFF  }
0xc0: {  	[dreg:$0x0] =	wrdreg $0xFFFFFFFF;
	(pc) =	sbr.abs _section_cstart, $3  }
0xc1: {  	[dreg:$0x1] =	wrdreg $0xFFFFFFFF  }
0xc2: {  	_ =	task.clear_ibuf [dreg:s7], $0x2FFFF;
	_ =	strace $0x9FFFFFFF  }
0xc3: {  	(tm) =	ssettm $0x7FFFFFFF  }
tec
execute0_lowered:
.L_overlay_start_1:
0x0: {  	(tag) =	ssettag $0x1  }
0x1: {  	s1 =	rddreg [dreg:$0x0];
	s0 =	srdreg.scid  }
0x2: {  	s8 =	stileid.u32;
	s2 =	rddreg [dreg:$0x1]  }
0x3: {  	s3 =	rddreg [dreg:$0x2];
	s4 =	simm.s32 $0x0;
	s28 =	simm.s32 $0x6  }
0x4: {  	s29 =	simm.s32 $0x32;
	s31 =	simm.s32 $0x10040;
	s30 =	simm.s32 $0x11940  }
0x5: {  	s9 =	simm.s32 $0x8;
	s0 =	sand.u32 $0x1, s0;
	s5 =	smul.u32 $0x13880, s8  }
0x6: {  	s6 =	sshll.u32 s8, $0x1;
	[smem:$0x7FF] =	sst s4;
	s8 =	smul.u32 $0x27100, s8  }
0x7: {  	s7 =	smul.u32 $0x138800, s0;
	s6 =	sor.u32 s0, s6;
	s0 =	ssub.s32 $0x2, s0  }
0x8: {  	_ =	strace $0x8000004D;
	s6 =	smul.u32 $0x578, s6;
	s19 =	sshrl.u32 s0, $0x1  }
0x9: {  	s8 =	sshrl.u32 s8, $0x2;
	s7 =	sadd.s32 s5, s7;
	s5 =	sshrl.u32 s5, $0x1  }
0xa: {  	s0 =	ssub.s32 s0, s19;
	s20 =	sadd.s32 s8, s3;
	s7 =	sshrl.u32 s7, $0x4  }
0xb: {  	s6 =	sadd.s32 s6, s2;
	s5 =	sadd.s32 s5, s3;
	s8 =	sadd.s32 $0xC80, s20  }
0xc: {  	s21 =	sadd.s32 $0x1900, s20;
	s22 =	sadd.s32 $0x2580, s20;
	[dreg:$0x4] =	wrdreg s8  }
0xd: {  	s23 =	sadd.s32 $0x3200, s20;
	s24 =	sadd.s32 $0x3E80, s20;
	[dreg:$0x5] =	wrdreg s21  }
0xe: {  	s25 =	sadd.s32 $0x4B00, s20;
	s26 =	sadd.s32 $0x5780, s20;
	[dreg:$0x6] =	wrdreg s22  }
0xf: {  	s13 =	sadd.s32 $0x6400, s20;
	s14 =	sadd.s32 $0x7080, s20;
	[dreg:$0x7] =	wrdreg s23  }
0x10: {  	s15 =	sadd.s32 $0x7D00, s20;
	s16 =	sadd.s32 $0x8980, s20;
	[dreg:$0x8] =	wrdreg s24  }
0x11: {  	s17 =	sadd.s32 $0x9600, s20;
	s2 =	sadd.s32 s7, s2;
	[dreg:$0x9] =	wrdreg s25  }
0x12: {  	[dreg:$0xa] =	wrdreg s26;
	s18 =	sadd.s32 $0x16C00, s6;
	s19 =	sadd.s32 $0xBC00, s6  }
0x13: {  	s21 =	smax.u32 s0, $0x1;
	s22 =	simm.s32 $0xF3C0;
	s23 =	simm.s32 $0x9C40  }
0x14: {  	s24 =	simm.s32 $0x9;
	s26 =	simm.s32 $0x5;
	s0 =	simm.s32 $0x10CC0  }
0x15: {  	s25 =	simm.s32 $0x2;
	s6 =	simm.s32 $0x3;
	s7 =	simm.s32 $0x7  }
0x16: {  	v0 =	vimm.bf16 $0.0e+00;
	s8 =	simm.s32 $0x4;
	s20 =	sadd.s32 $0x21C00, s2;
	s2 =	simm.s32 $0x1  }
.LBB2_1:
0x17: {  	s11 =	simm.s32 $0x100;
	s10 =	simm.s32 $0x0  }
.LBB2_2:
0x18: {  	p0 =	sne.s32 s11, $0x3100;
	[tilespmem:s10+$0xF3F0] =	vst v0;
	s12 =	smov.u32 s11;
	s11 =	sadd.s32 $0x100, s11  }
.Ltmp0:
0x19: {  	[tilespmem:s10+$0xF3E0] =	vst v0;
	(pc) =	sbr.rel @p0 .LBB2_2-.Ltmp0, $3  }
0x1a: {  	[tilespmem:s10+$0xF3C0] =	vst v0  }
0x1b: {  	[tilespmem:s10+$0xF3D0] =	vst v0;
	_ =	sdelay $0x1  }
0x1c: {  	s10 =	sshra.s32 s12, $0x2  }
0x1d: {  	[tilespmem:s10+$0xF3F0] =	vst v0  }
0x1e: {  	[tilespmem:s10+$0xF3E0] =	vst v0  }
0x1f: {  	[tilespmem:s10+$0xF3C0] =	vst v0  }
0x20: {  	[tilespmem:s10+$0xF3D0] =	vst v0  }
0x21: {  	[spmem:s5] =	stream.linear.scatter [tilespmem:s22], [sflag:$0x5], $0xC80, $0x38;
	[tilespmem:$0x125C0] =	vst v63  }
0x22: {  	s11 =	rddreg [dreg:$0x4]  }
0x23: {  	[spmem:s11] =	stream.linear.scatter [tilespmem:s22], [sflag:$0x5], $0xC80, $0x38;
	[tilespmem:$0x125C0] =	vst v63  }
0x24: {  	s12 =	rddreg [dreg:$0x5]  }
0x25: {  	[spmem:s12] =	stream.linear.scatter [tilespmem:s22], [sflag:$0x5], $0xC80, $0x38;
	[tilespmem:$0x125C0] =	vst v63  }
0x26: {  	s11 =	rddreg [dreg:$0x6]  }
0x27: {  	[spmem:s11] =	stream.linear.scatter [tilespmem:s22], [sflag:$0x5], $0xC80, $0x38;
	[tilespmem:$0x125C0] =	vst v63  }
0x28: {  	s12 =	rddreg [dreg:$0x7]  }
0x29: {  	[spmem:s12] =	stream.linear.scatter [tilespmem:s22], [sflag:$0x5], $0xC80, $0x38;
	[tilespmem:$0x125C0] =	vst v63  }
0x2a: {  	s11 =	rddreg [dreg:$0x8]  }
0x2b: {  	[spmem:s11] =	stream.linear.scatter [tilespmem:s22], [sflag:$0x5], $0xC80, $0x38;
	[tilespmem:$0x125C0] =	vst v63  }
0x2c: {  	s12 =	rddreg [dreg:$0x9]  }
0x2d: {  	[spmem:s12] =	stream.linear.scatter [tilespmem:s22], [sflag:$0x5], $0xC80, $0x38;
	[tilespmem:$0x125C0] =	vst v63  }
0x2e: {  	s11 =	rddreg [dreg:$0xa]  }
0x2f: {  	[spmem:s11] =	stream.linear.scatter [tilespmem:s22], [sflag:$0x5], $0xC80, $0x38;
	[tilespmem:$0x125C0] =	vst v63  }
0x30: {  	_ = 	snop  }
0x31: {  	[spmem:s13] =	stream.linear.scatter [tilespmem:s22], [sflag:$0x5], $0xC80, $0x38;
	[tilespmem:$0x125C0] =	vst v63  }
0x32: {  	_ = 	snop  }
0x33: {  	[spmem:s14] =	stream.linear.scatter [tilespmem:s22], [sflag:$0x5], $0xC80, $0x38;
	[tilespmem:$0x125C0] =	vst v63  }
0x34: {  	_ = 	snop  }
0x35: {  	[spmem:s15] =	stream.linear.scatter [tilespmem:s22], [sflag:$0x5], $0xC80, $0x38;
	[tilespmem:$0x125C0] =	vst v63  }
0x36: {  	_ = 	snop  }
0x37: {  	[spmem:s16] =	stream.linear.scatter [tilespmem:s22], [sflag:$0x5], $0xC80, $0x38;
	[tilespmem:$0x125C0] =	vst v63  }
0x38: {  	_ = 	snop  }
0x39: {  	[spmem:s17] =	stream.linear.scatter [tilespmem:s22], [sflag:$0x6], $0x640, $0x38;
	[tilespmem:$0x125C0] =	vst v63  }
0x3a: {  	s12 =	simm.s32 $0x0  }
0x3b: {  	[tilespmem:s23], [sflag:$0x9] =	stream.linear.gather [hbm4b:s18+s12], $0x2BC0, $0x38;
	[tilespmem:$0x125C0] =	vst v63  }
0x3c: {  	_ =	swait.ge [sflag:s24], $0x2BC0  }
0x3d: {  	[sflag:s24] =	ssyncset.done $0x0  }
0x3e: {  	s11 =	simm.s32 $0xC800;
	[sflag:s24] =	ssyncadd.s32 $0xFFFFD440  }
0x3f: {  	[tilespmem:s11], [sflag:$0x9] =	stream.linear.gather [hbm4b:s19+s12], $0x2BC0, $0x38;
	[tilespmem:$0x125C0] =	vst v63  }
0x40: {  	_ =	swait.ge [sflag:s24], $0x2BC0  }
0x41: {  	[sflag:s24] =	ssyncset.done $0x0  }
0x42: {  	[sflag:s24] =	ssyncadd.s32 $0xFFFFD440  }
0x43: {  	_ =	swait.ge [sflag:s26], $0xC80  }
0x44: {  	[sflag:s26] =	ssyncset.done $0x0  }
0x45: {  	[sflag:s26] =	ssyncadd.s32 $0xFFFFF380  }
0x46: {  	_ =	swait.ge [sflag:s26], $0xC80  }
0x47: {  	[sflag:s26] =	ssyncset.done $0x0  }
0x48: {  	[sflag:s26] =	ssyncadd.s32 $0xFFFFF380  }
0x49: {  	_ =	swait.ge [sflag:s26], $0xC80  }
0x4a: {  	[sflag:s26] =	ssyncset.done $0x0  }
0x4b: {  	[sflag:s26] =	ssyncadd.s32 $0xFFFFF380  }
0x4c: {  	_ =	swait.ge [sflag:s26], $0xC80  }
0x4d: {  	[sflag:s26] =	ssyncset.done $0x0  }
0x4e: {  	[sflag:s26] =	ssyncadd.s32 $0xFFFFF380  }
0x4f: {  	_ =	swait.ge [sflag:s26], $0xC80  }
0x50: {  	[sflag:s26] =	ssyncset.done $0x0  }
0x51: {  	[sflag:s26] =	ssyncadd.s32 $0xFFFFF380  }
0x52: {  	_ =	swait.ge [sflag:s26], $0xC80  }
0x53: {  	[sflag:s26] =	ssyncset.done $0x0  }
0x54: {  	[sflag:s26] =	ssyncadd.s32 $0xFFFFF380  }
0x55: {  	_ =	swait.ge [sflag:s26], $0xC80  }
0x56: {  	[sflag:s26] =	ssyncset.done $0x0  }
0x57: {  	[sflag:s26] =	ssyncadd.s32 $0xFFFFF380  }
0x58: {  	_ =	swait.ge [sflag:s26], $0xC80  }
0x59: {  	[sflag:s26] =	ssyncset.done $0x0  }
0x5a: {  	[sflag:s26] =	ssyncadd.s32 $0xFFFFF380  }
0x5b: {  	_ =	swait.ge [sflag:s26], $0xC80  }
0x5c: {  	[sflag:s26] =	ssyncset.done $0x0  }
0x5d: {  	[sflag:s26] =	ssyncadd.s32 $0xFFFFF380  }
0x5e: {  	_ =	swait.ge [sflag:s26], $0xC80  }
0x5f: {  	[sflag:s26] =	ssyncset.done $0x0  }
0x60: {  	[sflag:s26] =	ssyncadd.s32 $0xFFFFF380  }
0x61: {  	_ =	swait.ge [sflag:s26], $0xC80  }
0x62: {  	[sflag:s26] =	ssyncset.done $0x0  }
0x63: {  	[sflag:s26] =	ssyncadd.s32 $0xFFFFF380  }
0x64: {  	_ =	swait.ge [sflag:s26], $0xC80  }
0x65: {  	[sflag:s26] =	ssyncset.done $0x0  }
0x66: {  	[sflag:s26] =	ssyncadd.s32 $0xFFFFF380  }
0x67: {  	_ =	swait.ge [sflag:s28], $0x640  }
0x68: {  	[sflag:s28] =	ssyncset.done $0x0  }
0x69: {  	[sflag:s28] =	ssyncadd.s32 $0xFFFFF9C0  }
0x6a: {  	[bflag:$0x0] =	sbarrier.arrive $0xFFFF  }
0x6b: {  	[tilespmem:s22], [sflag:$0x1] =	stream.indirect.gather [hbm4b:s1+s29], $0x40, s23, s29, $0xb8;
	[tilespmem:$0x125C0] =	vst v63  }
0x6c: {  	s11 =	simm.s32 $0x9C78  }
0x6d: {  	[tilespmem:s31], [sflag:$0x2] =	stream.indirect.gather [hbm4b:s1+s29], $0x40, s11, s29, $0xb8;
	[tilespmem:$0x125C0] =	vst v63  }
0x6e: {  	s12 =	simm.s32 $0x9CB0  }
0x6f: {  	[tilespmem:s0], [sflag:$0x3] =	stream.indirect.gather [hbm4b:s1+s29], $0x40, s12, s29, $0xb8;
	[tilespmem:$0x125C0] =	vst v63  }
0x70: {  	s11 =	simm.s32 $0x9CE8  }
0x71: {  	[tilespmem:s30], [sflag:$0x4] =	stream.indirect.gather [hbm4b:s1+s29], $0x40, s11, s29, $0xb8;
	[tilespmem:$0x125C0] =	vst v63  }
0x72: {  	_ =	swait.ge [sflag:s2], $0xC80  }
0x73: {  	[sflag:s2] =	ssyncset.done $0x0  }
0x74: {  	s12 =	simm.s32 $0xC800;
	[sflag:s2] =	ssyncadd.s32 $0xFFFFF380  }
0x75: {  	[spmem:s3] =	stream.indirect.scatter.add.bf16 [tilespmem:s22], [sflag:$0x5], $0x40, s12, s29, $0xb8;
	[tilespmem:$0x125C0] =	vst v63  }
0x76: {  	_ =	swait.ge [sflag:s26], $0xC80  }
0x77: {  	[sflag:s26] =	ssyncset.done $0x0  }
0x78: {  	s11 =	simm.s32 $0x9D20;
	[sflag:s26] =	ssyncadd.s32 $0xFFFFF380  }
0x79: {  	[tilespmem:s22], [sflag:$0x1] =	stream.indirect.gather [hbm4b:s1+s29], $0x40, s11, s29, $0xb8;
	[tilespmem:$0x125C0] =	vst v63  }
0x7a: {  	_ =	swait.ge [sflag:s25], $0xC80  }
0x7b: {  	[sflag:s25] =	ssyncset.done $0x0  }
0x7c: {  	s12 =	simm.s32 $0xC838;
	[sflag:s25] =	ssyncadd.s32 $0xFFFFF380  }
0x7d: {  	[spmem:s3] =	stream.indirect.scatter.add.bf16 [tilespmem:s31], [sflag:$0x6], $0x40, s12, s29, $0xb8;
	[tilespmem:$0x125C0] =	vst v63  }
0x7e: {  	_ =	swait.ge [sflag:s28], $0xC80  }
0x7f: {  	[sflag:s28] =	ssyncset.done $0x0  }
0x80: {  	s11 =	simm.s32 $0x9D58;
	[sflag:s28] =	ssyncadd.s32 $0xFFFFF380  }
0x81: {  	[tilespmem:s31], [sflag:$0x2] =	stream.indirect.gather [hbm4b:s1+s29], $0x40, s11, s29, $0xb8;
	[tilespmem:$0x125C0] =	vst v63  }
0x82: {  	_ =	swait.ge [sflag:s6], $0xC80  }
0x83: {  	[sflag:s6] =	ssyncset.done $0x0  }
0x84: {  	s12 =	simm.s32 $0xC870;
	[sflag:s6] =	ssyncadd.s32 $0xFFFFF380  }
0x85: {  	[spmem:s3] =	stream.indirect.scatter.add.bf16 [tilespmem:s0], [sflag:$0x7], $0x40, s12, s29, $0xb8;
	[tilespmem:$0x125C0] =	vst v63  }
0x86: {  	_ =	swait.ge [sflag:s7], $0xC80  }
0x87: {  	[sflag:s7] =	ssyncset.done $0x0  }
0x88: {  	s11 =	simm.s32 $0x9D90;
	[sflag:s7] =	ssyncadd.s32 $0xFFFFF380  }
0x89: {  	[tilespmem:s0], [sflag:$0x3] =	stream.indirect.gather [hbm4b:s1+s29], $0x40, s11, s29, $0xb8;
	[tilespmem:$0x125C0] =	vst v63  }
0x8a: {  	_ =	swait.ge [sflag:s8], $0xC80  }
0x8b: {  	[sflag:s8] =	ssyncset.done $0x0  }
0x8c: {  	s12 =	simm.s32 $0xC8A8;
	[sflag:s8] =	ssyncadd.s32 $0xFFFFF380  }
0x8d: {  	[spmem:s3] =	stream.indirect.scatter.add.bf16 [tilespmem:s30], [sflag:$0x8], $0x40, s12, s29, $0xb8;
	[tilespmem:$0x125C0] =	vst v63  }
0x8e: {  	_ =	swait.ge [sflag:s9], $0xC80  }
0x8f: {  	[sflag:s9] =	ssyncset.done $0x0  }
0x90: {  	s10 =	simm.s32 $0x380;
	s11 =	simm.s32 $0x9DC8;
	[sflag:s9] =	ssyncadd.s32 $0xFFFFF380  }
.LBB2_4:
0x91: {  	[tilespmem:s30], [sflag:$0x4] =	stream.indirect.gather [hbm4b:s1+s29], $0x40, s11, s29, $0xb8;
	[tilespmem:$0x125C0] =	vst v63  }
0x92: {  	s11 =	smov.u32 s10  }
0x93: {  	p0 =	sne.s32 s10, $0xA800;
	s10 =	sadd.s32 $0x380, s10;
	_ =	swait.ge [sflag:s2], $0xC80  }
0x94: {  	s11 =	sshra.s32 s11, $0x2;
	[sflag:s2] =	ssyncset.done $0x0  }
0x95: {  	s12 =	sadd.s32 $0xC800, s11;
	[sflag:s2] =	ssyncadd.s32 $0xFFFFF380  }
0x96: {  	[spmem:s3] =	stream.indirect.scatter.add.bf16 [tilespmem:s22], [sflag:$0x5], $0x40, s12, s29, $0xb8;
	[tilespmem:$0x125C0] =	vst v63  }
0x97: {  	_ =	swait.ge [sflag:s26], $0xC80  }
0x98: {  	[sflag:s26] =	ssyncset.done $0x0  }
0x99: {  	s12 =	sadd.s32 $0x9D20, s11;
	[sflag:s26] =	ssyncadd.s32 $0xFFFFF380  }
0x9a: {  	[tilespmem:s22], [sflag:$0x1] =	stream.indirect.gather [hbm4b:s1+s29], $0x40, s12, s29, $0xb8;
	[tilespmem:$0x125C0] =	vst v63  }
0x9b: {  	_ =	swait.ge [sflag:s25], $0xC80  }
0x9c: {  	[sflag:s25] =	ssyncset.done $0x0  }
0x9d: {  	s12 =	sadd.s32 $0xC838, s11;
	[sflag:s25] =	ssyncadd.s32 $0xFFFFF380  }
0x9e: {  	[spmem:s3] =	stream.indirect.scatter.add.bf16 [tilespmem:s31], [sflag:$0x6], $0x40, s12, s29, $0xb8;
	[tilespmem:$0x125C0] =	vst v63  }
0x9f: {  	_ =	swait.ge [sflag:s28], $0xC80  }
0xa0: {  	[sflag:s28] =	ssyncset.done $0x0  }
0xa1: {  	s12 =	sadd.s32 $0x9D58, s11;
	[sflag:s28] =	ssyncadd.s32 $0xFFFFF380  }
0xa2: {  	[tilespmem:s31], [sflag:$0x2] =	stream.indirect.gather [hbm4b:s1+s29], $0x40, s12, s29, $0xb8;
	[tilespmem:$0x125C0] =	vst v63  }
0xa3: {  	_ =	swait.ge [sflag:s6], $0xC80  }
0xa4: {  	[sflag:s6] =	ssyncset.done $0x0  }
0xa5: {  	s12 =	sadd.s32 $0xC870, s11;
	[sflag:s6] =	ssyncadd.s32 $0xFFFFF380  }
0xa6: {  	[spmem:s3] =	stream.indirect.scatter.add.bf16 [tilespmem:s0], [sflag:$0x7], $0x40, s12, s29, $0xb8;
	[tilespmem:$0x125C0] =	vst v63  }
0xa7: {  	_ =	swait.ge [sflag:s7], $0xC80  }
0xa8: {  	[sflag:s7] =	ssyncset.done $0x0  }
0xa9: {  	s12 =	sadd.s32 $0x9D90, s11;
	[sflag:s7] =	ssyncadd.s32 $0xFFFFF380  }
0xaa: {  	[tilespmem:s0], [sflag:$0x3] =	stream.indirect.gather [hbm4b:s1+s29], $0x40, s12, s29, $0xb8;
	[tilespmem:$0x125C0] =	vst v63  }
0xab: {  	_ =	swait.ge [sflag:s8], $0xC80  }
0xac: {  	[sflag:s8] =	ssyncset.done $0x0  }
.Ltmp1:
0xad: {  	s12 =	sadd.s32 $0xC8A8, s11;
	[sflag:s8] =	ssyncadd.s32 $0xFFFFF380;
	(pc) =	sbr.rel @p0 .LBB2_4-.Ltmp1, $4  }
0xae: {  	[spmem:s3] =	stream.indirect.scatter.add.bf16 [tilespmem:s30], [sflag:$0x8], $0x40, s12, s29, $0xb8;
	[tilespmem:$0x125C0] =	vst v63  }
0xaf: {  	_ =	swait.ge [sflag:s9], $0xC80  }
0xb0: {  	[sflag:s9] =	ssyncset.done $0x0  }
0xb1: {  	s11 =	sadd.s32 $0x9DC8, s11;
	[sflag:s9] =	ssyncadd.s32 $0xFFFFF380  }
0xb2: {  	[tilespmem:s30], [sflag:$0x4] =	stream.indirect.gather [hbm4b:s1+s29], $0x40, s11, s29, $0xb8;
	[tilespmem:$0x125C0] =	vst v63  }
0xb3: {  	_ =	swait.ge [sflag:s2], $0xC80  }
0xb4: {  	[sflag:s2] =	ssyncset.done $0x0  }
0xb5: {  	s10 =	simm.s32 $0xF2E0;
	[sflag:s2] =	ssyncadd.s32 $0xFFFFF380  }
0xb6: {  	[spmem:s3] =	stream.indirect.scatter.add.bf16 [tilespmem:s22], [sflag:$0x5], $0x40, s10, s29, $0xb8;
	[tilespmem:$0x125C0] =	vst v63  }
0xb7: {  	_ =	swait.ge [sflag:s25], $0xC80  }
0xb8: {  	[sflag:s25] =	ssyncset.done $0x0  }
0xb9: {  	s12 =	simm.s32 $0xF318;
	[sflag:s25] =	ssyncadd.s32 $0xFFFFF380  }
0xba: {  	[spmem:s3] =	stream.indirect.scatter.add.bf16 [tilespmem:s31], [sflag:$0x6], $0x40, s12, s29, $0xb8;
	[tilespmem:$0x125C0] =	vst v63  }
0xbb: {  	_ =	swait.ge [sflag:s6], $0xC80  }
0xbc: {  	[sflag:s6] =	ssyncset.done $0x0  }
0xbd: {  	s11 =	simm.s32 $0xF350;
	[sflag:s6] =	ssyncadd.s32 $0xFFFFF380  }
0xbe: {  	[spmem:s3] =	stream.indirect.scatter.add.bf16 [tilespmem:s0], [sflag:$0x7], $0x40, s11, s29, $0xb8;
	[tilespmem:$0x125C0] =	vst v63  }
0xbf: {  	_ =	swait.ge [sflag:s8], $0xC80  }
0xc0: {  	[sflag:s8] =	ssyncset.done $0x0  }
0xc1: {  	s12 =	simm.s32 $0xF388;
	[sflag:s8] =	ssyncadd.s32 $0xFFFFF380  }
0xc2: {  	[spmem:s3] =	stream.indirect.scatter.add.bf16 [tilespmem:s30], [sflag:$0x8], $0x40, s12, s29, $0xb8;
	[tilespmem:$0x125C0] =	vst v63  }
0xc3: {  	_ =	swait.ge [sflag:s26], $0xC80  }
0xc4: {  	[sflag:s26] =	ssyncset.done $0x0  }
0xc5: {  	[sflag:s26] =	ssyncadd.s32 $0xFFFFF380  }
0xc6: {  	_ =	swait.ge [sflag:s28], $0xC80  }
0xc7: {  	[sflag:s28] =	ssyncset.done $0x0  }
0xc8: {  	[sflag:s28] =	ssyncadd.s32 $0xFFFFF380  }
0xc9: {  	_ =	swait.ge [sflag:s7], $0xC80  }
0xca: {  	[sflag:s7] =	ssyncset.done $0x0  }
0xcb: {  	[sflag:s7] =	ssyncadd.s32 $0xFFFFF380  }
0xcc: {  	s11 =	stileid.u32;
	_ =	swait.ge [sflag:s9], $0xC80  }
0xcd: {  	s4 =	sadd.s32 $0x1, s4;
	s10 =	sshll.u32 s11, $0x6;
	[sflag:s9] =	ssyncset.done $0x0  }
0xce: {  	p0 =	sne.s32 s4, s21;
	s10 =	sor.u32 $0x1C09, s10;
	[sflag:s9] =	ssyncadd.s32 $0xFFFFF380  }
.Ltmp2:
0xcf: {  	s12 =	sshrl.u32 s5, $0x3;
	[bflag:$0x0] =	sbarrier.arrive $0xFFFF;
	(pc) =	sbr.rel @p0 .LBB2_1-.Ltmp2, $4  }
0xd0: {  	[hbm:s20], [sflag:s10] =	dma.local [spmem:s12], $0x1388  }
0xd1: {  	_ =	swait.ge [sflag:s24], $0x1388  }
0xd2: {  	[sflag:s24] =	ssyncset.done $0x0  }
0xd3: {  	[sflag:s24] =	ssyncadd.s32 $0xFFFFEC78  }
0xd4: {  	_ =	sfence.sel $0x180000  }
0xd5: {  	[bflag:$0x0] =	sbarrier.arrive $0xFFFF  }
0xd6: {  	_ =	strace $0x9000004D  }
0xd7: {  	s0 =	stileid.u32;
	[bflag:$0x2] =	sbarrier.arrive $0xFFFF  }
0xd8: {  	p0 =	sne.s32 s0, $0x0;
	s0 =	rddreg [dreg:$0x3]  }
0xd9: {  	s0 =	sadd.s32 @!p0 $0x100000, s0  }
0xda: {  	[sflag:s0] =	ssyncadd.tile.s32 @!p0 $0x1;
	_ =	shalt  }
.Lfunc_end2:
_tile_overlayer_lowered:
.L_overlay_start_2:
0xdb: {  	(tag) =	ssettag $0x2  }
0xdc: {  	s0 =	rddreg [dreg:$0x0];
	s2 =	stileid.u32  }
0xdd: {  	s1 =	rddreg [dreg:$0x1];
	p0 =	sne.s32 s2, $0x0  }
0xde: {  	s3 =	rddreg [dreg:$0x2];
	[bflag:$0x3] =	sbarrier.arrive $0xFFFF;
	s2 =	simm.s32 @!p0 $0x1C09  }
0xdf: {  	[timem:s3], [sflag:s2] =	dma.local @!p0 [hbm:s0], s1  }
0xe0: {  	s0 =	simm.s32 @!p0 $0x9  }
0xe1: {  	_ =	swait.ge @!p0 [sflag:s0], s1  }
0xe2: {  	s1 =	ssub.s32 @!p0 $0x0, s1;
	[sflag:s0] =	ssyncset.done @!p0 $0x0  }
0xe3: {  	[sflag:s0] =	ssyncadd.s32 @!p0 s1  }
0xe4: {  	[bflag:$0x3] =	sbarrier.arrive $0xFFFF  }
0xe5: {  	_ =	shalt  }

// kernel: kernel.9.cloned.1.call-start
scs
__scs_entry_jumppad:
0x0: {  	(pc) =	sbr.rel $0x88, $3  }
0x1: {  	(tag) =	ssettag $0x0;
	lr =	simm.s32 $0x1  }
0x2: {  	[smem:$0x3F97] =	sst lr;
	_ =	strace $0xD0000000  }
0x3: {  	_ = 	snop  }
0x4: {  	_ = 	snop  }
0x5: {  	_ = 	snop  }
0x6: {  	_ = 	snop  }
0x7: {  	_ = 	snop  }
__scs_overlays_trampoline_lowered:
0x8: {  	[smem:$0x3FA6] =	sst s0  }
0x9: {  	[smem:$0x3FA7] =	sst s1  }
0xa: {  	[smem:$0x3FA8] =	sst s2  }
0xb: {  	[smem:$0x3FA9] =	sst s3  }
0xc: {  	[smem:$0x3FAA] =	sst s4  }
0xd: {  	[smem:$0x3FAB] =	sst s5  }
0xe: {  	[smem:$0x3FAC] =	sst s6  }
0xf: {  	[smem:$0x3FAD] =	sst s7  }
0x10: {  	[smem:$0x3FAE] =	sst s8  }
0x11: {  	[smem:$0x3FAF] =	sst s9;
	s0 =	simm.s32 @!p0 $0x0  }
0x12: {  	s1 =	sld [smem:$0x3F95];
	s0 =	simm.s32 @p0 $0x1  }
0x13: {  	[smem:$0x3FB0] =	sst s0;
	s0 =	simm.s32 @!p1 $0x0  }
0x14: {  	s2 =	sld [smem:$0x3F94];
	s0 =	simm.s32 @p1 $0x1  }
0x15: {  	[smem:$0x3FB1] =	sst s0;
	s0 =	simm.s32 @!p2 $0x0  }
0x16: {  	s3 =	sld [smem:$0x3FDB];
	s0 =	simm.s32 @p2 $0x1  }
0x17: {  	s4 =	simm.s32 $0x1BF5;
	[smem:$0x3FB3] =	sst s0  }
0x18: {  	s0 =	sld [smem:$0x3F96];
	_ =	swait.ge [sflag:s4], $0x0  }
0x19: {  	s7 =	sld [smem:$0x3F97]  }
0x1a: {  	s8 =	sadd.s32 $0xFFFFE003, lr  }
0x1b: {  	s9 =	sadd.s32 $0xFFFFFEF7, lr;
	s5 =	simm.s32 $0xFFFFFFFF;
	p2 =	slt.u32 s8, $0xFFFFF086  }
0x1c: {  	p1 =	slt.u32 s9, $0xF7A;
	s5 =	simm.s32 @!p2 $0x0  }
0x1d: {  	s5 =	simm.s32 @p1 $0x1;
	p0 =	seq.s32 s7, s2  }
0x1e: {  	s7 =	smul.u32 @!p0 $0xF7A, s2;
	p2 =	seq.s32 @!p0 s5, $0x0  }
0x1f: {  	s9 =	smul.u32 $0xF7A, s1;
	s8 =	simm.s32 @!p0 $0x1BF5;
	p2 =	por !p2, p0  }
0x20: {  	[sflag:s8] =	ssyncset.s32 @!p0 $0xFFFFF086;
	s6 =	sadd.s32 @!p0 s3, s7;
	s7 =	simm.s32 @!p0 $0x108  }
0x21: {  	s3 =	sadd.s32 s3, s9;
	s6 =	sadd.s32 @!p0 $0x88, s6;
	s7 =	simm.s32 @p2 $0x1082  }
0x22: {  	[simem:s7], [sflag:s8] =	dma.local @!p0 [hbm:s6], $0xF7A  }
0x23: {  	s9 =	sor.u32 $0xD0000000, s2;
	s6 =	simm.s32 $0x108;
	_ =	swait.ge @!p0 [sflag:s8], $0x0  }
0x24: {  	s3 =	sadd.s32 $0x88, s3;
	s6 =	simm.s32 @!p1 $0x1082;
	[sflag:s4] =	ssyncset.s32 $0xFFFFF086  }
0x25: {  	[simem:s6], [sflag:s4] =	dma.local [hbm:s3], $0xF7A  }
0x26: {  	[smem:$0x3F97] =	sst s1;
	(tag) =	ssettag s2;
	_ =	strace s9  }
0x27: {  	s1 =	sld [smem:$0x3FA7]  }
0x28: {  	s2 =	sld [smem:$0x3FA8]  }
0x29: {  	s4 =	sld [smem:$0x3FAA]  }
0x2a: {  	p0 =	seq.s32 s5, $0x0;
	s5 =	sld [smem:$0x3FAB]  }
0x2b: {  	s6 =	sld [smem:$0x3FAC]  }
0x2c: {  	s7 =	sld [smem:$0x3FAD]  }
0x2d: {  	s3 =	simm.s32 $0x108;
	s8 =	sld [smem:$0x3FAE]  }
0x2e: {  	s3 =	simm.s32 @!p0 $0x1082;
	s9 =	sld [smem:$0x3FAF]  }
0x2f: {  	lr =	sadd.s32 s0, s3;
	s0 =	sld [smem:$0x3FA6]  }
0x30: {  	s3 =	sld [smem:$0x3FA9]  }
0x31: {  	[smem:$0x3FB2] =	sst s10  }
0x32: {  	s10 =	sld [smem:$0x3FB0];
	_ =	sdelay $0x3  }
0x33: {  	p0 =	seq.s32 s10, $0x1;
	s10 =	sld [smem:$0x3FB2];
	_ =	sdelay $0x3  }
0x34: {  	[smem:$0x3FB2] =	sst s10  }
0x35: {  	s10 =	sld [smem:$0x3FB1];
	_ =	sdelay $0x3  }
0x36: {  	p1 =	seq.s32 s10, $0x1;
	s10 =	sld [smem:$0x3FB2];
	_ =	sdelay $0x3  }
0x37: {  	[smem:$0x3FB2] =	sst s10  }
0x38: {  	s10 =	sld [smem:$0x3FB3]  }
0x39: {  	_ = 	snop;
	(pc) =	sbr.ind lr, $3  }
0x3a: {  	_ = 	snop  }
0x3b: {  	_ = 	snop  }
0x3c: {  	p2 =	seq.s32 s10, $0x1;
	s10 =	sld [smem:$0x3FB2]  }
0x3d: {  	_ =	shalt  }
0x3e: {  	_ =	shalt  }
0x3f: {  	_ =	shalt  }
0x40: {  	_ =	shalt  }
0x41: {  	_ =	shalt  }
0x42: {  	_ =	shalt  }
0x43: {  	_ =	shalt  }
0x44: {  	_ =	shalt  }
0x45: {  	_ =	shalt  }
0x46: {  	_ =	shalt  }
0x47: {  	_ =	shalt  }
0x48: {  	_ =	shalt  }
0x49: {  	_ =	shalt  }
0x4a: {  	_ =	shalt  }
0x4b: {  	_ =	shalt  }
0x4c: {  	_ =	shalt  }
0x4d: {  	_ =	shalt  }
0x4e: {  	_ =	shalt  }
0x4f: {  	_ =	shalt  }
0x50: {  	_ =	shalt  }
0x51: {  	_ =	shalt  }
0x52: {  	_ =	shalt  }
0x53: {  	_ =	shalt  }
0x54: {  	_ =	shalt  }
0x55: {  	_ =	shalt  }
0x56: {  	_ =	shalt  }
0x57: {  	_ =	shalt  }
0x58: {  	_ =	shalt  }
0x59: {  	_ =	shalt  }
0x5a: {  	_ =	shalt  }
0x5b: {  	_ =	shalt  }
0x5c: {  	_ =	shalt  }
0x5d: {  	_ =	shalt  }
0x5e: {  	_ =	shalt  }
0x5f: {  	_ =	shalt  }
0x60: {  	_ =	shalt  }
0x61: {  	_ =	shalt  }
0x62: {  	_ =	shalt  }
0x63: {  	_ =	shalt  }
0x64: {  	_ =	shalt  }
0x65: {  	_ =	shalt  }
0x66: {  	_ =	shalt  }
0x67: {  	_ =	shalt  }
0x68: {  	_ =	shalt  }
0x69: {  	_ =	shalt  }
0x6a: {  	_ =	shalt  }
0x6b: {  	_ =	shalt  }
0x6c: {  	_ =	shalt  }
0x6d: {  	_ =	shalt  }
0x6e: {  	_ =	shalt  }
0x6f: {  	_ =	shalt  }
0x70: {  	_ =	shalt  }
0x71: {  	_ =	shalt  }
0x72: {  	_ =	shalt  }
0x73: {  	_ =	shalt  }
0x74: {  	_ =	shalt  }
0x75: {  	_ =	shalt  }
0x76: {  	_ =	shalt  }
0x77: {  	_ =	shalt  }
0x78: {  	_ =	shalt  }
0x79: {  	_ =	shalt  }
0x7a: {  	_ =	shalt  }
0x7b: {  	_ =	shalt  }
0x7c: {  	_ =	shalt  }
0x7d: {  	_ =	shalt  }
0x7e: {  	_ =	shalt  }
0x7f: {  	_ =	shalt  }
0x80: {  	_ =	shalt  }
0x81: {  	_ =	shalt  }
0x82: {  	_ =	shalt  }
0x83: {  	_ =	shalt  }
0x84: {  	_ =	shalt  }
0x85: {  	_ =	shalt  }
0x86: {  	_ =	shalt  }
0x87: {  	_ =	shalt  }
.Lfunc_end0:
.L_simem_size_0:
called_computation_lowered:
.L_overlay_start_0:
0x88: {  	s2 =	sld [smem:$0x3FD9]  }
0x89: {  	s3 =	sld [smem:$0x3FFE];
	_ =	sdelay $0x1  }
0x8a: {  	s1 =	srdreg.scid  }
0x8b: {  	s0 =	sand.u32 $0x1, s1  }
0x8c: {  	s17 =	sshll.u32 s0, $0xA;
	s2 =	sadd.s32 s3, s2  }
0x8d: {  	s2 =	sadd.s32 s2, s17  }
0x8e: {  	[smem:$0x3FBE] =	sst s2  }
0x8f: {  	_ = 	snop  }
0x90: {  	s2 =	sld [smem:$0x3FD0];
	(tm) =	ssettm $0x1  }
0x91: {  	s18 =	sld [smem:$0x3FFB];
	_ =	sdelay $0x3  }
0x92: {  	_ =	strace s18  }
0x93: {  	s3 =	sld [smem:$0x3FFC];
	_ =	sdelay $0x3  }
0x94: {  	_ =	strace s3  }
0x95: {  	s3 =	sld [smem:$0x3FFD];
	_ =	sdelay $0x3  }
0x96: {  	_ =	strace s3  }
0x97: {  	_ =	strace $0x8FFFFFFF  }
0x98: {  	s19 =	sld [smem:$0x3FDB];
	_ =	sdelay $0x1  }
0x99: {  	s4 =	simm.s32 $_scs_section_size  }
0x9a: {  	s5 =	simm.s32 $_size__tile_overlayer_lowered;
	s6 =	simm.s32 $_tile_overlayer_lowered  }
0x9b: {  	s22 =	simm.s32 $0x1BFF;
	s21 =	sshll.u32 s6, $0x1;
	s3 =	sadd.s32 s4, s19  }
0x9c: {  	s7 =	simm.s32 $0x0;
	s20 =	sshll.u32 s5, $0x1;
	s5 =	sadd.s32 s21, s3  }
0x9d: {  	[timem:s7], [sflag:s22] =	dma.local [hbm:s5], s20  }
0x9e: {  	_ =	swait.ge [sflag:s22], s20  }
0x9f: {  	s4 =	ssub.s32 $0x0, s20;
	[sflag:s22] =	ssyncset.done $0x0  }
0xa0: {  	[sflag:s22] =	ssyncadd.s32 s4;
	_ =	sdelay $0x1  }
0xa1: {  	s23 =	simm.s32 $0x1B8B  }
0xa2: {  	_ =	swait.ge [sflag:s23], $0x1  }
0xa3: {  	[sflag:s23] =	ssyncset.done $0x0  }
0xa4: {  	s25 =	simm.s32 $0x1B8E;
	s24 =	sld [smem:$0x3FFE];
	[sflag:s23] =	ssyncadd.s32 $0xFFFFFFFF  }
0xa5: {  	s26 =	simm.s32 $execute0_lowered;
	[smem:$0x3FD2] =	sst s25  }
0xa6: {  	s5 =	sshll.u32 s26, $0x1;
	_ =	strace $0x80000046;
	[dreg:$0x1] =	wrdreg $0xFFFFFFFF  }
0xa7: {  	s28 =	simm.s32 $_size_execute0_lowered;
	s3 =	sadd.s32 s3, s5;
	[dreg:$0x0] =	wrdreg $0x0  }
0xa8: {  	s5 =	sshll.u32 s28, $0x1;
	[dreg:$0x2] =	wrdreg s3  }
0xa9: {  	[dreg:$0x3] =	wrdreg s5  }
0xaa: {  	[dreg:$0x4] =	wrdreg $0xC0  }
0xab: {  	_ =	task [dreg:s7], $0x5FFFF  }
0xac: {  	[dreg:$0x1] =	wrdreg $0xFFFFFFFF  }
0xad: {  	[dreg:$0x0] =	wrdreg $0x60  }
0xae: {  	[dreg:$0x2] =	wrdreg s2  }
0xaf: {  	[dreg:$0x3] =	wrdreg s24  }
0xb0: {  	[dreg:$0x4] =	wrdreg $0x9  }
0xb1: {  	_ =	task.clear_ibuf [dreg:s7], $0x5FFFF;
	_ =	strace $0x90000046  }
0xb2: {  	s29 =	simm.s32 $0x9;
	_ =	strace $0x80000048  }
0xb3: {  	_ =	swait.ge [sflag:s29], $0x1  }
0xb4: {  	[sflag:s29] =	ssyncadd.s32 $0xFFFFFFFF  }
0xb5: {  	_ =	strace $0x90000048  }
0xb6: {  	_ =	sfence  }
0xb7: {  	s30 =	sld [smem:$0x0];
	_ =	sdelay $0x2  }
0xb8: {  	s31 =	sshll.u32 s1, $0xD;
	s1 =	sshrl.u32 s1, $0x2  }
0xb9: {  	s3 =	sand.u32 $0x4000, s31;
	s1 =	sadd.s32 s1, s30  }
0xba: {  	s0 =	sor.u32 s3, s0;
	s1 =	sshll.u32 s1, $0x11  }
0xbb: {  	s0 =	sor.u32 s1, s0  }
0xbc: {  	s0 =	sadd.s32 $0x8F2B, s0  }
0xbd: {  	[sflag:s0] =	ssyncadd.remote.s32 $0x1  }
0xbe: {  	_ =	sfence.sel $0xFFFF  }
0xbf: {  	[dreg:$0x0] =	wrdreg $0xFFFFFFFF;
	(pc) =	sbr.abs _section_cstart, $3  }
0xc0: {  	[dreg:$0x1] =	wrdreg $0xFFFFFFFF  }
0xc1: {  	_ =	task.clear_ibuf [dreg:s7], $0x2FFFF;
	_ =	strace $0x9FFFFFFF  }
0xc2: {  	(tm) =	ssettm $0x7FFFFFFF  }
0xc3: {  	_ =	shalt  }
tec
execute0_lowered:
.L_overlay_start_1:
0x0: {  	(tag) =	ssettag $0x1  }
0x1: {  	s3 =	rddreg [dreg:$0x0];
	s1 =	srdreg.scid  }
0x2: {  	s0 =	stileid.u32;
	s4 =	rddreg [dreg:$0x1]  }
0x3: {  	s8 =	simm.s32 $0x0;
	s5 =	sand.u32 $0x1, s1;
	s2 =	sshll.u32 s0, $0x1  }
0x4: {  	s6 =	sor.u32 s5, s2;
	s2 =	simm.s32 $0x0;
	s5 =	ssub.s32 $0x2, s5  }
0x5: {  	s6 =	smul.u32 $0x4E2, s6;
	[smem:$0x7FF] =	sst s2;
	s7 =	sshrl.u32 s5, $0x1  }
0x6: {  	s1 =	rddreg [dreg:$0x2];
	_ =	strace $0x80000047;
	s5 =	ssub.s32 s5, s7  }
0x7: {  	s7 =	simm.s32 $0x1;
	s4 =	sadd.s32 s6, s4;
	s3 =	sadd.s32 s3, s6  }
0x8: {  	v0 =	vimm.f32 $0.0e+00;
	v1 =	vimm.f32 $1.000000000e+00;
	s5 =	smax.u32 s5, $0x1;
	s6 =	simm.s32 $0x2710;
	s4 =	sadd.s32 $0x1E00, s4  }
.LBB2_1:
0x9: {  	s9 =	simm.s32 $0x40;
	s10 =	simm.s32 $0x0  }
.LBB2_2:
0xa: {  	p0 =	sne.s32 s9, $0x9C00;
	[tilespmem:s10+$0x0] =	vst v0;
	s10 =	smov.u32 s9;
	s9 =	sadd.s32 $0x40, s9  }
.Ltmp0:
0xb: {  	(pc) =	sbr.rel @p0 .LBB2_2-.Ltmp0, $2  }
0xc: {  	_ =	sdelay $0x2  }
0xd: {  	s10 =	sshra.s32 s10, $0x2  }
0xe: {  	[tilespmem:s10+$0x0] =	vst v0;
	s9 =	simm.s32 $0x0  }
0xf: {  	[tilespmem:s6], [sflag:$0x1] =	stream.linear.gather [hbm4b:s3+s9], $0x2710, $0x38;
	[tilespmem:$0x4E20] =	vst v63  }
0x10: {  	_ =	swait.ge [sflag:s7], $0x2710  }
0x11: {  	[sflag:s7] =	ssyncset.done $0x0  }
0x12: {  	s10 =	simm.s32 $0x0;
	s9 =	simm.s32 $0x40;
	[sflag:s7] =	ssyncadd.s32 $0xFFFFD8F0  }
.LBB2_4:
0x13: {  	p0 =	sne.s32 s9, $0x9C00;
	v2 =	vld [tilespmem:s10+$0x2710];
	_ =	sdelay $0x3  }
.Ltmp1:
0x14: {  	(pc) =	sbr.rel @p0 .LBB2_4-.Ltmp1, $2  }
0x15: {  	_ =	sdelay $0x2  }
0x16: {  	s10 =	sshra.s32 s9, $0x2;
	s9 =	sadd.s32 $0x40, s9;
	[tilespmem:v2+s2+$0x0] =	vst.idx.add.f32.msk $0xffff, v1  }
0x17: {  	v2 =	vld [tilespmem:s10+$0x2710];
	_ =	sdelay $0x5  }
0x18: {  	s8 =	sadd.s32 $0x1, s8  }
0x19: {  	p0 =	sne.s32 s8, s5  }
.Ltmp2:
0x1a: {  	[tilespmem:v2+s2+$0x0] =	vst.idx.add.f32.msk $0xffff, v1;
	(pc) =	sbr.rel @p0 .LBB2_1-.Ltmp2, $4  }
0x1b: {  	[hbm4b:s4+s2] =	stream.linear.scatter [tilespmem:s2], [sflag:$0x1], $0x2710, $0x38;
	[tilespmem:$0x4E20] =	vst v63  }
0x1c: {  	_ =	swait.ge [sflag:s7], $0x2710  }
0x1d: {  	[sflag:s7] =	ssyncset.done $0x0  }
0x1e: {  	[sflag:s7] =	ssyncadd.s32 $0xFFFFD8F0  }
0x1f: {  	_ =	sfence.sel $0x180000  }
0x20: {  	[bflag:$0x0] =	sbarrier.arrive $0xFFFF  }
0x21: {  	p0 =	sne.s32 s0, $0x0;
	_ =	strace $0x90000047  }
0x22: {  	s0 =	sadd.s32 @!p0 $0x100000, s1;
	[bflag:$0x2] =	sbarrier.arrive $0xFFFF  }
0x23: {  	[sflag:s0] =	ssyncadd.tile.s32 @!p0 $0x1;
	_ =	shalt  }
.Lfunc_end2:
_tile_overlayer_lowered:
.L_overlay_start_2:
0x24: {  	(tag) =	ssettag $0x2  }
0x25: {  	s0 =	rddreg [dreg:$0x0];
	s2 =	stileid.u32  }
0x26: {  	s1 =	rddreg [dreg:$0x1];
	p0 =	sne.s32 s2, $0x0  }
0x27: {  	s3 =	rddreg [dreg:$0x2];
	[bflag:$0x3] =	sbarrier.arrive $0xFFFF;
	s2 =	simm.s32 @!p0 $0x1C01  }
0x28: {  	[timem:s3], [sflag:s2] =	dma.local @!p0 [hbm:s0], s1  }
0x29: {  	s0 =	simm.s32 @!p0 $0x1  }
0x2a: {  	_ =	swait.ge @!p0 [sflag:s0], s1  }
0x2b: {  	s1 =	ssub.s32 @!p0 $0x0, s1;
	[sflag:s0] =	ssyncset.done @!p0 $0x0  }
0x2c: {  	[sflag:s0] =	ssyncadd.s32 @!p0 s1  }
0x2d: {  	[bflag:$0x3] =	sbarrier.arrive $0xFFFF  }
0x2e: {  	_ =	shalt  }

</sc_bundles>
